<compile_context>
chip_gen: v7x
topology: tpu7x:2x2x1
jax: 0.10.2.dev20260603
libtpu: 0.0.44.dev20260713+nightly
codegen_flags: <defaults>
</compile_context>

<pallas_src>
import functools

import jax
import jax.numpy as jnp
from jax import lax
from jax.experimental import pallas as pl
from jax.experimental.pallas import tpu as pltpu
from jax.experimental.pallas import tpu_sc as plsc

N_CELL = 50000
N_GENE = 10000
E_CG = 800000
E_GG = 160000
IN_DIM = 128
H_DIM = 32
OUT_DIM = 32
N_HEADS = 8

NC, NS = 2, 16
NW = NC * NS
CHUNK = 128

GP = N_GENE + 8
CP = N_CELL + 8

CG_ROWS = 6400
GG_ROWS = 1280
RW_CG = CG_ROWS // NW
RW_GG = GG_ROWS // NW

P1_RW0, P1_RW1 = 152, 48
GT_RW0, GT_RW1 = 240, 160
CG_PAD_ROWS = 6656

F32 = jnp.float32
_SC_PARAMS = pltpu.CompilerParams(use_tc_tiling_on_sc=False,
                                 needs_layout_passes=False)


@functools.cache
def _mesh():
    return plsc.VectorSubcoreMesh(
        core_axis_name="c", subcore_axis_name="s",
        num_cores=NC, num_subcores=NS)


def _lrelu(x):
    return jnp.maximum(x, 0.0) + 0.2 * jnp.minimum(x, 0.0)



def _t1(cell_feat, W1, W2, W3, b_cell):
    bs = 2000

    def body(x_ref, w1_ref, w2_ref, w3_ref, b_ref, pq_ref, h0_ref):
        x = x_ref[...]
        P = jnp.dot(x, w1_ref[...], preferred_element_type=F32)
        H0 = _lrelu(jnp.dot(x, w2_ref[...], preferred_element_type=F32)
                    + b_ref[...])
        Q = jnp.dot(H0, w3_ref[...], preferred_element_type=F32)
        pq_ref[...] = jnp.concatenate(
            [P, Q, jnp.ones((bs, 16), F32)], axis=1)
        h0_ref[...] = H0

    return pl.pallas_call(
        body,
        grid=(N_CELL // bs,),
        in_specs=[
            pl.BlockSpec((bs, IN_DIM), lambda i: (i, 0)),
            pl.BlockSpec((IN_DIM, H_DIM), lambda i: (0, 0)),
            pl.BlockSpec((IN_DIM, H_DIM), lambda i: (0, 0)),
            pl.BlockSpec((H_DIM, H_DIM), lambda i: (0, 0)),
            pl.BlockSpec((1, H_DIM), lambda i: (0, 0)),
        ],
        out_specs=[
            pl.BlockSpec((bs, 80), lambda i: (i, 0)),
            pl.BlockSpec((bs, H_DIM), lambda i: (i, 0)),
        ],
        out_shape=[
            jax.ShapeDtypeStruct((N_CELL, 80), F32),
            jax.ShapeDtypeStruct((N_CELL, H_DIM), F32),
        ],
    )(cell_feat, W1, W2, W3, b_cell)


def _t2(gacc, b_gene, W_hom, W_expby):
    bs = 2000

    def body(g_ref, b_ref, wh_ref, we_ref, r1_ref, s_ref, ae_ref):
        g = g_ref[0] + g_ref[1]
        Pagg = g[:, 0:32]
        Qagg = g[:, 32:64]
        deg = jnp.maximum(g[:, 64:65], 1.0)
        gh0 = _lrelu(Pagg / deg + b_ref[...])
        Rm = jnp.dot(gh0, wh_ref[...], preferred_element_type=F32)
        S = jnp.dot(gh0, we_ref[...], preferred_element_type=F32)
        r1_ref[...] = jnp.concatenate([Rm, jnp.ones((bs, 16), F32)], axis=1)
        s_ref[...] = S
        ae_ref[...] = Qagg / deg

    return pl.pallas_call(
        body,
        grid=(N_GENE // bs,),
        in_specs=[
            pl.BlockSpec((2, bs, 80), lambda i: (0, i, 0)),
            pl.BlockSpec((1, H_DIM), lambda i: (0, 0)),
            pl.BlockSpec((H_DIM, H_DIM), lambda i: (0, 0)),
            pl.BlockSpec((H_DIM, H_DIM), lambda i: (0, 0)),
        ],
        out_specs=[
            pl.BlockSpec((bs, 48), lambda i: (i, 0)),
            pl.BlockSpec((bs, H_DIM), lambda i: (i, 0)),
            pl.BlockSpec((bs, H_DIM), lambda i: (i, 0)),
        ],
        out_shape=[
            jax.ShapeDtypeStruct((N_GENE, 48), F32),
            jax.ShapeDtypeStruct((N_GENE, H_DIM), F32),
            jax.ShapeDtypeStruct((N_GENE, H_DIM), F32),
        ],
    )(gacc, b_gene, W_hom, W_expby)


def _t3g(ggacc, R1, aggE, b_gene, W_lo, W_hi, B_src):
    bs = 2000

    def body(gg_ref, r1_ref, ae_ref, b_ref, wl_ref, whi_ref, bs_ref,
             gh1_ref, wlo_ref, whih_ref, es_ref):
        gg = gg_ref[0] + gg_ref[1]
        Rm = r1_ref[...][:, 0:32]
        agg_hom = (gg[:, 0:32] + Rm) / (gg[:, 32:33] + 1.0)
        gh1 = _lrelu(ae_ref[...] + agg_hom + b_ref[...])
        gh1_ref[...] = gh1
        es8 = jnp.dot(gh1, bs_ref[...], preferred_element_type=F32)
        espad = jnp.concatenate([es8, jnp.zeros((bs, 8), F32)], axis=1)
        wlo_ref[...] = jnp.concatenate(
            [jnp.dot(gh1, wl_ref[...], preferred_element_type=F32), espad],
            axis=1)
        whih_ref[...] = jnp.concatenate(
            [jnp.dot(gh1, whi_ref[...], preferred_element_type=F32), espad],
            axis=1)
        es_ref[...] = espad

    return pl.pallas_call(
        body,
        grid=(N_GENE // bs,),
        in_specs=[
            pl.BlockSpec((2, bs, 48), lambda i: (0, i, 0)),
            pl.BlockSpec((bs, 48), lambda i: (i, 0)),
            pl.BlockSpec((bs, H_DIM), lambda i: (i, 0)),
            pl.BlockSpec((1, H_DIM), lambda i: (0, 0)),
            pl.BlockSpec((H_DIM, 128), lambda i: (0, 0)),
            pl.BlockSpec((H_DIM, 128), lambda i: (0, 0)),
            pl.BlockSpec((H_DIM, N_HEADS), lambda i: (0, 0)),
        ],
        out_specs=[
            pl.BlockSpec((bs, H_DIM), lambda i: (i, 0)),
            pl.BlockSpec((bs, 144), lambda i: (i, 0)),
            pl.BlockSpec((bs, 144), lambda i: (i, 0)),
            pl.BlockSpec((bs, 16), lambda i: (i, 0)),
        ],
        out_shape=[
            jax.ShapeDtypeStruct((N_GENE, H_DIM), F32),
            jax.ShapeDtypeStruct((N_GENE, 144), F32),
            jax.ShapeDtypeStruct((N_GENE, 144), F32),
            jax.ShapeDtypeStruct((N_GENE, 16), F32),
        ],
    )(ggacc, R1, aggE, b_gene, W_lo, W_hi, B_src)


def _t3c(calo, cahi, cellcnt, H0, W_self, b_cell, A_dst, W_out):
    bs = 2000

    def body(cl_ref, ch_ref, cc_ref, h0_ref, ws_ref, b_ref, ad_ref, wo_ref,
             ed_ref, so_ref):
        acc = jnp.concatenate([cl_ref[0] + cl_ref[1],
                               ch_ref[0] + ch_ref[1]], axis=1)
        cnt = cc_ref[0] + cc_ref[1]
        deg = jnp.maximum(cnt[:, 0:1], 1.0)
        H0 = h0_ref[...]
        ch1 = _lrelu(acc / deg
                     + jnp.dot(H0, ws_ref[...], preferred_element_type=F32)
                     + b_ref[...])
        ed8 = jnp.dot(ch1, ad_ref[...], preferred_element_type=F32)
        ed_ref[...] = jnp.concatenate([ed8, jnp.zeros((bs, 8), F32)], axis=1)
        so_ref[...] = jnp.dot(ch1, wo_ref[...], preferred_element_type=F32)

    return pl.pallas_call(
        body,
        grid=(N_CELL // bs,),
        in_specs=[
            pl.BlockSpec((2, bs, 16), lambda i: (0, i, 0)),
            pl.BlockSpec((2, bs, 16), lambda i: (0, i, 0)),
            pl.BlockSpec((2, bs, 8), lambda i: (0, i, 0)),
            pl.BlockSpec((bs, H_DIM), lambda i: (i, 0)),
            pl.BlockSpec((H_DIM, H_DIM), lambda i: (0, 0)),
            pl.BlockSpec((1, H_DIM), lambda i: (0, 0)),
            pl.BlockSpec((H_DIM, N_HEADS), lambda i: (0, 0)),
            pl.BlockSpec((H_DIM, OUT_DIM), lambda i: (0, 0)),
        ],
        out_specs=[
            pl.BlockSpec((bs, 16), lambda i: (i, 0)),
            pl.BlockSpec((bs, OUT_DIM), lambda i: (i, 0)),
        ],
        out_shape=[
            jax.ShapeDtypeStruct((N_CELL, 16), F32),
            jax.ShapeDtypeStruct((N_CELL, OUT_DIM), F32),
        ],
    )(calo, cahi, cellcnt, H0, W_self, b_cell, A_dst, W_out)


def _t4(sacc, edp):
    bs = 2000

    def body(s_ref, ed_ref, edr_ref):
        s = (s_ref[0] + s_ref[1])[:, 0:8]
        rinv = 1.0 / (8.0 * (s + 1e-9))
        edr_ref[...] = jnp.concatenate([ed_ref[...][:, 0:8], rinv], axis=1)

    return pl.pallas_call(
        body,
        grid=(N_CELL // bs,),
        in_specs=[
            pl.BlockSpec((2, bs, 16), lambda i: (0, i, 0)),
            pl.BlockSpec((bs, 16), lambda i: (i, 0)),
        ],
        out_specs=pl.BlockSpec((bs, 16), lambda i: (i, 0)),
        out_shape=jax.ShapeDtypeStruct((N_CELL, 16), F32),
    )(sacc, edp)


def _t5(gatlo, gathi, selfout):
    bs = 2000

    def body(gl_ref, gh_ref, s_ref, o_ref):
        o_ref[...] = jnp.concatenate([gl_ref[0] + gl_ref[1],
                                      gh_ref[0] + gh_ref[1]],
                                     axis=1) + s_ref[...]

    return pl.pallas_call(
        body,
        grid=(N_CELL // bs,),
        in_specs=[
            pl.BlockSpec((2, bs, 16), lambda i: (0, i, 0)),
            pl.BlockSpec((2, bs, 16), lambda i: (0, i, 0)),
            pl.BlockSpec((bs, OUT_DIM), lambda i: (i, 0)),
        ],
        out_specs=pl.BlockSpec((bs, OUT_DIM), lambda i: (i, 0)),
        out_shape=jax.ShapeDtypeStruct((N_CELL, OUT_DIM), F32),
    )(gatlo, gathi, selfout)



def _sc_seg_sum(table, gidx2, sidx2, zeros, NR, W, RW, name, skew=None,
                row_off=0):
    RWM = max(skew) if skew is not None else RW

    @functools.partial(
        pl.kernel, mesh=_mesh(), name=name, compiler_params=_SC_PARAMS,
        out_type=jax.ShapeDtypeStruct((NC, NR, W), F32),
        scratch_types=[
            pltpu.VMEM((RWM, CHUNK), jnp.int32),
            pltpu.VMEM((RWM, CHUNK), jnp.int32),
            pltpu.VMEM((CHUNK, W), F32),
            pltpu.VMEM((CHUNK, W), F32),
            pltpu.VMEM_SHARED((NR, W), F32),
            pltpu.SemaphoreType.DMA,
        ])
    def k(tab_hbm, g_hbm, s_hbm, z_hbm, out, gidx, sidx, rows0, rows1, acc,
          sem):
        cid = lax.axis_index("c")
        sid = lax.axis_index("s")
        wid = sid * NC + cid

        @pl.when(sid == 0)
        def _():
            pltpu.sync_copy(z_hbm, acc)

        if skew is None:
            base = row_off + wid * RW
            rw = RW
        else:
            base = row_off + sid * (skew[0] + skew[1]) + cid * skew[0]
            rw = jnp.where(cid == 0, skew[0], skew[1])
        pltpu.sync_copy(g_hbm.at[pl.ds(base, RWM)], gidx)
        pltpu.sync_copy(s_hbm.at[pl.ds(base, RWM)], sidx)
        plsc.subcore_barrier()

        def issue(j, buf):
            pltpu.async_copy(tab_hbm.at[gidx.at[j]], buf, sem)

        def drain(buf):
            pltpu.make_async_copy(tab_hbm.at[gidx.at[0]], buf, sem).wait()

        issue(0, rows0)

        def pair(i, carry):
            k0 = 2 * i
            issue(k0 + 1, rows1)
            drain(rows0)
            pltpu.sync_copy(rows0, acc.at[sidx.at[k0]], add=True)
            issue(jnp.minimum(k0 + 2, rw - 1), rows0)
            drain(rows1)
            pltpu.sync_copy(rows1, acc.at[sidx.at[k0 + 1]], add=True)
            return carry

        lax.fori_loop(0, rw // 2, pair, 0)
        drain(rows0)
        plsc.subcore_barrier()

        @pl.when(sid == 0)
        def _():
            pltpu.sync_copy(acc, out.at[cid])

    return k(table, gidx2, sidx2, zeros)


def _sc_count(sidx2, ones_in, zeros):

    @functools.partial(
        pl.kernel, mesh=_mesh(), name="sc_count", compiler_params=_SC_PARAMS,
        out_type=jax.ShapeDtypeStruct((NC, CP, 8), F32),
        scratch_types=[
            pltpu.VMEM((RW_CG, CHUNK), jnp.int32),
            pltpu.VMEM((CHUNK, 8), F32),
            pltpu.VMEM_SHARED((CP, 8), F32),
        ])
    def k(s_hbm, ones_hbm, z_hbm, out, sidx, ones_v, acc):
        cid = lax.axis_index("c")
        sid = lax.axis_index("s")
        wid = sid * NC + cid

        @pl.when(sid == 0)
        def _():
            pltpu.sync_copy(z_hbm, acc)

        pltpu.sync_copy(ones_hbm, ones_v)
        pltpu.sync_copy(s_hbm.at[pl.ds(wid * RW_CG, RW_CG)], sidx)
        plsc.subcore_barrier()

        def step(j, carry):
            pltpu.sync_copy(ones_v, acc.at[sidx.at[j]], add=True)
            return carry

        lax.fori_loop(0, RW_CG, step, 0)
        plsc.subcore_barrier()

        @pl.when(sid == 0)
        def _():
            pltpu.sync_copy(acc, out.at[cid])

    return k(sidx2, ones_in, zeros)


def _sc_pass_a(espp, edpp, dst2, src2, zsa):

    @functools.partial(
        pl.kernel, mesh=_mesh(), name="sc_pass_a", compiler_params=_SC_PARAMS,
        out_type=jax.ShapeDtypeStruct((NC, CP, 16), F32),
        scratch_types=[
            pltpu.VMEM((RW_CG, CHUNK), jnp.int32),
            pltpu.VMEM((RW_CG, CHUNK), jnp.int32),
            pltpu.VMEM((CHUNK, 16), F32),
            pltpu.VMEM((CHUNK, 16), F32),
            pltpu.VMEM((CHUNK, 16), F32),
            pltpu.VMEM((CHUNK, 16), F32),
            pltpu.VMEM((CHUNK, 16), F32),
            pltpu.VMEM_SHARED((CP, 16), F32),
            pltpu.SemaphoreType.DMA,
        ])
    def k(es_hbm, ed_hbm, d_hbm, s_hbm, z_hbm, out, didx, sidx,
          es0, es1, ed0, ed1, w_v, acc, sem):
        cid = lax.axis_index("c")
        sid = lax.axis_index("s")
        wid = sid * NC + cid

        @pl.when(sid == 0)
        def _():
            pltpu.sync_copy(z_hbm, acc)

        pltpu.sync_copy(d_hbm.at[pl.ds(wid * RW_CG, RW_CG)], didx)
        pltpu.sync_copy(s_hbm.at[pl.ds(wid * RW_CG, RW_CG)], sidx)
        plsc.subcore_barrier()

        def issue(j, esb, edb):
            pltpu.async_copy(es_hbm.at[didx.at[j]], esb, sem)
            pltpu.async_copy(ed_hbm.at[sidx.at[j]], edb, sem)

        def drain(esb, edb):
            pltpu.make_async_copy(es_hbm.at[didx.at[0]], esb, sem).wait()
            pltpu.make_async_copy(ed_hbm.at[sidx.at[0]], edb, sem).wait()

        def compute(j, esb, edb):
            def edge(e, cc):
                t = esb[e, :] + edb[e, :]
                w_v[e, :] = jnp.exp(_lrelu(t))
                return cc

            lax.fori_loop(0, CHUNK, edge, 0)
            pltpu.sync_copy(w_v, acc.at[sidx.at[j]], add=True)

        issue(0, es0, ed0)

        def pair(i, carry):
            k0 = 2 * i
            issue(k0 + 1, es1, ed1)
            drain(es0, ed0)
            compute(k0, es0, ed0)
            issue(jnp.minimum(k0 + 2, RW_CG - 1), es0, ed0)
            drain(es1, ed1)
            compute(k0 + 1, es1, ed1)
            return carry

        lax.fori_loop(0, RW_CG // 2, pair, 0)
        drain(es0, ed0)
        plsc.subcore_barrier()

        @pl.when(sid == 0)
        def _():
            pltpu.sync_copy(acc, out.at[cid])

    return k(espp, edpp, dst2, src2, zsa)


def _sc_pass_b(whhp, edrp, dst2, src2, zgat, name):

    @functools.partial(
        pl.kernel, mesh=_mesh(), name=name, compiler_params=_SC_PARAMS,
        out_type=jax.ShapeDtypeStruct((NC, CP, 16), F32),
        scratch_types=[
            pltpu.VMEM((max(GT_RW0, GT_RW1), CHUNK), jnp.int32),
            pltpu.VMEM((max(GT_RW0, GT_RW1), CHUNK), jnp.int32),
            pltpu.VMEM((CHUNK, 80), jnp.int32),
            pltpu.VMEM((CHUNK, 16), F32),
            pltpu.VMEM((CHUNK, 16), F32),
            pltpu.VMEM((CHUNK, 16), F32),
            pltpu.VMEM_SHARED((CP, 16), F32),
            pltpu.SemaphoreType.DMA,
        ])
    def k(wh_hbm, edr_hbm, d_hbm, s_hbm, z_hbm, out,
          didx, sidx, wh0, edr0, co_v, o_v, acc, sem):
        cid = lax.axis_index("c")
        sid = lax.axis_index("s")
        wid = sid * NC + cid

        @pl.when(sid == 0)
        def _():
            pltpu.sync_copy(z_hbm, acc)

        base = sid * (GT_RW0 + GT_RW1) + cid * GT_RW0
        rw = jnp.where(cid == 0, GT_RW0, GT_RW1)
        pltpu.sync_copy(d_hbm.at[pl.ds(base, max(GT_RW0, GT_RW1))], didx)
        pltpu.sync_copy(s_hbm.at[pl.ds(base, max(GT_RW0, GT_RW1))], sidx)
        plsc.subcore_barrier()
        lane = lax.iota(jnp.int32, 16)
        hi_lane = (lane + 8) & 15

        def issue(j, whb, edb):
            pltpu.async_copy(wh_hbm.at[didx.at[j]], whb, sem)
            pltpu.async_copy(edr_hbm.at[sidx.at[j]], edb, sem)

        def drain(whb, edb):
            pltpu.make_async_copy(wh_hbm.at[didx.at[0]], whb, sem).wait()
            pltpu.make_async_copy(edr_hbm.at[sidx.at[0]], edb, sem).wait()

        def compute(j, whb, edb):
            def edge(e2, cc):
                for u in range(2):
                    e = e2 * 2 + u
                    es = lax.bitcast_convert_type(whb[e, pl.ds(64, 16)], F32)
                    t = es + edb[e, :]
                    w = jnp.exp(_lrelu(t))
                    rv = plsc.load_gather(
                        edb, [jnp.full((16,), e, jnp.int32), hi_lane])
                    co_v[e, :] = w * rv
                for u in range(2):
                    e = e2 * 2 + u
                    o = jnp.zeros((16,), F32)
                    for hp in range(N_HEADS // 2):
                        x = whb[e, pl.ds(hp * 16, 16)]
                        va = lax.bitcast_convert_type(
                            jnp.bitwise_and(x, jnp.int32(-65536)), F32)
                        vb = lax.bitcast_convert_type(
                            lax.shift_left(x, 16), F32)
                        ca = plsc.load_gather(
                            co_v, [jnp.full((16,), e, jnp.int32),
                                   jnp.full((16,), 2 * hp, jnp.int32)])
                        cb = plsc.load_gather(
                            co_v, [jnp.full((16,), e, jnp.int32),
                                   jnp.full((16,), 2 * hp + 1, jnp.int32)])
                        o = o + ca * va + cb * vb
                    o_v[e, :] = o
                return cc

            lax.fori_loop(0, CHUNK // 2, edge, 0)
            pltpu.sync_copy(o_v, acc.at[sidx.at[j]], add=True)

        def step(j, carry):
            issue(j, wh0, edr0)
            drain(wh0, edr0)
            compute(j, wh0, edr0)
            return carry

        lax.fori_loop(0, rw, step, 0)
        plsc.subcore_barrier()

        @pl.when(sid == 0)
        def _():
            pltpu.sync_copy(acc, out.at[cid])

    return k(whhp, edrp, dst2, src2, zgat)



def _pad_rows(x, n):
    return jnp.concatenate([x, jnp.zeros((n, x.shape[1]), x.dtype)], axis=0)


def _pad_idx(idx, total, fill):
    idx = idx.astype(jnp.int32)
    pad = jnp.full((total - idx.shape[0],), fill, jnp.int32)
    return jnp.concatenate([idx, pad]).reshape(-1, CHUNK)


def kernel(cell_feat, cg_src, cg_dst, gg_src, gg_dst,
           W_emb_express, W_emb_self, b_emb_gene, b_emb_cell,
           W_h_express, W_h_expressed_by, W_h_homolog, W_h_self,
           b_h_gene, b_h_cell, W_gat_src, W_gat_dst, a_src, a_dst,
           W_out_self):
    B_src = jnp.einsum('khd,hd->kh',
                       W_gat_src.reshape(H_DIM, N_HEADS, OUT_DIM), a_src)
    A_dst = jnp.einsum('khd,hd->kh',
                       W_gat_dst.reshape(H_DIM, N_HEADS, OUT_DIM), a_dst)
    W_gs = W_gat_src.reshape(H_DIM, N_HEADS, 2, 16)
    W_lo = W_gs[:, :, 0, :].reshape(H_DIM, 128)
    W_hi = W_gs[:, :, 1, :].reshape(H_DIM, 128)
    src2 = _pad_idx(cg_src, CG_PAD_ROWS * CHUNK, N_CELL)
    dst2 = _pad_idx(cg_dst, CG_PAD_ROWS * CHUNK, N_GENE)
    ggs2 = _pad_idx(gg_src, GG_ROWS * CHUNK, N_GENE)
    ggd2 = _pad_idx(gg_dst, GG_ROWS * CHUNK, N_GENE)
    b_cell_e = b_emb_cell.reshape(1, H_DIM)
    b_gene_e = b_emb_gene.reshape(1, H_DIM)
    b_cell_h = b_h_cell.reshape(1, H_DIM)
    b_gene_h = b_h_gene.reshape(1, H_DIM)

    PQ1, H0 = _t1(cell_feat, W_emb_express, W_emb_self, W_h_express, b_cell_e)
    PQ1p = _pad_rows(PQ1, 8)

    gacc = _sc_seg_sum(PQ1p, src2, dst2, jnp.zeros((GP, 80), F32),
                       GP, 80, RW_CG, "sc_pass1")
    ccnt = _sc_count(src2, jnp.ones((CHUNK, 8), F32),
                     jnp.zeros((CP, 8), F32))

    R1, S, aggE = _t2(gacc, b_gene_e, W_h_homolog, W_h_expressed_by)
    R1p = _pad_rows(R1, 8)
    Slop = _pad_rows(S[:, 0:16], 8)
    Ship = _pad_rows(S[:, 16:32], 8)

    ggacc = _sc_seg_sum(R1p, ggs2, ggd2, jnp.zeros((GP, 48), F32),
                        GP, 48, RW_GG, "sc_gg")
    calo = _sc_seg_sum(Slop, dst2, src2, jnp.zeros((CP, 16), F32),
                       CP, 16, RW_CG, "sc_cg_lo")
    cahi = _sc_seg_sum(Ship, dst2, src2, jnp.zeros((CP, 16), F32),
                       CP, 16, RW_CG, "sc_cg_hi")

    gene_h1, wlo, whi, esp = _t3g(ggacc, R1, aggE, b_gene_h, W_lo, W_hi,
                                  B_src)
    edp, selfout = _t3c(calo, cahi, ccnt, H0, W_h_self, b_cell_h, A_dst,
                        W_out_self)

    def _pack(wh144):
        u16 = lax.bitcast_convert_type(
            wh144[:, 0:128].reshape(N_GENE, 8, 16).astype(jnp.bfloat16),
            jnp.uint16)
        pk = ((u16[:, 0::2, :].astype(jnp.uint32) << 16)
              | u16[:, 1::2, :].astype(jnp.uint32))
        pk = lax.bitcast_convert_type(pk, jnp.int32).reshape(N_GENE, 64)
        esb = lax.bitcast_convert_type(esp, jnp.int32)
        return _pad_rows(jnp.concatenate([pk, esb], axis=1), 8)

    wlop = _pack(wlo)
    whip = _pack(whi)
    espp = _pad_rows(esp, 8)
    edpp = _pad_rows(edp, 8)

    sacc = _sc_pass_a(espp, edpp, dst2, src2, jnp.zeros((CP, 16), F32))

    edr = _t4(sacc, edp)
    edrp = _pad_rows(edr, 8)

    gatlo = _sc_pass_b(wlop, edrp, dst2, src2,
                       jnp.zeros((CP, 16), F32), "sc_gat_lo")
    gathi = _sc_pass_b(whip, edrp, dst2, src2,
                       jnp.zeros((CP, 16), F32), "sc_gat_hi")

    cell_out = _t5(gatlo, gathi, selfout)
    return cell_out, gene_h1

# --- scband reference (transcript-rebuilt; emitter-appended) ---
"""Pipeline reference for scband-cggcnet-36472862277824 (READ-ONLY COPY).

The authoritative reference and input builder live on the scoring server;
editing this copy changes nothing except your own understanding.
"""

import jax, jax.numpy as jnp
import numpy as np

N_CELL = 50000
N_GENE = 10000
E_CG = 800000
E_GG = 160000
IN_DIM = 128
H_DIM = 32
OUT_DIM = 32
N_HEADS = 8

def _lrelu(x):
    return jax.nn.leaky_relu(x, 0.2)

def _right_norm_agg(msg, dst, num):
    agg = jax.ops.segment_sum(msg, dst, num_segments=num)
    deg = jax.ops.segment_sum(jnp.ones((msg.shape[0], 1), msg.dtype), dst, num_segments=num)
    return agg / jnp.maximum(deg, 1.0)

def _seg_softmax(logits, seg, num):
    m = jax.ops.segment_max(logits, seg, num_segments=num)
    m = jnp.where(jnp.isfinite(m), m, 0.0)
    e = jnp.exp(logits - m[seg])
    s = jax.ops.segment_sum(e, seg, num_segments=num)
    return e / (s[seg] + 1e-9)

def setup_inputs(seed: int = 0):
    key = jax.random.key(seed)
    ks = jax.random.split(key, 24)
    s_in = 1.0 / np.sqrt(IN_DIM)
    s_h = 1.0 / np.sqrt(H_DIM)
    inp = {}
    inp['cell_feat'] = jax.random.normal(ks[0], (N_CELL, IN_DIM), dtype=jnp.float32)
    inp['cg_src'] = jax.random.randint(ks[1], (E_CG,), 0, N_CELL)
    inp['cg_dst'] = jax.random.randint(ks[2], (E_CG,), 0, N_GENE)
    inp['gg_src'] = jax.random.randint(ks[3], (E_GG,), 0, N_GENE)
    inp['gg_dst'] = jax.random.randint(ks[4], (E_GG,), 0, N_GENE)
    inp['W_emb_express'] = jax.random.normal(ks[5], (IN_DIM, H_DIM), dtype=jnp.float32) * s_in
    inp['W_emb_self'] = jax.random.normal(ks[6], (IN_DIM, H_DIM), dtype=jnp.float32) * s_in
    inp['b_emb_gene'] = jnp.zeros((H_DIM,), jnp.float32)
    inp['b_emb_cell'] = jnp.zeros((H_DIM,), jnp.float32)
    inp['W_h_express'] = jax.random.normal(ks[7], (H_DIM, H_DIM), dtype=jnp.float32) * s_h
    inp['W_h_expressed_by'] = jax.random.normal(ks[8], (H_DIM, H_DIM), dtype=jnp.float32) * s_h
    inp['W_h_homolog'] = jax.random.normal(ks[9], (H_DIM, H_DIM), dtype=jnp.float32) * s_h
    inp['W_h_self'] = jax.random.normal(ks[10], (H_DIM, H_DIM), dtype=jnp.float32) * s_h
    inp['b_h_gene'] = jnp.zeros((H_DIM,), jnp.float32)
    inp['b_h_cell'] = jnp.zeros((H_DIM,), jnp.float32)
    inp['W_gat_src'] = jax.random.normal(ks[11], (H_DIM, N_HEADS * OUT_DIM), dtype=jnp.float32) * s_h
    inp['W_gat_dst'] = jax.random.normal(ks[12], (H_DIM, N_HEADS * OUT_DIM), dtype=jnp.float32) * s_h
    inp['a_src'] = jax.random.normal(ks[13], (N_HEADS, OUT_DIM), dtype=jnp.float32) * 0.1
    inp['a_dst'] = jax.random.normal(ks[14], (N_HEADS, OUT_DIM), dtype=jnp.float32) * 0.1
    inp['W_out_self'] = jax.random.normal(ks[15], (H_DIM, OUT_DIM), dtype=jnp.float32) * s_h
    return inp

def reference(cell_feat, cg_src, cg_dst, gg_src, gg_dst,
              W_emb_express, W_emb_self, b_emb_gene, b_emb_cell,
              W_h_express, W_h_expressed_by, W_h_homolog, W_h_self,
              b_h_gene, b_h_cell, W_gat_src, W_gat_dst, a_src, a_dst, W_out_self):
    # ---- embed layer: gene embeddings computed from cells; cell self-loop ----
    msg_cg = jnp.take(cell_feat, cg_src, axis=0) @ W_emb_express
    gene_h0 = _lrelu(_right_norm_agg(msg_cg, cg_dst, N_GENE) + b_emb_gene)
    cell_h0 = _lrelu(cell_feat @ W_emb_self + b_emb_cell)
    # ---- shared hidden RGCN layer (per-relation right-normalized conv, sum aggregate) ----
    m_express = jnp.take(cell_h0, cg_src, axis=0) @ W_h_express
    agg_express = _right_norm_agg(m_express, cg_dst, N_GENE)
    gs = jnp.concatenate([gg_src, jnp.arange(N_GENE)])
    gd = jnp.concatenate([gg_dst, jnp.arange(N_GENE)])
    m_homolog = jnp.take(gene_h0, gs, axis=0) @ W_h_homolog
    agg_homolog = _right_norm_agg(m_homolog, gd, N_GENE)
    gene_h1 = _lrelu(agg_express + agg_homolog + b_h_gene)
    m_expby = jnp.take(gene_h0, cg_dst, axis=0) @ W_h_expressed_by
    agg_expby = _right_norm_agg(m_expby, cg_src, N_CELL)
    cell_h1 = _lrelu(agg_expby + cell_h0 @ W_h_self + b_h_cell)
    # ---- cell classifier: 8-head additive GAT on (gene->cell) + GCN self-loop, sum ----
    wh_src = (gene_h1 @ W_gat_src).reshape(N_GENE, N_HEADS, OUT_DIM)
    wh_dst = (cell_h1 @ W_gat_dst).reshape(N_CELL, N_HEADS, OUT_DIM)
    e_src = jnp.sum(wh_src * a_src[None], axis=-1)
    e_dst = jnp.sum(wh_dst * a_dst[None], axis=-1)
    logits = _lrelu(jnp.take(e_src, cg_dst, axis=0) + jnp.take(e_dst, cg_src, axis=0))
    alpha = _seg_softmax(logits, cg_src, N_CELL)
    out_gat = jax.ops.segment_sum(alpha[:, :, None] * jnp.take(wh_src, cg_dst, axis=0), cg_src, num_segments=N_CELL)
    cell_gat = jnp.mean(out_gat, axis=1)
    cell_out = cell_gat + cell_h1 @ W_out_self
    return (cell_out, gene_h1)

if __name__ == "__main__":
    import jax
    _d = setup_inputs()
    print(jax.jit(kernel)(*tuple(_d.values())))

</pallas_src>

<mosaic_0001>
#map = affine_map<(d0, d1) -> (0, 0)>
#map1 = affine_map<(d0, d1) -> (0, 0, 0)>
module attributes {stable_mosaic.version = 14 : i64} {
  func.func @sc_gg(%arg0: i32, %arg1: i32, %arg2: memref<10008x48xf32, #tpu.memory_space<hbm>>, %arg3: memref<1280x128xi32, #tpu.memory_space<hbm>>, %arg4: memref<1280x128xi32, #tpu.memory_space<hbm>>, %arg5: memref<10008x48xf32, #tpu.memory_space<hbm>>, %arg6: memref<2x10008x48xf32, #tpu.memory_space<hbm>>, %arg7: memref<40x128xi32, #tpu.memory_space<vmem>>, %arg8: memref<40x128xi32, #tpu.memory_space<vmem>>, %arg9: memref<128x48xf32, #tpu.memory_space<vmem>>, %arg10: memref<128x48xf32, #tpu.memory_space<vmem>>, %arg11: memref<10008x48xf32, #tpu.memory_space<vmem_shared>>, %arg12: memref<!tpu.dma_semaphore, #tpu.memory_space<semaphore_mem>>) attributes {dimension_semantics = [#tpu.dimension_semantics<core_parallel>, #tpu.dimension_semantics<subcore_parallel>], iteration_bounds = array<i64: 2, 16>, scalar_prefetch = 0 : i64, scratch_operands = 6 : i64, tpu.core_type = #tpu.core_type<sc_vector_subcore>, window_params = [{transform_indices = #map}, {transform_indices = #map}, {transform_indices = #map}, {transform_indices = #map}, {transform_indices = #map1}]} {
    %mul3A = arith.constant 2 : i32
    %mul3A_0 = arith.muli %arg1, %mul3A : i32
    %add3A = arith.addi %mul3A_0, %arg0 : i32
    %eq3A = arith.constant 0 : i32
    %eq3A_1 = arith.cmpi eq, %arg1, %eq3A : i32
    %convert_element_type3A = arith.extui %eq3A_1 : i1 to i32
    %cond3A = arith.constant 0 : i32
    %cond3A_2 = arith.cmpi ne, %convert_element_type3A, %cond3A : i32
    scf.if %cond3A_2 {
      "tpu.region"() ({
        %run_scoped3A = tpu.sem_alloc : memref<!tpu.dma_semaphore, #tpu.memory_space<semaphore_mem>>
        tpu.enqueue_dma source(%arg5 : memref<10008x48xf32, #tpu.memory_space<hbm>>) target(%arg11 : memref<10008x48xf32, #tpu.memory_space<vmem_shared>>) target_semaphore(%run_scoped3A : memref<!tpu.dma_semaphore, #tpu.memory_space<semaphore_mem>>)
        tpu.wait_dma2 semaphore(%run_scoped3A : memref<!tpu.dma_semaphore, #tpu.memory_space<semaphore_mem>>) src(%arg5 : memref<10008x48xf32, #tpu.memory_space<hbm>>) dst(%arg11 : memref<10008x48xf32, #tpu.memory_space<vmem_shared>>)
        tpu.yield
      }) : () -> ()
    } else {
    }
    %mul3A_3 = arith.constant 40 : i32
    %mul3A_4 = arith.muli %add3A, %mul3A_3 : i32
    %add3A_5 = arith.constant 0 : i32
    %add3A_6 = arith.addi %add3A_5, %mul3A_4 : i32
    "tpu.region"() ({
      %run_scoped3A = tpu.sem_alloc : memref<!tpu.dma_semaphore, #tpu.memory_space<semaphore_mem>>
      %dma_start3A_30 = arith.constant 0 : i32
      %dma_start3A_31 = tpu.memref_slice %arg3[%add3A_6, %dma_start3A_30] : memref<1280x128xi32, #tpu.memory_space<hbm>> -> memref<40x128xi32, #tpu.memory_space<hbm>>
      %dma_start3A_32 = arith.constant 0 : i32
      %dma_start3A_33 = tpu.memref_slice %arg3[%add3A_6, %dma_start3A_32] : memref<1280x128xi32, #tpu.memory_space<hbm>> -> memref<40x128xi32, #tpu.memory_space<hbm>>
      tpu.enqueue_dma source(%dma_start3A_33 : memref<40x128xi32, #tpu.memory_space<hbm>>) target(%arg7 : memref<40x128xi32, #tpu.memory_space<vmem>>) target_semaphore(%run_scoped3A : memref<!tpu.dma_semaphore, #tpu.memory_space<semaphore_mem>>)
      %dma_wait3A_34 = arith.constant 0 : i32
      %dma_wait3A_35 = tpu.memref_slice %arg3[%add3A_6, %dma_wait3A_34] : memref<1280x128xi32, #tpu.memory_space<hbm>> -> memref<40x128xi32, #tpu.memory_space<hbm>>
      %dma_wait3A_36 = arith.constant 0 : i32
      %dma_wait3A_37 = tpu.memref_slice %arg3[%add3A_6, %dma_wait3A_36] : memref<1280x128xi32, #tpu.memory_space<hbm>> -> memref<40x128xi32, #tpu.memory_space<hbm>>
      tpu.wait_dma2 semaphore(%run_scoped3A : memref<!tpu.dma_semaphore, #tpu.memory_space<semaphore_mem>>) src(%dma_wait3A_37 : memref<40x128xi32, #tpu.memory_space<hbm>>) dst(%arg7 : memref<40x128xi32, #tpu.memory_space<vmem>>)
      tpu.yield
    }) : () -> ()
    "tpu.region"() ({
      %run_scoped3A = tpu.sem_alloc : memref<!tpu.dma_semaphore, #tpu.memory_space<semaphore_mem>>
      %dma_start3A_30 = arith.constant 0 : i32
      %dma_start3A_31 = tpu.memref_slice %arg4[%add3A_6, %dma_start3A_30] : memref<1280x128xi32, #tpu.memory_space<hbm>> -> memref<40x128xi32, #tpu.memory_space<hbm>>
      %dma_start3A_32 = arith.constant 0 : i32
      %dma_start3A_33 = tpu.memref_slice %arg4[%add3A_6, %dma_start3A_32] : memref<1280x128xi32, #tpu.memory_space<hbm>> -> memref<40x128xi32, #tpu.memory_space<hbm>>
      tpu.enqueue_dma source(%dma_start3A_33 : memref<40x128xi32, #tpu.memory_space<hbm>>) target(%arg8 : memref<40x128xi32, #tpu.memory_space<vmem>>) target_semaphore(%run_scoped3A : memref<!tpu.dma_semaphore, #tpu.memory_space<semaphore_mem>>)
      %dma_wait3A_34 = arith.constant 0 : i32
      %dma_wait3A_35 = tpu.memref_slice %arg4[%add3A_6, %dma_wait3A_34] : memref<1280x128xi32, #tpu.memory_space<hbm>> -> memref<40x128xi32, #tpu.memory_space<hbm>>
      %dma_wait3A_36 = arith.constant 0 : i32
      %dma_wait3A_37 = tpu.memref_slice %arg4[%add3A_6, %dma_wait3A_36] : memref<1280x128xi32, #tpu.memory_space<hbm>> -> memref<40x128xi32, #tpu.memory_space<hbm>>
      tpu.wait_dma2 semaphore(%run_scoped3A : memref<!tpu.dma_semaphore, #tpu.memory_space<semaphore_mem>>) src(%dma_wait3A_37 : memref<40x128xi32, #tpu.memory_space<hbm>>) dst(%arg8 : memref<40x128xi32, #tpu.memory_space<vmem>>)
      tpu.yield
    }) : () -> ()
    %barrier3A = arith.constant 0 : index
    tpu.barrier barrier_id(%barrier3A)
    %dma_start3A = arith.constant 0 : i32
    %dma_start3A_7 = arith.constant 0 : i32
    %dma_start3A_8 = tpu.memref_slice %arg7[%dma_start3A, %dma_start3A_7] : memref<40x128xi32, #tpu.memory_space<vmem>> -> memref<1x128xi32, #tpu.memory_space<vmem>>
    %dma_start3A_9 = tpu.memref_squeeze %dma_start3A_8 : memref<1x128xi32, #tpu.memory_space<vmem>> -> memref<128xi32, #tpu.memory_space<vmem>>
    %dma_start3A_10 = arith.constant 0 : i32
    %dma_start3A_11 = arith.constant 0 : i32
    %dma_start3A_12 = tpu.memref_slice %arg2[%dma_start3A_10, %dma_start3A_11] : memref<10008x48xf32, #tpu.memory_space<hbm>> -> memref<10008x48xf32, #tpu.memory_space<hbm>>
    tpu.enqueue_indirect_dma source(%dma_start3A_12 : memref<10008x48xf32, #tpu.memory_space<hbm>>) target(%arg9 : memref<128x48xf32, #tpu.memory_space<vmem>>) offsets(%dma_start3A_9 : memref<128xi32, #tpu.memory_space<vmem>>) semaphore(%arg12 : memref<!tpu.dma_semaphore, #tpu.memory_space<semaphore_mem>>)
    %scan3A = arith.constant 0 : i32
    %scan3A_13 = arith.constant 0 : i32
    %scan3A_14 = arith.constant 20 : i32
    %scan3A_15 = arith.addi %scan3A_13, %scan3A_14 : i32
    %scan3A_16 = arith.constant 1 : i32
    scf.for %scan3A_30 = %scan3A_13 to %scan3A_15 step %scan3A_16  : i32 {
      %mul3A_31 = arith.constant 2 : i32
      %mul3A_32 = arith.muli %mul3A_31, %scan3A_30 : i32
      %add3A_33 = arith.constant 1 : i32
      %add3A_34 = arith.addi %mul3A_32, %add3A_33 : i32
      %dma_start3A_35 = arith.constant 0 : i32
      %dma_start3A_36 = tpu.memref_slice %arg7[%add3A_34, %dma_start3A_35] : memref<40x128xi32, #tpu.memory_space<vmem>> -> memref<1x128xi32, #tpu.memory_space<vmem>>
      %dma_start3A_37 = tpu.memref_squeeze %dma_start3A_36 : memref<1x128xi32, #tpu.memory_space<vmem>> -> memref<128xi32, #tpu.memory_space<vmem>>
      %dma_start3A_38 = arith.constant 0 : i32
      %dma_start3A_39 = arith.constant 0 : i32
      %dma_start3A_40 = tpu.memref_slice %arg2[%dma_start3A_38, %dma_start3A_39] : memref<10008x48xf32, #tpu.memory_space<hbm>> -> memref<10008x48xf32, #tpu.memory_space<hbm>>
      tpu.enqueue_indirect_dma source(%dma_start3A_40 : memref<10008x48xf32, #tpu.memory_space<hbm>>) target(%arg10 : memref<128x48xf32, #tpu.memory_space<vmem>>) offsets(%dma_start3A_37 : memref<128xi32, #tpu.memory_space<vmem>>) semaphore(%arg12 : memref<!tpu.dma_semaphore, #tpu.memory_space<semaphore_mem>>)
      %dma_wait3A_41 = arith.constant 0 : i32
      %dma_wait3A_42 = arith.constant 0 : i32
      %dma_wait3A_43 = tpu.memref_slice %arg7[%dma_wait3A_41, %dma_wait3A_42] : memref<40x128xi32, #tpu.memory_space<vmem>> -> memref<1x128xi32, #tpu.memory_space<vmem>>
      %dma_wait3A_44 = tpu.memref_squeeze %dma_wait3A_43 : memref<1x128xi32, #tpu.memory_space<vmem>> -> memref<128xi32, #tpu.memory_space<vmem>>
      %dma_wait3A_45 = arith.constant 0 : i32
      %dma_wait3A_46 = arith.constant 0 : i32
      %dma_wait3A_47 = tpu.memref_slice %arg2[%dma_wait3A_45, %dma_wait3A_46] : memref<10008x48xf32, #tpu.memory_space<hbm>> -> memref<10008x48xf32, #tpu.memory_space<hbm>>
      tpu.wait_indirect_dma semaphore(%arg12 : memref<!tpu.dma_semaphore, #tpu.memory_space<semaphore_mem>>) src(%dma_wait3A_47 : memref<10008x48xf32, #tpu.memory_space<hbm>>) dst(%arg9 : memref<128x48xf32, #tpu.memory_space<vmem>>)
      "tpu.region"() ({
        %run_scoped3A = tpu.sem_alloc : memref<!tpu.dma_semaphore, #tpu.memory_space<semaphore_mem>>
        %dma_start3A_66 = arith.constant 0 : i32
        %dma_start3A_67 = tpu.memref_slice %arg8[%mul3A_32, %dma_start3A_66] : memref<40x128xi32, #tpu.memory_space<vmem>> -> memref<1x128xi32, #tpu.memory_space<vmem>>
        %dma_start3A_68 = tpu.memref_squeeze %dma_start3A_67 : memref<1x128xi32, #tpu.memory_space<vmem>> -> memref<128xi32, #tpu.memory_space<vmem>>
        %dma_start3A_69 = arith.constant 0 : i32
        %dma_start3A_70 = arith.constant 0 : i32
        %dma_start3A_71 = tpu.memref_slice %arg11[%dma_start3A_69, %dma_start3A_70] : memref<10008x48xf32, #tpu.memory_space<vmem_shared>> -> memref<10008x48xf32, #tpu.memory_space<vmem_shared>>
        tpu.enqueue_indirect_dma source(%arg9 : memref<128x48xf32, #tpu.memory_space<vmem>>) target(%dma_start3A_71 : memref<10008x48xf32, #tpu.memory_space<vmem_shared>>) offsets(%dma_start3A_68 : memref<128xi32, #tpu.memory_space<vmem>>) semaphore(%run_scoped3A : memref<!tpu.dma_semaphore, #tpu.memory_space<semaphore_mem>>) {add = true}
        %dma_wait3A_72 = arith.constant 0 : i32
        %dma_wait3A_73 = tpu.memref_slice %arg8[%mul3A_32, %dma_wait3A_72] : memref<40x128xi32, #tpu.memory_space<vmem>> -> memref<1x128xi32, #tpu.memory_space<vmem>>
        %dma_wait3A_74 = tpu.memref_squeeze %dma_wait3A_73 : memref<1x128xi32, #tpu.memory_space<vmem>> -> memref<128xi32, #tpu.memory_space<vmem>>
        %dma_wait3A_75 = arith.constant 0 : i32
        %dma_wait3A_76 = arith.constant 0 : i32
        %dma_wait3A_77 = tpu.memref_slice %arg11[%dma_wait3A_75, %dma_wait3A_76] : memref<10008x48xf32, #tpu.memory_space<vmem_shared>> -> memref<10008x48xf32, #tpu.memory_space<vmem_shared>>
        tpu.wait_indirect_dma semaphore(%run_scoped3A : memref<!tpu.dma_semaphore, #tpu.memory_space<semaphore_mem>>) src(%arg9 : memref<128x48xf32, #tpu.memory_space<vmem>>) dst(%dma_wait3A_77 : memref<10008x48xf32, #tpu.memory_space<vmem_shared>>)
        tpu.yield
      }) : () -> ()
      %add3A_48 = arith.constant 2 : i32
      %add3A_49 = arith.addi %mul3A_32, %add3A_48 : i32
      %min3A = arith.constant 39 : i32
      %min3A_50 = arith.minsi %add3A_49, %min3A : i32
      %dma_start3A_51 = arith.constant 0 : i32
      %dma_start3A_52 = tpu.memref_slice %arg7[%min3A_50, %dma_start3A_51] : memref<40x128xi32, #tpu.memory_space<vmem>> -> memref<1x128xi32, #tpu.memory_space<vmem>>
      %dma_start3A_53 = tpu.memref_squeeze %dma_start3A_52 : memref<1x128xi32, #tpu.memory_space<vmem>> -> memref<128xi32, #tpu.memory_space<vmem>>
      %dma_start3A_54 = arith.constant 0 : i32
      %dma_start3A_55 = arith.constant 0 : i32
      %dma_start3A_56 = tpu.memref_slice %arg2[%dma_start3A_54, %dma_start3A_55] : memref<10008x48xf32, #tpu.memory_space<hbm>> -> memref<10008x48xf32, #tpu.memory_space<hbm>>
      tpu.enqueue_indirect_dma source(%dma_start3A_56 : memref<10008x48xf32, #tpu.memory_space<hbm>>) target(%arg9 : memref<128x48xf32, #tpu.memory_space<vmem>>) offsets(%dma_start3A_53 : memref<128xi32, #tpu.memory_space<vmem>>) semaphore(%arg12 : memref<!tpu.dma_semaphore, #tpu.memory_space<semaphore_mem>>)
      %dma_wait3A_57 = arith.constant 0 : i32
      %dma_wait3A_58 = arith.constant 0 : i32
      %dma_wait3A_59 = tpu.memref_slice %arg7[%dma_wait3A_57, %dma_wait3A_58] : memref<40x128xi32, #tpu.memory_space<vmem>> -> memref<1x128xi32, #tpu.memory_space<vmem>>
      %dma_wait3A_60 = tpu.memref_squeeze %dma_wait3A_59 : memref<1x128xi32, #tpu.memory_space<vmem>> -> memref<128xi32, #tpu.memory_space<vmem>>
      %dma_wait3A_61 = arith.constant 0 : i32
      %dma_wait3A_62 = arith.constant 0 : i32
      %dma_wait3A_63 = tpu.memref_slice %arg2[%dma_wait3A_61, %dma_wait3A_62] : memref<10008x48xf32, #tpu.memory_space<hbm>> -> memref<10008x48xf32, #tpu.memory_space<hbm>>
      tpu.wait_indirect_dma semaphore(%arg12 : memref<!tpu.dma_semaphore, #tpu.memory_space<semaphore_mem>>) src(%dma_wait3A_63 : memref<10008x48xf32, #tpu.memory_space<hbm>>) dst(%arg10 : memref<128x48xf32, #tpu.memory_space<vmem>>)
      %add3A_64 = arith.constant 1 : i32
      %add3A_65 = arith.addi %mul3A_32, %add3A_64 : i32
      "tpu.region"() ({
        %run_scoped3A = tpu.sem_alloc : memref<!tpu.dma_semaphore, #tpu.memory_space<semaphore_mem>>
        %dma_start3A_66 = arith.constant 0 : i32
        %dma_start3A_67 = tpu.memref_slice %arg8[%add3A_65, %dma_start3A_66] : memref<40x128xi32, #tpu.memory_space<vmem>> -> memref<1x128xi32, #tpu.memory_space<vmem>>
        %dma_start3A_68 = tpu.memref_squeeze %dma_start3A_67 : memref<1x128xi32, #tpu.memory_space<vmem>> -> memref<128xi32, #tpu.memory_space<vmem>>
        %dma_start3A_69 = arith.constant 0 : i32
        %dma_start3A_70 = arith.constant 0 : i32
        %dma_start3A_71 = tpu.memref_slice %arg11[%dma_start3A_69, %dma_start3A_70] : memref<10008x48xf32, #tpu.memory_space<vmem_shared>> -> memref<10008x48xf32, #tpu.memory_space<vmem_shared>>
        tpu.enqueue_indirect_dma source(%arg10 : memref<128x48xf32, #tpu.memory_space<vmem>>) target(%dma_start3A_71 : memref<10008x48xf32, #tpu.memory_space<vmem_shared>>) offsets(%dma_start3A_68 : memref<128xi32, #tpu.memory_space<vmem>>) semaphore(%run_scoped3A : memref<!tpu.dma_semaphore, #tpu.memory_space<semaphore_mem>>) {add = true}
        %dma_wait3A_72 = arith.constant 0 : i32
        %dma_wait3A_73 = tpu.memref_slice %arg8[%add3A_65, %dma_wait3A_72] : memref<40x128xi32, #tpu.memory_space<vmem>> -> memref<1x128xi32, #tpu.memory_space<vmem>>
        %dma_wait3A_74 = tpu.memref_squeeze %dma_wait3A_73 : memref<1x128xi32, #tpu.memory_space<vmem>> -> memref<128xi32, #tpu.memory_space<vmem>>
        %dma_wait3A_75 = arith.constant 0 : i32
        %dma_wait3A_76 = arith.constant 0 : i32
        %dma_wait3A_77 = tpu.memref_slice %arg11[%dma_wait3A_75, %dma_wait3A_76] : memref<10008x48xf32, #tpu.memory_space<vmem_shared>> -> memref<10008x48xf32, #tpu.memory_space<vmem_shared>>
        tpu.wait_indirect_dma semaphore(%run_scoped3A : memref<!tpu.dma_semaphore, #tpu.memory_space<semaphore_mem>>) src(%arg10 : memref<128x48xf32, #tpu.memory_space<vmem>>) dst(%dma_wait3A_77 : memref<10008x48xf32, #tpu.memory_space<vmem_shared>>)
        tpu.yield
      }) : () -> ()
    }
    %scan3A_17 = arith.constant 20 : i32
    %dma_wait3A = arith.constant 0 : i32
    %dma_wait3A_18 = arith.constant 0 : i32
    %dma_wait3A_19 = tpu.memref_slice %arg7[%dma_wait3A, %dma_wait3A_18] : memref<40x128xi32, #tpu.memory_space<vmem>> -> memref<1x128xi32, #tpu.memory_space<vmem>>
    %dma_wait3A_20 = tpu.memref_squeeze %dma_wait3A_19 : memref<1x128xi32, #tpu.memory_space<vmem>> -> memref<128xi32, #tpu.memory_space<vmem>>
    %dma_wait3A_21 = arith.constant 0 : i32
    %dma_wait3A_22 = arith.constant 0 : i32
    %dma_wait3A_23 = tpu.memref_slice %arg2[%dma_wait3A_21, %dma_wait3A_22] : memref<10008x48xf32, #tpu.memory_space<hbm>> -> memref<10008x48xf32, #tpu.memory_space<hbm>>
    tpu.wait_indirect_dma semaphore(%arg12 : memref<!tpu.dma_semaphore, #tpu.memory_space<semaphore_mem>>) src(%dma_wait3A_23 : memref<10008x48xf32, #tpu.memory_space<hbm>>) dst(%arg9 : memref<128x48xf32, #tpu.memory_space<vmem>>)
    %barrier3A_24 = arith.constant 0 : index
    tpu.barrier barrier_id(%barrier3A_24)
    %eq3A_25 = arith.constant 0 : i32
    %eq3A_26 = arith.cmpi eq, %arg1, %eq3A_25 : i32
    %convert_element_type3A_27 = arith.extui %eq3A_26 : i1 to i32
    %cond3A_28 = arith.constant 0 : i32
    %cond3A_29 = arith.cmpi ne, %convert_element_type3A_27, %cond3A_28 : i32
    scf.if %cond3A_29 {
      "tpu.region"() ({
        %run_scoped3A = tpu.sem_alloc : memref<!tpu.dma_semaphore, #tpu.memory_space<semaphore_mem>>
        %dma_start3A_30 = arith.constant 0 : i32
        %dma_start3A_31 = arith.constant 0 : i32
        %dma_start3A_32 = tpu.memref_slice %arg6[%arg0, %dma_start3A_30, %dma_start3A_31] : memref<2x10008x48xf32, #tpu.memory_space<hbm>> -> memref<1x10008x48xf32, #tpu.memory_space<hbm>>
        %dma_start3A_33 = tpu.memref_squeeze %dma_start3A_32 : memref<1x10008x48xf32, #tpu.memory_space<hbm>> -> memref<10008x48xf32, #tpu.memory_space<hbm>>
        tpu.enqueue_dma source(%arg11 : memref<10008x48xf32, #tpu.memory_space<vmem_shared>>) target(%dma_start3A_33 : memref<10008x48xf32, #tpu.memory_space<hbm>>) target_semaphore(%run_scoped3A : memref<!tpu.dma_semaphore, #tpu.memory_space<semaphore_mem>>)
        %dma_wait3A_34 = arith.constant 0 : i32
        %dma_wait3A_35 = arith.constant 0 : i32
        %dma_wait3A_36 = tpu.memref_slice %arg6[%arg0, %dma_wait3A_34, %dma_wait3A_35] : memref<2x10008x48xf32, #tpu.memory_space<hbm>> -> memref<1x10008x48xf32, #tpu.memory_space<hbm>>
        %dma_wait3A_37 = tpu.memref_squeeze %dma_wait3A_36 : memref<1x10008x48xf32, #tpu.memory_space<hbm>> -> memref<10008x48xf32, #tpu.memory_space<hbm>>
        tpu.wait_dma2 semaphore(%run_scoped3A : memref<!tpu.dma_semaphore, #tpu.memory_space<semaphore_mem>>) src(%arg11 : memref<10008x48xf32, #tpu.memory_space<vmem_shared>>) dst(%dma_wait3A_37 : memref<10008x48xf32, #tpu.memory_space<hbm>>)
        tpu.yield
      }) : () -> ()
    } else {
    }
    return
  }
}

#map = affine_map<(d0, d1) -> (0, 0)>
#map1 = affine_map<(d0, d1) -> (0, 0, 0)>
module attributes {stable_mosaic.version = 14 : i64} {
  func.func @sc_count(%arg0: i32, %arg1: i32, %arg2: memref<6656x128xi32, #tpu.memory_space<hbm>>, %arg3: memref<128x8xf32, #tpu.memory_space<hbm>>, %arg4: memref<50008x8xf32, #tpu.memory_space<hbm>>, %arg5: memref<2x50008x8xf32, #tpu.memory_space<hbm>>, %arg6: memref<200x128xi32, #tpu.memory_space<vmem>>, %arg7: memref<128x8xf32, #tpu.memory_space<vmem>>, %arg8: memref<50008x8xf32, #tpu.memory_space<vmem_shared>>) attributes {dimension_semantics = [#tpu.dimension_semantics<core_parallel>, #tpu.dimension_semantics<subcore_parallel>], iteration_bounds = array<i64: 2, 16>, scalar_prefetch = 0 : i64, scratch_operands = 3 : i64, tpu.core_type = #tpu.core_type<sc_vector_subcore>, window_params = [{transform_indices = #map}, {transform_indices = #map}, {transform_indices = #map}, {transform_indices = #map1}]} {
    %mul3A = arith.constant 2 : i32
    %mul3A_0 = arith.muli %arg1, %mul3A : i32
    %add3A = arith.addi %mul3A_0, %arg0 : i32
    %eq3A = arith.constant 0 : i32
    %eq3A_1 = arith.cmpi eq, %arg1, %eq3A : i32
    %convert_element_type3A = arith.extui %eq3A_1 : i1 to i32
    %cond3A = arith.constant 0 : i32
    %cond3A_2 = arith.cmpi ne, %convert_element_type3A, %cond3A : i32
    scf.if %cond3A_2 {
      "tpu.region"() ({
        %run_scoped3A = tpu.sem_alloc : memref<!tpu.dma_semaphore, #tpu.memory_space<semaphore_mem>>
        tpu.enqueue_dma source(%arg4 : memref<50008x8xf32, #tpu.memory_space<hbm>>) target(%arg8 : memref<50008x8xf32, #tpu.memory_space<vmem_shared>>) target_semaphore(%run_scoped3A : memref<!tpu.dma_semaphore, #tpu.memory_space<semaphore_mem>>)
        tpu.wait_dma2 semaphore(%run_scoped3A : memref<!tpu.dma_semaphore, #tpu.memory_space<semaphore_mem>>) src(%arg4 : memref<50008x8xf32, #tpu.memory_space<hbm>>) dst(%arg8 : memref<50008x8xf32, #tpu.memory_space<vmem_shared>>)
        tpu.yield
      }) : () -> ()
    } else {
    }
    "tpu.region"() ({
      %run_scoped3A = tpu.sem_alloc : memref<!tpu.dma_semaphore, #tpu.memory_space<semaphore_mem>>
      tpu.enqueue_dma source(%arg3 : memref<128x8xf32, #tpu.memory_space<hbm>>) target(%arg7 : memref<128x8xf32, #tpu.memory_space<vmem>>) target_semaphore(%run_scoped3A : memref<!tpu.dma_semaphore, #tpu.memory_space<semaphore_mem>>)
      tpu.wait_dma2 semaphore(%run_scoped3A : memref<!tpu.dma_semaphore, #tpu.memory_space<semaphore_mem>>) src(%arg3 : memref<128x8xf32, #tpu.memory_space<hbm>>) dst(%arg7 : memref<128x8xf32, #tpu.memory_space<vmem>>)
      tpu.yield
    }) : () -> ()
    %mul3A_3 = arith.constant 200 : i32
    %mul3A_4 = arith.muli %add3A, %mul3A_3 : i32
    "tpu.region"() ({
      %run_scoped3A = tpu.sem_alloc : memref<!tpu.dma_semaphore, #tpu.memory_space<semaphore_mem>>
      %dma_start3A = arith.constant 0 : i32
      %dma_start3A_16 = tpu.memref_slice %arg2[%mul3A_4, %dma_start3A] : memref<6656x128xi32, #tpu.memory_space<hbm>> -> memref<200x128xi32, #tpu.memory_space<hbm>>
      %dma_start3A_17 = arith.constant 0 : i32
      %dma_start3A_18 = tpu.memref_slice %arg2[%mul3A_4, %dma_start3A_17] : memref<6656x128xi32, #tpu.memory_space<hbm>> -> memref<200x128xi32, #tpu.memory_space<hbm>>
      tpu.enqueue_dma source(%dma_start3A_18 : memref<200x128xi32, #tpu.memory_space<hbm>>) target(%arg6 : memref<200x128xi32, #tpu.memory_space<vmem>>) target_semaphore(%run_scoped3A : memref<!tpu.dma_semaphore, #tpu.memory_space<semaphore_mem>>)
      %dma_wait3A = arith.constant 0 : i32
      %dma_wait3A_19 = tpu.memref_slice %arg2[%mul3A_4, %dma_wait3A] : memref<6656x128xi32, #tpu.memory_space<hbm>> -> memref<200x128xi32, #tpu.memory_space<hbm>>
      %dma_wait3A_20 = arith.constant 0 : i32
      %dma_wait3A_21 = tpu.memref_slice %arg2[%mul3A_4, %dma_wait3A_20] : memref<6656x128xi32, #tpu.memory_space<hbm>> -> memref<200x128xi32, #tpu.memory_space<hbm>>
      tpu.wait_dma2 semaphore(%run_scoped3A : memref<!tpu.dma_semaphore, #tpu.memory_space<semaphore_mem>>) src(%dma_wait3A_21 : memref<200x128xi32, #tpu.memory_space<hbm>>) dst(%arg6 : memref<200x128xi32, #tpu.memory_space<vmem>>)
      tpu.yield
    }) : () -> ()
    %barrier3A = arith.constant 0 : index
    tpu.barrier barrier_id(%barrier3A)
    %scan3A = arith.constant 0 : i32
    %scan3A_5 = arith.constant 0 : i32
    %scan3A_6 = arith.constant 200 : i32
    %scan3A_7 = arith.addi %scan3A_5, %scan3A_6 : i32
    %scan3A_8 = arith.constant 1 : i32
    scf.for %scan3A_16 = %scan3A_5 to %scan3A_7 step %scan3A_8  : i32 {
      "tpu.region"() ({
        %run_scoped3A = tpu.sem_alloc : memref<!tpu.dma_semaphore, #tpu.memory_space<semaphore_mem>>
        %dma_start3A = arith.constant 0 : i32
        %dma_start3A_17 = tpu.memref_slice %arg6[%scan3A_16, %dma_start3A] : memref<200x128xi32, #tpu.memory_space<vmem>> -> memref<1x128xi32, #tpu.memory_space<vmem>>
        %dma_start3A_18 = tpu.memref_squeeze %dma_start3A_17 : memref<1x128xi32, #tpu.memory_space<vmem>> -> memref<128xi32, #tpu.memory_space<vmem>>
        %dma_start3A_19 = arith.constant 0 : i32
        %dma_start3A_20 = arith.constant 0 : i32
        %dma_start3A_21 = tpu.memref_slice %arg8[%dma_start3A_19, %dma_start3A_20] : memref<50008x8xf32, #tpu.memory_space<vmem_shared>> -> memref<50008x8xf32, #tpu.memory_space<vmem_shared>>
        tpu.enqueue_indirect_dma source(%arg7 : memref<128x8xf32, #tpu.memory_space<vmem>>) target(%dma_start3A_21 : memref<50008x8xf32, #tpu.memory_space<vmem_shared>>) offsets(%dma_start3A_18 : memref<128xi32, #tpu.memory_space<vmem>>) semaphore(%run_scoped3A : memref<!tpu.dma_semaphore, #tpu.memory_space<semaphore_mem>>) {add = true}
        %dma_wait3A = arith.constant 0 : i32
        %dma_wait3A_22 = tpu.memref_slice %arg6[%scan3A_16, %dma_wait3A] : memref<200x128xi32, #tpu.memory_space<vmem>> -> memref<1x128xi32, #tpu.memory_space<vmem>>
        %dma_wait3A_23 = tpu.memref_squeeze %dma_wait3A_22 : memref<1x128xi32, #tpu.memory_space<vmem>> -> memref<128xi32, #tpu.memory_space<vmem>>
        %dma_wait3A_24 = arith.constant 0 : i32
        %dma_wait3A_25 = arith.constant 0 : i32
        %dma_wait3A_26 = tpu.memref_slice %arg8[%dma_wait3A_24, %dma_wait3A_25] : memref<50008x8xf32, #tpu.memory_space<vmem_shared>> -> memref<50008x8xf32, #tpu.memory_space<vmem_shared>>
        tpu.wait_indirect_dma semaphore(%run_scoped3A : memref<!tpu.dma_semaphore, #tpu.memory_space<semaphore_mem>>) src(%arg7 : memref<128x8xf32, #tpu.memory_space<vmem>>) dst(%dma_wait3A_26 : memref<50008x8xf32, #tpu.memory_space<vmem_shared>>)
        tpu.yield
      }) : () -> ()
    }
    %scan3A_9 = arith.constant 200 : i32
    %barrier3A_10 = arith.constant 0 : index
    tpu.barrier barrier_id(%barrier3A_10)
    %eq3A_11 = arith.constant 0 : i32
    %eq3A_12 = arith.cmpi eq, %arg1, %eq3A_11 : i32
    %convert_element_type3A_13 = arith.extui %eq3A_12 : i1 to i32
    %cond3A_14 = arith.constant 0 : i32
    %cond3A_15 = arith.cmpi ne, %convert_element_type3A_13, %cond3A_14 : i32
    scf.if %cond3A_15 {
      "tpu.region"() ({
        %run_scoped3A = tpu.sem_alloc : memref<!tpu.dma_semaphore, #tpu.memory_space<semaphore_mem>>
        %dma_start3A = arith.constant 0 : i32
        %dma_start3A_16 = arith.constant 0 : i32
        %dma_start3A_17 = tpu.memref_slice %arg5[%arg0, %dma_start3A, %dma_start3A_16] : memref<2x50008x8xf32, #tpu.memory_space<hbm>> -> memref<1x50008x8xf32, #tpu.memory_space<hbm>>
        %dma_start3A_18 = tpu.memref_squeeze %dma_start3A_17 : memref<1x50008x8xf32, #tpu.memory_space<hbm>> -> memref<50008x8xf32, #tpu.memory_space<hbm>>
        tpu.enqueue_dma source(%arg8 : memref<50008x8xf32, #tpu.memory_space<vmem_shared>>) target(%dma_start3A_18 : memref<50008x8xf32, #tpu.memory_space<hbm>>) target_semaphore(%run_scoped3A : memref<!tpu.dma_semaphore, #tpu.memory_space<semaphore_mem>>)
        %dma_wait3A = arith.constant 0 : i32
        %dma_wait3A_19 = arith.constant 0 : i32
        %dma_wait3A_20 = tpu.memref_slice %arg5[%arg0, %dma_wait3A, %dma_wait3A_19] : memref<2x50008x8xf32, #tpu.memory_space<hbm>> -> memref<1x50008x8xf32, #tpu.memory_space<hbm>>
        %dma_wait3A_21 = tpu.memref_squeeze %dma_wait3A_20 : memref<1x50008x8xf32, #tpu.memory_space<hbm>> -> memref<50008x8xf32, #tpu.memory_space<hbm>>
        tpu.wait_dma2 semaphore(%run_scoped3A : memref<!tpu.dma_semaphore, #tpu.memory_space<semaphore_mem>>) src(%arg8 : memref<50008x8xf32, #tpu.memory_space<vmem_shared>>) dst(%dma_wait3A_21 : memref<50008x8xf32, #tpu.memory_space<hbm>>)
        tpu.yield
      }) : () -> ()
    } else {
    }
    return
  }
}

#map = affine_map<(d0, d1) -> (0, 0)>
#map1 = affine_map<(d0, d1) -> (0, 0, 0)>
module attributes {stable_mosaic.version = 14 : i64} {
  func.func @sc_pass1(%arg0: i32, %arg1: i32, %arg2: memref<50008x80xf32, #tpu.memory_space<hbm>>, %arg3: memref<6656x128xi32, #tpu.memory_space<hbm>>, %arg4: memref<6656x128xi32, #tpu.memory_space<hbm>>, %arg5: memref<10008x80xf32, #tpu.memory_space<hbm>>, %arg6: memref<2x10008x80xf32, #tpu.memory_space<hbm>>, %arg7: memref<200x128xi32, #tpu.memory_space<vmem>>, %arg8: memref<200x128xi32, #tpu.memory_space<vmem>>, %arg9: memref<128x80xf32, #tpu.memory_space<vmem>>, %arg10: memref<128x80xf32, #tpu.memory_space<vmem>>, %arg11: memref<10008x80xf32, #tpu.memory_space<vmem_shared>>, %arg12: memref<!tpu.dma_semaphore, #tpu.memory_space<semaphore_mem>>) attributes {dimension_semantics = [#tpu.dimension_semantics<core_parallel>, #tpu.dimension_semantics<subcore_parallel>], iteration_bounds = array<i64: 2, 16>, scalar_prefetch = 0 : i64, scratch_operands = 6 : i64, tpu.core_type = #tpu.core_type<sc_vector_subcore>, window_params = [{transform_indices = #map}, {transform_indices = #map}, {transform_indices = #map}, {transform_indices = #map}, {transform_indices = #map1}]} {
    %mul3A = arith.constant 2 : i32
    %mul3A_0 = arith.muli %arg1, %mul3A : i32
    %add3A = arith.addi %mul3A_0, %arg0 : i32
    %eq3A = arith.constant 0 : i32
    %eq3A_1 = arith.cmpi eq, %arg1, %eq3A : i32
    %convert_element_type3A = arith.extui %eq3A_1 : i1 to i32
    %cond3A = arith.constant 0 : i32
    %cond3A_2 = arith.cmpi ne, %convert_element_type3A, %cond3A : i32
    scf.if %cond3A_2 {
      "tpu.region"() ({
        %run_scoped3A = tpu.sem_alloc : memref<!tpu.dma_semaphore, #tpu.memory_space<semaphore_mem>>
        tpu.enqueue_dma source(%arg5 : memref<10008x80xf32, #tpu.memory_space<hbm>>) target(%arg11 : memref<10008x80xf32, #tpu.memory_space<vmem_shared>>) target_semaphore(%run_scoped3A : memref<!tpu.dma_semaphore, #tpu.memory_space<semaphore_mem>>)
        tpu.wait_dma2 semaphore(%run_scoped3A : memref<!tpu.dma_semaphore, #tpu.memory_space<semaphore_mem>>) src(%arg5 : memref<10008x80xf32, #tpu.memory_space<hbm>>) dst(%arg11 : memref<10008x80xf32, #tpu.memory_space<vmem_shared>>)
        tpu.yield
      }) : () -> ()
    } else {
    }
    %mul3A_3 = arith.constant 200 : i32
    %mul3A_4 = arith.muli %add3A, %mul3A_3 : i32
    %add3A_5 = arith.constant 0 : i32
    %add3A_6 = arith.addi %add3A_5, %mul3A_4 : i32
    "tpu.region"() ({
      %run_scoped3A = tpu.sem_alloc : memref<!tpu.dma_semaphore, #tpu.memory_space<semaphore_mem>>
      %dma_start3A_30 = arith.constant 0 : i32
      %dma_start3A_31 = tpu.memref_slice %arg3[%add3A_6, %dma_start3A_30] : memref<6656x128xi32, #tpu.memory_space<hbm>> -> memref<200x128xi32, #tpu.memory_space<hbm>>
      %dma_start3A_32 = arith.constant 0 : i32
      %dma_start3A_33 = tpu.memref_slice %arg3[%add3A_6, %dma_start3A_32] : memref<6656x128xi32, #tpu.memory_space<hbm>> -> memref<200x128xi32, #tpu.memory_space<hbm>>
      tpu.enqueue_dma source(%dma_start3A_33 : memref<200x128xi32, #tpu.memory_space<hbm>>) target(%arg7 : memref<200x128xi32, #tpu.memory_space<vmem>>) target_semaphore(%run_scoped3A : memref<!tpu.dma_semaphore, #tpu.memory_space<semaphore_mem>>)
      %dma_wait3A_34 = arith.constant 0 : i32
      %dma_wait3A_35 = tpu.memref_slice %arg3[%add3A_6, %dma_wait3A_34] : memref<6656x128xi32, #tpu.memory_space<hbm>> -> memref<200x128xi32, #tpu.memory_space<hbm>>
      %dma_wait3A_36 = arith.constant 0 : i32
      %dma_wait3A_37 = tpu.memref_slice %arg3[%add3A_6, %dma_wait3A_36] : memref<6656x128xi32, #tpu.memory_space<hbm>> -> memref<200x128xi32, #tpu.memory_space<hbm>>
      tpu.wait_dma2 semaphore(%run_scoped3A : memref<!tpu.dma_semaphore, #tpu.memory_space<semaphore_mem>>) src(%dma_wait3A_37 : memref<200x128xi32, #tpu.memory_space<hbm>>) dst(%arg7 : memref<200x128xi32, #tpu.memory_space<vmem>>)
      tpu.yield
    }) : () -> ()
    "tpu.region"() ({
      %run_scoped3A = tpu.sem_alloc : memref<!tpu.dma_semaphore, #tpu.memory_space<semaphore_mem>>
      %dma_start3A_30 = arith.constant 0 : i32
      %dma_start3A_31 = tpu.memref_slice %arg4[%add3A_6, %dma_start3A_30] : memref<6656x128xi32, #tpu.memory_space<hbm>> -> memref<200x128xi32, #tpu.memory_space<hbm>>
      %dma_start3A_32 = arith.constant 0 : i32
      %dma_start3A_33 = tpu.memref_slice %arg4[%add3A_6, %dma_start3A_32] : memref<6656x128xi32, #tpu.memory_space<hbm>> -> memref<200x128xi32, #tpu.memory_space<hbm>>
      tpu.enqueue_dma source(%dma_start3A_33 : memref<200x128xi32, #tpu.memory_space<hbm>>) target(%arg8 : memref<200x128xi32, #tpu.memory_space<vmem>>) target_semaphore(%run_scoped3A : memref<!tpu.dma_semaphore, #tpu.memory_space<semaphore_mem>>)
      %dma_wait3A_34 = arith.constant 0 : i32
      %dma_wait3A_35 = tpu.memref_slice %arg4[%add3A_6, %dma_wait3A_34] : memref<6656x128xi32, #tpu.memory_space<hbm>> -> memref<200x128xi32, #tpu.memory_space<hbm>>
      %dma_wait3A_36 = arith.constant 0 : i32
      %dma_wait3A_37 = tpu.memref_slice %arg4[%add3A_6, %dma_wait3A_36] : memref<6656x128xi32, #tpu.memory_space<hbm>> -> memref<200x128xi32, #tpu.memory_space<hbm>>
      tpu.wait_dma2 semaphore(%run_scoped3A : memref<!tpu.dma_semaphore, #tpu.memory_space<semaphore_mem>>) src(%dma_wait3A_37 : memref<200x128xi32, #tpu.memory_space<hbm>>) dst(%arg8 : memref<200x128xi32, #tpu.memory_space<vmem>>)
      tpu.yield
    }) : () -> ()
    %barrier3A = arith.constant 0 : index
    tpu.barrier barrier_id(%barrier3A)
    %dma_start3A = arith.constant 0 : i32
    %dma_start3A_7 = arith.constant 0 : i32
    %dma_start3A_8 = tpu.memref_slice %arg7[%dma_start3A, %dma_start3A_7] : memref<200x128xi32, #tpu.memory_space<vmem>> -> memref<1x128xi32, #tpu.memory_space<vmem>>
    %dma_start3A_9 = tpu.memref_squeeze %dma_start3A_8 : memref<1x128xi32, #tpu.memory_space<vmem>> -> memref<128xi32, #tpu.memory_space<vmem>>
    %dma_start3A_10 = arith.constant 0 : i32
    %dma_start3A_11 = arith.constant 0 : i32
    %dma_start3A_12 = tpu.memref_slice %arg2[%dma_start3A_10, %dma_start3A_11] : memref<50008x80xf32, #tpu.memory_space<hbm>> -> memref<50008x80xf32, #tpu.memory_space<hbm>>
    tpu.enqueue_indirect_dma source(%dma_start3A_12 : memref<50008x80xf32, #tpu.memory_space<hbm>>) target(%arg9 : memref<128x80xf32, #tpu.memory_space<vmem>>) offsets(%dma_start3A_9 : memref<128xi32, #tpu.memory_space<vmem>>) semaphore(%arg12 : memref<!tpu.dma_semaphore, #tpu.memory_space<semaphore_mem>>)
    %scan3A = arith.constant 0 : i32
    %scan3A_13 = arith.constant 0 : i32
    %scan3A_14 = arith.constant 100 : i32
    %scan3A_15 = arith.addi %scan3A_13, %scan3A_14 : i32
    %scan3A_16 = arith.constant 1 : i32
    scf.for %scan3A_30 = %scan3A_13 to %scan3A_15 step %scan3A_16  : i32 {
      %mul3A_31 = arith.constant 2 : i32
      %mul3A_32 = arith.muli %mul3A_31, %scan3A_30 : i32
      %add3A_33 = arith.constant 1 : i32
      %add3A_34 = arith.addi %mul3A_32, %add3A_33 : i32
      %dma_start3A_35 = arith.constant 0 : i32
      %dma_start3A_36 = tpu.memref_slice %arg7[%add3A_34, %dma_start3A_35] : memref<200x128xi32, #tpu.memory_space<vmem>> -> memref<1x128xi32, #tpu.memory_space<vmem>>
      %dma_start3A_37 = tpu.memref_squeeze %dma_start3A_36 : memref<1x128xi32, #tpu.memory_space<vmem>> -> memref<128xi32, #tpu.memory_space<vmem>>
      %dma_start3A_38 = arith.constant 0 : i32
      %dma_start3A_39 = arith.constant 0 : i32
      %dma_start3A_40 = tpu.memref_slice %arg2[%dma_start3A_38, %dma_start3A_39] : memref<50008x80xf32, #tpu.memory_space<hbm>> -> memref<50008x80xf32, #tpu.memory_space<hbm>>
      tpu.enqueue_indirect_dma source(%dma_start3A_40 : memref<50008x80xf32, #tpu.memory_space<hbm>>) target(%arg10 : memref<128x80xf32, #tpu.memory_space<vmem>>) offsets(%dma_start3A_37 : memref<128xi32, #tpu.memory_space<vmem>>) semaphore(%arg12 : memref<!tpu.dma_semaphore, #tpu.memory_space<semaphore_mem>>)
      %dma_wait3A_41 = arith.constant 0 : i32
      %dma_wait3A_42 = arith.constant 0 : i32
      %dma_wait3A_43 = tpu.memref_slice %arg7[%dma_wait3A_41, %dma_wait3A_42] : memref<200x128xi32, #tpu.memory_space<vmem>> -> memref<1x128xi32, #tpu.memory_space<vmem>>
      %dma_wait3A_44 = tpu.memref_squeeze %dma_wait3A_43 : memref<1x128xi32, #tpu.memory_space<vmem>> -> memref<128xi32, #tpu.memory_space<vmem>>
      %dma_wait3A_45 = arith.constant 0 : i32
      %dma_wait3A_46 = arith.constant 0 : i32
      %dma_wait3A_47 = tpu.memref_slice %arg2[%dma_wait3A_45, %dma_wait3A_46] : memref<50008x80xf32, #tpu.memory_space<hbm>> -> memref<50008x80xf32, #tpu.memory_space<hbm>>
      tpu.wait_indirect_dma semaphore(%arg12 : memref<!tpu.dma_semaphore, #tpu.memory_space<semaphore_mem>>) src(%dma_wait3A_47 : memref<50008x80xf32, #tpu.memory_space<hbm>>) dst(%arg9 : memref<128x80xf32, #tpu.memory_space<vmem>>)
      "tpu.region"() ({
        %run_scoped3A = tpu.sem_alloc : memref<!tpu.dma_semaphore, #tpu.memory_space<semaphore_mem>>
        %dma_start3A_66 = arith.constant 0 : i32
        %dma_start3A_67 = tpu.memref_slice %arg8[%mul3A_32, %dma_start3A_66] : memref<200x128xi32, #tpu.memory_space<vmem>> -> memref<1x128xi32, #tpu.memory_space<vmem>>
        %dma_start3A_68 = tpu.memref_squeeze %dma_start3A_67 : memref<1x128xi32, #tpu.memory_space<vmem>> -> memref<128xi32, #tpu.memory_space<vmem>>
        %dma_start3A_69 = arith.constant 0 : i32
        %dma_start3A_70 = arith.constant 0 : i32
        %dma_start3A_71 = tpu.memref_slice %arg11[%dma_start3A_69, %dma_start3A_70] : memref<10008x80xf32, #tpu.memory_space<vmem_shared>> -> memref<10008x80xf32, #tpu.memory_space<vmem_shared>>
        tpu.enqueue_indirect_dma source(%arg9 : memref<128x80xf32, #tpu.memory_space<vmem>>) target(%dma_start3A_71 : memref<10008x80xf32, #tpu.memory_space<vmem_shared>>) offsets(%dma_start3A_68 : memref<128xi32, #tpu.memory_space<vmem>>) semaphore(%run_scoped3A : memref<!tpu.dma_semaphore, #tpu.memory_space<semaphore_mem>>) {add = true}
        %dma_wait3A_72 = arith.constant 0 : i32
        %dma_wait3A_73 = tpu.memref_slice %arg8[%mul3A_32, %dma_wait3A_72] : memref<200x128xi32, #tpu.memory_space<vmem>> -> memref<1x128xi32, #tpu.memory_space<vmem>>
        %dma_wait3A_74 = tpu.memref_squeeze %dma_wait3A_73 : memref<1x128xi32, #tpu.memory_space<vmem>> -> memref<128xi32, #tpu.memory_space<vmem>>
        %dma_wait3A_75 = arith.constant 0 : i32
        %dma_wait3A_76 = arith.constant 0 : i32
        %dma_wait3A_77 = tpu.memref_slice %arg11[%dma_wait3A_75, %dma_wait3A_76] : memref<10008x80xf32, #tpu.memory_space<vmem_shared>> -> memref<10008x80xf32, #tpu.memory_space<vmem_shared>>
        tpu.wait_indirect_dma semaphore(%run_scoped3A : memref<!tpu.dma_semaphore, #tpu.memory_space<semaphore_mem>>) src(%arg9 : memref<128x80xf32, #tpu.memory_space<vmem>>) dst(%dma_wait3A_77 : memref<10008x80xf32, #tpu.memory_space<vmem_shared>>)
        tpu.yield
      }) : () -> ()
      %add3A_48 = arith.constant 2 : i32
      %add3A_49 = arith.addi %mul3A_32, %add3A_48 : i32
      %min3A = arith.constant 199 : i32
      %min3A_50 = arith.minsi %add3A_49, %min3A : i32
      %dma_start3A_51 = arith.constant 0 : i32
      %dma_start3A_52 = tpu.memref_slice %arg7[%min3A_50, %dma_start3A_51] : memref<200x128xi32, #tpu.memory_space<vmem>> -> memref<1x128xi32, #tpu.memory_space<vmem>>
      %dma_start3A_53 = tpu.memref_squeeze %dma_start3A_52 : memref<1x128xi32, #tpu.memory_space<vmem>> -> memref<128xi32, #tpu.memory_space<vmem>>
      %dma_start3A_54 = arith.constant 0 : i32
      %dma_start3A_55 = arith.constant 0 : i32
      %dma_start3A_56 = tpu.memref_slice %arg2[%dma_start3A_54, %dma_start3A_55] : memref<50008x80xf32, #tpu.memory_space<hbm>> -> memref<50008x80xf32, #tpu.memory_space<hbm>>
      tpu.enqueue_indirect_dma source(%dma_start3A_56 : memref<50008x80xf32, #tpu.memory_space<hbm>>) target(%arg9 : memref<128x80xf32, #tpu.memory_space<vmem>>) offsets(%dma_start3A_53 : memref<128xi32, #tpu.memory_space<vmem>>) semaphore(%arg12 : memref<!tpu.dma_semaphore, #tpu.memory_space<semaphore_mem>>)
      %dma_wait3A_57 = arith.constant 0 : i32
      %dma_wait3A_58 = arith.constant 0 : i32
      %dma_wait3A_59 = tpu.memref_slice %arg7[%dma_wait3A_57, %dma_wait3A_58] : memref<200x128xi32, #tpu.memory_space<vmem>> -> memref<1x128xi32, #tpu.memory_space<vmem>>
      %dma_wait3A_60 = tpu.memref_squeeze %dma_wait3A_59 : memref<1x128xi32, #tpu.memory_space<vmem>> -> memref<128xi32, #tpu.memory_space<vmem>>
      %dma_wait3A_61 = arith.constant 0 : i32
      %dma_wait3A_62 = arith.constant 0 : i32
      %dma_wait3A_63 = tpu.memref_slice %arg2[%dma_wait3A_61, %dma_wait3A_62] : memref<50008x80xf32, #tpu.memory_space<hbm>> -> memref<50008x80xf32, #tpu.memory_space<hbm>>
      tpu.wait_indirect_dma semaphore(%arg12 : memref<!tpu.dma_semaphore, #tpu.memory_space<semaphore_mem>>) src(%dma_wait3A_63 : memref<50008x80xf32, #tpu.memory_space<hbm>>) dst(%arg10 : memref<128x80xf32, #tpu.memory_space<vmem>>)
      %add3A_64 = arith.constant 1 : i32
      %add3A_65 = arith.addi %mul3A_32, %add3A_64 : i32
      "tpu.region"() ({
        %run_scoped3A = tpu.sem_alloc : memref<!tpu.dma_semaphore, #tpu.memory_space<semaphore_mem>>
        %dma_start3A_66 = arith.constant 0 : i32
        %dma_start3A_67 = tpu.memref_slice %arg8[%add3A_65, %dma_start3A_66] : memref<200x128xi32, #tpu.memory_space<vmem>> -> memref<1x128xi32, #tpu.memory_space<vmem>>
        %dma_start3A_68 = tpu.memref_squeeze %dma_start3A_67 : memref<1x128xi32, #tpu.memory_space<vmem>> -> memref<128xi32, #tpu.memory_space<vmem>>
        %dma_start3A_69 = arith.constant 0 : i32
        %dma_start3A_70 = arith.constant 0 : i32
        %dma_start3A_71 = tpu.memref_slice %arg11[%dma_start3A_69, %dma_start3A_70] : memref<10008x80xf32, #tpu.memory_space<vmem_shared>> -> memref<10008x80xf32, #tpu.memory_space<vmem_shared>>
        tpu.enqueue_indirect_dma source(%arg10 : memref<128x80xf32, #tpu.memory_space<vmem>>) target(%dma_start3A_71 : memref<10008x80xf32, #tpu.memory_space<vmem_shared>>) offsets(%dma_start3A_68 : memref<128xi32, #tpu.memory_space<vmem>>) semaphore(%run_scoped3A : memref<!tpu.dma_semaphore, #tpu.memory_space<semaphore_mem>>) {add = true}
        %dma_wait3A_72 = arith.constant 0 : i32
        %dma_wait3A_73 = tpu.memref_slice %arg8[%add3A_65, %dma_wait3A_72] : memref<200x128xi32, #tpu.memory_space<vmem>> -> memref<1x128xi32, #tpu.memory_space<vmem>>
        %dma_wait3A_74 = tpu.memref_squeeze %dma_wait3A_73 : memref<1x128xi32, #tpu.memory_space<vmem>> -> memref<128xi32, #tpu.memory_space<vmem>>
        %dma_wait3A_75 = arith.constant 0 : i32
        %dma_wait3A_76 = arith.constant 0 : i32
        %dma_wait3A_77 = tpu.memref_slice %arg11[%dma_wait3A_75, %dma_wait3A_76] : memref<10008x80xf32, #tpu.memory_space<vmem_shared>> -> memref<10008x80xf32, #tpu.memory_space<vmem_shared>>
        tpu.wait_indirect_dma semaphore(%run_scoped3A : memref<!tpu.dma_semaphore, #tpu.memory_space<semaphore_mem>>) src(%arg10 : memref<128x80xf32, #tpu.memory_space<vmem>>) dst(%dma_wait3A_77 : memref<10008x80xf32, #tpu.memory_space<vmem_shared>>)
        tpu.yield
      }) : () -> ()
    }
    %scan3A_17 = arith.constant 100 : i32
    %dma_wait3A = arith.constant 0 : i32
    %dma_wait3A_18 = arith.constant 0 : i32
    %dma_wait3A_19 = tpu.memref_slice %arg7[%dma_wait3A, %dma_wait3A_18] : memref<200x128xi32, #tpu.memory_space<vmem>> -> memref<1x128xi32, #tpu.memory_space<vmem>>
    %dma_wait3A_20 = tpu.memref_squeeze %dma_wait3A_19 : memref<1x128xi32, #tpu.memory_space<vmem>> -> memref<128xi32, #tpu.memory_space<vmem>>
    %dma_wait3A_21 = arith.constant 0 : i32
    %dma_wait3A_22 = arith.constant 0 : i32
    %dma_wait3A_23 = tpu.memref_slice %arg2[%dma_wait3A_21, %dma_wait3A_22] : memref<50008x80xf32, #tpu.memory_space<hbm>> -> memref<50008x80xf32, #tpu.memory_space<hbm>>
    tpu.wait_indirect_dma semaphore(%arg12 : memref<!tpu.dma_semaphore, #tpu.memory_space<semaphore_mem>>) src(%dma_wait3A_23 : memref<50008x80xf32, #tpu.memory_space<hbm>>) dst(%arg9 : memref<128x80xf32, #tpu.memory_space<vmem>>)
    %barrier3A_24 = arith.constant 0 : index
    tpu.barrier barrier_id(%barrier3A_24)
    %eq3A_25 = arith.constant 0 : i32
    %eq3A_26 = arith.cmpi eq, %arg1, %eq3A_25 : i32
    %convert_element_type3A_27 = arith.extui %eq3A_26 : i1 to i32
    %cond3A_28 = arith.constant 0 : i32
    %cond3A_29 = arith.cmpi ne, %convert_element_type3A_27, %cond3A_28 : i32
    scf.if %cond3A_29 {
      "tpu.region"() ({
        %run_scoped3A = tpu.sem_alloc : memref<!tpu.dma_semaphore, #tpu.memory_space<semaphore_mem>>
        %dma_start3A_30 = arith.constant 0 : i32
        %dma_start3A_31 = arith.constant 0 : i32
        %dma_start3A_32 = tpu.memref_slice %arg6[%arg0, %dma_start3A_30, %dma_start3A_31] : memref<2x10008x80xf32, #tpu.memory_space<hbm>> -> memref<1x10008x80xf32, #tpu.memory_space<hbm>>
        %dma_start3A_33 = tpu.memref_squeeze %dma_start3A_32 : memref<1x10008x80xf32, #tpu.memory_space<hbm>> -> memref<10008x80xf32, #tpu.memory_space<hbm>>
        tpu.enqueue_dma source(%arg11 : memref<10008x80xf32, #tpu.memory_space<vmem_shared>>) target(%dma_start3A_33 : memref<10008x80xf32, #tpu.memory_space<hbm>>) target_semaphore(%run_scoped3A : memref<!tpu.dma_semaphore, #tpu.memory_space<semaphore_mem>>)
        %dma_wait3A_34 = arith.constant 0 : i32
        %dma_wait3A_35 = arith.constant 0 : i32
        %dma_wait3A_36 = tpu.memref_slice %arg6[%arg0, %dma_wait3A_34, %dma_wait3A_35] : memref<2x10008x80xf32, #tpu.memory_space<hbm>> -> memref<1x10008x80xf32, #tpu.memory_space<hbm>>
        %dma_wait3A_37 = tpu.memref_squeeze %dma_wait3A_36 : memref<1x10008x80xf32, #tpu.memory_space<hbm>> -> memref<10008x80xf32, #tpu.memory_space<hbm>>
        tpu.wait_dma2 semaphore(%run_scoped3A : memref<!tpu.dma_semaphore, #tpu.memory_space<semaphore_mem>>) src(%arg11 : memref<10008x80xf32, #tpu.memory_space<vmem_shared>>) dst(%dma_wait3A_37 : memref<10008x80xf32, #tpu.memory_space<hbm>>)
        tpu.yield
      }) : () -> ()
    } else {
    }
    return
  }
}

#map = affine_map<(d0, d1) -> (0, 0)>
#map1 = affine_map<(d0, d1) -> (0, 0, 0)>
module attributes {stable_mosaic.version = 14 : i64} {
  func.func @sc_cg_hi(%arg0: i32, %arg1: i32, %arg2: memref<10008x16xf32, #tpu.memory_space<hbm>>, %arg3: memref<6656x128xi32, #tpu.memory_space<hbm>>, %arg4: memref<6656x128xi32, #tpu.memory_space<hbm>>, %arg5: memref<50008x16xf32, #tpu.memory_space<hbm>>, %arg6: memref<2x50008x16xf32, #tpu.memory_space<hbm>>, %arg7: memref<200x128xi32, #tpu.memory_space<vmem>>, %arg8: memref<200x128xi32, #tpu.memory_space<vmem>>, %arg9: memref<128x16xf32, #tpu.memory_space<vmem>>, %arg10: memref<128x16xf32, #tpu.memory_space<vmem>>, %arg11: memref<50008x16xf32, #tpu.memory_space<vmem_shared>>, %arg12: memref<!tpu.dma_semaphore, #tpu.memory_space<semaphore_mem>>) attributes {dimension_semantics = [#tpu.dimension_semantics<core_parallel>, #tpu.dimension_semantics<subcore_parallel>], iteration_bounds = array<i64: 2, 16>, scalar_prefetch = 0 : i64, scratch_operands = 6 : i64, tpu.core_type = #tpu.core_type<sc_vector_subcore>, window_params = [{transform_indices = #map}, {transform_indices = #map}, {transform_indices = #map}, {transform_indices = #map}, {transform_indices = #map1}]} {
    %mul3A = arith.constant 2 : i32
    %mul3A_0 = arith.muli %arg1, %mul3A : i32
    %add3A = arith.addi %mul3A_0, %arg0 : i32
    %eq3A = arith.constant 0 : i32
    %eq3A_1 = arith.cmpi eq, %arg1, %eq3A : i32
    %convert_element_type3A = arith.extui %eq3A_1 : i1 to i32
    %cond3A = arith.constant 0 : i32
    %cond3A_2 = arith.cmpi ne, %convert_element_type3A, %cond3A : i32
    scf.if %cond3A_2 {
      "tpu.region"() ({
        %run_scoped3A = tpu.sem_alloc : memref<!tpu.dma_semaphore, #tpu.memory_space<semaphore_mem>>
        tpu.enqueue_dma source(%arg5 : memref<50008x16xf32, #tpu.memory_space<hbm>>) target(%arg11 : memref<50008x16xf32, #tpu.memory_space<vmem_shared>>) target_semaphore(%run_scoped3A : memref<!tpu.dma_semaphore, #tpu.memory_space<semaphore_mem>>)
        tpu.wait_dma2 semaphore(%run_scoped3A : memref<!tpu.dma_semaphore, #tpu.memory_space<semaphore_mem>>) src(%arg5 : memref<50008x16xf32, #tpu.memory_space<hbm>>) dst(%arg11 : memref<50008x16xf32, #tpu.memory_space<vmem_shared>>)
        tpu.yield
      }) : () -> ()
    } else {
    }
    %mul3A_3 = arith.constant 200 : i32
    %mul3A_4 = arith.muli %add3A, %mul3A_3 : i32
    %add3A_5 = arith.constant 0 : i32
    %add3A_6 = arith.addi %add3A_5, %mul3A_4 : i32
    "tpu.region"() ({
      %run_scoped3A = tpu.sem_alloc : memref<!tpu.dma_semaphore, #tpu.memory_space<semaphore_mem>>
      %dma_start3A_30 = arith.constant 0 : i32
      %dma_start3A_31 = tpu.memref_slice %arg3[%add3A_6, %dma_start3A_30] : memref<6656x128xi32, #tpu.memory_space<hbm>> -> memref<200x128xi32, #tpu.memory_space<hbm>>
      %dma_start3A_32 = arith.constant 0 : i32
      %dma_start3A_33 = tpu.memref_slice %arg3[%add3A_6, %dma_start3A_32] : memref<6656x128xi32, #tpu.memory_space<hbm>> -> memref<200x128xi32, #tpu.memory_space<hbm>>
      tpu.enqueue_dma source(%dma_start3A_33 : memref<200x128xi32, #tpu.memory_space<hbm>>) target(%arg7 : memref<200x128xi32, #tpu.memory_space<vmem>>) target_semaphore(%run_scoped3A : memref<!tpu.dma_semaphore, #tpu.memory_space<semaphore_mem>>)
      %dma_wait3A_34 = arith.constant 0 : i32
      %dma_wait3A_35 = tpu.memref_slice %arg3[%add3A_6, %dma_wait3A_34] : memref<6656x128xi32, #tpu.memory_space<hbm>> -> memref<200x128xi32, #tpu.memory_space<hbm>>
      %dma_wait3A_36 = arith.constant 0 : i32
      %dma_wait3A_37 = tpu.memref_slice %arg3[%add3A_6, %dma_wait3A_36] : memref<6656x128xi32, #tpu.memory_space<hbm>> -> memref<200x128xi32, #tpu.memory_space<hbm>>
      tpu.wait_dma2 semaphore(%run_scoped3A : memref<!tpu.dma_semaphore, #tpu.memory_space<semaphore_mem>>) src(%dma_wait3A_37 : memref<200x128xi32, #tpu.memory_space<hbm>>) dst(%arg7 : memref<200x128xi32, #tpu.memory_space<vmem>>)
      tpu.yield
    }) : () -> ()
    "tpu.region"() ({
      %run_scoped3A = tpu.sem_alloc : memref<!tpu.dma_semaphore, #tpu.memory_space<semaphore_mem>>
      %dma_start3A_30 = arith.constant 0 : i32
      %dma_start3A_31 = tpu.memref_slice %arg4[%add3A_6, %dma_start3A_30] : memref<6656x128xi32, #tpu.memory_space<hbm>> -> memref<200x128xi32, #tpu.memory_space<hbm>>
      %dma_start3A_32 = arith.constant 0 : i32
      %dma_start3A_33 = tpu.memref_slice %arg4[%add3A_6, %dma_start3A_32] : memref<6656x128xi32, #tpu.memory_space<hbm>> -> memref<200x128xi32, #tpu.memory_space<hbm>>
      tpu.enqueue_dma source(%dma_start3A_33 : memref<200x128xi32, #tpu.memory_space<hbm>>) target(%arg8 : memref<200x128xi32, #tpu.memory_space<vmem>>) target_semaphore(%run_scoped3A : memref<!tpu.dma_semaphore, #tpu.memory_space<semaphore_mem>>)
      %dma_wait3A_34 = arith.constant 0 : i32
      %dma_wait3A_35 = tpu.memref_slice %arg4[%add3A_6, %dma_wait3A_34] : memref<6656x128xi32, #tpu.memory_space<hbm>> -> memref<200x128xi32, #tpu.memory_space<hbm>>
      %dma_wait3A_36 = arith.constant 0 : i32
      %dma_wait3A_37 = tpu.memref_slice %arg4[%add3A_6, %dma_wait3A_36] : memref<6656x128xi32, #tpu.memory_space<hbm>> -> memref<200x128xi32, #tpu.memory_space<hbm>>
      tpu.wait_dma2 semaphore(%run_scoped3A : memref<!tpu.dma_semaphore, #tpu.memory_space<semaphore_mem>>) src(%dma_wait3A_37 : memref<200x128xi32, #tpu.memory_space<hbm>>) dst(%arg8 : memref<200x128xi32, #tpu.memory_space<vmem>>)
      tpu.yield
    }) : () -> ()
    %barrier3A = arith.constant 0 : index
    tpu.barrier barrier_id(%barrier3A)
    %dma_start3A = arith.constant 0 : i32
    %dma_start3A_7 = arith.constant 0 : i32
    %dma_start3A_8 = tpu.memref_slice %arg7[%dma_start3A, %dma_start3A_7] : memref<200x128xi32, #tpu.memory_space<vmem>> -> memref<1x128xi32, #tpu.memory_space<vmem>>
    %dma_start3A_9 = tpu.memref_squeeze %dma_start3A_8 : memref<1x128xi32, #tpu.memory_space<vmem>> -> memref<128xi32, #tpu.memory_space<vmem>>
    %dma_start3A_10 = arith.constant 0 : i32
    %dma_start3A_11 = arith.constant 0 : i32
    %dma_start3A_12 = tpu.memref_slice %arg2[%dma_start3A_10, %dma_start3A_11] : memref<10008x16xf32, #tpu.memory_space<hbm>> -> memref<10008x16xf32, #tpu.memory_space<hbm>>
    tpu.enqueue_indirect_dma source(%dma_start3A_12 : memref<10008x16xf32, #tpu.memory_space<hbm>>) target(%arg9 : memref<128x16xf32, #tpu.memory_space<vmem>>) offsets(%dma_start3A_9 : memref<128xi32, #tpu.memory_space<vmem>>) semaphore(%arg12 : memref<!tpu.dma_semaphore, #tpu.memory_space<semaphore_mem>>)
    %scan3A = arith.constant 0 : i32
    %scan3A_13 = arith.constant 0 : i32
    %scan3A_14 = arith.constant 100 : i32
    %scan3A_15 = arith.addi %scan3A_13, %scan3A_14 : i32
    %scan3A_16 = arith.constant 1 : i32
    scf.for %scan3A_30 = %scan3A_13 to %scan3A_15 step %scan3A_16  : i32 {
      %mul3A_31 = arith.constant 2 : i32
      %mul3A_32 = arith.muli %mul3A_31, %scan3A_30 : i32
      %add3A_33 = arith.constant 1 : i32
      %add3A_34 = arith.addi %mul3A_32, %add3A_33 : i32
      %dma_start3A_35 = arith.constant 0 : i32
      %dma_start3A_36 = tpu.memref_slice %arg7[%add3A_34, %dma_start3A_35] : memref<200x128xi32, #tpu.memory_space<vmem>> -> memref<1x128xi32, #tpu.memory_space<vmem>>
      %dma_start3A_37 = tpu.memref_squeeze %dma_start3A_36 : memref<1x128xi32, #tpu.memory_space<vmem>> -> memref<128xi32, #tpu.memory_space<vmem>>
      %dma_start3A_38 = arith.constant 0 : i32
      %dma_start3A_39 = arith.constant 0 : i32
      %dma_start3A_40 = tpu.memref_slice %arg2[%dma_start3A_38, %dma_start3A_39] : memref<10008x16xf32, #tpu.memory_space<hbm>> -> memref<10008x16xf32, #tpu.memory_space<hbm>>
      tpu.enqueue_indirect_dma source(%dma_start3A_40 : memref<10008x16xf32, #tpu.memory_space<hbm>>) target(%arg10 : memref<128x16xf32, #tpu.memory_space<vmem>>) offsets(%dma_start3A_37 : memref<128xi32, #tpu.memory_space<vmem>>) semaphore(%arg12 : memref<!tpu.dma_semaphore, #tpu.memory_space<semaphore_mem>>)
      %dma_wait3A_41 = arith.constant 0 : i32
      %dma_wait3A_42 = arith.constant 0 : i32
      %dma_wait3A_43 = tpu.memref_slice %arg7[%dma_wait3A_41, %dma_wait3A_42] : memref<200x128xi32, #tpu.memory_space<vmem>> -> memref<1x128xi32, #tpu.memory_space<vmem>>
      %dma_wait3A_44 = tpu.memref_squeeze %dma_wait3A_43 : memref<1x128xi32, #tpu.memory_space<vmem>> -> memref<128xi32, #tpu.memory_space<vmem>>
      %dma_wait3A_45 = arith.constant 0 : i32
      %dma_wait3A_46 = arith.constant 0 : i32
      %dma_wait3A_47 = tpu.memref_slice %arg2[%dma_wait3A_45, %dma_wait3A_46] : memref<10008x16xf32, #tpu.memory_space<hbm>> -> memref<10008x16xf32, #tpu.memory_space<hbm>>
      tpu.wait_indirect_dma semaphore(%arg12 : memref<!tpu.dma_semaphore, #tpu.memory_space<semaphore_mem>>) src(%dma_wait3A_47 : memref<10008x16xf32, #tpu.memory_space<hbm>>) dst(%arg9 : memref<128x16xf32, #tpu.memory_space<vmem>>)
      "tpu.region"() ({
        %run_scoped3A = tpu.sem_alloc : memref<!tpu.dma_semaphore, #tpu.memory_space<semaphore_mem>>
        %dma_start3A_66 = arith.constant 0 : i32
        %dma_start3A_67 = tpu.memref_slice %arg8[%mul3A_32, %dma_start3A_66] : memref<200x128xi32, #tpu.memory_space<vmem>> -> memref<1x128xi32, #tpu.memory_space<vmem>>
        %dma_start3A_68 = tpu.memref_squeeze %dma_start3A_67 : memref<1x128xi32, #tpu.memory_space<vmem>> -> memref<128xi32, #tpu.memory_space<vmem>>
        %dma_start3A_69 = arith.constant 0 : i32
        %dma_start3A_70 = arith.constant 0 : i32
        %dma_start3A_71 = tpu.memref_slice %arg11[%dma_start3A_69, %dma_start3A_70] : memref<50008x16xf32, #tpu.memory_space<vmem_shared>> -> memref<50008x16xf32, #tpu.memory_space<vmem_shared>>
        tpu.enqueue_indirect_dma source(%arg9 : memref<128x16xf32, #tpu.memory_space<vmem>>) target(%dma_start3A_71 : memref<50008x16xf32, #tpu.memory_space<vmem_shared>>) offsets(%dma_start3A_68 : memref<128xi32, #tpu.memory_space<vmem>>) semaphore(%run_scoped3A : memref<!tpu.dma_semaphore, #tpu.memory_space<semaphore_mem>>) {add = true}
        %dma_wait3A_72 = arith.constant 0 : i32
        %dma_wait3A_73 = tpu.memref_slice %arg8[%mul3A_32, %dma_wait3A_72] : memref<200x128xi32, #tpu.memory_space<vmem>> -> memref<1x128xi32, #tpu.memory_space<vmem>>
        %dma_wait3A_74 = tpu.memref_squeeze %dma_wait3A_73 : memref<1x128xi32, #tpu.memory_space<vmem>> -> memref<128xi32, #tpu.memory_space<vmem>>
        %dma_wait3A_75 = arith.constant 0 : i32
        %dma_wait3A_76 = arith.constant 0 : i32
        %dma_wait3A_77 = tpu.memref_slice %arg11[%dma_wait3A_75, %dma_wait3A_76] : memref<50008x16xf32, #tpu.memory_space<vmem_shared>> -> memref<50008x16xf32, #tpu.memory_space<vmem_shared>>
        tpu.wait_indirect_dma semaphore(%run_scoped3A : memref<!tpu.dma_semaphore, #tpu.memory_space<semaphore_mem>>) src(%arg9 : memref<128x16xf32, #tpu.memory_space<vmem>>) dst(%dma_wait3A_77 : memref<50008x16xf32, #tpu.memory_space<vmem_shared>>)
        tpu.yield
      }) : () -> ()
      %add3A_48 = arith.constant 2 : i32
      %add3A_49 = arith.addi %mul3A_32, %add3A_48 : i32
      %min3A = arith.constant 199 : i32
      %min3A_50 = arith.minsi %add3A_49, %min3A : i32
      %dma_start3A_51 = arith.constant 0 : i32
      %dma_start3A_52 = tpu.memref_slice %arg7[%min3A_50, %dma_start3A_51] : memref<200x128xi32, #tpu.memory_space<vmem>> -> memref<1x128xi32, #tpu.memory_space<vmem>>
      %dma_start3A_53 = tpu.memref_squeeze %dma_start3A_52 : memref<1x128xi32, #tpu.memory_space<vmem>> -> memref<128xi32, #tpu.memory_space<vmem>>
      %dma_start3A_54 = arith.constant 0 : i32
      %dma_start3A_55 = arith.constant 0 : i32
      %dma_start3A_56 = tpu.memref_slice %arg2[%dma_start3A_54, %dma_start3A_55] : memref<10008x16xf32, #tpu.memory_space<hbm>> -> memref<10008x16xf32, #tpu.memory_space<hbm>>
      tpu.enqueue_indirect_dma source(%dma_start3A_56 : memref<10008x16xf32, #tpu.memory_space<hbm>>) target(%arg9 : memref<128x16xf32, #tpu.memory_space<vmem>>) offsets(%dma_start3A_53 : memref<128xi32, #tpu.memory_space<vmem>>) semaphore(%arg12 : memref<!tpu.dma_semaphore, #tpu.memory_space<semaphore_mem>>)
      %dma_wait3A_57 = arith.constant 0 : i32
      %dma_wait3A_58 = arith.constant 0 : i32
      %dma_wait3A_59 = tpu.memref_slice %arg7[%dma_wait3A_57, %dma_wait3A_58] : memref<200x128xi32, #tpu.memory_space<vmem>> -> memref<1x128xi32, #tpu.memory_space<vmem>>
      %dma_wait3A_60 = tpu.memref_squeeze %dma_wait3A_59 : memref<1x128xi32, #tpu.memory_space<vmem>> -> memref<128xi32, #tpu.memory_space<vmem>>
      %dma_wait3A_61 = arith.constant 0 : i32
      %dma_wait3A_62 = arith.constant 0 : i32
      %dma_wait3A_63 = tpu.memref_slice %arg2[%dma_wait3A_61, %dma_wait3A_62] : memref<10008x16xf32, #tpu.memory_space<hbm>> -> memref<10008x16xf32, #tpu.memory_space<hbm>>
      tpu.wait_indirect_dma semaphore(%arg12 : memref<!tpu.dma_semaphore, #tpu.memory_space<semaphore_mem>>) src(%dma_wait3A_63 : memref<10008x16xf32, #tpu.memory_space<hbm>>) dst(%arg10 : memref<128x16xf32, #tpu.memory_space<vmem>>)
      %add3A_64 = arith.constant 1 : i32
      %add3A_65 = arith.addi %mul3A_32, %add3A_64 : i32
      "tpu.region"() ({
        %run_scoped3A = tpu.sem_alloc : memref<!tpu.dma_semaphore, #tpu.memory_space<semaphore_mem>>
        %dma_start3A_66 = arith.constant 0 : i32
        %dma_start3A_67 = tpu.memref_slice %arg8[%add3A_65, %dma_start3A_66] : memref<200x128xi32, #tpu.memory_space<vmem>> -> memref<1x128xi32, #tpu.memory_space<vmem>>
        %dma_start3A_68 = tpu.memref_squeeze %dma_start3A_67 : memref<1x128xi32, #tpu.memory_space<vmem>> -> memref<128xi32, #tpu.memory_space<vmem>>
        %dma_start3A_69 = arith.constant 0 : i32
        %dma_start3A_70 = arith.constant 0 : i32
        %dma_start3A_71 = tpu.memref_slice %arg11[%dma_start3A_69, %dma_start3A_70] : memref<50008x16xf32, #tpu.memory_space<vmem_shared>> -> memref<50008x16xf32, #tpu.memory_space<vmem_shared>>
        tpu.enqueue_indirect_dma source(%arg10 : memref<128x16xf32, #tpu.memory_space<vmem>>) target(%dma_start3A_71 : memref<50008x16xf32, #tpu.memory_space<vmem_shared>>) offsets(%dma_start3A_68 : memref<128xi32, #tpu.memory_space<vmem>>) semaphore(%run_scoped3A : memref<!tpu.dma_semaphore, #tpu.memory_space<semaphore_mem>>) {add = true}
        %dma_wait3A_72 = arith.constant 0 : i32
        %dma_wait3A_73 = tpu.memref_slice %arg8[%add3A_65, %dma_wait3A_72] : memref<200x128xi32, #tpu.memory_space<vmem>> -> memref<1x128xi32, #tpu.memory_space<vmem>>
        %dma_wait3A_74 = tpu.memref_squeeze %dma_wait3A_73 : memref<1x128xi32, #tpu.memory_space<vmem>> -> memref<128xi32, #tpu.memory_space<vmem>>
        %dma_wait3A_75 = arith.constant 0 : i32
        %dma_wait3A_76 = arith.constant 0 : i32
        %dma_wait3A_77 = tpu.memref_slice %arg11[%dma_wait3A_75, %dma_wait3A_76] : memref<50008x16xf32, #tpu.memory_space<vmem_shared>> -> memref<50008x16xf32, #tpu.memory_space<vmem_shared>>
        tpu.wait_indirect_dma semaphore(%run_scoped3A : memref<!tpu.dma_semaphore, #tpu.memory_space<semaphore_mem>>) src(%arg10 : memref<128x16xf32, #tpu.memory_space<vmem>>) dst(%dma_wait3A_77 : memref<50008x16xf32, #tpu.memory_space<vmem_shared>>)
        tpu.yield
      }) : () -> ()
    }
    %scan3A_17 = arith.constant 100 : i32
    %dma_wait3A = arith.constant 0 : i32
    %dma_wait3A_18 = arith.constant 0 : i32
    %dma_wait3A_19 = tpu.memref_slice %arg7[%dma_wait3A, %dma_wait3A_18] : memref<200x128xi32, #tpu.memory_space<vmem>> -> memref<1x128xi32, #tpu.memory_space<vmem>>
    %dma_wait3A_20 = tpu.memref_squeeze %dma_wait3A_19 : memref<1x128xi32, #tpu.memory_space<vmem>> -> memref<128xi32, #tpu.memory_space<vmem>>
    %dma_wait3A_21 = arith.constant 0 : i32
    %dma_wait3A_22 = arith.constant 0 : i32
    %dma_wait3A_23 = tpu.memref_slice %arg2[%dma_wait3A_21, %dma_wait3A_22] : memref<10008x16xf32, #tpu.memory_space<hbm>> -> memref<10008x16xf32, #tpu.memory_space<hbm>>
    tpu.wait_indirect_dma semaphore(%arg12 : memref<!tpu.dma_semaphore, #tpu.memory_space<semaphore_mem>>) src(%dma_wait3A_23 : memref<10008x16xf32, #tpu.memory_space<hbm>>) dst(%arg9 : memref<128x16xf32, #tpu.memory_space<vmem>>)
    %barrier3A_24 = arith.constant 0 : index
    tpu.barrier barrier_id(%barrier3A_24)
    %eq3A_25 = arith.constant 0 : i32
    %eq3A_26 = arith.cmpi eq, %arg1, %eq3A_25 : i32
    %convert_element_type3A_27 = arith.extui %eq3A_26 : i1 to i32
    %cond3A_28 = arith.constant 0 : i32
    %cond3A_29 = arith.cmpi ne, %convert_element_type3A_27, %cond3A_28 : i32
    scf.if %cond3A_29 {
      "tpu.region"() ({
        %run_scoped3A = tpu.sem_alloc : memref<!tpu.dma_semaphore, #tpu.memory_space<semaphore_mem>>
        %dma_start3A_30 = arith.constant 0 : i32
        %dma_start3A_31 = arith.constant 0 : i32
        %dma_start3A_32 = tpu.memref_slice %arg6[%arg0, %dma_start3A_30, %dma_start3A_31] : memref<2x50008x16xf32, #tpu.memory_space<hbm>> -> memref<1x50008x16xf32, #tpu.memory_space<hbm>>
        %dma_start3A_33 = tpu.memref_squeeze %dma_start3A_32 : memref<1x50008x16xf32, #tpu.memory_space<hbm>> -> memref<50008x16xf32, #tpu.memory_space<hbm>>
        tpu.enqueue_dma source(%arg11 : memref<50008x16xf32, #tpu.memory_space<vmem_shared>>) target(%dma_start3A_33 : memref<50008x16xf32, #tpu.memory_space<hbm>>) target_semaphore(%run_scoped3A : memref<!tpu.dma_semaphore, #tpu.memory_space<semaphore_mem>>)
        %dma_wait3A_34 = arith.constant 0 : i32
        %dma_wait3A_35 = arith.constant 0 : i32
        %dma_wait3A_36 = tpu.memref_slice %arg6[%arg0, %dma_wait3A_34, %dma_wait3A_35] : memref<2x50008x16xf32, #tpu.memory_space<hbm>> -> memref<1x50008x16xf32, #tpu.memory_space<hbm>>
        %dma_wait3A_37 = tpu.memref_squeeze %dma_wait3A_36 : memref<1x50008x16xf32, #tpu.memory_space<hbm>> -> memref<50008x16xf32, #tpu.memory_space<hbm>>
        tpu.wait_dma2 semaphore(%run_scoped3A : memref<!tpu.dma_semaphore, #tpu.memory_space<semaphore_mem>>) src(%arg11 : memref<50008x16xf32, #tpu.memory_space<vmem_shared>>) dst(%dma_wait3A_37 : memref<50008x16xf32, #tpu.memory_space<hbm>>)
        tpu.yield
      }) : () -> ()
    } else {
    }
    return
  }
}

#map = affine_map<(d0, d1) -> (0, 0)>
#map1 = affine_map<(d0, d1) -> (0, 0, 0)>
module attributes {stable_mosaic.version = 14 : i64} {
  func.func @sc_cg_lo(%arg0: i32, %arg1: i32, %arg2: memref<10008x16xf32, #tpu.memory_space<hbm>>, %arg3: memref<6656x128xi32, #tpu.memory_space<hbm>>, %arg4: memref<6656x128xi32, #tpu.memory_space<hbm>>, %arg5: memref<50008x16xf32, #tpu.memory_space<hbm>>, %arg6: memref<2x50008x16xf32, #tpu.memory_space<hbm>>, %arg7: memref<200x128xi32, #tpu.memory_space<vmem>>, %arg8: memref<200x128xi32, #tpu.memory_space<vmem>>, %arg9: memref<128x16xf32, #tpu.memory_space<vmem>>, %arg10: memref<128x16xf32, #tpu.memory_space<vmem>>, %arg11: memref<50008x16xf32, #tpu.memory_space<vmem_shared>>, %arg12: memref<!tpu.dma_semaphore, #tpu.memory_space<semaphore_mem>>) attributes {dimension_semantics = [#tpu.dimension_semantics<core_parallel>, #tpu.dimension_semantics<subcore_parallel>], iteration_bounds = array<i64: 2, 16>, scalar_prefetch = 0 : i64, scratch_operands = 6 : i64, tpu.core_type = #tpu.core_type<sc_vector_subcore>, window_params = [{transform_indices = #map}, {transform_indices = #map}, {transform_indices = #map}, {transform_indices = #map}, {transform_indices = #map1}]} {
    %mul3A = arith.constant 2 : i32
    %mul3A_0 = arith.muli %arg1, %mul3A : i32
    %add3A = arith.addi %mul3A_0, %arg0 : i32
    %eq3A = arith.constant 0 : i32
    %eq3A_1 = arith.cmpi eq, %arg1, %eq3A : i32
    %convert_element_type3A = arith.extui %eq3A_1 : i1 to i32
    %cond3A = arith.constant 0 : i32
    %cond3A_2 = arith.cmpi ne, %convert_element_type3A, %cond3A : i32
    scf.if %cond3A_2 {
      "tpu.region"() ({
        %run_scoped3A = tpu.sem_alloc : memref<!tpu.dma_semaphore, #tpu.memory_space<semaphore_mem>>
        tpu.enqueue_dma source(%arg5 : memref<50008x16xf32, #tpu.memory_space<hbm>>) target(%arg11 : memref<50008x16xf32, #tpu.memory_space<vmem_shared>>) target_semaphore(%run_scoped3A : memref<!tpu.dma_semaphore, #tpu.memory_space<semaphore_mem>>)
        tpu.wait_dma2 semaphore(%run_scoped3A : memref<!tpu.dma_semaphore, #tpu.memory_space<semaphore_mem>>) src(%arg5 : memref<50008x16xf32, #tpu.memory_space<hbm>>) dst(%arg11 : memref<50008x16xf32, #tpu.memory_space<vmem_shared>>)
        tpu.yield
      }) : () -> ()
    } else {
    }
    %mul3A_3 = arith.constant 200 : i32
    %mul3A_4 = arith.muli %add3A, %mul3A_3 : i32
    %add3A_5 = arith.constant 0 : i32
    %add3A_6 = arith.addi %add3A_5, %mul3A_4 : i32
    "tpu.region"() ({
      %run_scoped3A = tpu.sem_alloc : memref<!tpu.dma_semaphore, #tpu.memory_space<semaphore_mem>>
      %dma_start3A_30 = arith.constant 0 : i32
      %dma_start3A_31 = tpu.memref_slice %arg3[%add3A_6, %dma_start3A_30] : memref<6656x128xi32, #tpu.memory_space<hbm>> -> memref<200x128xi32, #tpu.memory_space<hbm>>
      %dma_start3A_32 = arith.constant 0 : i32
      %dma_start3A_33 = tpu.memref_slice %arg3[%add3A_6, %dma_start3A_32] : memref<6656x128xi32, #tpu.memory_space<hbm>> -> memref<200x128xi32, #tpu.memory_space<hbm>>
      tpu.enqueue_dma source(%dma_start3A_33 : memref<200x128xi32, #tpu.memory_space<hbm>>) target(%arg7 : memref<200x128xi32, #tpu.memory_space<vmem>>) target_semaphore(%run_scoped3A : memref<!tpu.dma_semaphore, #tpu.memory_space<semaphore_mem>>)
      %dma_wait3A_34 = arith.constant 0 : i32
      %dma_wait3A_35 = tpu.memref_slice %arg3[%add3A_6, %dma_wait3A_34] : memref<6656x128xi32, #tpu.memory_space<hbm>> -> memref<200x128xi32, #tpu.memory_space<hbm>>
      %dma_wait3A_36 = arith.constant 0 : i32
      %dma_wait3A_37 = tpu.memref_slice %arg3[%add3A_6, %dma_wait3A_36] : memref<6656x128xi32, #tpu.memory_space<hbm>> -> memref<200x128xi32, #tpu.memory_space<hbm>>
      tpu.wait_dma2 semaphore(%run_scoped3A : memref<!tpu.dma_semaphore, #tpu.memory_space<semaphore_mem>>) src(%dma_wait3A_37 : memref<200x128xi32, #tpu.memory_space<hbm>>) dst(%arg7 : memref<200x128xi32, #tpu.memory_space<vmem>>)
      tpu.yield
    }) : () -> ()
    "tpu.region"() ({
      %run_scoped3A = tpu.sem_alloc : memref<!tpu.dma_semaphore, #tpu.memory_space<semaphore_mem>>
      %dma_start3A_30 = arith.constant 0 : i32
      %dma_start3A_31 = tpu.memref_slice %arg4[%add3A_6, %dma_start3A_30] : memref<6656x128xi32, #tpu.memory_space<hbm>> -> memref<200x128xi32, #tpu.memory_space<hbm>>
      %dma_start3A_32 = arith.constant 0 : i32
      %dma_start3A_33 = tpu.memref_slice %arg4[%add3A_6, %dma_start3A_32] : memref<6656x128xi32, #tpu.memory_space<hbm>> -> memref<200x128xi32, #tpu.memory_space<hbm>>
      tpu.enqueue_dma source(%dma_start3A_33 : memref<200x128xi32, #tpu.memory_space<hbm>>) target(%arg8 : memref<200x128xi32, #tpu.memory_space<vmem>>) target_semaphore(%run_scoped3A : memref<!tpu.dma_semaphore, #tpu.memory_space<semaphore_mem>>)
      %dma_wait3A_34 = arith.constant 0 : i32
      %dma_wait3A_35 = tpu.memref_slice %arg4[%add3A_6, %dma_wait3A_34] : memref<6656x128xi32, #tpu.memory_space<hbm>> -> memref<200x128xi32, #tpu.memory_space<hbm>>
      %dma_wait3A_36 = arith.constant 0 : i32
      %dma_wait3A_37 = tpu.memref_slice %arg4[%add3A_6, %dma_wait3A_36] : memref<6656x128xi32, #tpu.memory_space<hbm>> -> memref<200x128xi32, #tpu.memory_space<hbm>>
      tpu.wait_dma2 semaphore(%run_scoped3A : memref<!tpu.dma_semaphore, #tpu.memory_space<semaphore_mem>>) src(%dma_wait3A_37 : memref<200x128xi32, #tpu.memory_space<hbm>>) dst(%arg8 : memref<200x128xi32, #tpu.memory_space<vmem>>)
      tpu.yield
    }) : () -> ()
    %barrier3A = arith.constant 0 : index
    tpu.barrier barrier_id(%barrier3A)
    %dma_start3A = arith.constant 0 : i32
    %dma_start3A_7 = arith.constant 0 : i32
    %dma_start3A_8 = tpu.memref_slice %arg7[%dma_start3A, %dma_start3A_7] : memref<200x128xi32, #tpu.memory_space<vmem>> -> memref<1x128xi32, #tpu.memory_space<vmem>>
    %dma_start3A_9 = tpu.memref_squeeze %dma_start3A_8 : memref<1x128xi32, #tpu.memory_space<vmem>> -> memref<128xi32, #tpu.memory_space<vmem>>
    %dma_start3A_10 = arith.constant 0 : i32
    %dma_start3A_11 = arith.constant 0 : i32
    %dma_start3A_12 = tpu.memref_slice %arg2[%dma_start3A_10, %dma_start3A_11] : memref<10008x16xf32, #tpu.memory_space<hbm>> -> memref<10008x16xf32, #tpu.memory_space<hbm>>
    tpu.enqueue_indirect_dma source(%dma_start3A_12 : memref<10008x16xf32, #tpu.memory_space<hbm>>) target(%arg9 : memref<128x16xf32, #tpu.memory_space<vmem>>) offsets(%dma_start3A_9 : memref<128xi32, #tpu.memory_space<vmem>>) semaphore(%arg12 : memref<!tpu.dma_semaphore, #tpu.memory_space<semaphore_mem>>)
    %scan3A = arith.constant 0 : i32
    %scan3A_13 = arith.constant 0 : i32
    %scan3A_14 = arith.constant 100 : i32
    %scan3A_15 = arith.addi %scan3A_13, %scan3A_14 : i32
    %scan3A_16 = arith.constant 1 : i32
    scf.for %scan3A_30 = %scan3A_13 to %scan3A_15 step %scan3A_16  : i32 {
      %mul3A_31 = arith.constant 2 : i32
      %mul3A_32 = arith.muli %mul3A_31, %scan3A_30 : i32
      %add3A_33 = arith.constant 1 : i32
      %add3A_34 = arith.addi %mul3A_32, %add3A_33 : i32
      %dma_start3A_35 = arith.constant 0 : i32
      %dma_start3A_36 = tpu.memref_slice %arg7[%add3A_34, %dma_start3A_35] : memref<200x128xi32, #tpu.memory_space<vmem>> -> memref<1x128xi32, #tpu.memory_space<vmem>>
      %dma_start3A_37 = tpu.memref_squeeze %dma_start3A_36 : memref<1x128xi32, #tpu.memory_space<vmem>> -> memref<128xi32, #tpu.memory_space<vmem>>
      %dma_start3A_38 = arith.constant 0 : i32
      %dma_start3A_39 = arith.constant 0 : i32
      %dma_start3A_40 = tpu.memref_slice %arg2[%dma_start3A_38, %dma_start3A_39] : memref<10008x16xf32, #tpu.memory_space<hbm>> -> memref<10008x16xf32, #tpu.memory_space<hbm>>
      tpu.enqueue_indirect_dma source(%dma_start3A_40 : memref<10008x16xf32, #tpu.memory_space<hbm>>) target(%arg10 : memref<128x16xf32, #tpu.memory_space<vmem>>) offsets(%dma_start3A_37 : memref<128xi32, #tpu.memory_space<vmem>>) semaphore(%arg12 : memref<!tpu.dma_semaphore, #tpu.memory_space<semaphore_mem>>)
      %dma_wait3A_41 = arith.constant 0 : i32
      %dma_wait3A_42 = arith.constant 0 : i32
      %dma_wait3A_43 = tpu.memref_slice %arg7[%dma_wait3A_41, %dma_wait3A_42] : memref<200x128xi32, #tpu.memory_space<vmem>> -> memref<1x128xi32, #tpu.memory_space<vmem>>
      %dma_wait3A_44 = tpu.memref_squeeze %dma_wait3A_43 : memref<1x128xi32, #tpu.memory_space<vmem>> -> memref<128xi32, #tpu.memory_space<vmem>>
      %dma_wait3A_45 = arith.constant 0 : i32
      %dma_wait3A_46 = arith.constant 0 : i32
      %dma_wait3A_47 = tpu.memref_slice %arg2[%dma_wait3A_45, %dma_wait3A_46] : memref<10008x16xf32, #tpu.memory_space<hbm>> -> memref<10008x16xf32, #tpu.memory_space<hbm>>
      tpu.wait_indirect_dma semaphore(%arg12 : memref<!tpu.dma_semaphore, #tpu.memory_space<semaphore_mem>>) src(%dma_wait3A_47 : memref<10008x16xf32, #tpu.memory_space<hbm>>) dst(%arg9 : memref<128x16xf32, #tpu.memory_space<vmem>>)
      "tpu.region"() ({
        %run_scoped3A = tpu.sem_alloc : memref<!tpu.dma_semaphore, #tpu.memory_space<semaphore_mem>>
        %dma_start3A_66 = arith.constant 0 : i32
        %dma_start3A_67 = tpu.memref_slice %arg8[%mul3A_32, %dma_start3A_66] : memref<200x128xi32, #tpu.memory_space<vmem>> -> memref<1x128xi32, #tpu.memory_space<vmem>>
        %dma_start3A_68 = tpu.memref_squeeze %dma_start3A_67 : memref<1x128xi32, #tpu.memory_space<vmem>> -> memref<128xi32, #tpu.memory_space<vmem>>
        %dma_start3A_69 = arith.constant 0 : i32
        %dma_start3A_70 = arith.constant 0 : i32
        %dma_start3A_71 = tpu.memref_slice %arg11[%dma_start3A_69, %dma_start3A_70] : memref<50008x16xf32, #tpu.memory_space<vmem_shared>> -> memref<50008x16xf32, #tpu.memory_space<vmem_shared>>
        tpu.enqueue_indirect_dma source(%arg9 : memref<128x16xf32, #tpu.memory_space<vmem>>) target(%dma_start3A_71 : memref<50008x16xf32, #tpu.memory_space<vmem_shared>>) offsets(%dma_start3A_68 : memref<128xi32, #tpu.memory_space<vmem>>) semaphore(%run_scoped3A : memref<!tpu.dma_semaphore, #tpu.memory_space<semaphore_mem>>) {add = true}
        %dma_wait3A_72 = arith.constant 0 : i32
        %dma_wait3A_73 = tpu.memref_slice %arg8[%mul3A_32, %dma_wait3A_72] : memref<200x128xi32, #tpu.memory_space<vmem>> -> memref<1x128xi32, #tpu.memory_space<vmem>>
        %dma_wait3A_74 = tpu.memref_squeeze %dma_wait3A_73 : memref<1x128xi32, #tpu.memory_space<vmem>> -> memref<128xi32, #tpu.memory_space<vmem>>
        %dma_wait3A_75 = arith.constant 0 : i32
        %dma_wait3A_76 = arith.constant 0 : i32
        %dma_wait3A_77 = tpu.memref_slice %arg11[%dma_wait3A_75, %dma_wait3A_76] : memref<50008x16xf32, #tpu.memory_space<vmem_shared>> -> memref<50008x16xf32, #tpu.memory_space<vmem_shared>>
        tpu.wait_indirect_dma semaphore(%run_scoped3A : memref<!tpu.dma_semaphore, #tpu.memory_space<semaphore_mem>>) src(%arg9 : memref<128x16xf32, #tpu.memory_space<vmem>>) dst(%dma_wait3A_77 : memref<50008x16xf32, #tpu.memory_space<vmem_shared>>)
        tpu.yield
      }) : () -> ()
      %add3A_48 = arith.constant 2 : i32
      %add3A_49 = arith.addi %mul3A_32, %add3A_48 : i32
      %min3A = arith.constant 199 : i32
      %min3A_50 = arith.minsi %add3A_49, %min3A : i32
      %dma_start3A_51 = arith.constant 0 : i32
      %dma_start3A_52 = tpu.memref_slice %arg7[%min3A_50, %dma_start3A_51] : memref<200x128xi32, #tpu.memory_space<vmem>> -> memref<1x128xi32, #tpu.memory_space<vmem>>
      %dma_start3A_53 = tpu.memref_squeeze %dma_start3A_52 : memref<1x128xi32, #tpu.memory_space<vmem>> -> memref<128xi32, #tpu.memory_space<vmem>>
      %dma_start3A_54 = arith.constant 0 : i32
      %dma_start3A_55 = arith.constant 0 : i32
      %dma_start3A_56 = tpu.memref_slice %arg2[%dma_start3A_54, %dma_start3A_55] : memref<10008x16xf32, #tpu.memory_space<hbm>> -> memref<10008x16xf32, #tpu.memory_space<hbm>>
      tpu.enqueue_indirect_dma source(%dma_start3A_56 : memref<10008x16xf32, #tpu.memory_space<hbm>>) target(%arg9 : memref<128x16xf32, #tpu.memory_space<vmem>>) offsets(%dma_start3A_53 : memref<128xi32, #tpu.memory_space<vmem>>) semaphore(%arg12 : memref<!tpu.dma_semaphore, #tpu.memory_space<semaphore_mem>>)
      %dma_wait3A_57 = arith.constant 0 : i32
      %dma_wait3A_58 = arith.constant 0 : i32
      %dma_wait3A_59 = tpu.memref_slice %arg7[%dma_wait3A_57, %dma_wait3A_58] : memref<200x128xi32, #tpu.memory_space<vmem>> -> memref<1x128xi32, #tpu.memory_space<vmem>>
      %dma_wait3A_60 = tpu.memref_squeeze %dma_wait3A_59 : memref<1x128xi32, #tpu.memory_space<vmem>> -> memref<128xi32, #tpu.memory_space<vmem>>
      %dma_wait3A_61 = arith.constant 0 : i32
      %dma_wait3A_62 = arith.constant 0 : i32
      %dma_wait3A_63 = tpu.memref_slice %arg2[%dma_wait3A_61, %dma_wait3A_62] : memref<10008x16xf32, #tpu.memory_space<hbm>> -> memref<10008x16xf32, #tpu.memory_space<hbm>>
      tpu.wait_indirect_dma semaphore(%arg12 : memref<!tpu.dma_semaphore, #tpu.memory_space<semaphore_mem>>) src(%dma_wait3A_63 : memref<10008x16xf32, #tpu.memory_space<hbm>>) dst(%arg10 : memref<128x16xf32, #tpu.memory_space<vmem>>)
      %add3A_64 = arith.constant 1 : i32
      %add3A_65 = arith.addi %mul3A_32, %add3A_64 : i32
      "tpu.region"() ({
        %run_scoped3A = tpu.sem_alloc : memref<!tpu.dma_semaphore, #tpu.memory_space<semaphore_mem>>
        %dma_start3A_66 = arith.constant 0 : i32
        %dma_start3A_67 = tpu.memref_slice %arg8[%add3A_65, %dma_start3A_66] : memref<200x128xi32, #tpu.memory_space<vmem>> -> memref<1x128xi32, #tpu.memory_space<vmem>>
        %dma_start3A_68 = tpu.memref_squeeze %dma_start3A_67 : memref<1x128xi32, #tpu.memory_space<vmem>> -> memref<128xi32, #tpu.memory_space<vmem>>
        %dma_start3A_69 = arith.constant 0 : i32
        %dma_start3A_70 = arith.constant 0 : i32
        %dma_start3A_71 = tpu.memref_slice %arg11[%dma_start3A_69, %dma_start3A_70] : memref<50008x16xf32, #tpu.memory_space<vmem_shared>> -> memref<50008x16xf32, #tpu.memory_space<vmem_shared>>
        tpu.enqueue_indirect_dma source(%arg10 : memref<128x16xf32, #tpu.memory_space<vmem>>) target(%dma_start3A_71 : memref<50008x16xf32, #tpu.memory_space<vmem_shared>>) offsets(%dma_start3A_68 : memref<128xi32, #tpu.memory_space<vmem>>) semaphore(%run_scoped3A : memref<!tpu.dma_semaphore, #tpu.memory_space<semaphore_mem>>) {add = true}
        %dma_wait3A_72 = arith.constant 0 : i32
        %dma_wait3A_73 = tpu.memref_slice %arg8[%add3A_65, %dma_wait3A_72] : memref<200x128xi32, #tpu.memory_space<vmem>> -> memref<1x128xi32, #tpu.memory_space<vmem>>
        %dma_wait3A_74 = tpu.memref_squeeze %dma_wait3A_73 : memref<1x128xi32, #tpu.memory_space<vmem>> -> memref<128xi32, #tpu.memory_space<vmem>>
        %dma_wait3A_75 = arith.constant 0 : i32
        %dma_wait3A_76 = arith.constant 0 : i32
        %dma_wait3A_77 = tpu.memref_slice %arg11[%dma_wait3A_75, %dma_wait3A_76] : memref<50008x16xf32, #tpu.memory_space<vmem_shared>> -> memref<50008x16xf32, #tpu.memory_space<vmem_shared>>
        tpu.wait_indirect_dma semaphore(%run_scoped3A : memref<!tpu.dma_semaphore, #tpu.memory_space<semaphore_mem>>) src(%arg10 : memref<128x16xf32, #tpu.memory_space<vmem>>) dst(%dma_wait3A_77 : memref<50008x16xf32, #tpu.memory_space<vmem_shared>>)
        tpu.yield
      }) : () -> ()
    }
    %scan3A_17 = arith.constant 100 : i32
    %dma_wait3A = arith.constant 0 : i32
    %dma_wait3A_18 = arith.constant 0 : i32
    %dma_wait3A_19 = tpu.memref_slice %arg7[%dma_wait3A, %dma_wait3A_18] : memref<200x128xi32, #tpu.memory_space<vmem>> -> memref<1x128xi32, #tpu.memory_space<vmem>>
    %dma_wait3A_20 = tpu.memref_squeeze %dma_wait3A_19 : memref<1x128xi32, #tpu.memory_space<vmem>> -> memref<128xi32, #tpu.memory_space<vmem>>
    %dma_wait3A_21 = arith.constant 0 : i32
    %dma_wait3A_22 = arith.constant 0 : i32
    %dma_wait3A_23 = tpu.memref_slice %arg2[%dma_wait3A_21, %dma_wait3A_22] : memref<10008x16xf32, #tpu.memory_space<hbm>> -> memref<10008x16xf32, #tpu.memory_space<hbm>>
    tpu.wait_indirect_dma semaphore(%arg12 : memref<!tpu.dma_semaphore, #tpu.memory_space<semaphore_mem>>) src(%dma_wait3A_23 : memref<10008x16xf32, #tpu.memory_space<hbm>>) dst(%arg9 : memref<128x16xf32, #tpu.memory_space<vmem>>)
    %barrier3A_24 = arith.constant 0 : index
    tpu.barrier barrier_id(%barrier3A_24)
    %eq3A_25 = arith.constant 0 : i32
    %eq3A_26 = arith.cmpi eq, %arg1, %eq3A_25 : i32
    %convert_element_type3A_27 = arith.extui %eq3A_26 : i1 to i32
    %cond3A_28 = arith.constant 0 : i32
    %cond3A_29 = arith.cmpi ne, %convert_element_type3A_27, %cond3A_28 : i32
    scf.if %cond3A_29 {
      "tpu.region"() ({
        %run_scoped3A = tpu.sem_alloc : memref<!tpu.dma_semaphore, #tpu.memory_space<semaphore_mem>>
        %dma_start3A_30 = arith.constant 0 : i32
        %dma_start3A_31 = arith.constant 0 : i32
        %dma_start3A_32 = tpu.memref_slice %arg6[%arg0, %dma_start3A_30, %dma_start3A_31] : memref<2x50008x16xf32, #tpu.memory_space<hbm>> -> memref<1x50008x16xf32, #tpu.memory_space<hbm>>
        %dma_start3A_33 = tpu.memref_squeeze %dma_start3A_32 : memref<1x50008x16xf32, #tpu.memory_space<hbm>> -> memref<50008x16xf32, #tpu.memory_space<hbm>>
        tpu.enqueue_dma source(%arg11 : memref<50008x16xf32, #tpu.memory_space<vmem_shared>>) target(%dma_start3A_33 : memref<50008x16xf32, #tpu.memory_space<hbm>>) target_semaphore(%run_scoped3A : memref<!tpu.dma_semaphore, #tpu.memory_space<semaphore_mem>>)
        %dma_wait3A_34 = arith.constant 0 : i32
        %dma_wait3A_35 = arith.constant 0 : i32
        %dma_wait3A_36 = tpu.memref_slice %arg6[%arg0, %dma_wait3A_34, %dma_wait3A_35] : memref<2x50008x16xf32, #tpu.memory_space<hbm>> -> memref<1x50008x16xf32, #tpu.memory_space<hbm>>
        %dma_wait3A_37 = tpu.memref_squeeze %dma_wait3A_36 : memref<1x50008x16xf32, #tpu.memory_space<hbm>> -> memref<50008x16xf32, #tpu.memory_space<hbm>>
        tpu.wait_dma2 semaphore(%run_scoped3A : memref<!tpu.dma_semaphore, #tpu.memory_space<semaphore_mem>>) src(%arg11 : memref<50008x16xf32, #tpu.memory_space<vmem_shared>>) dst(%dma_wait3A_37 : memref<50008x16xf32, #tpu.memory_space<hbm>>)
        tpu.yield
      }) : () -> ()
    } else {
    }
    return
  }
}

#map = affine_map<(d0, d1) -> (0, 0)>
#map1 = affine_map<(d0, d1) -> (0, 0, 0)>
module attributes {stable_mosaic.version = 14 : i64} {
  func.func @sc_pass_a(%arg0: i32, %arg1: i32, %arg2: memref<10008x16xf32, #tpu.memory_space<hbm>>, %arg3: memref<50008x16xf32, #tpu.memory_space<hbm>>, %arg4: memref<6656x128xi32, #tpu.memory_space<hbm>>, %arg5: memref<6656x128xi32, #tpu.memory_space<hbm>>, %arg6: memref<50008x16xf32, #tpu.memory_space<hbm>>, %arg7: memref<2x50008x16xf32, #tpu.memory_space<hbm>>, %arg8: memref<200x128xi32, #tpu.memory_space<vmem>>, %arg9: memref<200x128xi32, #tpu.memory_space<vmem>>, %arg10: memref<128x16xf32, #tpu.memory_space<vmem>>, %arg11: memref<128x16xf32, #tpu.memory_space<vmem>>, %arg12: memref<128x16xf32, #tpu.memory_space<vmem>>, %arg13: memref<128x16xf32, #tpu.memory_space<vmem>>, %arg14: memref<128x16xf32, #tpu.memory_space<vmem>>, %arg15: memref<50008x16xf32, #tpu.memory_space<vmem_shared>>, %arg16: memref<!tpu.dma_semaphore, #tpu.memory_space<semaphore_mem>>) attributes {dimension_semantics = [#tpu.dimension_semantics<core_parallel>, #tpu.dimension_semantics<subcore_parallel>], iteration_bounds = array<i64: 2, 16>, scalar_prefetch = 0 : i64, scratch_operands = 9 : i64, tpu.core_type = #tpu.core_type<sc_vector_subcore>, window_params = [{transform_indices = #map}, {transform_indices = #map}, {transform_indices = #map}, {transform_indices = #map}, {transform_indices = #map}, {transform_indices = #map1}]} {
    %mul3A = arith.constant 2 : i32
    %mul3A_0 = arith.muli %arg1, %mul3A : i32
    %add3A = arith.addi %mul3A_0, %arg0 : i32
    %eq3A = arith.constant 0 : i32
    %eq3A_1 = arith.cmpi eq, %arg1, %eq3A : i32
    %convert_element_type3A = arith.extui %eq3A_1 : i1 to i32
    %cond3A = arith.constant 0 : i32
    %cond3A_2 = arith.cmpi ne, %convert_element_type3A, %cond3A : i32
    scf.if %cond3A_2 {
      "tpu.region"() ({
        %run_scoped3A = tpu.sem_alloc : memref<!tpu.dma_semaphore, #tpu.memory_space<semaphore_mem>>
        tpu.enqueue_dma source(%arg6 : memref<50008x16xf32, #tpu.memory_space<hbm>>) target(%arg15 : memref<50008x16xf32, #tpu.memory_space<vmem_shared>>) target_semaphore(%run_scoped3A : memref<!tpu.dma_semaphore, #tpu.memory_space<semaphore_mem>>)
        tpu.wait_dma2 semaphore(%run_scoped3A : memref<!tpu.dma_semaphore, #tpu.memory_space<semaphore_mem>>) src(%arg6 : memref<50008x16xf32, #tpu.memory_space<hbm>>) dst(%arg15 : memref<50008x16xf32, #tpu.memory_space<vmem_shared>>)
        tpu.yield
      }) : () -> ()
    } else {
    }
    %mul3A_3 = arith.constant 200 : i32
    %mul3A_4 = arith.muli %add3A, %mul3A_3 : i32
    "tpu.region"() ({
      %run_scoped3A = tpu.sem_alloc : memref<!tpu.dma_semaphore, #tpu.memory_space<semaphore_mem>>
      %dma_start3A_44 = arith.constant 0 : i32
      %dma_start3A_45 = tpu.memref_slice %arg4[%mul3A_4, %dma_start3A_44] : memref<6656x128xi32, #tpu.memory_space<hbm>> -> memref<200x128xi32, #tpu.memory_space<hbm>>
      %dma_start3A_46 = arith.constant 0 : i32
      %dma_start3A_47 = tpu.memref_slice %arg4[%mul3A_4, %dma_start3A_46] : memref<6656x128xi32, #tpu.memory_space<hbm>> -> memref<200x128xi32, #tpu.memory_space<hbm>>
      tpu.enqueue_dma source(%dma_start3A_47 : memref<200x128xi32, #tpu.memory_space<hbm>>) target(%arg8 : memref<200x128xi32, #tpu.memory_space<vmem>>) target_semaphore(%run_scoped3A : memref<!tpu.dma_semaphore, #tpu.memory_space<semaphore_mem>>)
      %dma_wait3A_48 = arith.constant 0 : i32
      %dma_wait3A_49 = tpu.memref_slice %arg4[%mul3A_4, %dma_wait3A_48] : memref<6656x128xi32, #tpu.memory_space<hbm>> -> memref<200x128xi32, #tpu.memory_space<hbm>>
      %dma_wait3A_50 = arith.constant 0 : i32
      %dma_wait3A_51 = tpu.memref_slice %arg4[%mul3A_4, %dma_wait3A_50] : memref<6656x128xi32, #tpu.memory_space<hbm>> -> memref<200x128xi32, #tpu.memory_space<hbm>>
      tpu.wait_dma2 semaphore(%run_scoped3A : memref<!tpu.dma_semaphore, #tpu.memory_space<semaphore_mem>>) src(%dma_wait3A_51 : memref<200x128xi32, #tpu.memory_space<hbm>>) dst(%arg8 : memref<200x128xi32, #tpu.memory_space<vmem>>)
      tpu.yield
    }) : () -> ()
    %mul3A_5 = arith.constant 200 : i32
    %mul3A_6 = arith.muli %add3A, %mul3A_5 : i32
    "tpu.region"() ({
      %run_scoped3A = tpu.sem_alloc : memref<!tpu.dma_semaphore, #tpu.memory_space<semaphore_mem>>
      %dma_start3A_44 = arith.constant 0 : i32
      %dma_start3A_45 = tpu.memref_slice %arg5[%mul3A_6, %dma_start3A_44] : memref<6656x128xi32, #tpu.memory_space<hbm>> -> memref<200x128xi32, #tpu.memory_space<hbm>>
      %dma_start3A_46 = arith.constant 0 : i32
      %dma_start3A_47 = tpu.memref_slice %arg5[%mul3A_6, %dma_start3A_46] : memref<6656x128xi32, #tpu.memory_space<hbm>> -> memref<200x128xi32, #tpu.memory_space<hbm>>
      tpu.enqueue_dma source(%dma_start3A_47 : memref<200x128xi32, #tpu.memory_space<hbm>>) target(%arg9 : memref<200x128xi32, #tpu.memory_space<vmem>>) target_semaphore(%run_scoped3A : memref<!tpu.dma_semaphore, #tpu.memory_space<semaphore_mem>>)
      %dma_wait3A_48 = arith.constant 0 : i32
      %dma_wait3A_49 = tpu.memref_slice %arg5[%mul3A_6, %dma_wait3A_48] : memref<6656x128xi32, #tpu.memory_space<hbm>> -> memref<200x128xi32, #tpu.memory_space<hbm>>
      %dma_wait3A_50 = arith.constant 0 : i32
      %dma_wait3A_51 = tpu.memref_slice %arg5[%mul3A_6, %dma_wait3A_50] : memref<6656x128xi32, #tpu.memory_space<hbm>> -> memref<200x128xi32, #tpu.memory_space<hbm>>
      tpu.wait_dma2 semaphore(%run_scoped3A : memref<!tpu.dma_semaphore, #tpu.memory_space<semaphore_mem>>) src(%dma_wait3A_51 : memref<200x128xi32, #tpu.memory_space<hbm>>) dst(%arg9 : memref<200x128xi32, #tpu.memory_space<vmem>>)
      tpu.yield
    }) : () -> ()
    %barrier3A = arith.constant 0 : index
    tpu.barrier barrier_id(%barrier3A)
    %dma_start3A = arith.constant 0 : i32
    %dma_start3A_7 = arith.constant 0 : i32
    %dma_start3A_8 = tpu.memref_slice %arg8[%dma_start3A, %dma_start3A_7] : memref<200x128xi32, #tpu.memory_space<vmem>> -> memref<1x128xi32, #tpu.memory_space<vmem>>
    %dma_start3A_9 = tpu.memref_squeeze %dma_start3A_8 : memref<1x128xi32, #tpu.memory_space<vmem>> -> memref<128xi32, #tpu.memory_space<vmem>>
    %dma_start3A_10 = arith.constant 0 : i32
    %dma_start3A_11 = arith.constant 0 : i32
    %dma_start3A_12 = tpu.memref_slice %arg2[%dma_start3A_10, %dma_start3A_11] : memref<10008x16xf32, #tpu.memory_space<hbm>> -> memref<10008x16xf32, #tpu.memory_space<hbm>>
    tpu.enqueue_indirect_dma source(%dma_start3A_12 : memref<10008x16xf32, #tpu.memory_space<hbm>>) target(%arg10 : memref<128x16xf32, #tpu.memory_space<vmem>>) offsets(%dma_start3A_9 : memref<128xi32, #tpu.memory_space<vmem>>) semaphore(%arg16 : memref<!tpu.dma_semaphore, #tpu.memory_space<semaphore_mem>>)
    %dma_start3A_13 = arith.constant 0 : i32
    %dma_start3A_14 = arith.constant 0 : i32
    %dma_start3A_15 = tpu.memref_slice %arg9[%dma_start3A_13, %dma_start3A_14] : memref<200x128xi32, #tpu.memory_space<vmem>> -> memref<1x128xi32, #tpu.memory_space<vmem>>
    %dma_start3A_16 = tpu.memref_squeeze %dma_start3A_15 : memref<1x128xi32, #tpu.memory_space<vmem>> -> memref<128xi32, #tpu.memory_space<vmem>>
    %dma_start3A_17 = arith.constant 0 : i32
    %dma_start3A_18 = arith.constant 0 : i32
    %dma_start3A_19 = tpu.memref_slice %arg3[%dma_start3A_17, %dma_start3A_18] : memref<50008x16xf32, #tpu.memory_space<hbm>> -> memref<50008x16xf32, #tpu.memory_space<hbm>>
    tpu.enqueue_indirect_dma source(%dma_start3A_19 : memref<50008x16xf32, #tpu.memory_space<hbm>>) target(%arg12 : memref<128x16xf32, #tpu.memory_space<vmem>>) offsets(%dma_start3A_16 : memref<128xi32, #tpu.memory_space<vmem>>) semaphore(%arg16 : memref<!tpu.dma_semaphore, #tpu.memory_space<semaphore_mem>>)
    %scan3A = arith.constant 0 : i32
    %scan3A_20 = arith.constant 0 : i32
    %scan3A_21 = arith.constant 100 : i32
    %scan3A_22 = arith.addi %scan3A_20, %scan3A_21 : i32
    %scan3A_23 = arith.constant 1 : i32
    scf.for %scan3A_44 = %scan3A_20 to %scan3A_22 step %scan3A_23  : i32 {
      %mul3A_45 = arith.constant 2 : i32
      %mul3A_46 = arith.muli %mul3A_45, %scan3A_44 : i32
      %add3A_47 = arith.constant 1 : i32
      %add3A_48 = arith.addi %mul3A_46, %add3A_47 : i32
      %dma_start3A_49 = arith.constant 0 : i32
      %dma_start3A_50 = tpu.memref_slice %arg8[%add3A_48, %dma_start3A_49] : memref<200x128xi32, #tpu.memory_space<vmem>> -> memref<1x128xi32, #tpu.memory_space<vmem>>
      %dma_start3A_51 = tpu.memref_squeeze %dma_start3A_50 : memref<1x128xi32, #tpu.memory_space<vmem>> -> memref<128xi32, #tpu.memory_space<vmem>>
      %dma_start3A_52 = arith.constant 0 : i32
      %dma_start3A_53 = arith.constant 0 : i32
      %dma_start3A_54 = tpu.memref_slice %arg2[%dma_start3A_52, %dma_start3A_53] : memref<10008x16xf32, #tpu.memory_space<hbm>> -> memref<10008x16xf32, #tpu.memory_space<hbm>>
      tpu.enqueue_indirect_dma source(%dma_start3A_54 : memref<10008x16xf32, #tpu.memory_space<hbm>>) target(%arg11 : memref<128x16xf32, #tpu.memory_space<vmem>>) offsets(%dma_start3A_51 : memref<128xi32, #tpu.memory_space<vmem>>) semaphore(%arg16 : memref<!tpu.dma_semaphore, #tpu.memory_space<semaphore_mem>>)
      %dma_start3A_55 = arith.constant 0 : i32
      %dma_start3A_56 = tpu.memref_slice %arg9[%add3A_48, %dma_start3A_55] : memref<200x128xi32, #tpu.memory_space<vmem>> -> memref<1x128xi32, #tpu.memory_space<vmem>>
      %dma_start3A_57 = tpu.memref_squeeze %dma_start3A_56 : memref<1x128xi32, #tpu.memory_space<vmem>> -> memref<128xi32, #tpu.memory_space<vmem>>
      %dma_start3A_58 = arith.constant 0 : i32
      %dma_start3A_59 = arith.constant 0 : i32
      %dma_start3A_60 = tpu.memref_slice %arg3[%dma_start3A_58, %dma_start3A_59] : memref<50008x16xf32, #tpu.memory_space<hbm>> -> memref<50008x16xf32, #tpu.memory_space<hbm>>
      tpu.enqueue_indirect_dma source(%dma_start3A_60 : memref<50008x16xf32, #tpu.memory_space<hbm>>) target(%arg13 : memref<128x16xf32, #tpu.memory_space<vmem>>) offsets(%dma_start3A_57 : memref<128xi32, #tpu.memory_space<vmem>>) semaphore(%arg16 : memref<!tpu.dma_semaphore, #tpu.memory_space<semaphore_mem>>)
      %dma_wait3A_61 = arith.constant 0 : i32
      %dma_wait3A_62 = arith.constant 0 : i32
      %dma_wait3A_63 = tpu.memref_slice %arg8[%dma_wait3A_61, %dma_wait3A_62] : memref<200x128xi32, #tpu.memory_space<vmem>> -> memref<1x128xi32, #tpu.memory_space<vmem>>
      %dma_wait3A_64 = tpu.memref_squeeze %dma_wait3A_63 : memref<1x128xi32, #tpu.memory_space<vmem>> -> memref<128xi32, #tpu.memory_space<vmem>>
      %dma_wait3A_65 = arith.constant 0 : i32
      %dma_wait3A_66 = arith.constant 0 : i32
      %dma_wait3A_67 = tpu.memref_slice %arg2[%dma_wait3A_65, %dma_wait3A_66] : memref<10008x16xf32, #tpu.memory_space<hbm>> -> memref<10008x16xf32, #tpu.memory_space<hbm>>
      tpu.wait_indirect_dma semaphore(%arg16 : memref<!tpu.dma_semaphore, #tpu.memory_space<semaphore_mem>>) src(%dma_wait3A_67 : memref<10008x16xf32, #tpu.memory_space<hbm>>) dst(%arg10 : memref<128x16xf32, #tpu.memory_space<vmem>>)
      %dma_wait3A_68 = arith.constant 0 : i32
      %dma_wait3A_69 = arith.constant 0 : i32
      %dma_wait3A_70 = tpu.memref_slice %arg9[%dma_wait3A_68, %dma_wait3A_69] : memref<200x128xi32, #tpu.memory_space<vmem>> -> memref<1x128xi32, #tpu.memory_space<vmem>>
      %dma_wait3A_71 = tpu.memref_squeeze %dma_wait3A_70 : memref<1x128xi32, #tpu.memory_space<vmem>> -> memref<128xi32, #tpu.memory_space<vmem>>
      %dma_wait3A_72 = arith.constant 0 : i32
      %dma_wait3A_73 = arith.constant 0 : i32
      %dma_wait3A_74 = tpu.memref_slice %arg3[%dma_wait3A_72, %dma_wait3A_73] : memref<50008x16xf32, #tpu.memory_space<hbm>> -> memref<50008x16xf32, #tpu.memory_space<hbm>>
      tpu.wait_indirect_dma semaphore(%arg16 : memref<!tpu.dma_semaphore, #tpu.memory_space<semaphore_mem>>) src(%dma_wait3A_74 : memref<50008x16xf32, #tpu.memory_space<hbm>>) dst(%arg12 : memref<128x16xf32, #tpu.memory_space<vmem>>)
      %scan3A_75 = arith.constant 0 : i32
      %scan3A_76 = arith.constant 0 : i32
      %scan3A_77 = arith.constant 128 : i32
      %scan3A_78 = arith.addi %scan3A_76, %scan3A_77 : i32
      %scan3A_79 = arith.constant 1 : i32
      scf.for %scan3A_118 = %scan3A_76 to %scan3A_78 step %scan3A_79  : i32 {
        %get3A = arith.index_cast %scan3A_118 : i32 to index
        %get3A_119 = arith.constant 0 : index
        %get3A_120 = tpu.vector_load %arg10[%get3A, %get3A_119] {strides = array<i32>} : memref<128x16xf32, #tpu.memory_space<vmem>>, vector<16xf32>,
        %get3A_121 = arith.index_cast %scan3A_118 : i32 to index
        %get3A_122 = arith.constant 0 : index
        %get3A_123 = tpu.vector_load %arg12[%get3A_121, %get3A_122] {strides = array<i32>} : memref<128x16xf32, #tpu.memory_space<vmem>>, vector<16xf32>,
        %add3A_124 = arith.addf %get3A_120, %get3A_123 : vector<16xf32>
        %jit3A = arith.constant 2.000000e-01 : f32
        %ge3A = arith.constant 0.000000e+00 : f32
        %ge3A_125 = vector.broadcast %ge3A : f32 to vector<16xf32>
        %ge3A_126 = arith.cmpf oge, %add3A_124, %ge3A_125 : vector<16xf32>
        %mul3A_127 = vector.broadcast %jit3A : f32 to vector<16xf32>
        %mul3A_128 = arith.mulf %mul3A_127, %add3A_124 : vector<16xf32>
        %select_n3A = arith.select %ge3A_126, %add3A_124, %mul3A_128 : vector<16xi1>, vector<16xf32>
        %exp3A = math.exp %select_n3A : vector<16xf32>
        %swap3A = arith.index_cast %scan3A_118 : i32 to index
        %swap3A_129 = arith.constant 0 : index
        %swap3A_130 = tpu.vector_load %arg14[%swap3A, %swap3A_129] {strides = array<i32>} : memref<128x16xf32, #tpu.memory_space<vmem>>, vector<16xf32>,
        tpu.vector_store %arg14[%swap3A, %swap3A_129], %exp3A {strides = array<i32>} : memref<128x16xf32, #tpu.memory_space<vmem>>, vector<16xf32>,
      }
      %scan3A_80 = arith.constant 128 : i32
      "tpu.region"() ({
        %run_scoped3A = tpu.sem_alloc : memref<!tpu.dma_semaphore, #tpu.memory_space<semaphore_mem>>
        %dma_start3A_118 = arith.constant 0 : i32
        %dma_start3A_119 = tpu.memref_slice %arg9[%mul3A_46, %dma_start3A_118] : memref<200x128xi32, #tpu.memory_space<vmem>> -> memref<1x128xi32, #tpu.memory_space<vmem>>
        %dma_start3A_120 = tpu.memref_squeeze %dma_start3A_119 : memref<1x128xi32, #tpu.memory_space<vmem>> -> memref<128xi32, #tpu.memory_space<vmem>>
        %dma_start3A_121 = arith.constant 0 : i32
        %dma_start3A_122 = arith.constant 0 : i32
        %dma_start3A_123 = tpu.memref_slice %arg15[%dma_start3A_121, %dma_start3A_122] : memref<50008x16xf32, #tpu.memory_space<vmem_shared>> -> memref<50008x16xf32, #tpu.memory_space<vmem_shared>>
        tpu.enqueue_indirect_dma source(%arg14 : memref<128x16xf32, #tpu.memory_space<vmem>>) target(%dma_start3A_123 : memref<50008x16xf32, #tpu.memory_space<vmem_shared>>) offsets(%dma_start3A_120 : memref<128xi32, #tpu.memory_space<vmem>>) semaphore(%run_scoped3A : memref<!tpu.dma_semaphore, #tpu.memory_space<semaphore_mem>>) {add = true}
        %dma_wait3A_124 = arith.constant 0 : i32
        %dma_wait3A_125 = tpu.memref_slice %arg9[%mul3A_46, %dma_wait3A_124] : memref<200x128xi32, #tpu.memory_space<vmem>> -> memref<1x128xi32, #tpu.memory_space<vmem>>
        %dma_wait3A_126 = tpu.memref_squeeze %dma_wait3A_125 : memref<1x128xi32, #tpu.memory_space<vmem>> -> memref<128xi32, #tpu.memory_space<vmem>>
        %dma_wait3A_127 = arith.constant 0 : i32
        %dma_wait3A_128 = arith.constant 0 : i32
        %dma_wait3A_129 = tpu.memref_slice %arg15[%dma_wait3A_127, %dma_wait3A_128] : memref<50008x16xf32, #tpu.memory_space<vmem_shared>> -> memref<50008x16xf32, #tpu.memory_space<vmem_shared>>
        tpu.wait_indirect_dma semaphore(%run_scoped3A : memref<!tpu.dma_semaphore, #tpu.memory_space<semaphore_mem>>) src(%arg14 : memref<128x16xf32, #tpu.memory_space<vmem>>) dst(%dma_wait3A_129 : memref<50008x16xf32, #tpu.memory_space<vmem_shared>>)
        tpu.yield
      }) : () -> ()
      %add3A_81 = arith.constant 2 : i32
      %add3A_82 = arith.addi %mul3A_46, %add3A_81 : i32
      %min3A = arith.constant 199 : i32
      %min3A_83 = arith.minsi %add3A_82, %min3A : i32
      %dma_start3A_84 = arith.constant 0 : i32
      %dma_start3A_85 = tpu.memref_slice %arg8[%min3A_83, %dma_start3A_84] : memref<200x128xi32, #tpu.memory_space<vmem>> -> memref<1x128xi32, #tpu.memory_space<vmem>>
      %dma_start3A_86 = tpu.memref_squeeze %dma_start3A_85 : memref<1x128xi32, #tpu.memory_space<vmem>> -> memref<128xi32, #tpu.memory_space<vmem>>
      %dma_start3A_87 = arith.constant 0 : i32
      %dma_start3A_88 = arith.constant 0 : i32
      %dma_start3A_89 = tpu.memref_slice %arg2[%dma_start3A_87, %dma_start3A_88] : memref<10008x16xf32, #tpu.memory_space<hbm>> -> memref<10008x16xf32, #tpu.memory_space<hbm>>
      tpu.enqueue_indirect_dma source(%dma_start3A_89 : memref<10008x16xf32, #tpu.memory_space<hbm>>) target(%arg10 : memref<128x16xf32, #tpu.memory_space<vmem>>) offsets(%dma_start3A_86 : memref<128xi32, #tpu.memory_space<vmem>>) semaphore(%arg16 : memref<!tpu.dma_semaphore, #tpu.memory_space<semaphore_mem>>)
      %dma_start3A_90 = arith.constant 0 : i32
      %dma_start3A_91 = tpu.memref_slice %arg9[%min3A_83, %dma_start3A_90] : memref<200x128xi32, #tpu.memory_space<vmem>> -> memref<1x128xi32, #tpu.memory_space<vmem>>
      %dma_start3A_92 = tpu.memref_squeeze %dma_start3A_91 : memref<1x128xi32, #tpu.memory_space<vmem>> -> memref<128xi32, #tpu.memory_space<vmem>>
      %dma_start3A_93 = arith.constant 0 : i32
      %dma_start3A_94 = arith.constant 0 : i32
      %dma_start3A_95 = tpu.memref_slice %arg3[%dma_start3A_93, %dma_start3A_94] : memref<50008x16xf32, #tpu.memory_space<hbm>> -> memref<50008x16xf32, #tpu.memory_space<hbm>>
      tpu.enqueue_indirect_dma source(%dma_start3A_95 : memref<50008x16xf32, #tpu.memory_space<hbm>>) target(%arg12 : memref<128x16xf32, #tpu.memory_space<vmem>>) offsets(%dma_start3A_92 : memref<128xi32, #tpu.memory_space<vmem>>) semaphore(%arg16 : memref<!tpu.dma_semaphore, #tpu.memory_space<semaphore_mem>>)
      %dma_wait3A_96 = arith.constant 0 : i32
      %dma_wait3A_97 = arith.constant 0 : i32
      %dma_wait3A_98 = tpu.memref_slice %arg8[%dma_wait3A_96, %dma_wait3A_97] : memref<200x128xi32, #tpu.memory_space<vmem>> -> memref<1x128xi32, #tpu.memory_space<vmem>>
      %dma_wait3A_99 = tpu.memref_squeeze %dma_wait3A_98 : memref<1x128xi32, #tpu.memory_space<vmem>> -> memref<128xi32, #tpu.memory_space<vmem>>
      %dma_wait3A_100 = arith.constant 0 : i32
      %dma_wait3A_101 = arith.constant 0 : i32
      %dma_wait3A_102 = tpu.memref_slice %arg2[%dma_wait3A_100, %dma_wait3A_101] : memref<10008x16xf32, #tpu.memory_space<hbm>> -> memref<10008x16xf32, #tpu.memory_space<hbm>>
      tpu.wait_indirect_dma semaphore(%arg16 : memref<!tpu.dma_semaphore, #tpu.memory_space<semaphore_mem>>) src(%dma_wait3A_102 : memref<10008x16xf32, #tpu.memory_space<hbm>>) dst(%arg11 : memref<128x16xf32, #tpu.memory_space<vmem>>)
      %dma_wait3A_103 = arith.constant 0 : i32
      %dma_wait3A_104 = arith.constant 0 : i32
      %dma_wait3A_105 = tpu.memref_slice %arg9[%dma_wait3A_103, %dma_wait3A_104] : memref<200x128xi32, #tpu.memory_space<vmem>> -> memref<1x128xi32, #tpu.memory_space<vmem>>
      %dma_wait3A_106 = tpu.memref_squeeze %dma_wait3A_105 : memref<1x128xi32, #tpu.memory_space<vmem>> -> memref<128xi32, #tpu.memory_space<vmem>>
      %dma_wait3A_107 = arith.constant 0 : i32
      %dma_wait3A_108 = arith.constant 0 : i32
      %dma_wait3A_109 = tpu.memref_slice %arg3[%dma_wait3A_107, %dma_wait3A_108] : memref<50008x16xf32, #tpu.memory_space<hbm>> -> memref<50008x16xf32, #tpu.memory_space<hbm>>
      tpu.wait_indirect_dma semaphore(%arg16 : memref<!tpu.dma_semaphore, #tpu.memory_space<semaphore_mem>>) src(%dma_wait3A_109 : memref<50008x16xf32, #tpu.memory_space<hbm>>) dst(%arg13 : memref<128x16xf32, #tpu.memory_space<vmem>>)
      %add3A_110 = arith.constant 1 : i32
      %add3A_111 = arith.addi %mul3A_46, %add3A_110 : i32
      %scan3A_112 = arith.constant 0 : i32
      %scan3A_113 = arith.constant 0 : i32
      %scan3A_114 = arith.constant 128 : i32
      %scan3A_115 = arith.addi %scan3A_113, %scan3A_114 : i32
      %scan3A_116 = arith.constant 1 : i32
      scf.for %scan3A_118 = %scan3A_113 to %scan3A_115 step %scan3A_116  : i32 {
        %get3A = arith.index_cast %scan3A_118 : i32 to index
        %get3A_119 = arith.constant 0 : index
        %get3A_120 = tpu.vector_load %arg11[%get3A, %get3A_119] {strides = array<i32>} : memref<128x16xf32, #tpu.memory_space<vmem>>, vector<16xf32>,
        %get3A_121 = arith.index_cast %scan3A_118 : i32 to index
        %get3A_122 = arith.constant 0 : index
        %get3A_123 = tpu.vector_load %arg13[%get3A_121, %get3A_122] {strides = array<i32>} : memref<128x16xf32, #tpu.memory_space<vmem>>, vector<16xf32>,
        %add3A_124 = arith.addf %get3A_120, %get3A_123 : vector<16xf32>
        %jit3A = arith.constant 2.000000e-01 : f32
        %ge3A = arith.constant 0.000000e+00 : f32
        %ge3A_125 = vector.broadcast %ge3A : f32 to vector<16xf32>
        %ge3A_126 = arith.cmpf oge, %add3A_124, %ge3A_125 : vector<16xf32>
        %mul3A_127 = vector.broadcast %jit3A : f32 to vector<16xf32>
        %mul3A_128 = arith.mulf %mul3A_127, %add3A_124 : vector<16xf32>
        %select_n3A = arith.select %ge3A_126, %add3A_124, %mul3A_128 : vector<16xi1>, vector<16xf32>
        %exp3A = math.exp %select_n3A : vector<16xf32>
        %swap3A = arith.index_cast %scan3A_118 : i32 to index
        %swap3A_129 = arith.constant 0 : index
        %swap3A_130 = tpu.vector_load %arg14[%swap3A, %swap3A_129] {strides = array<i32>} : memref<128x16xf32, #tpu.memory_space<vmem>>, vector<16xf32>,
        tpu.vector_store %arg14[%swap3A, %swap3A_129], %exp3A {strides = array<i32>} : memref<128x16xf32, #tpu.memory_space<vmem>>, vector<16xf32>,
      }
      %scan3A_117 = arith.constant 128 : i32
      "tpu.region"() ({
        %run_scoped3A = tpu.sem_alloc : memref<!tpu.dma_semaphore, #tpu.memory_space<semaphore_mem>>
        %dma_start3A_118 = arith.constant 0 : i32
        %dma_start3A_119 = tpu.memref_slice %arg9[%add3A_111, %dma_start3A_118] : memref<200x128xi32, #tpu.memory_space<vmem>> -> memref<1x128xi32, #tpu.memory_space<vmem>>
        %dma_start3A_120 = tpu.memref_squeeze %dma_start3A_119 : memref<1x128xi32, #tpu.memory_space<vmem>> -> memref<128xi32, #tpu.memory_space<vmem>>
        %dma_start3A_121 = arith.constant 0 : i32
        %dma_start3A_122 = arith.constant 0 : i32
        %dma_start3A_123 = tpu.memref_slice %arg15[%dma_start3A_121, %dma_start3A_122] : memref<50008x16xf32, #tpu.memory_space<vmem_shared>> -> memref<50008x16xf32, #tpu.memory_space<vmem_shared>>
        tpu.enqueue_indirect_dma source(%arg14 : memref<128x16xf32, #tpu.memory_space<vmem>>) target(%dma_start3A_123 : memref<50008x16xf32, #tpu.memory_space<vmem_shared>>) offsets(%dma_start3A_120 : memref<128xi32, #tpu.memory_space<vmem>>) semaphore(%run_scoped3A : memref<!tpu.dma_semaphore, #tpu.memory_space<semaphore_mem>>) {add = true}
        %dma_wait3A_124 = arith.constant 0 : i32
        %dma_wait3A_125 = tpu.memref_slice %arg9[%add3A_111, %dma_wait3A_124] : memref<200x128xi32, #tpu.memory_space<vmem>> -> memref<1x128xi32, #tpu.memory_space<vmem>>
        %dma_wait3A_126 = tpu.memref_squeeze %dma_wait3A_125 : memref<1x128xi32, #tpu.memory_space<vmem>> -> memref<128xi32, #tpu.memory_space<vmem>>
        %dma_wait3A_127 = arith.constant 0 : i32
        %dma_wait3A_128 = arith.constant 0 : i32
        %dma_wait3A_129 = tpu.memref_slice %arg15[%dma_wait3A_127, %dma_wait3A_128] : memref<50008x16xf32, #tpu.memory_space<vmem_shared>> -> memref<50008x16xf32, #tpu.memory_space<vmem_shared>>
        tpu.wait_indirect_dma semaphore(%run_scoped3A : memref<!tpu.dma_semaphore, #tpu.memory_space<semaphore_mem>>) src(%arg14 : memref<128x16xf32, #tpu.memory_space<vmem>>) dst(%dma_wait3A_129 : memref<50008x16xf32, #tpu.memory_space<vmem_shared>>)
        tpu.yield
      }) : () -> ()
    }
    %scan3A_24 = arith.constant 100 : i32
    %dma_wait3A = arith.constant 0 : i32
    %dma_wait3A_25 = arith.constant 0 : i32
    %dma_wait3A_26 = tpu.memref_slice %arg8[%dma_wait3A, %dma_wait3A_25] : memref<200x128xi32, #tpu.memory_space<vmem>> -> memref<1x128xi32, #tpu.memory_space<vmem>>
    %dma_wait3A_27 = tpu.memref_squeeze %dma_wait3A_26 : memref<1x128xi32, #tpu.memory_space<vmem>> -> memref<128xi32, #tpu.memory_space<vmem>>
    %dma_wait3A_28 = arith.constant 0 : i32
    %dma_wait3A_29 = arith.constant 0 : i32
    %dma_wait3A_30 = tpu.memref_slice %arg2[%dma_wait3A_28, %dma_wait3A_29] : memref<10008x16xf32, #tpu.memory_space<hbm>> -> memref<10008x16xf32, #tpu.memory_space<hbm>>
    tpu.wait_indirect_dma semaphore(%arg16 : memref<!tpu.dma_semaphore, #tpu.memory_space<semaphore_mem>>) src(%dma_wait3A_30 : memref<10008x16xf32, #tpu.memory_space<hbm>>) dst(%arg10 : memref<128x16xf32, #tpu.memory_space<vmem>>)
    %dma_wait3A_31 = arith.constant 0 : i32
    %dma_wait3A_32 = arith.constant 0 : i32
    %dma_wait3A_33 = tpu.memref_slice %arg9[%dma_wait3A_31, %dma_wait3A_32] : memref<200x128xi32, #tpu.memory_space<vmem>> -> memref<1x128xi32, #tpu.memory_space<vmem>>
    %dma_wait3A_34 = tpu.memref_squeeze %dma_wait3A_33 : memref<1x128xi32, #tpu.memory_space<vmem>> -> memref<128xi32, #tpu.memory_space<vmem>>
    %dma_wait3A_35 = arith.constant 0 : i32
    %dma_wait3A_36 = arith.constant 0 : i32
    %dma_wait3A_37 = tpu.memref_slice %arg3[%dma_wait3A_35, %dma_wait3A_36] : memref<50008x16xf32, #tpu.memory_space<hbm>> -> memref<50008x16xf32, #tpu.memory_space<hbm>>
    tpu.wait_indirect_dma semaphore(%arg16 : memref<!tpu.dma_semaphore, #tpu.memory_space<semaphore_mem>>) src(%dma_wait3A_37 : memref<50008x16xf32, #tpu.memory_space<hbm>>) dst(%arg12 : memref<128x16xf32, #tpu.memory_space<vmem>>)
    %barrier3A_38 = arith.constant 0 : index
    tpu.barrier barrier_id(%barrier3A_38)
    %eq3A_39 = arith.constant 0 : i32
    %eq3A_40 = arith.cmpi eq, %arg1, %eq3A_39 : i32
    %convert_element_type3A_41 = arith.extui %eq3A_40 : i1 to i32
    %cond3A_42 = arith.constant 0 : i32
    %cond3A_43 = arith.cmpi ne, %convert_element_type3A_41, %cond3A_42 : i32
    scf.if %cond3A_43 {
      "tpu.region"() ({
        %run_scoped3A = tpu.sem_alloc : memref<!tpu.dma_semaphore, #tpu.memory_space<semaphore_mem>>
        %dma_start3A_44 = arith.constant 0 : i32
        %dma_start3A_45 = arith.constant 0 : i32
        %dma_start3A_46 = tpu.memref_slice %arg7[%arg0, %dma_start3A_44, %dma_start3A_45] : memref<2x50008x16xf32, #tpu.memory_space<hbm>> -> memref<1x50008x16xf32, #tpu.memory_space<hbm>>
        %dma_start3A_47 = tpu.memref_squeeze %dma_start3A_46 : memref<1x50008x16xf32, #tpu.memory_space<hbm>> -> memref<50008x16xf32, #tpu.memory_space<hbm>>
        tpu.enqueue_dma source(%arg15 : memref<50008x16xf32, #tpu.memory_space<vmem_shared>>) target(%dma_start3A_47 : memref<50008x16xf32, #tpu.memory_space<hbm>>) target_semaphore(%run_scoped3A : memref<!tpu.dma_semaphore, #tpu.memory_space<semaphore_mem>>)
        %dma_wait3A_48 = arith.constant 0 : i32
        %dma_wait3A_49 = arith.constant 0 : i32
        %dma_wait3A_50 = tpu.memref_slice %arg7[%arg0, %dma_wait3A_48, %dma_wait3A_49] : memref<2x50008x16xf32, #tpu.memory_space<hbm>> -> memref<1x50008x16xf32, #tpu.memory_space<hbm>>
        %dma_wait3A_51 = tpu.memref_squeeze %dma_wait3A_50 : memref<1x50008x16xf32, #tpu.memory_space<hbm>> -> memref<50008x16xf32, #tpu.memory_space<hbm>>
        tpu.wait_dma2 semaphore(%run_scoped3A : memref<!tpu.dma_semaphore, #tpu.memory_space<semaphore_mem>>) src(%arg15 : memref<50008x16xf32, #tpu.memory_space<vmem_shared>>) dst(%dma_wait3A_51 : memref<50008x16xf32, #tpu.memory_space<hbm>>)
        tpu.yield
      }) : () -> ()
    } else {
    }
    return
  }
}

#map = affine_map<(d0, d1) -> (0, 0)>
#map1 = affine_map<(d0, d1) -> (0, 0, 0)>
module attributes {stable_mosaic.version = 14 : i64} {
  func.func @sc_gat_lo(%arg0: i32, %arg1: i32, %arg2: memref<10008x80xi32, #tpu.memory_space<hbm>>, %arg3: memref<50008x16xf32, #tpu.memory_space<hbm>>, %arg4: memref<6656x128xi32, #tpu.memory_space<hbm>>, %arg5: memref<6656x128xi32, #tpu.memory_space<hbm>>, %arg6: memref<50008x16xf32, #tpu.memory_space<hbm>>, %arg7: memref<2x50008x16xf32, #tpu.memory_space<hbm>>, %arg8: memref<240x128xi32, #tpu.memory_space<vmem>>, %arg9: memref<240x128xi32, #tpu.memory_space<vmem>>, %arg10: memref<128x80xi32, #tpu.memory_space<vmem>>, %arg11: memref<128x16xf32, #tpu.memory_space<vmem>>, %arg12: memref<128x16xf32, #tpu.memory_space<vmem>>, %arg13: memref<128x16xf32, #tpu.memory_space<vmem>>, %arg14: memref<50008x16xf32, #tpu.memory_space<vmem_shared>>, %arg15: memref<!tpu.dma_semaphore, #tpu.memory_space<semaphore_mem>>) attributes {dimension_semantics = [#tpu.dimension_semantics<core_parallel>, #tpu.dimension_semantics<subcore_parallel>], iteration_bounds = array<i64: 2, 16>, scalar_prefetch = 0 : i64, scratch_operands = 8 : i64, tpu.core_type = #tpu.core_type<sc_vector_subcore>, window_params = [{transform_indices = #map}, {transform_indices = #map}, {transform_indices = #map}, {transform_indices = #map}, {transform_indices = #map}, {transform_indices = #map1}]} {
    %mul3A = arith.constant 2 : i32
    %mul3A_0 = arith.muli %arg1, %mul3A : i32
    %add3A = arith.addi %mul3A_0, %arg0 : i32
    %eq3A = arith.constant 0 : i32
    %eq3A_1 = arith.cmpi eq, %arg1, %eq3A : i32
    %convert_element_type3A = arith.extui %eq3A_1 : i1 to i32
    %cond3A = arith.constant 0 : i32
    %cond3A_2 = arith.cmpi ne, %convert_element_type3A, %cond3A : i32
    scf.if %cond3A_2 {
      "tpu.region"() ({
        %run_scoped3A = tpu.sem_alloc : memref<!tpu.dma_semaphore, #tpu.memory_space<semaphore_mem>>
        tpu.enqueue_dma source(%arg6 : memref<50008x16xf32, #tpu.memory_space<hbm>>) target(%arg14 : memref<50008x16xf32, #tpu.memory_space<vmem_shared>>) target_semaphore(%run_scoped3A : memref<!tpu.dma_semaphore, #tpu.memory_space<semaphore_mem>>)
        tpu.wait_dma2 semaphore(%run_scoped3A : memref<!tpu.dma_semaphore, #tpu.memory_space<semaphore_mem>>) src(%arg6 : memref<50008x16xf32, #tpu.memory_space<hbm>>) dst(%arg14 : memref<50008x16xf32, #tpu.memory_space<vmem_shared>>)
        tpu.yield
      }) : () -> ()
    } else {
    }
    %mul3A_3 = arith.constant 400 : i32
    %mul3A_4 = arith.muli %arg1, %mul3A_3 : i32
    %mul3A_5 = arith.constant 240 : i32
    %mul3A_6 = arith.muli %arg0, %mul3A_5 : i32
    %add3A_7 = arith.addi %mul3A_4, %mul3A_6 : i32
    %eq3A_8 = arith.constant 0 : i32
    %eq3A_9 = arith.cmpi eq, %arg0, %eq3A_8 : i32
    %jit3A = arith.constant 240 : i32
    %jit3A_10 = arith.constant 160 : i32
    %select_n3A = arith.select %eq3A_9, %jit3A, %jit3A_10 : i32
    "tpu.region"() ({
      %run_scoped3A = tpu.sem_alloc : memref<!tpu.dma_semaphore, #tpu.memory_space<semaphore_mem>>
      %dma_start3A = arith.constant 0 : i32
      %dma_start3A_31 = tpu.memref_slice %arg4[%add3A_7, %dma_start3A] : memref<6656x128xi32, #tpu.memory_space<hbm>> -> memref<240x128xi32, #tpu.memory_space<hbm>>
      %dma_start3A_32 = arith.constant 0 : i32
      %dma_start3A_33 = tpu.memref_slice %arg4[%add3A_7, %dma_start3A_32] : memref<6656x128xi32, #tpu.memory_space<hbm>> -> memref<240x128xi32, #tpu.memory_space<hbm>>
      tpu.enqueue_dma source(%dma_start3A_33 : memref<240x128xi32, #tpu.memory_space<hbm>>) target(%arg8 : memref<240x128xi32, #tpu.memory_space<vmem>>) target_semaphore(%run_scoped3A : memref<!tpu.dma_semaphore, #tpu.memory_space<semaphore_mem>>)
      %dma_wait3A = arith.constant 0 : i32
      %dma_wait3A_34 = tpu.memref_slice %arg4[%add3A_7, %dma_wait3A] : memref<6656x128xi32, #tpu.memory_space<hbm>> -> memref<240x128xi32, #tpu.memory_space<hbm>>
      %dma_wait3A_35 = arith.constant 0 : i32
      %dma_wait3A_36 = tpu.memref_slice %arg4[%add3A_7, %dma_wait3A_35] : memref<6656x128xi32, #tpu.memory_space<hbm>> -> memref<240x128xi32, #tpu.memory_space<hbm>>
      tpu.wait_dma2 semaphore(%run_scoped3A : memref<!tpu.dma_semaphore, #tpu.memory_space<semaphore_mem>>) src(%dma_wait3A_36 : memref<240x128xi32, #tpu.memory_space<hbm>>) dst(%arg8 : memref<240x128xi32, #tpu.memory_space<vmem>>)
      tpu.yield
    }) : () -> ()
    "tpu.region"() ({
      %run_scoped3A = tpu.sem_alloc : memref<!tpu.dma_semaphore, #tpu.memory_space<semaphore_mem>>
      %dma_start3A = arith.constant 0 : i32
      %dma_start3A_31 = tpu.memref_slice %arg5[%add3A_7, %dma_start3A] : memref<6656x128xi32, #tpu.memory_space<hbm>> -> memref<240x128xi32, #tpu.memory_space<hbm>>
      %dma_start3A_32 = arith.constant 0 : i32
      %dma_start3A_33 = tpu.memref_slice %arg5[%add3A_7, %dma_start3A_32] : memref<6656x128xi32, #tpu.memory_space<hbm>> -> memref<240x128xi32, #tpu.memory_space<hbm>>
      tpu.enqueue_dma source(%dma_start3A_33 : memref<240x128xi32, #tpu.memory_space<hbm>>) target(%arg9 : memref<240x128xi32, #tpu.memory_space<vmem>>) target_semaphore(%run_scoped3A : memref<!tpu.dma_semaphore, #tpu.memory_space<semaphore_mem>>)
      %dma_wait3A = arith.constant 0 : i32
      %dma_wait3A_34 = tpu.memref_slice %arg5[%add3A_7, %dma_wait3A] : memref<6656x128xi32, #tpu.memory_space<hbm>> -> memref<240x128xi32, #tpu.memory_space<hbm>>
      %dma_wait3A_35 = arith.constant 0 : i32
      %dma_wait3A_36 = tpu.memref_slice %arg5[%add3A_7, %dma_wait3A_35] : memref<6656x128xi32, #tpu.memory_space<hbm>> -> memref<240x128xi32, #tpu.memory_space<hbm>>
      tpu.wait_dma2 semaphore(%run_scoped3A : memref<!tpu.dma_semaphore, #tpu.memory_space<semaphore_mem>>) src(%dma_wait3A_36 : memref<240x128xi32, #tpu.memory_space<hbm>>) dst(%arg9 : memref<240x128xi32, #tpu.memory_space<vmem>>)
      tpu.yield
    }) : () -> ()
    %barrier3A = arith.constant 0 : index
    tpu.barrier barrier_id(%barrier3A)
    %iota3A = tpu.iota {dimensions = array<i32: 0>} : vector<16xi32>
    %add3A_11 = arith.constant 8 : i32
    %add3A_12 = vector.broadcast %add3A_11 : i32 to vector<16xi32>
    %add3A_13 = arith.addi %iota3A, %add3A_12 : vector<16xi32>
    %and3A = arith.constant 15 : i32
    %and3A_14 = vector.broadcast %and3A : i32 to vector<16xi32>
    %and3A_15 = arith.andi %add3A_13, %and3A_14 : vector<16xi32>
    %while3A = arith.constant 0 : i32
    %while3A_16 = arith.constant 0 : i32
    %while3A_17 = arith.subi %select_n3A, %while3A_16 : i32
    %while3A_18 = arith.addi %while3A_16, %while3A_17 : i32
    %while3A_19 = arith.constant 1 : i32
    %while3A_20 = arith.divsi %while3A_17, %while3A_19 : i32
    %while3A_21 = arith.muli %while3A_20, %while3A_19 : i32
    %while3A_22 = arith.addi %while3A_16, %while3A_21 : i32
    %while3A_23 = arith.constant 1 : i32
    scf.for %while3A_31 = %while3A_16 to %while3A_22 step %while3A_23  : i32 {
      %dma_start3A = arith.constant 0 : i32
      %dma_start3A_32 = tpu.memref_slice %arg8[%while3A_31, %dma_start3A] : memref<240x128xi32, #tpu.memory_space<vmem>> -> memref<1x128xi32, #tpu.memory_space<vmem>>
      %dma_start3A_33 = tpu.memref_squeeze %dma_start3A_32 : memref<1x128xi32, #tpu.memory_space<vmem>> -> memref<128xi32, #tpu.memory_space<vmem>>
      %dma_start3A_34 = arith.constant 0 : i32
      %dma_start3A_35 = arith.constant 0 : i32
      %dma_start3A_36 = tpu.memref_slice %arg2[%dma_start3A_34, %dma_start3A_35] : memref<10008x80xi32, #tpu.memory_space<hbm>> -> memref<10008x80xi32, #tpu.memory_space<hbm>>
      tpu.enqueue_indirect_dma source(%dma_start3A_36 : memref<10008x80xi32, #tpu.memory_space<hbm>>) target(%arg10 : memref<128x80xi32, #tpu.memory_space<vmem>>) offsets(%dma_start3A_33 : memref<128xi32, #tpu.memory_space<vmem>>) semaphore(%arg15 : memref<!tpu.dma_semaphore, #tpu.memory_space<semaphore_mem>>)
      %dma_start3A_37 = arith.constant 0 : i32
      %dma_start3A_38 = tpu.memref_slice %arg9[%while3A_31, %dma_start3A_37] : memref<240x128xi32, #tpu.memory_space<vmem>> -> memref<1x128xi32, #tpu.memory_space<vmem>>
      %dma_start3A_39 = tpu.memref_squeeze %dma_start3A_38 : memref<1x128xi32, #tpu.memory_space<vmem>> -> memref<128xi32, #tpu.memory_space<vmem>>
      %dma_start3A_40 = arith.constant 0 : i32
      %dma_start3A_41 = arith.constant 0 : i32
      %dma_start3A_42 = tpu.memref_slice %arg3[%dma_start3A_40, %dma_start3A_41] : memref<50008x16xf32, #tpu.memory_space<hbm>> -> memref<50008x16xf32, #tpu.memory_space<hbm>>
      tpu.enqueue_indirect_dma source(%dma_start3A_42 : memref<50008x16xf32, #tpu.memory_space<hbm>>) target(%arg11 : memref<128x16xf32, #tpu.memory_space<vmem>>) offsets(%dma_start3A_39 : memref<128xi32, #tpu.memory_space<vmem>>) semaphore(%arg15 : memref<!tpu.dma_semaphore, #tpu.memory_space<semaphore_mem>>)
      %dma_wait3A = arith.constant 0 : i32
      %dma_wait3A_43 = arith.constant 0 : i32
      %dma_wait3A_44 = tpu.memref_slice %arg8[%dma_wait3A, %dma_wait3A_43] : memref<240x128xi32, #tpu.memory_space<vmem>> -> memref<1x128xi32, #tpu.memory_space<vmem>>
      %dma_wait3A_45 = tpu.memref_squeeze %dma_wait3A_44 : memref<1x128xi32, #tpu.memory_space<vmem>> -> memref<128xi32, #tpu.memory_space<vmem>>
      %dma_wait3A_46 = arith.constant 0 : i32
      %dma_wait3A_47 = arith.constant 0 : i32
      %dma_wait3A_48 = tpu.memref_slice %arg2[%dma_wait3A_46, %dma_wait3A_47] : memref<10008x80xi32, #tpu.memory_space<hbm>> -> memref<10008x80xi32, #tpu.memory_space<hbm>>
      tpu.wait_indirect_dma semaphore(%arg15 : memref<!tpu.dma_semaphore, #tpu.memory_space<semaphore_mem>>) src(%dma_wait3A_48 : memref<10008x80xi32, #tpu.memory_space<hbm>>) dst(%arg10 : memref<128x80xi32, #tpu.memory_space<vmem>>)
      %dma_wait3A_49 = arith.constant 0 : i32
      %dma_wait3A_50 = arith.constant 0 : i32
      %dma_wait3A_51 = tpu.memref_slice %arg9[%dma_wait3A_49, %dma_wait3A_50] : memref<240x128xi32, #tpu.memory_space<vmem>> -> memref<1x128xi32, #tpu.memory_space<vmem>>
      %dma_wait3A_52 = tpu.memref_squeeze %dma_wait3A_51 : memref<1x128xi32, #tpu.memory_space<vmem>> -> memref<128xi32, #tpu.memory_space<vmem>>
      %dma_wait3A_53 = arith.constant 0 : i32
      %dma_wait3A_54 = arith.constant 0 : i32
      %dma_wait3A_55 = tpu.memref_slice %arg3[%dma_wait3A_53, %dma_wait3A_54] : memref<50008x16xf32, #tpu.memory_space<hbm>> -> memref<50008x16xf32, #tpu.memory_space<hbm>>
      tpu.wait_indirect_dma semaphore(%arg15 : memref<!tpu.dma_semaphore, #tpu.memory_space<semaphore_mem>>) src(%dma_wait3A_55 : memref<50008x16xf32, #tpu.memory_space<hbm>>) dst(%arg11 : memref<128x16xf32, #tpu.memory_space<vmem>>)
      %scan3A = arith.constant 0 : i32
      %scan3A_56 = arith.constant 0 : i32
      %scan3A_57 = arith.constant 64 : i32
      %scan3A_58 = arith.addi %scan3A_56, %scan3A_57 : i32
      %scan3A_59 = arith.constant 1 : i32
      scf.for %scan3A_61 = %scan3A_56 to %scan3A_58 step %scan3A_59  : i32 {
        %mul3A_62 = arith.constant 2 : i32
        %mul3A_63 = arith.muli %scan3A_61, %mul3A_62 : i32
        %add3A_64 = arith.constant 0 : i32
        %add3A_65 = arith.addi %mul3A_63, %add3A_64 : i32
        %get3A = arith.index_cast %add3A_65 : i32 to index
        %get3A_66 = arith.constant 64 : index
        %get3A_67 = tpu.vector_load %arg10[%get3A, %get3A_66] {strides = array<i32>} : memref<128x80xi32, #tpu.memory_space<vmem>>, vector<16xi32>,
        %bitcast_convert_type3A = tpu.bitcast %get3A_67 : vector<16xi32> -> vector<16xf32>
        %get3A_68 = arith.index_cast %add3A_65 : i32 to index
        %get3A_69 = arith.constant 0 : index
        %get3A_70 = tpu.vector_load %arg11[%get3A_68, %get3A_69] {strides = array<i32>} : memref<128x16xf32, #tpu.memory_space<vmem>>, vector<16xf32>,
        %add3A_71 = arith.addf %bitcast_convert_type3A, %get3A_70 : vector<16xf32>
        %jit3A_72 = arith.constant 2.000000e-01 : f32
        %ge3A = arith.constant 0.000000e+00 : f32
        %ge3A_73 = vector.broadcast %ge3A : f32 to vector<16xf32>
        %ge3A_74 = arith.cmpf oge, %add3A_71, %ge3A_73 : vector<16xf32>
        %mul3A_75 = vector.broadcast %jit3A_72 : f32 to vector<16xf32>
        %mul3A_76 = arith.mulf %mul3A_75, %add3A_71 : vector<16xf32>
        %select_n3A_77 = arith.select %ge3A_74, %add3A_71, %mul3A_76 : vector<16xi1>, vector<16xf32>
        %exp3A = math.exp %select_n3A_77 : vector<16xf32>
        %broadcast_in_dim3A = vector.broadcast %add3A_65 : i32 to vector<16xi32>
        %gather3A = tpu.vector_load_idx %arg11[%broadcast_in_dim3A, %and3A_15] : memref<128x16xf32, #tpu.memory_space<vmem>>[vector<16xi32>, vector<16xi32>], vector<16xf32>,
        %mul3A_78 = arith.mulf %exp3A, %gather3A : vector<16xf32>
        %swap3A = arith.index_cast %add3A_65 : i32 to index
        %swap3A_79 = arith.constant 0 : index
        %swap3A_80 = tpu.vector_load %arg12[%swap3A, %swap3A_79] {strides = array<i32>} : memref<128x16xf32, #tpu.memory_space<vmem>>, vector<16xf32>,
        tpu.vector_store %arg12[%swap3A, %swap3A_79], %mul3A_78 {strides = array<i32>} : memref<128x16xf32, #tpu.memory_space<vmem>>, vector<16xf32>,
        %mul3A_81 = arith.constant 2 : i32
        %mul3A_82 = arith.muli %scan3A_61, %mul3A_81 : i32
        %add3A_83 = arith.constant 1 : i32
        %add3A_84 = arith.addi %mul3A_82, %add3A_83 : i32
        %get3A_85 = arith.index_cast %add3A_84 : i32 to index
        %get3A_86 = arith.constant 64 : index
        %get3A_87 = tpu.vector_load %arg10[%get3A_85, %get3A_86] {strides = array<i32>} : memref<128x80xi32, #tpu.memory_space<vmem>>, vector<16xi32>,
        %bitcast_convert_type3A_88 = tpu.bitcast %get3A_87 : vector<16xi32> -> vector<16xf32>
        %get3A_89 = arith.index_cast %add3A_84 : i32 to index
        %get3A_90 = arith.constant 0 : index
        %get3A_91 = tpu.vector_load %arg11[%get3A_89, %get3A_90] {strides = array<i32>} : memref<128x16xf32, #tpu.memory_space<vmem>>, vector<16xf32>,
        %add3A_92 = arith.addf %bitcast_convert_type3A_88, %get3A_91 : vector<16xf32>
        %jit3A_93 = arith.constant 2.000000e-01 : f32
        %ge3A_94 = arith.constant 0.000000e+00 : f32
        %ge3A_95 = vector.broadcast %ge3A_94 : f32 to vector<16xf32>
        %ge3A_96 = arith.cmpf oge, %add3A_92, %ge3A_95 : vector<16xf32>
        %mul3A_97 = vector.broadcast %jit3A_93 : f32 to vector<16xf32>
        %mul3A_98 = arith.mulf %mul3A_97, %add3A_92 : vector<16xf32>
        %select_n3A_99 = arith.select %ge3A_96, %add3A_92, %mul3A_98 : vector<16xi1>, vector<16xf32>
        %exp3A_100 = math.exp %select_n3A_99 : vector<16xf32>
        %broadcast_in_dim3A_101 = vector.broadcast %add3A_84 : i32 to vector<16xi32>
        %gather3A_102 = tpu.vector_load_idx %arg11[%broadcast_in_dim3A_101, %and3A_15] : memref<128x16xf32, #tpu.memory_space<vmem>>[vector<16xi32>, vector<16xi32>], vector<16xf32>,
        %mul3A_103 = arith.mulf %exp3A_100, %gather3A_102 : vector<16xf32>
        %swap3A_104 = arith.index_cast %add3A_84 : i32 to index
        %swap3A_105 = arith.constant 0 : index
        %swap3A_106 = tpu.vector_load %arg12[%swap3A_104, %swap3A_105] {strides = array<i32>} : memref<128x16xf32, #tpu.memory_space<vmem>>, vector<16xf32>,
        tpu.vector_store %arg12[%swap3A_104, %swap3A_105], %mul3A_103 {strides = array<i32>} : memref<128x16xf32, #tpu.memory_space<vmem>>, vector<16xf32>,
        %mul3A_107 = arith.constant 2 : i32
        %mul3A_108 = arith.muli %scan3A_61, %mul3A_107 : i32
        %add3A_109 = arith.constant 0 : i32
        %add3A_110 = arith.addi %mul3A_108, %add3A_109 : i32
        %broadcast_in_dim3A_111 = arith.constant 0.000000e+00 : f32
        %broadcast_in_dim3A_112 = vector.broadcast %broadcast_in_dim3A_111 : f32 to vector<16xf32>
        %get3A_113 = arith.index_cast %add3A_110 : i32 to index
        %get3A_114 = arith.constant 0 : index
        %get3A_115 = tpu.vector_load %arg10[%get3A_113, %get3A_114] {strides = array<i32>} : memref<128x80xi32, #tpu.memory_space<vmem>>, vector<16xi32>,
        %and3A_116 = arith.constant -65536 : i32
        %and3A_117 = vector.broadcast %and3A_116 : i32 to vector<16xi32>
        %and3A_118 = arith.andi %get3A_115, %and3A_117 : vector<16xi32>
        %bitcast_convert_type3A_119 = tpu.bitcast %and3A_118 : vector<16xi32> -> vector<16xf32>
        %shift_left3A = arith.constant 16 : i32
        %shift_left3A_120 = vector.broadcast %shift_left3A : i32 to vector<16xi32>
        %shift_left3A_121 = arith.shli %get3A_115, %shift_left3A_120 : vector<16xi32>
        %bitcast_convert_type3A_122 = tpu.bitcast %shift_left3A_121 : vector<16xi32> -> vector<16xf32>
        %broadcast_in_dim3A_123 = vector.broadcast %add3A_110 : i32 to vector<16xi32>
        %broadcast_in_dim3A_124 = arith.constant 0 : i32
        %broadcast_in_dim3A_125 = vector.broadcast %broadcast_in_dim3A_124 : i32 to vector<16xi32>
        %gather3A_126 = tpu.vector_load_idx %arg12[%broadcast_in_dim3A_123, %broadcast_in_dim3A_125] : memref<128x16xf32, #tpu.memory_space<vmem>>[vector<16xi32>, vector<16xi32>], vector<16xf32>,
        %broadcast_in_dim3A_127 = vector.broadcast %add3A_110 : i32 to vector<16xi32>
        %broadcast_in_dim3A_128 = arith.constant 1 : i32
        %broadcast_in_dim3A_129 = vector.broadcast %broadcast_in_dim3A_128 : i32 to vector<16xi32>
        %gather3A_130 = tpu.vector_load_idx %arg12[%broadcast_in_dim3A_127, %broadcast_in_dim3A_129] : memref<128x16xf32, #tpu.memory_space<vmem>>[vector<16xi32>, vector<16xi32>], vector<16xf32>,
        %mul3A_131 = arith.mulf %gather3A_126, %bitcast_convert_type3A_119 : vector<16xf32>
        %add3A_132 = arith.addf %broadcast_in_dim3A_112, %mul3A_131 : vector<16xf32>
        %mul3A_133 = arith.mulf %gather3A_130, %bitcast_convert_type3A_122 : vector<16xf32>
        %add3A_134 = arith.addf %add3A_132, %mul3A_133 : vector<16xf32>
        %get3A_135 = arith.index_cast %add3A_110 : i32 to index
        %get3A_136 = arith.constant 16 : index
        %get3A_137 = tpu.vector_load %arg10[%get3A_135, %get3A_136] {strides = array<i32>} : memref<128x80xi32, #tpu.memory_space<vmem>>, vector<16xi32>,
        %and3A_138 = arith.constant -65536 : i32
        %and3A_139 = vector.broadcast %and3A_138 : i32 to vector<16xi32>
        %and3A_140 = arith.andi %get3A_137, %and3A_139 : vector<16xi32>
        %bitcast_convert_type3A_141 = tpu.bitcast %and3A_140 : vector<16xi32> -> vector<16xf32>
        %shift_left3A_142 = arith.constant 16 : i32
        %shift_left3A_143 = vector.broadcast %shift_left3A_142 : i32 to vector<16xi32>
        %shift_left3A_144 = arith.shli %get3A_137, %shift_left3A_143 : vector<16xi32>
        %bitcast_convert_type3A_145 = tpu.bitcast %shift_left3A_144 : vector<16xi32> -> vector<16xf32>
        %broadcast_in_dim3A_146 = vector.broadcast %add3A_110 : i32 to vector<16xi32>
        %broadcast_in_dim3A_147 = arith.constant 2 : i32
        %broadcast_in_dim3A_148 = vector.broadcast %broadcast_in_dim3A_147 : i32 to vector<16xi32>
        %gather3A_149 = tpu.vector_load_idx %arg12[%broadcast_in_dim3A_146, %broadcast_in_dim3A_148] : memref<128x16xf32, #tpu.memory_space<vmem>>[vector<16xi32>, vector<16xi32>], vector<16xf32>,
        %broadcast_in_dim3A_150 = vector.broadcast %add3A_110 : i32 to vector<16xi32>
        %broadcast_in_dim3A_151 = arith.constant 3 : i32
        %broadcast_in_dim3A_152 = vector.broadcast %broadcast_in_dim3A_151 : i32 to vector<16xi32>
        %gather3A_153 = tpu.vector_load_idx %arg12[%broadcast_in_dim3A_150, %broadcast_in_dim3A_152] : memref<128x16xf32, #tpu.memory_space<vmem>>[vector<16xi32>, vector<16xi32>], vector<16xf32>,
        %mul3A_154 = arith.mulf %gather3A_149, %bitcast_convert_type3A_141 : vector<16xf32>
        %add3A_155 = arith.addf %add3A_134, %mul3A_154 : vector<16xf32>
        %mul3A_156 = arith.mulf %gather3A_153, %bitcast_convert_type3A_145 : vector<16xf32>
        %add3A_157 = arith.addf %add3A_155, %mul3A_156 : vector<16xf32>
        %get3A_158 = arith.index_cast %add3A_110 : i32 to index
        %get3A_159 = arith.constant 32 : index
        %get3A_160 = tpu.vector_load %arg10[%get3A_158, %get3A_159] {strides = array<i32>} : memref<128x80xi32, #tpu.memory_space<vmem>>, vector<16xi32>,
        %and3A_161 = arith.constant -65536 : i32
        %and3A_162 = vector.broadcast %and3A_161 : i32 to vector<16xi32>
        %and3A_163 = arith.andi %get3A_160, %and3A_162 : vector<16xi32>
        %bitcast_convert_type3A_164 = tpu.bitcast %and3A_163 : vector<16xi32> -> vector<16xf32>
        %shift_left3A_165 = arith.constant 16 : i32
        %shift_left3A_166 = vector.broadcast %shift_left3A_165 : i32 to vector<16xi32>
        %shift_left3A_167 = arith.shli %get3A_160, %shift_left3A_166 : vector<16xi32>
        %bitcast_convert_type3A_168 = tpu.bitcast %shift_left3A_167 : vector<16xi32> -> vector<16xf32>
        %broadcast_in_dim3A_169 = vector.broadcast %add3A_110 : i32 to vector<16xi32>
        %broadcast_in_dim3A_170 = arith.constant 4 : i32
        %broadcast_in_dim3A_171 = vector.broadcast %broadcast_in_dim3A_170 : i32 to vector<16xi32>
        %gather3A_172 = tpu.vector_load_idx %arg12[%broadcast_in_dim3A_169, %broadcast_in_dim3A_171] : memref<128x16xf32, #tpu.memory_space<vmem>>[vector<16xi32>, vector<16xi32>], vector<16xf32>,
        %broadcast_in_dim3A_173 = vector.broadcast %add3A_110 : i32 to vector<16xi32>
        %broadcast_in_dim3A_174 = arith.constant 5 : i32
        %broadcast_in_dim3A_175 = vector.broadcast %broadcast_in_dim3A_174 : i32 to vector<16xi32>
        %gather3A_176 = tpu.vector_load_idx %arg12[%broadcast_in_dim3A_173, %broadcast_in_dim3A_175] : memref<128x16xf32, #tpu.memory_space<vmem>>[vector<16xi32>, vector<16xi32>], vector<16xf32>,
        %mul3A_177 = arith.mulf %gather3A_172, %bitcast_convert_type3A_164 : vector<16xf32>
        %add3A_178 = arith.addf %add3A_157, %mul3A_177 : vector<16xf32>
        %mul3A_179 = arith.mulf %gather3A_176, %bitcast_convert_type3A_168 : vector<16xf32>
        %add3A_180 = arith.addf %add3A_178, %mul3A_179 : vector<16xf32>
        %get3A_181 = arith.index_cast %add3A_110 : i32 to index
        %get3A_182 = arith.constant 48 : index
        %get3A_183 = tpu.vector_load %arg10[%get3A_181, %get3A_182] {strides = array<i32>} : memref<128x80xi32, #tpu.memory_space<vmem>>, vector<16xi32>,
        %and3A_184 = arith.constant -65536 : i32
        %and3A_185 = vector.broadcast %and3A_184 : i32 to vector<16xi32>
        %and3A_186 = arith.andi %get3A_183, %and3A_185 : vector<16xi32>
        %bitcast_convert_type3A_187 = tpu.bitcast %and3A_186 : vector<16xi32> -> vector<16xf32>
        %shift_left3A_188 = arith.constant 16 : i32
        %shift_left3A_189 = vector.broadcast %shift_left3A_188 : i32 to vector<16xi32>
        %shift_left3A_190 = arith.shli %get3A_183, %shift_left3A_189 : vector<16xi32>
        %bitcast_convert_type3A_191 = tpu.bitcast %shift_left3A_190 : vector<16xi32> -> vector<16xf32>
        %broadcast_in_dim3A_192 = vector.broadcast %add3A_110 : i32 to vector<16xi32>
        %broadcast_in_dim3A_193 = arith.constant 6 : i32
        %broadcast_in_dim3A_194 = vector.broadcast %broadcast_in_dim3A_193 : i32 to vector<16xi32>
        %gather3A_195 = tpu.vector_load_idx %arg12[%broadcast_in_dim3A_192, %broadcast_in_dim3A_194] : memref<128x16xf32, #tpu.memory_space<vmem>>[vector<16xi32>, vector<16xi32>], vector<16xf32>,
        %broadcast_in_dim3A_196 = vector.broadcast %add3A_110 : i32 to vector<16xi32>
        %broadcast_in_dim3A_197 = arith.constant 7 : i32
        %broadcast_in_dim3A_198 = vector.broadcast %broadcast_in_dim3A_197 : i32 to vector<16xi32>
        %gather3A_199 = tpu.vector_load_idx %arg12[%broadcast_in_dim3A_196, %broadcast_in_dim3A_198] : memref<128x16xf32, #tpu.memory_space<vmem>>[vector<16xi32>, vector<16xi32>], vector<16xf32>,
        %mul3A_200 = arith.mulf %gather3A_195, %bitcast_convert_type3A_187 : vector<16xf32>
        %add3A_201 = arith.addf %add3A_180, %mul3A_200 : vector<16xf32>
        %mul3A_202 = arith.mulf %gather3A_199, %bitcast_convert_type3A_191 : vector<16xf32>
        %add3A_203 = arith.addf %add3A_201, %mul3A_202 : vector<16xf32>
        %swap3A_204 = arith.index_cast %add3A_110 : i32 to index
        %swap3A_205 = arith.constant 0 : index
        %swap3A_206 = tpu.vector_load %arg13[%swap3A_204, %swap3A_205] {strides = array<i32>} : memref<128x16xf32, #tpu.memory_space<vmem>>, vector<16xf32>,
        tpu.vector_store %arg13[%swap3A_204, %swap3A_205], %add3A_203 {strides = array<i32>} : memref<128x16xf32, #tpu.memory_space<vmem>>, vector<16xf32>,
        %mul3A_207 = arith.constant 2 : i32
        %mul3A_208 = arith.muli %scan3A_61, %mul3A_207 : i32
        %add3A_209 = arith.constant 1 : i32
        %add3A_210 = arith.addi %mul3A_208, %add3A_209 : i32
        %broadcast_in_dim3A_211 = arith.constant 0.000000e+00 : f32
        %broadcast_in_dim3A_212 = vector.broadcast %broadcast_in_dim3A_211 : f32 to vector<16xf32>
        %get3A_213 = arith.index_cast %add3A_210 : i32 to index
        %get3A_214 = arith.constant 0 : index
        %get3A_215 = tpu.vector_load %arg10[%get3A_213, %get3A_214] {strides = array<i32>} : memref<128x80xi32, #tpu.memory_space<vmem>>, vector<16xi32>,
        %and3A_216 = arith.constant -65536 : i32
        %and3A_217 = vector.broadcast %and3A_216 : i32 to vector<16xi32>
        %and3A_218 = arith.andi %get3A_215, %and3A_217 : vector<16xi32>
        %bitcast_convert_type3A_219 = tpu.bitcast %and3A_218 : vector<16xi32> -> vector<16xf32>
        %shift_left3A_220 = arith.constant 16 : i32
        %shift_left3A_221 = vector.broadcast %shift_left3A_220 : i32 to vector<16xi32>
        %shift_left3A_222 = arith.shli %get3A_215, %shift_left3A_221 : vector<16xi32>
        %bitcast_convert_type3A_223 = tpu.bitcast %shift_left3A_222 : vector<16xi32> -> vector<16xf32>
        %broadcast_in_dim3A_224 = vector.broadcast %add3A_210 : i32 to vector<16xi32>
        %broadcast_in_dim3A_225 = arith.constant 0 : i32
        %broadcast_in_dim3A_226 = vector.broadcast %broadcast_in_dim3A_225 : i32 to vector<16xi32>
        %gather3A_227 = tpu.vector_load_idx %arg12[%broadcast_in_dim3A_224, %broadcast_in_dim3A_226] : memref<128x16xf32, #tpu.memory_space<vmem>>[vector<16xi32>, vector<16xi32>], vector<16xf32>,
        %broadcast_in_dim3A_228 = vector.broadcast %add3A_210 : i32 to vector<16xi32>
        %broadcast_in_dim3A_229 = arith.constant 1 : i32
        %broadcast_in_dim3A_230 = vector.broadcast %broadcast_in_dim3A_229 : i32 to vector<16xi32>
        %gather3A_231 = tpu.vector_load_idx %arg12[%broadcast_in_dim3A_228, %broadcast_in_dim3A_230] : memref<128x16xf32, #tpu.memory_space<vmem>>[vector<16xi32>, vector<16xi32>], vector<16xf32>,
        %mul3A_232 = arith.mulf %gather3A_227, %bitcast_convert_type3A_219 : vector<16xf32>
        %add3A_233 = arith.addf %broadcast_in_dim3A_212, %mul3A_232 : vector<16xf32>
        %mul3A_234 = arith.mulf %gather3A_231, %bitcast_convert_type3A_223 : vector<16xf32>
        %add3A_235 = arith.addf %add3A_233, %mul3A_234 : vector<16xf32>
        %get3A_236 = arith.index_cast %add3A_210 : i32 to index
        %get3A_237 = arith.constant 16 : index
        %get3A_238 = tpu.vector_load %arg10[%get3A_236, %get3A_237] {strides = array<i32>} : memref<128x80xi32, #tpu.memory_space<vmem>>, vector<16xi32>,
        %and3A_239 = arith.constant -65536 : i32
        %and3A_240 = vector.broadcast %and3A_239 : i32 to vector<16xi32>
        %and3A_241 = arith.andi %get3A_238, %and3A_240 : vector<16xi32>
        %bitcast_convert_type3A_242 = tpu.bitcast %and3A_241 : vector<16xi32> -> vector<16xf32>
        %shift_left3A_243 = arith.constant 16 : i32
        %shift_left3A_244 = vector.broadcast %shift_left3A_243 : i32 to vector<16xi32>
        %shift_left3A_245 = arith.shli %get3A_238, %shift_left3A_244 : vector<16xi32>
        %bitcast_convert_type3A_246 = tpu.bitcast %shift_left3A_245 : vector<16xi32> -> vector<16xf32>
        %broadcast_in_dim3A_247 = vector.broadcast %add3A_210 : i32 to vector<16xi32>
        %broadcast_in_dim3A_248 = arith.constant 2 : i32
        %broadcast_in_dim3A_249 = vector.broadcast %broadcast_in_dim3A_248 : i32 to vector<16xi32>
        %gather3A_250 = tpu.vector_load_idx %arg12[%broadcast_in_dim3A_247, %broadcast_in_dim3A_249] : memref<128x16xf32, #tpu.memory_space<vmem>>[vector<16xi32>, vector<16xi32>], vector<16xf32>,
        %broadcast_in_dim3A_251 = vector.broadcast %add3A_210 : i32 to vector<16xi32>
        %broadcast_in_dim3A_252 = arith.constant 3 : i32
        %broadcast_in_dim3A_253 = vector.broadcast %broadcast_in_dim3A_252 : i32 to vector<16xi32>
        %gather3A_254 = tpu.vector_load_idx %arg12[%broadcast_in_dim3A_251, %broadcast_in_dim3A_253] : memref<128x16xf32, #tpu.memory_space<vmem>>[vector<16xi32>, vector<16xi32>], vector<16xf32>,
        %mul3A_255 = arith.mulf %gather3A_250, %bitcast_convert_type3A_242 : vector<16xf32>
        %add3A_256 = arith.addf %add3A_235, %mul3A_255 : vector<16xf32>
        %mul3A_257 = arith.mulf %gather3A_254, %bitcast_convert_type3A_246 : vector<16xf32>
        %add3A_258 = arith.addf %add3A_256, %mul3A_257 : vector<16xf32>
        %get3A_259 = arith.index_cast %add3A_210 : i32 to index
        %get3A_260 = arith.constant 32 : index
        %get3A_261 = tpu.vector_load %arg10[%get3A_259, %get3A_260] {strides = array<i32>} : memref<128x80xi32, #tpu.memory_space<vmem>>, vector<16xi32>,
        %and3A_262 = arith.constant -65536 : i32
        %and3A_263 = vector.broadcast %and3A_262 : i32 to vector<16xi32>
        %and3A_264 = arith.andi %get3A_261, %and3A_263 : vector<16xi32>
        %bitcast_convert_type3A_265 = tpu.bitcast %and3A_264 : vector<16xi32> -> vector<16xf32>
        %shift_left3A_266 = arith.constant 16 : i32
        %shift_left3A_267 = vector.broadcast %shift_left3A_266 : i32 to vector<16xi32>
        %shift_left3A_268 = arith.shli %get3A_261, %shift_left3A_267 : vector<16xi32>
        %bitcast_convert_type3A_269 = tpu.bitcast %shift_left3A_268 : vector<16xi32> -> vector<16xf32>
        %broadcast_in_dim3A_270 = vector.broadcast %add3A_210 : i32 to vector<16xi32>
        %broadcast_in_dim3A_271 = arith.constant 4 : i32
        %broadcast_in_dim3A_272 = vector.broadcast %broadcast_in_dim3A_271 : i32 to vector<16xi32>
        %gather3A_273 = tpu.vector_load_idx %arg12[%broadcast_in_dim3A_270, %broadcast_in_dim3A_272] : memref<128x16xf32, #tpu.memory_space<vmem>>[vector<16xi32>, vector<16xi32>], vector<16xf32>,
        %broadcast_in_dim3A_274 = vector.broadcast %add3A_210 : i32 to vector<16xi32>
        %broadcast_in_dim3A_275 = arith.constant 5 : i32
        %broadcast_in_dim3A_276 = vector.broadcast %broadcast_in_dim3A_275 : i32 to vector<16xi32>
        %gather3A_277 = tpu.vector_load_idx %arg12[%broadcast_in_dim3A_274, %broadcast_in_dim3A_276] : memref<128x16xf32, #tpu.memory_space<vmem>>[vector<16xi32>, vector<16xi32>], vector<16xf32>,
        %mul3A_278 = arith.mulf %gather3A_273, %bitcast_convert_type3A_265 : vector<16xf32>
        %add3A_279 = arith.addf %add3A_258, %mul3A_278 : vector<16xf32>
        %mul3A_280 = arith.mulf %gather3A_277, %bitcast_convert_type3A_269 : vector<16xf32>
        %add3A_281 = arith.addf %add3A_279, %mul3A_280 : vector<16xf32>
        %get3A_282 = arith.index_cast %add3A_210 : i32 to index
        %get3A_283 = arith.constant 48 : index
        %get3A_284 = tpu.vector_load %arg10[%get3A_282, %get3A_283] {strides = array<i32>} : memref<128x80xi32, #tpu.memory_space<vmem>>, vector<16xi32>,
        %and3A_285 = arith.constant -65536 : i32
        %and3A_286 = vector.broadcast %and3A_285 : i32 to vector<16xi32>
        %and3A_287 = arith.andi %get3A_284, %and3A_286 : vector<16xi32>
        %bitcast_convert_type3A_288 = tpu.bitcast %and3A_287 : vector<16xi32> -> vector<16xf32>
        %shift_left3A_289 = arith.constant 16 : i32
        %shift_left3A_290 = vector.broadcast %shift_left3A_289 : i32 to vector<16xi32>
        %shift_left3A_291 = arith.shli %get3A_284, %shift_left3A_290 : vector<16xi32>
        %bitcast_convert_type3A_292 = tpu.bitcast %shift_left3A_291 : vector<16xi32> -> vector<16xf32>
        %broadcast_in_dim3A_293 = vector.broadcast %add3A_210 : i32 to vector<16xi32>
        %broadcast_in_dim3A_294 = arith.constant 6 : i32
        %broadcast_in_dim3A_295 = vector.broadcast %broadcast_in_dim3A_294 : i32 to vector<16xi32>
        %gather3A_296 = tpu.vector_load_idx %arg12[%broadcast_in_dim3A_293, %broadcast_in_dim3A_295] : memref<128x16xf32, #tpu.memory_space<vmem>>[vector<16xi32>, vector<16xi32>], vector<16xf32>,
        %broadcast_in_dim3A_297 = vector.broadcast %add3A_210 : i32 to vector<16xi32>
        %broadcast_in_dim3A_298 = arith.constant 7 : i32
        %broadcast_in_dim3A_299 = vector.broadcast %broadcast_in_dim3A_298 : i32 to vector<16xi32>
        %gather3A_300 = tpu.vector_load_idx %arg12[%broadcast_in_dim3A_297, %broadcast_in_dim3A_299] : memref<128x16xf32, #tpu.memory_space<vmem>>[vector<16xi32>, vector<16xi32>], vector<16xf32>,
        %mul3A_301 = arith.mulf %gather3A_296, %bitcast_convert_type3A_288 : vector<16xf32>
        %add3A_302 = arith.addf %add3A_281, %mul3A_301 : vector<16xf32>
        %mul3A_303 = arith.mulf %gather3A_300, %bitcast_convert_type3A_292 : vector<16xf32>
        %add3A_304 = arith.addf %add3A_302, %mul3A_303 : vector<16xf32>
        %swap3A_305 = arith.index_cast %add3A_210 : i32 to index
        %swap3A_306 = arith.constant 0 : index
        %swap3A_307 = tpu.vector_load %arg13[%swap3A_305, %swap3A_306] {strides = array<i32>} : memref<128x16xf32, #tpu.memory_space<vmem>>, vector<16xf32>,
        tpu.vector_store %arg13[%swap3A_305, %swap3A_306], %add3A_304 {strides = array<i32>} : memref<128x16xf32, #tpu.memory_space<vmem>>, vector<16xf32>,
      }
      %scan3A_60 = arith.constant 64 : i32
      "tpu.region"() ({
        %run_scoped3A = tpu.sem_alloc : memref<!tpu.dma_semaphore, #tpu.memory_space<semaphore_mem>>
        %dma_start3A_61 = arith.constant 0 : i32
        %dma_start3A_62 = tpu.memref_slice %arg9[%while3A_31, %dma_start3A_61] : memref<240x128xi32, #tpu.memory_space<vmem>> -> memref<1x128xi32, #tpu.memory_space<vmem>>
        %dma_start3A_63 = tpu.memref_squeeze %dma_start3A_62 : memref<1x128xi32, #tpu.memory_space<vmem>> -> memref<128xi32, #tpu.memory_space<vmem>>
        %dma_start3A_64 = arith.constant 0 : i32
        %dma_start3A_65 = arith.constant 0 : i32
        %dma_start3A_66 = tpu.memref_slice %arg14[%dma_start3A_64, %dma_start3A_65] : memref<50008x16xf32, #tpu.memory_space<vmem_shared>> -> memref<50008x16xf32, #tpu.memory_space<vmem_shared>>
        tpu.enqueue_indirect_dma source(%arg13 : memref<128x16xf32, #tpu.memory_space<vmem>>) target(%dma_start3A_66 : memref<50008x16xf32, #tpu.memory_space<vmem_shared>>) offsets(%dma_start3A_63 : memref<128xi32, #tpu.memory_space<vmem>>) semaphore(%run_scoped3A : memref<!tpu.dma_semaphore, #tpu.memory_space<semaphore_mem>>) {add = true}
        %dma_wait3A_67 = arith.constant 0 : i32
        %dma_wait3A_68 = tpu.memref_slice %arg9[%while3A_31, %dma_wait3A_67] : memref<240x128xi32, #tpu.memory_space<vmem>> -> memref<1x128xi32, #tpu.memory_space<vmem>>
        %dma_wait3A_69 = tpu.memref_squeeze %dma_wait3A_68 : memref<1x128xi32, #tpu.memory_space<vmem>> -> memref<128xi32, #tpu.memory_space<vmem>>
        %dma_wait3A_70 = arith.constant 0 : i32
        %dma_wait3A_71 = arith.constant 0 : i32
        %dma_wait3A_72 = tpu.memref_slice %arg14[%dma_wait3A_70, %dma_wait3A_71] : memref<50008x16xf32, #tpu.memory_space<vmem_shared>> -> memref<50008x16xf32, #tpu.memory_space<vmem_shared>>
        tpu.wait_indirect_dma semaphore(%run_scoped3A : memref<!tpu.dma_semaphore, #tpu.memory_space<semaphore_mem>>) src(%arg13 : memref<128x16xf32, #tpu.memory_space<vmem>>) dst(%dma_wait3A_72 : memref<50008x16xf32, #tpu.memory_space<vmem_shared>>)
        tpu.yield
      }) : () -> ()
    }
    %while3A_24 = arith.constant 1 : i32
    scf.for %while3A_31 = %while3A_22 to %while3A_18 step %while3A_24  : i32 {
      %dma_start3A = arith.constant 0 : i32
      %dma_start3A_32 = tpu.memref_slice %arg8[%while3A_31, %dma_start3A] : memref<240x128xi32, #tpu.memory_space<vmem>> -> memref<1x128xi32, #tpu.memory_space<vmem>>
      %dma_start3A_33 = tpu.memref_squeeze %dma_start3A_32 : memref<1x128xi32, #tpu.memory_space<vmem>> -> memref<128xi32, #tpu.memory_space<vmem>>
      %dma_start3A_34 = arith.constant 0 : i32
      %dma_start3A_35 = arith.constant 0 : i32
      %dma_start3A_36 = tpu.memref_slice %arg2[%dma_start3A_34, %dma_start3A_35] : memref<10008x80xi32, #tpu.memory_space<hbm>> -> memref<10008x80xi32, #tpu.memory_space<hbm>>
      tpu.enqueue_indirect_dma source(%dma_start3A_36 : memref<10008x80xi32, #tpu.memory_space<hbm>>) target(%arg10 : memref<128x80xi32, #tpu.memory_space<vmem>>) offsets(%dma_start3A_33 : memref<128xi32, #tpu.memory_space<vmem>>) semaphore(%arg15 : memref<!tpu.dma_semaphore, #tpu.memory_space<semaphore_mem>>)
      %dma_start3A_37 = arith.constant 0 : i32
      %dma_start3A_38 = tpu.memref_slice %arg9[%while3A_31, %dma_start3A_37] : memref<240x128xi32, #tpu.memory_space<vmem>> -> memref<1x128xi32, #tpu.memory_space<vmem>>
      %dma_start3A_39 = tpu.memref_squeeze %dma_start3A_38 : memref<1x128xi32, #tpu.memory_space<vmem>> -> memref<128xi32, #tpu.memory_space<vmem>>
      %dma_start3A_40 = arith.constant 0 : i32
      %dma_start3A_41 = arith.constant 0 : i32
      %dma_start3A_42 = tpu.memref_slice %arg3[%dma_start3A_40, %dma_start3A_41] : memref<50008x16xf32, #tpu.memory_space<hbm>> -> memref<50008x16xf32, #tpu.memory_space<hbm>>
      tpu.enqueue_indirect_dma source(%dma_start3A_42 : memref<50008x16xf32, #tpu.memory_space<hbm>>) target(%arg11 : memref<128x16xf32, #tpu.memory_space<vmem>>) offsets(%dma_start3A_39 : memref<128xi32, #tpu.memory_space<vmem>>) semaphore(%arg15 : memref<!tpu.dma_semaphore, #tpu.memory_space<semaphore_mem>>)
      %dma_wait3A = arith.constant 0 : i32
      %dma_wait3A_43 = arith.constant 0 : i32
      %dma_wait3A_44 = tpu.memref_slice %arg8[%dma_wait3A, %dma_wait3A_43] : memref<240x128xi32, #tpu.memory_space<vmem>> -> memref<1x128xi32, #tpu.memory_space<vmem>>
      %dma_wait3A_45 = tpu.memref_squeeze %dma_wait3A_44 : memref<1x128xi32, #tpu.memory_space<vmem>> -> memref<128xi32, #tpu.memory_space<vmem>>
      %dma_wait3A_46 = arith.constant 0 : i32
      %dma_wait3A_47 = arith.constant 0 : i32
      %dma_wait3A_48 = tpu.memref_slice %arg2[%dma_wait3A_46, %dma_wait3A_47] : memref<10008x80xi32, #tpu.memory_space<hbm>> -> memref<10008x80xi32, #tpu.memory_space<hbm>>
      tpu.wait_indirect_dma semaphore(%arg15 : memref<!tpu.dma_semaphore, #tpu.memory_space<semaphore_mem>>) src(%dma_wait3A_48 : memref<10008x80xi32, #tpu.memory_space<hbm>>) dst(%arg10 : memref<128x80xi32, #tpu.memory_space<vmem>>)
      %dma_wait3A_49 = arith.constant 0 : i32
      %dma_wait3A_50 = arith.constant 0 : i32
      %dma_wait3A_51 = tpu.memref_slice %arg9[%dma_wait3A_49, %dma_wait3A_50] : memref<240x128xi32, #tpu.memory_space<vmem>> -> memref<1x128xi32, #tpu.memory_space<vmem>>
      %dma_wait3A_52 = tpu.memref_squeeze %dma_wait3A_51 : memref<1x128xi32, #tpu.memory_space<vmem>> -> memref<128xi32, #tpu.memory_space<vmem>>
      %dma_wait3A_53 = arith.constant 0 : i32
      %dma_wait3A_54 = arith.constant 0 : i32
      %dma_wait3A_55 = tpu.memref_slice %arg3[%dma_wait3A_53, %dma_wait3A_54] : memref<50008x16xf32, #tpu.memory_space<hbm>> -> memref<50008x16xf32, #tpu.memory_space<hbm>>
      tpu.wait_indirect_dma semaphore(%arg15 : memref<!tpu.dma_semaphore, #tpu.memory_space<semaphore_mem>>) src(%dma_wait3A_55 : memref<50008x16xf32, #tpu.memory_space<hbm>>) dst(%arg11 : memref<128x16xf32, #tpu.memory_space<vmem>>)
      %scan3A = arith.constant 0 : i32
      %scan3A_56 = arith.constant 0 : i32
      %scan3A_57 = arith.constant 64 : i32
      %scan3A_58 = arith.addi %scan3A_56, %scan3A_57 : i32
      %scan3A_59 = arith.constant 1 : i32
      scf.for %scan3A_61 = %scan3A_56 to %scan3A_58 step %scan3A_59  : i32 {
        %mul3A_62 = arith.constant 2 : i32
        %mul3A_63 = arith.muli %scan3A_61, %mul3A_62 : i32
        %add3A_64 = arith.constant 0 : i32
        %add3A_65 = arith.addi %mul3A_63, %add3A_64 : i32
        %get3A = arith.index_cast %add3A_65 : i32 to index
        %get3A_66 = arith.constant 64 : index
        %get3A_67 = tpu.vector_load %arg10[%get3A, %get3A_66] {strides = array<i32>} : memref<128x80xi32, #tpu.memory_space<vmem>>, vector<16xi32>,
        %bitcast_convert_type3A = tpu.bitcast %get3A_67 : vector<16xi32> -> vector<16xf32>
        %get3A_68 = arith.index_cast %add3A_65 : i32 to index
        %get3A_69 = arith.constant 0 : index
        %get3A_70 = tpu.vector_load %arg11[%get3A_68, %get3A_69] {strides = array<i32>} : memref<128x16xf32, #tpu.memory_space<vmem>>, vector<16xf32>,
        %add3A_71 = arith.addf %bitcast_convert_type3A, %get3A_70 : vector<16xf32>
        %jit3A_72 = arith.constant 2.000000e-01 : f32
        %ge3A = arith.constant 0.000000e+00 : f32
        %ge3A_73 = vector.broadcast %ge3A : f32 to vector<16xf32>
        %ge3A_74 = arith.cmpf oge, %add3A_71, %ge3A_73 : vector<16xf32>
        %mul3A_75 = vector.broadcast %jit3A_72 : f32 to vector<16xf32>
        %mul3A_76 = arith.mulf %mul3A_75, %add3A_71 : vector<16xf32>
        %select_n3A_77 = arith.select %ge3A_74, %add3A_71, %mul3A_76 : vector<16xi1>, vector<16xf32>
        %exp3A = math.exp %select_n3A_77 : vector<16xf32>
        %broadcast_in_dim3A = vector.broadcast %add3A_65 : i32 to vector<16xi32>
        %gather3A = tpu.vector_load_idx %arg11[%broadcast_in_dim3A, %and3A_15] : memref<128x16xf32, #tpu.memory_space<vmem>>[vector<16xi32>, vector<16xi32>], vector<16xf32>,
        %mul3A_78 = arith.mulf %exp3A, %gather3A : vector<16xf32>
        %swap3A = arith.index_cast %add3A_65 : i32 to index
        %swap3A_79 = arith.constant 0 : index
        %swap3A_80 = tpu.vector_load %arg12[%swap3A, %swap3A_79] {strides = array<i32>} : memref<128x16xf32, #tpu.memory_space<vmem>>, vector<16xf32>,
        tpu.vector_store %arg12[%swap3A, %swap3A_79], %mul3A_78 {strides = array<i32>} : memref<128x16xf32, #tpu.memory_space<vmem>>, vector<16xf32>,
        %mul3A_81 = arith.constant 2 : i32
        %mul3A_82 = arith.muli %scan3A_61, %mul3A_81 : i32
        %add3A_83 = arith.constant 1 : i32
        %add3A_84 = arith.addi %mul3A_82, %add3A_83 : i32
        %get3A_85 = arith.index_cast %add3A_84 : i32 to index
        %get3A_86 = arith.constant 64 : index
        %get3A_87 = tpu.vector_load %arg10[%get3A_85, %get3A_86] {strides = array<i32>} : memref<128x80xi32, #tpu.memory_space<vmem>>, vector<16xi32>,
        %bitcast_convert_type3A_88 = tpu.bitcast %get3A_87 : vector<16xi32> -> vector<16xf32>
        %get3A_89 = arith.index_cast %add3A_84 : i32 to index
        %get3A_90 = arith.constant 0 : index
        %get3A_91 = tpu.vector_load %arg11[%get3A_89, %get3A_90] {strides = array<i32>} : memref<128x16xf32, #tpu.memory_space<vmem>>, vector<16xf32>,
        %add3A_92 = arith.addf %bitcast_convert_type3A_88, %get3A_91 : vector<16xf32>
        %jit3A_93 = arith.constant 2.000000e-01 : f32
        %ge3A_94 = arith.constant 0.000000e+00 : f32
        %ge3A_95 = vector.broadcast %ge3A_94 : f32 to vector<16xf32>
        %ge3A_96 = arith.cmpf oge, %add3A_92, %ge3A_95 : vector<16xf32>
        %mul3A_97 = vector.broadcast %jit3A_93 : f32 to vector<16xf32>
        %mul3A_98 = arith.mulf %mul3A_97, %add3A_92 : vector<16xf32>
        %select_n3A_99 = arith.select %ge3A_96, %add3A_92, %mul3A_98 : vector<16xi1>, vector<16xf32>
        %exp3A_100 = math.exp %select_n3A_99 : vector<16xf32>
        %broadcast_in_dim3A_101 = vector.broadcast %add3A_84 : i32 to vector<16xi32>
        %gather3A_102 = tpu.vector_load_idx %arg11[%broadcast_in_dim3A_101, %and3A_15] : memref<128x16xf32, #tpu.memory_space<vmem>>[vector<16xi32>, vector<16xi32>], vector<16xf32>,
        %mul3A_103 = arith.mulf %exp3A_100, %gather3A_102 : vector<16xf32>
        %swap3A_104 = arith.index_cast %add3A_84 : i32 to index
        %swap3A_105 = arith.constant 0 : index
        %swap3A_106 = tpu.vector_load %arg12[%swap3A_104, %swap3A_105] {strides = array<i32>} : memref<128x16xf32, #tpu.memory_space<vmem>>, vector<16xf32>,
        tpu.vector_store %arg12[%swap3A_104, %swap3A_105], %mul3A_103 {strides = array<i32>} : memref<128x16xf32, #tpu.memory_space<vmem>>, vector<16xf32>,
        %mul3A_107 = arith.constant 2 : i32
        %mul3A_108 = arith.muli %scan3A_61, %mul3A_107 : i32
        %add3A_109 = arith.constant 0 : i32
        %add3A_110 = arith.addi %mul3A_108, %add3A_109 : i32
        %broadcast_in_dim3A_111 = arith.constant 0.000000e+00 : f32
        %broadcast_in_dim3A_112 = vector.broadcast %broadcast_in_dim3A_111 : f32 to vector<16xf32>
        %get3A_113 = arith.index_cast %add3A_110 : i32 to index
        %get3A_114 = arith.constant 0 : index
        %get3A_115 = tpu.vector_load %arg10[%get3A_113, %get3A_114] {strides = array<i32>} : memref<128x80xi32, #tpu.memory_space<vmem>>, vector<16xi32>,
        %and3A_116 = arith.constant -65536 : i32
        %and3A_117 = vector.broadcast %and3A_116 : i32 to vector<16xi32>
        %and3A_118 = arith.andi %get3A_115, %and3A_117 : vector<16xi32>
        %bitcast_convert_type3A_119 = tpu.bitcast %and3A_118 : vector<16xi32> -> vector<16xf32>
        %shift_left3A = arith.constant 16 : i32
        %shift_left3A_120 = vector.broadcast %shift_left3A : i32 to vector<16xi32>
        %shift_left3A_121 = arith.shli %get3A_115, %shift_left3A_120 : vector<16xi32>
        %bitcast_convert_type3A_122 = tpu.bitcast %shift_left3A_121 : vector<16xi32> -> vector<16xf32>
        %broadcast_in_dim3A_123 = vector.broadcast %add3A_110 : i32 to vector<16xi32>
        %broadcast_in_dim3A_124 = arith.constant 0 : i32
        %broadcast_in_dim3A_125 = vector.broadcast %broadcast_in_dim3A_124 : i32 to vector<16xi32>
        %gather3A_126 = tpu.vector_load_idx %arg12[%broadcast_in_dim3A_123, %broadcast_in_dim3A_125] : memref<128x16xf32, #tpu.memory_space<vmem>>[vector<16xi32>, vector<16xi32>], vector<16xf32>,
        %broadcast_in_dim3A_127 = vector.broadcast %add3A_110 : i32 to vector<16xi32>
        %broadcast_in_dim3A_128 = arith.constant 1 : i32
        %broadcast_in_dim3A_129 = vector.broadcast %broadcast_in_dim3A_128 : i32 to vector<16xi32>
        %gather3A_130 = tpu.vector_load_idx %arg12[%broadcast_in_dim3A_127, %broadcast_in_dim3A_129] : memref<128x16xf32, #tpu.memory_space<vmem>>[vector<16xi32>, vector<16xi32>], vector<16xf32>,
        %mul3A_131 = arith.mulf %gather3A_126, %bitcast_convert_type3A_119 : vector<16xf32>
        %add3A_132 = arith.addf %broadcast_in_dim3A_112, %mul3A_131 : vector<16xf32>
        %mul3A_133 = arith.mulf %gather3A_130, %bitcast_convert_type3A_122 : vector<16xf32>
        %add3A_134 = arith.addf %add3A_132, %mul3A_133 : vector<16xf32>
        %get3A_135 = arith.index_cast %add3A_110 : i32 to index
        %get3A_136 = arith.constant 16 : index
        %get3A_137 = tpu.vector_load %arg10[%get3A_135, %get3A_136] {strides = array<i32>} : memref<128x80xi32, #tpu.memory_space<vmem>>, vector<16xi32>,
        %and3A_138 = arith.constant -65536 : i32
        %and3A_139 = vector.broadcast %and3A_138 : i32 to vector<16xi32>
        %and3A_140 = arith.andi %get3A_137, %and3A_139 : vector<16xi32>
        %bitcast_convert_type3A_141 = tpu.bitcast %and3A_140 : vector<16xi32> -> vector<16xf32>
        %shift_left3A_142 = arith.constant 16 : i32
        %shift_left3A_143 = vector.broadcast %shift_left3A_142 : i32 to vector<16xi32>
        %shift_left3A_144 = arith.shli %get3A_137, %shift_left3A_143 : vector<16xi32>
        %bitcast_convert_type3A_145 = tpu.bitcast %shift_left3A_144 : vector<16xi32> -> vector<16xf32>
        %broadcast_in_dim3A_146 = vector.broadcast %add3A_110 : i32 to vector<16xi32>
        %broadcast_in_dim3A_147 = arith.constant 2 : i32
        %broadcast_in_dim3A_148 = vector.broadcast %broadcast_in_dim3A_147 : i32 to vector<16xi32>
        %gather3A_149 = tpu.vector_load_idx %arg12[%broadcast_in_dim3A_146, %broadcast_in_dim3A_148] : memref<128x16xf32, #tpu.memory_space<vmem>>[vector<16xi32>, vector<16xi32>], vector<16xf32>,
        %broadcast_in_dim3A_150 = vector.broadcast %add3A_110 : i32 to vector<16xi32>
        %broadcast_in_dim3A_151 = arith.constant 3 : i32
        %broadcast_in_dim3A_152 = vector.broadcast %broadcast_in_dim3A_151 : i32 to vector<16xi32>
        %gather3A_153 = tpu.vector_load_idx %arg12[%broadcast_in_dim3A_150, %broadcast_in_dim3A_152] : memref<128x16xf32, #tpu.memory_space<vmem>>[vector<16xi32>, vector<16xi32>], vector<16xf32>,
        %mul3A_154 = arith.mulf %gather3A_149, %bitcast_convert_type3A_141 : vector<16xf32>
        %add3A_155 = arith.addf %add3A_134, %mul3A_154 : vector<16xf32>
        %mul3A_156 = arith.mulf %gather3A_153, %bitcast_convert_type3A_145 : vector<16xf32>
        %add3A_157 = arith.addf %add3A_155, %mul3A_156 : vector<16xf32>
        %get3A_158 = arith.index_cast %add3A_110 : i32 to index
        %get3A_159 = arith.constant 32 : index
        %get3A_160 = tpu.vector_load %arg10[%get3A_158, %get3A_159] {strides = array<i32>} : memref<128x80xi32, #tpu.memory_space<vmem>>, vector<16xi32>,
        %and3A_161 = arith.constant -65536 : i32
        %and3A_162 = vector.broadcast %and3A_161 : i32 to vector<16xi32>
        %and3A_163 = arith.andi %get3A_160, %and3A_162 : vector<16xi32>
        %bitcast_convert_type3A_164 = tpu.bitcast %and3A_163 : vector<16xi32> -> vector<16xf32>
        %shift_left3A_165 = arith.constant 16 : i32
        %shift_left3A_166 = vector.broadcast %shift_left3A_165 : i32 to vector<16xi32>
        %shift_left3A_167 = arith.shli %get3A_160, %shift_left3A_166 : vector<16xi32>
        %bitcast_convert_type3A_168 = tpu.bitcast %shift_left3A_167 : vector<16xi32> -> vector<16xf32>
        %broadcast_in_dim3A_169 = vector.broadcast %add3A_110 : i32 to vector<16xi32>
        %broadcast_in_dim3A_170 = arith.constant 4 : i32
        %broadcast_in_dim3A_171 = vector.broadcast %broadcast_in_dim3A_170 : i32 to vector<16xi32>
        %gather3A_172 = tpu.vector_load_idx %arg12[%broadcast_in_dim3A_169, %broadcast_in_dim3A_171] : memref<128x16xf32, #tpu.memory_space<vmem>>[vector<16xi32>, vector<16xi32>], vector<16xf32>,
        %broadcast_in_dim3A_173 = vector.broadcast %add3A_110 : i32 to vector<16xi32>
        %broadcast_in_dim3A_174 = arith.constant 5 : i32
        %broadcast_in_dim3A_175 = vector.broadcast %broadcast_in_dim3A_174 : i32 to vector<16xi32>
        %gather3A_176 = tpu.vector_load_idx %arg12[%broadcast_in_dim3A_173, %broadcast_in_dim3A_175] : memref<128x16xf32, #tpu.memory_space<vmem>>[vector<16xi32>, vector<16xi32>], vector<16xf32>,
        %mul3A_177 = arith.mulf %gather3A_172, %bitcast_convert_type3A_164 : vector<16xf32>
        %add3A_178 = arith.addf %add3A_157, %mul3A_177 : vector<16xf32>
        %mul3A_179 = arith.mulf %gather3A_176, %bitcast_convert_type3A_168 : vector<16xf32>
        %add3A_180 = arith.addf %add3A_178, %mul3A_179 : vector<16xf32>
        %get3A_181 = arith.index_cast %add3A_110 : i32 to index
        %get3A_182 = arith.constant 48 : index
        %get3A_183 = tpu.vector_load %arg10[%get3A_181, %get3A_182] {strides = array<i32>} : memref<128x80xi32, #tpu.memory_space<vmem>>, vector<16xi32>,
        %and3A_184 = arith.constant -65536 : i32
        %and3A_185 = vector.broadcast %and3A_184 : i32 to vector<16xi32>
        %and3A_186 = arith.andi %get3A_183, %and3A_185 : vector<16xi32>
        %bitcast_convert_type3A_187 = tpu.bitcast %and3A_186 : vector<16xi32> -> vector<16xf32>
        %shift_left3A_188 = arith.constant 16 : i32
        %shift_left3A_189 = vector.broadcast %shift_left3A_188 : i32 to vector<16xi32>
        %shift_left3A_190 = arith.shli %get3A_183, %shift_left3A_189 : vector<16xi32>
        %bitcast_convert_type3A_191 = tpu.bitcast %shift_left3A_190 : vector<16xi32> -> vector<16xf32>
        %broadcast_in_dim3A_192 = vector.broadcast %add3A_110 : i32 to vector<16xi32>
        %broadcast_in_dim3A_193 = arith.constant 6 : i32
        %broadcast_in_dim3A_194 = vector.broadcast %broadcast_in_dim3A_193 : i32 to vector<16xi32>
        %gather3A_195 = tpu.vector_load_idx %arg12[%broadcast_in_dim3A_192, %broadcast_in_dim3A_194] : memref<128x16xf32, #tpu.memory_space<vmem>>[vector<16xi32>, vector<16xi32>], vector<16xf32>,
        %broadcast_in_dim3A_196 = vector.broadcast %add3A_110 : i32 to vector<16xi32>
        %broadcast_in_dim3A_197 = arith.constant 7 : i32
        %broadcast_in_dim3A_198 = vector.broadcast %broadcast_in_dim3A_197 : i32 to vector<16xi32>
        %gather3A_199 = tpu.vector_load_idx %arg12[%broadcast_in_dim3A_196, %broadcast_in_dim3A_198] : memref<128x16xf32, #tpu.memory_space<vmem>>[vector<16xi32>, vector<16xi32>], vector<16xf32>,
        %mul3A_200 = arith.mulf %gather3A_195, %bitcast_convert_type3A_187 : vector<16xf32>
        %add3A_201 = arith.addf %add3A_180, %mul3A_200 : vector<16xf32>
        %mul3A_202 = arith.mulf %gather3A_199, %bitcast_convert_type3A_191 : vector<16xf32>
        %add3A_203 = arith.addf %add3A_201, %mul3A_202 : vector<16xf32>
        %swap3A_204 = arith.index_cast %add3A_110 : i32 to index
        %swap3A_205 = arith.constant 0 : index
        %swap3A_206 = tpu.vector_load %arg13[%swap3A_204, %swap3A_205] {strides = array<i32>} : memref<128x16xf32, #tpu.memory_space<vmem>>, vector<16xf32>,
        tpu.vector_store %arg13[%swap3A_204, %swap3A_205], %add3A_203 {strides = array<i32>} : memref<128x16xf32, #tpu.memory_space<vmem>>, vector<16xf32>,
        %mul3A_207 = arith.constant 2 : i32
        %mul3A_208 = arith.muli %scan3A_61, %mul3A_207 : i32
        %add3A_209 = arith.constant 1 : i32
        %add3A_210 = arith.addi %mul3A_208, %add3A_209 : i32
        %broadcast_in_dim3A_211 = arith.constant 0.000000e+00 : f32
        %broadcast_in_dim3A_212 = vector.broadcast %broadcast_in_dim3A_211 : f32 to vector<16xf32>
        %get3A_213 = arith.index_cast %add3A_210 : i32 to index
        %get3A_214 = arith.constant 0 : index
        %get3A_215 = tpu.vector_load %arg10[%get3A_213, %get3A_214] {strides = array<i32>} : memref<128x80xi32, #tpu.memory_space<vmem>>, vector<16xi32>,
        %and3A_216 = arith.constant -65536 : i32
        %and3A_217 = vector.broadcast %and3A_216 : i32 to vector<16xi32>
        %and3A_218 = arith.andi %get3A_215, %and3A_217 : vector<16xi32>
        %bitcast_convert_type3A_219 = tpu.bitcast %and3A_218 : vector<16xi32> -> vector<16xf32>
        %shift_left3A_220 = arith.constant 16 : i32
        %shift_left3A_221 = vector.broadcast %shift_left3A_220 : i32 to vector<16xi32>
        %shift_left3A_222 = arith.shli %get3A_215, %shift_left3A_221 : vector<16xi32>
        %bitcast_convert_type3A_223 = tpu.bitcast %shift_left3A_222 : vector<16xi32> -> vector<16xf32>
        %broadcast_in_dim3A_224 = vector.broadcast %add3A_210 : i32 to vector<16xi32>
        %broadcast_in_dim3A_225 = arith.constant 0 : i32
        %broadcast_in_dim3A_226 = vector.broadcast %broadcast_in_dim3A_225 : i32 to vector<16xi32>
        %gather3A_227 = tpu.vector_load_idx %arg12[%broadcast_in_dim3A_224, %broadcast_in_dim3A_226] : memref<128x16xf32, #tpu.memory_space<vmem>>[vector<16xi32>, vector<16xi32>], vector<16xf32>,
        %broadcast_in_dim3A_228 = vector.broadcast %add3A_210 : i32 to vector<16xi32>
        %broadcast_in_dim3A_229 = arith.constant 1 : i32
        %broadcast_in_dim3A_230 = vector.broadcast %broadcast_in_dim3A_229 : i32 to vector<16xi32>
        %gather3A_231 = tpu.vector_load_idx %arg12[%broadcast_in_dim3A_228, %broadcast_in_dim3A_230] : memref<128x16xf32, #tpu.memory_space<vmem>>[vector<16xi32>, vector<16xi32>], vector<16xf32>,
        %mul3A_232 = arith.mulf %gather3A_227, %bitcast_convert_type3A_219 : vector<16xf32>
        %add3A_233 = arith.addf %broadcast_in_dim3A_212, %mul3A_232 : vector<16xf32>
        %mul3A_234 = arith.mulf %gather3A_231, %bitcast_convert_type3A_223 : vector<16xf32>
        %add3A_235 = arith.addf %add3A_233, %mul3A_234 : vector<16xf32>
        %get3A_236 = arith.index_cast %add3A_210 : i32 to index
        %get3A_237 = arith.constant 16 : index
        %get3A_238 = tpu.vector_load %arg10[%get3A_236, %get3A_237] {strides = array<i32>} : memref<128x80xi32, #tpu.memory_space<vmem>>, vector<16xi32>,
        %and3A_239 = arith.constant -65536 : i32
        %and3A_240 = vector.broadcast %and3A_239 : i32 to vector<16xi32>
        %and3A_241 = arith.andi %get3A_238, %and3A_240 : vector<16xi32>
        %bitcast_convert_type3A_242 = tpu.bitcast %and3A_241 : vector<16xi32> -> vector<16xf32>
        %shift_left3A_243 = arith.constant 16 : i32
        %shift_left3A_244 = vector.broadcast %shift_left3A_243 : i32 to vector<16xi32>
        %shift_left3A_245 = arith.shli %get3A_238, %shift_left3A_244 : vector<16xi32>
        %bitcast_convert_type3A_246 = tpu.bitcast %shift_left3A_245 : vector<16xi32> -> vector<16xf32>
        %broadcast_in_dim3A_247 = vector.broadcast %add3A_210 : i32 to vector<16xi32>
        %broadcast_in_dim3A_248 = arith.constant 2 : i32
        %broadcast_in_dim3A_249 = vector.broadcast %broadcast_in_dim3A_248 : i32 to vector<16xi32>
        %gather3A_250 = tpu.vector_load_idx %arg12[%broadcast_in_dim3A_247, %broadcast_in_dim3A_249] : memref<128x16xf32, #tpu.memory_space<vmem>>[vector<16xi32>, vector<16xi32>], vector<16xf32>,
        %broadcast_in_dim3A_251 = vector.broadcast %add3A_210 : i32 to vector<16xi32>
        %broadcast_in_dim3A_252 = arith.constant 3 : i32
        %broadcast_in_dim3A_253 = vector.broadcast %broadcast_in_dim3A_252 : i32 to vector<16xi32>
        %gather3A_254 = tpu.vector_load_idx %arg12[%broadcast_in_dim3A_251, %broadcast_in_dim3A_253] : memref<128x16xf32, #tpu.memory_space<vmem>>[vector<16xi32>, vector<16xi32>], vector<16xf32>,
        %mul3A_255 = arith.mulf %gather3A_250, %bitcast_convert_type3A_242 : vector<16xf32>
        %add3A_256 = arith.addf %add3A_235, %mul3A_255 : vector<16xf32>
        %mul3A_257 = arith.mulf %gather3A_254, %bitcast_convert_type3A_246 : vector<16xf32>
        %add3A_258 = arith.addf %add3A_256, %mul3A_257 : vector<16xf32>
        %get3A_259 = arith.index_cast %add3A_210 : i32 to index
        %get3A_260 = arith.constant 32 : index
        %get3A_261 = tpu.vector_load %arg10[%get3A_259, %get3A_260] {strides = array<i32>} : memref<128x80xi32, #tpu.memory_space<vmem>>, vector<16xi32>,
        %and3A_262 = arith.constant -65536 : i32
        %and3A_263 = vector.broadcast %and3A_262 : i32 to vector<16xi32>
        %and3A_264 = arith.andi %get3A_261, %and3A_263 : vector<16xi32>
        %bitcast_convert_type3A_265 = tpu.bitcast %and3A_264 : vector<16xi32> -> vector<16xf32>
        %shift_left3A_266 = arith.constant 16 : i32
        %shift_left3A_267 = vector.broadcast %shift_left3A_266 : i32 to vector<16xi32>
        %shift_left3A_268 = arith.shli %get3A_261, %shift_left3A_267 : vector<16xi32>
        %bitcast_convert_type3A_269 = tpu.bitcast %shift_left3A_268 : vector<16xi32> -> vector<16xf32>
        %broadcast_in_dim3A_270 = vector.broadcast %add3A_210 : i32 to vector<16xi32>
        %broadcast_in_dim3A_271 = arith.constant 4 : i32
        %broadcast_in_dim3A_272 = vector.broadcast %broadcast_in_dim3A_271 : i32 to vector<16xi32>
        %gather3A_273 = tpu.vector_load_idx %arg12[%broadcast_in_dim3A_270, %broadcast_in_dim3A_272] : memref<128x16xf32, #tpu.memory_space<vmem>>[vector<16xi32>, vector<16xi32>], vector<16xf32>,
        %broadcast_in_dim3A_274 = vector.broadcast %add3A_210 : i32 to vector<16xi32>
        %broadcast_in_dim3A_275 = arith.constant 5 : i32
        %broadcast_in_dim3A_276 = vector.broadcast %broadcast_in_dim3A_275 : i32 to vector<16xi32>
        %gather3A_277 = tpu.vector_load_idx %arg12[%broadcast_in_dim3A_274, %broadcast_in_dim3A_276] : memref<128x16xf32, #tpu.memory_space<vmem>>[vector<16xi32>, vector<16xi32>], vector<16xf32>,
        %mul3A_278 = arith.mulf %gather3A_273, %bitcast_convert_type3A_265 : vector<16xf32>
        %add3A_279 = arith.addf %add3A_258, %mul3A_278 : vector<16xf32>
        %mul3A_280 = arith.mulf %gather3A_277, %bitcast_convert_type3A_269 : vector<16xf32>
        %add3A_281 = arith.addf %add3A_279, %mul3A_280 : vector<16xf32>
        %get3A_282 = arith.index_cast %add3A_210 : i32 to index
        %get3A_283 = arith.constant 48 : index
        %get3A_284 = tpu.vector_load %arg10[%get3A_282, %get3A_283] {strides = array<i32>} : memref<128x80xi32, #tpu.memory_space<vmem>>, vector<16xi32>,
        %and3A_285 = arith.constant -65536 : i32
        %and3A_286 = vector.broadcast %and3A_285 : i32 to vector<16xi32>
        %and3A_287 = arith.andi %get3A_284, %and3A_286 : vector<16xi32>
        %bitcast_convert_type3A_288 = tpu.bitcast %and3A_287 : vector<16xi32> -> vector<16xf32>
        %shift_left3A_289 = arith.constant 16 : i32
        %shift_left3A_290 = vector.broadcast %shift_left3A_289 : i32 to vector<16xi32>
        %shift_left3A_291 = arith.shli %get3A_284, %shift_left3A_290 : vector<16xi32>
        %bitcast_convert_type3A_292 = tpu.bitcast %shift_left3A_291 : vector<16xi32> -> vector<16xf32>
        %broadcast_in_dim3A_293 = vector.broadcast %add3A_210 : i32 to vector<16xi32>
        %broadcast_in_dim3A_294 = arith.constant 6 : i32
        %broadcast_in_dim3A_295 = vector.broadcast %broadcast_in_dim3A_294 : i32 to vector<16xi32>
        %gather3A_296 = tpu.vector_load_idx %arg12[%broadcast_in_dim3A_293, %broadcast_in_dim3A_295] : memref<128x16xf32, #tpu.memory_space<vmem>>[vector<16xi32>, vector<16xi32>], vector<16xf32>,
        %broadcast_in_dim3A_297 = vector.broadcast %add3A_210 : i32 to vector<16xi32>
        %broadcast_in_dim3A_298 = arith.constant 7 : i32
        %broadcast_in_dim3A_299 = vector.broadcast %broadcast_in_dim3A_298 : i32 to vector<16xi32>
        %gather3A_300 = tpu.vector_load_idx %arg12[%broadcast_in_dim3A_297, %broadcast_in_dim3A_299] : memref<128x16xf32, #tpu.memory_space<vmem>>[vector<16xi32>, vector<16xi32>], vector<16xf32>,
        %mul3A_301 = arith.mulf %gather3A_296, %bitcast_convert_type3A_288 : vector<16xf32>
        %add3A_302 = arith.addf %add3A_281, %mul3A_301 : vector<16xf32>
        %mul3A_303 = arith.mulf %gather3A_300, %bitcast_convert_type3A_292 : vector<16xf32>
        %add3A_304 = arith.addf %add3A_302, %mul3A_303 : vector<16xf32>
        %swap3A_305 = arith.index_cast %add3A_210 : i32 to index
        %swap3A_306 = arith.constant 0 : index
        %swap3A_307 = tpu.vector_load %arg13[%swap3A_305, %swap3A_306] {strides = array<i32>} : memref<128x16xf32, #tpu.memory_space<vmem>>, vector<16xf32>,
        tpu.vector_store %arg13[%swap3A_305, %swap3A_306], %add3A_304 {strides = array<i32>} : memref<128x16xf32, #tpu.memory_space<vmem>>, vector<16xf32>,
      }
      %scan3A_60 = arith.constant 64 : i32
      "tpu.region"() ({
        %run_scoped3A = tpu.sem_alloc : memref<!tpu.dma_semaphore, #tpu.memory_space<semaphore_mem>>
        %dma_start3A_61 = arith.constant 0 : i32
        %dma_start3A_62 = tpu.memref_slice %arg9[%while3A_31, %dma_start3A_61] : memref<240x128xi32, #tpu.memory_space<vmem>> -> memref<1x128xi32, #tpu.memory_space<vmem>>
        %dma_start3A_63 = tpu.memref_squeeze %dma_start3A_62 : memref<1x128xi32, #tpu.memory_space<vmem>> -> memref<128xi32, #tpu.memory_space<vmem>>
        %dma_start3A_64 = arith.constant 0 : i32
        %dma_start3A_65 = arith.constant 0 : i32
        %dma_start3A_66 = tpu.memref_slice %arg14[%dma_start3A_64, %dma_start3A_65] : memref<50008x16xf32, #tpu.memory_space<vmem_shared>> -> memref<50008x16xf32, #tpu.memory_space<vmem_shared>>
        tpu.enqueue_indirect_dma source(%arg13 : memref<128x16xf32, #tpu.memory_space<vmem>>) target(%dma_start3A_66 : memref<50008x16xf32, #tpu.memory_space<vmem_shared>>) offsets(%dma_start3A_63 : memref<128xi32, #tpu.memory_space<vmem>>) semaphore(%run_scoped3A : memref<!tpu.dma_semaphore, #tpu.memory_space<semaphore_mem>>) {add = true}
        %dma_wait3A_67 = arith.constant 0 : i32
        %dma_wait3A_68 = tpu.memref_slice %arg9[%while3A_31, %dma_wait3A_67] : memref<240x128xi32, #tpu.memory_space<vmem>> -> memref<1x128xi32, #tpu.memory_space<vmem>>
        %dma_wait3A_69 = tpu.memref_squeeze %dma_wait3A_68 : memref<1x128xi32, #tpu.memory_space<vmem>> -> memref<128xi32, #tpu.memory_space<vmem>>
        %dma_wait3A_70 = arith.constant 0 : i32
        %dma_wait3A_71 = arith.constant 0 : i32
        %dma_wait3A_72 = tpu.memref_slice %arg14[%dma_wait3A_70, %dma_wait3A_71] : memref<50008x16xf32, #tpu.memory_space<vmem_shared>> -> memref<50008x16xf32, #tpu.memory_space<vmem_shared>>
        tpu.wait_indirect_dma semaphore(%run_scoped3A : memref<!tpu.dma_semaphore, #tpu.memory_space<semaphore_mem>>) src(%arg13 : memref<128x16xf32, #tpu.memory_space<vmem>>) dst(%dma_wait3A_72 : memref<50008x16xf32, #tpu.memory_space<vmem_shared>>)
        tpu.yield
      }) : () -> ()
    }
    %barrier3A_25 = arith.constant 0 : index
    tpu.barrier barrier_id(%barrier3A_25)
    %eq3A_26 = arith.constant 0 : i32
    %eq3A_27 = arith.cmpi eq, %arg1, %eq3A_26 : i32
    %convert_element_type3A_28 = arith.extui %eq3A_27 : i1 to i32
    %cond3A_29 = arith.constant 0 : i32
    %cond3A_30 = arith.cmpi ne, %convert_element_type3A_28, %cond3A_29 : i32
    scf.if %cond3A_30 {
      "tpu.region"() ({
        %run_scoped3A = tpu.sem_alloc : memref<!tpu.dma_semaphore, #tpu.memory_space<semaphore_mem>>
        %dma_start3A = arith.constant 0 : i32
        %dma_start3A_31 = arith.constant 0 : i32
        %dma_start3A_32 = tpu.memref_slice %arg7[%arg0, %dma_start3A, %dma_start3A_31] : memref<2x50008x16xf32, #tpu.memory_space<hbm>> -> memref<1x50008x16xf32, #tpu.memory_space<hbm>>
        %dma_start3A_33 = tpu.memref_squeeze %dma_start3A_32 : memref<1x50008x16xf32, #tpu.memory_space<hbm>> -> memref<50008x16xf32, #tpu.memory_space<hbm>>
        tpu.enqueue_dma source(%arg14 : memref<50008x16xf32, #tpu.memory_space<vmem_shared>>) target(%dma_start3A_33 : memref<50008x16xf32, #tpu.memory_space<hbm>>) target_semaphore(%run_scoped3A : memref<!tpu.dma_semaphore, #tpu.memory_space<semaphore_mem>>)
        %dma_wait3A = arith.constant 0 : i32
        %dma_wait3A_34 = arith.constant 0 : i32
        %dma_wait3A_35 = tpu.memref_slice %arg7[%arg0, %dma_wait3A, %dma_wait3A_34] : memref<2x50008x16xf32, #tpu.memory_space<hbm>> -> memref<1x50008x16xf32, #tpu.memory_space<hbm>>
        %dma_wait3A_36 = tpu.memref_squeeze %dma_wait3A_35 : memref<1x50008x16xf32, #tpu.memory_space<hbm>> -> memref<50008x16xf32, #tpu.memory_space<hbm>>
        tpu.wait_dma2 semaphore(%run_scoped3A : memref<!tpu.dma_semaphore, #tpu.memory_space<semaphore_mem>>) src(%arg14 : memref<50008x16xf32, #tpu.memory_space<vmem_shared>>) dst(%dma_wait3A_36 : memref<50008x16xf32, #tpu.memory_space<hbm>>)
        tpu.yield
      }) : () -> ()
    } else {
    }
    return
  }
}

#map = affine_map<(d0, d1) -> (0, 0)>
#map1 = affine_map<(d0, d1) -> (0, 0, 0)>
module attributes {stable_mosaic.version = 14 : i64} {
  func.func @sc_gat_hi(%arg0: i32, %arg1: i32, %arg2: memref<10008x80xi32, #tpu.memory_space<hbm>>, %arg3: memref<50008x16xf32, #tpu.memory_space<hbm>>, %arg4: memref<6656x128xi32, #tpu.memory_space<hbm>>, %arg5: memref<6656x128xi32, #tpu.memory_space<hbm>>, %arg6: memref<50008x16xf32, #tpu.memory_space<hbm>>, %arg7: memref<2x50008x16xf32, #tpu.memory_space<hbm>>, %arg8: memref<240x128xi32, #tpu.memory_space<vmem>>, %arg9: memref<240x128xi32, #tpu.memory_space<vmem>>, %arg10: memref<128x80xi32, #tpu.memory_space<vmem>>, %arg11: memref<128x16xf32, #tpu.memory_space<vmem>>, %arg12: memref<128x16xf32, #tpu.memory_space<vmem>>, %arg13: memref<128x16xf32, #tpu.memory_space<vmem>>, %arg14: memref<50008x16xf32, #tpu.memory_space<vmem_shared>>, %arg15: memref<!tpu.dma_semaphore, #tpu.memory_space<semaphore_mem>>) attributes {dimension_semantics = [#tpu.dimension_semantics<core_parallel>, #tpu.dimension_semantics<subcore_parallel>], iteration_bounds = array<i64: 2, 16>, scalar_prefetch = 0 : i64, scratch_operands = 8 : i64, tpu.core_type = #tpu.core_type<sc_vector_subcore>, window_params = [{transform_indices = #map}, {transform_indices = #map}, {transform_indices = #map}, {transform_indices = #map}, {transform_indices = #map}, {transform_indices = #map1}]} {
    %mul3A = arith.constant 2 : i32
    %mul3A_0 = arith.muli %arg1, %mul3A : i32
    %add3A = arith.addi %mul3A_0, %arg0 : i32
    %eq3A = arith.constant 0 : i32
    %eq3A_1 = arith.cmpi eq, %arg1, %eq3A : i32
    %convert_element_type3A = arith.extui %eq3A_1 : i1 to i32
    %cond3A = arith.constant 0 : i32
    %cond3A_2 = arith.cmpi ne, %convert_element_type3A, %cond3A : i32
    scf.if %cond3A_2 {
      "tpu.region"() ({
        %run_scoped3A = tpu.sem_alloc : memref<!tpu.dma_semaphore, #tpu.memory_space<semaphore_mem>>
        tpu.enqueue_dma source(%arg6 : memref<50008x16xf32, #tpu.memory_space<hbm>>) target(%arg14 : memref<50008x16xf32, #tpu.memory_space<vmem_shared>>) target_semaphore(%run_scoped3A : memref<!tpu.dma_semaphore, #tpu.memory_space<semaphore_mem>>)
        tpu.wait_dma2 semaphore(%run_scoped3A : memref<!tpu.dma_semaphore, #tpu.memory_space<semaphore_mem>>) src(%arg6 : memref<50008x16xf32, #tpu.memory_space<hbm>>) dst(%arg14 : memref<50008x16xf32, #tpu.memory_space<vmem_shared>>)
        tpu.yield
      }) : () -> ()
    } else {
    }
    %mul3A_3 = arith.constant 400 : i32
    %mul3A_4 = arith.muli %arg1, %mul3A_3 : i32
    %mul3A_5 = arith.constant 240 : i32
    %mul3A_6 = arith.muli %arg0, %mul3A_5 : i32
    %add3A_7 = arith.addi %mul3A_4, %mul3A_6 : i32
    %eq3A_8 = arith.constant 0 : i32
    %eq3A_9 = arith.cmpi eq, %arg0, %eq3A_8 : i32
    %jit3A = arith.constant 240 : i32
    %jit3A_10 = arith.constant 160 : i32
    %select_n3A = arith.select %eq3A_9, %jit3A, %jit3A_10 : i32
    "tpu.region"() ({
      %run_scoped3A = tpu.sem_alloc : memref<!tpu.dma_semaphore, #tpu.memory_space<semaphore_mem>>
      %dma_start3A = arith.constant 0 : i32
      %dma_start3A_31 = tpu.memref_slice %arg4[%add3A_7, %dma_start3A] : memref<6656x128xi32, #tpu.memory_space<hbm>> -> memref<240x128xi32, #tpu.memory_space<hbm>>
      %dma_start3A_32 = arith.constant 0 : i32
      %dma_start3A_33 = tpu.memref_slice %arg4[%add3A_7, %dma_start3A_32] : memref<6656x128xi32, #tpu.memory_space<hbm>> -> memref<240x128xi32, #tpu.memory_space<hbm>>
      tpu.enqueue_dma source(%dma_start3A_33 : memref<240x128xi32, #tpu.memory_space<hbm>>) target(%arg8 : memref<240x128xi32, #tpu.memory_space<vmem>>) target_semaphore(%run_scoped3A : memref<!tpu.dma_semaphore, #tpu.memory_space<semaphore_mem>>)
      %dma_wait3A = arith.constant 0 : i32
      %dma_wait3A_34 = tpu.memref_slice %arg4[%add3A_7, %dma_wait3A] : memref<6656x128xi32, #tpu.memory_space<hbm>> -> memref<240x128xi32, #tpu.memory_space<hbm>>
      %dma_wait3A_35 = arith.constant 0 : i32
      %dma_wait3A_36 = tpu.memref_slice %arg4[%add3A_7, %dma_wait3A_35] : memref<6656x128xi32, #tpu.memory_space<hbm>> -> memref<240x128xi32, #tpu.memory_space<hbm>>
      tpu.wait_dma2 semaphore(%run_scoped3A : memref<!tpu.dma_semaphore, #tpu.memory_space<semaphore_mem>>) src(%dma_wait3A_36 : memref<240x128xi32, #tpu.memory_space<hbm>>) dst(%arg8 : memref<240x128xi32, #tpu.memory_space<vmem>>)
      tpu.yield
    }) : () -> ()
    "tpu.region"() ({
      %run_scoped3A = tpu.sem_alloc : memref<!tpu.dma_semaphore, #tpu.memory_space<semaphore_mem>>
      %dma_start3A = arith.constant 0 : i32
      %dma_start3A_31 = tpu.memref_slice %arg5[%add3A_7, %dma_start3A] : memref<6656x128xi32, #tpu.memory_space<hbm>> -> memref<240x128xi32, #tpu.memory_space<hbm>>
      %dma_start3A_32 = arith.constant 0 : i32
      %dma_start3A_33 = tpu.memref_slice %arg5[%add3A_7, %dma_start3A_32] : memref<6656x128xi32, #tpu.memory_space<hbm>> -> memref<240x128xi32, #tpu.memory_space<hbm>>
      tpu.enqueue_dma source(%dma_start3A_33 : memref<240x128xi32, #tpu.memory_space<hbm>>) target(%arg9 : memref<240x128xi32, #tpu.memory_space<vmem>>) target_semaphore(%run_scoped3A : memref<!tpu.dma_semaphore, #tpu.memory_space<semaphore_mem>>)
      %dma_wait3A = arith.constant 0 : i32
      %dma_wait3A_34 = tpu.memref_slice %arg5[%add3A_7, %dma_wait3A] : memref<6656x128xi32, #tpu.memory_space<hbm>> -> memref<240x128xi32, #tpu.memory_space<hbm>>
      %dma_wait3A_35 = arith.constant 0 : i32
      %dma_wait3A_36 = tpu.memref_slice %arg5[%add3A_7, %dma_wait3A_35] : memref<6656x128xi32, #tpu.memory_space<hbm>> -> memref<240x128xi32, #tpu.memory_space<hbm>>
      tpu.wait_dma2 semaphore(%run_scoped3A : memref<!tpu.dma_semaphore, #tpu.memory_space<semaphore_mem>>) src(%dma_wait3A_36 : memref<240x128xi32, #tpu.memory_space<hbm>>) dst(%arg9 : memref<240x128xi32, #tpu.memory_space<vmem>>)
      tpu.yield
    }) : () -> ()
    %barrier3A = arith.constant 0 : index
    tpu.barrier barrier_id(%barrier3A)
    %iota3A = tpu.iota {dimensions = array<i32: 0>} : vector<16xi32>
    %add3A_11 = arith.constant 8 : i32
    %add3A_12 = vector.broadcast %add3A_11 : i32 to vector<16xi32>
    %add3A_13 = arith.addi %iota3A, %add3A_12 : vector<16xi32>
    %and3A = arith.constant 15 : i32
    %and3A_14 = vector.broadcast %and3A : i32 to vector<16xi32>
    %and3A_15 = arith.andi %add3A_13, %and3A_14 : vector<16xi32>
    %while3A = arith.constant 0 : i32
    %while3A_16 = arith.constant 0 : i32
    %while3A_17 = arith.subi %select_n3A, %while3A_16 : i32
    %while3A_18 = arith.addi %while3A_16, %while3A_17 : i32
    %while3A_19 = arith.constant 1 : i32
    %while3A_20 = arith.divsi %while3A_17, %while3A_19 : i32
    %while3A_21 = arith.muli %while3A_20, %while3A_19 : i32
    %while3A_22 = arith.addi %while3A_16, %while3A_21 : i32
    %while3A_23 = arith.constant 1 : i32
    scf.for %while3A_31 = %while3A_16 to %while3A_22 step %while3A_23  : i32 {
      %dma_start3A = arith.constant 0 : i32
      %dma_start3A_32 = tpu.memref_slice %arg8[%while3A_31, %dma_start3A] : memref<240x128xi32, #tpu.memory_space<vmem>> -> memref<1x128xi32, #tpu.memory_space<vmem>>
      %dma_start3A_33 = tpu.memref_squeeze %dma_start3A_32 : memref<1x128xi32, #tpu.memory_space<vmem>> -> memref<128xi32, #tpu.memory_space<vmem>>
      %dma_start3A_34 = arith.constant 0 : i32
      %dma_start3A_35 = arith.constant 0 : i32
      %dma_start3A_36 = tpu.memref_slice %arg2[%dma_start3A_34, %dma_start3A_35] : memref<10008x80xi32, #tpu.memory_space<hbm>> -> memref<10008x80xi32, #tpu.memory_space<hbm>>
      tpu.enqueue_indirect_dma source(%dma_start3A_36 : memref<10008x80xi32, #tpu.memory_space<hbm>>) target(%arg10 : memref<128x80xi32, #tpu.memory_space<vmem>>) offsets(%dma_start3A_33 : memref<128xi32, #tpu.memory_space<vmem>>) semaphore(%arg15 : memref<!tpu.dma_semaphore, #tpu.memory_space<semaphore_mem>>)
      %dma_start3A_37 = arith.constant 0 : i32
      %dma_start3A_38 = tpu.memref_slice %arg9[%while3A_31, %dma_start3A_37] : memref<240x128xi32, #tpu.memory_space<vmem>> -> memref<1x128xi32, #tpu.memory_space<vmem>>
      %dma_start3A_39 = tpu.memref_squeeze %dma_start3A_38 : memref<1x128xi32, #tpu.memory_space<vmem>> -> memref<128xi32, #tpu.memory_space<vmem>>
      %dma_start3A_40 = arith.constant 0 : i32
      %dma_start3A_41 = arith.constant 0 : i32
      %dma_start3A_42 = tpu.memref_slice %arg3[%dma_start3A_40, %dma_start3A_41] : memref<50008x16xf32, #tpu.memory_space<hbm>> -> memref<50008x16xf32, #tpu.memory_space<hbm>>
      tpu.enqueue_indirect_dma source(%dma_start3A_42 : memref<50008x16xf32, #tpu.memory_space<hbm>>) target(%arg11 : memref<128x16xf32, #tpu.memory_space<vmem>>) offsets(%dma_start3A_39 : memref<128xi32, #tpu.memory_space<vmem>>) semaphore(%arg15 : memref<!tpu.dma_semaphore, #tpu.memory_space<semaphore_mem>>)
      %dma_wait3A = arith.constant 0 : i32
      %dma_wait3A_43 = arith.constant 0 : i32
      %dma_wait3A_44 = tpu.memref_slice %arg8[%dma_wait3A, %dma_wait3A_43] : memref<240x128xi32, #tpu.memory_space<vmem>> -> memref<1x128xi32, #tpu.memory_space<vmem>>
      %dma_wait3A_45 = tpu.memref_squeeze %dma_wait3A_44 : memref<1x128xi32, #tpu.memory_space<vmem>> -> memref<128xi32, #tpu.memory_space<vmem>>
      %dma_wait3A_46 = arith.constant 0 : i32
      %dma_wait3A_47 = arith.constant 0 : i32
      %dma_wait3A_48 = tpu.memref_slice %arg2[%dma_wait3A_46, %dma_wait3A_47] : memref<10008x80xi32, #tpu.memory_space<hbm>> -> memref<10008x80xi32, #tpu.memory_space<hbm>>
      tpu.wait_indirect_dma semaphore(%arg15 : memref<!tpu.dma_semaphore, #tpu.memory_space<semaphore_mem>>) src(%dma_wait3A_48 : memref<10008x80xi32, #tpu.memory_space<hbm>>) dst(%arg10 : memref<128x80xi32, #tpu.memory_space<vmem>>)
      %dma_wait3A_49 = arith.constant 0 : i32
      %dma_wait3A_50 = arith.constant 0 : i32
      %dma_wait3A_51 = tpu.memref_slice %arg9[%dma_wait3A_49, %dma_wait3A_50] : memref<240x128xi32, #tpu.memory_space<vmem>> -> memref<1x128xi32, #tpu.memory_space<vmem>>
      %dma_wait3A_52 = tpu.memref_squeeze %dma_wait3A_51 : memref<1x128xi32, #tpu.memory_space<vmem>> -> memref<128xi32, #tpu.memory_space<vmem>>
      %dma_wait3A_53 = arith.constant 0 : i32
      %dma_wait3A_54 = arith.constant 0 : i32
      %dma_wait3A_55 = tpu.memref_slice %arg3[%dma_wait3A_53, %dma_wait3A_54] : memref<50008x16xf32, #tpu.memory_space<hbm>> -> memref<50008x16xf32, #tpu.memory_space<hbm>>
      tpu.wait_indirect_dma semaphore(%arg15 : memref<!tpu.dma_semaphore, #tpu.memory_space<semaphore_mem>>) src(%dma_wait3A_55 : memref<50008x16xf32, #tpu.memory_space<hbm>>) dst(%arg11 : memref<128x16xf32, #tpu.memory_space<vmem>>)
      %scan3A = arith.constant 0 : i32
      %scan3A_56 = arith.constant 0 : i32
      %scan3A_57 = arith.constant 64 : i32
      %scan3A_58 = arith.addi %scan3A_56, %scan3A_57 : i32
      %scan3A_59 = arith.constant 1 : i32
      scf.for %scan3A_61 = %scan3A_56 to %scan3A_58 step %scan3A_59  : i32 {
        %mul3A_62 = arith.constant 2 : i32
        %mul3A_63 = arith.muli %scan3A_61, %mul3A_62 : i32
        %add3A_64 = arith.constant 0 : i32
        %add3A_65 = arith.addi %mul3A_63, %add3A_64 : i32
        %get3A = arith.index_cast %add3A_65 : i32 to index
        %get3A_66 = arith.constant 64 : index
        %get3A_67 = tpu.vector_load %arg10[%get3A, %get3A_66] {strides = array<i32>} : memref<128x80xi32, #tpu.memory_space<vmem>>, vector<16xi32>,
        %bitcast_convert_type3A = tpu.bitcast %get3A_67 : vector<16xi32> -> vector<16xf32>
        %get3A_68 = arith.index_cast %add3A_65 : i32 to index
        %get3A_69 = arith.constant 0 : index
        %get3A_70 = tpu.vector_load %arg11[%get3A_68, %get3A_69] {strides = array<i32>} : memref<128x16xf32, #tpu.memory_space<vmem>>, vector<16xf32>,
        %add3A_71 = arith.addf %bitcast_convert_type3A, %get3A_70 : vector<16xf32>
        %jit3A_72 = arith.constant 2.000000e-01 : f32
        %ge3A = arith.constant 0.000000e+00 : f32
        %ge3A_73 = vector.broadcast %ge3A : f32 to vector<16xf32>
        %ge3A_74 = arith.cmpf oge, %add3A_71, %ge3A_73 : vector<16xf32>
        %mul3A_75 = vector.broadcast %jit3A_72 : f32 to vector<16xf32>
        %mul3A_76 = arith.mulf %mul3A_75, %add3A_71 : vector<16xf32>
        %select_n3A_77 = arith.select %ge3A_74, %add3A_71, %mul3A_76 : vector<16xi1>, vector<16xf32>
        %exp3A = math.exp %select_n3A_77 : vector<16xf32>
        %broadcast_in_dim3A = vector.broadcast %add3A_65 : i32 to vector<16xi32>
        %gather3A = tpu.vector_load_idx %arg11[%broadcast_in_dim3A, %and3A_15] : memref<128x16xf32, #tpu.memory_space<vmem>>[vector<16xi32>, vector<16xi32>], vector<16xf32>,
        %mul3A_78 = arith.mulf %exp3A, %gather3A : vector<16xf32>
        %swap3A = arith.index_cast %add3A_65 : i32 to index
        %swap3A_79 = arith.constant 0 : index
        %swap3A_80 = tpu.vector_load %arg12[%swap3A, %swap3A_79] {strides = array<i32>} : memref<128x16xf32, #tpu.memory_space<vmem>>, vector<16xf32>,
        tpu.vector_store %arg12[%swap3A, %swap3A_79], %mul3A_78 {strides = array<i32>} : memref<128x16xf32, #tpu.memory_space<vmem>>, vector<16xf32>,
        %mul3A_81 = arith.constant 2 : i32
        %mul3A_82 = arith.muli %scan3A_61, %mul3A_81 : i32
        %add3A_83 = arith.constant 1 : i32
        %add3A_84 = arith.addi %mul3A_82, %add3A_83 : i32
        %get3A_85 = arith.index_cast %add3A_84 : i32 to index
        %get3A_86 = arith.constant 64 : index
        %get3A_87 = tpu.vector_load %arg10[%get3A_85, %get3A_86] {strides = array<i32>} : memref<128x80xi32, #tpu.memory_space<vmem>>, vector<16xi32>,
        %bitcast_convert_type3A_88 = tpu.bitcast %get3A_87 : vector<16xi32> -> vector<16xf32>
        %get3A_89 = arith.index_cast %add3A_84 : i32 to index
        %get3A_90 = arith.constant 0 : index
        %get3A_91 = tpu.vector_load %arg11[%get3A_89, %get3A_90] {strides = array<i32>} : memref<128x16xf32, #tpu.memory_space<vmem>>, vector<16xf32>,
        %add3A_92 = arith.addf %bitcast_convert_type3A_88, %get3A_91 : vector<16xf32>
        %jit3A_93 = arith.constant 2.000000e-01 : f32
        %ge3A_94 = arith.constant 0.000000e+00 : f32
        %ge3A_95 = vector.broadcast %ge3A_94 : f32 to vector<16xf32>
        %ge3A_96 = arith.cmpf oge, %add3A_92, %ge3A_95 : vector<16xf32>
        %mul3A_97 = vector.broadcast %jit3A_93 : f32 to vector<16xf32>
        %mul3A_98 = arith.mulf %mul3A_97, %add3A_92 : vector<16xf32>
        %select_n3A_99 = arith.select %ge3A_96, %add3A_92, %mul3A_98 : vector<16xi1>, vector<16xf32>
        %exp3A_100 = math.exp %select_n3A_99 : vector<16xf32>
        %broadcast_in_dim3A_101 = vector.broadcast %add3A_84 : i32 to vector<16xi32>
        %gather3A_102 = tpu.vector_load_idx %arg11[%broadcast_in_dim3A_101, %and3A_15] : memref<128x16xf32, #tpu.memory_space<vmem>>[vector<16xi32>, vector<16xi32>], vector<16xf32>,
        %mul3A_103 = arith.mulf %exp3A_100, %gather3A_102 : vector<16xf32>
        %swap3A_104 = arith.index_cast %add3A_84 : i32 to index
        %swap3A_105 = arith.constant 0 : index
        %swap3A_106 = tpu.vector_load %arg12[%swap3A_104, %swap3A_105] {strides = array<i32>} : memref<128x16xf32, #tpu.memory_space<vmem>>, vector<16xf32>,
        tpu.vector_store %arg12[%swap3A_104, %swap3A_105], %mul3A_103 {strides = array<i32>} : memref<128x16xf32, #tpu.memory_space<vmem>>, vector<16xf32>,
        %mul3A_107 = arith.constant 2 : i32
        %mul3A_108 = arith.muli %scan3A_61, %mul3A_107 : i32
        %add3A_109 = arith.constant 0 : i32
        %add3A_110 = arith.addi %mul3A_108, %add3A_109 : i32
        %broadcast_in_dim3A_111 = arith.constant 0.000000e+00 : f32
        %broadcast_in_dim3A_112 = vector.broadcast %broadcast_in_dim3A_111 : f32 to vector<16xf32>
        %get3A_113 = arith.index_cast %add3A_110 : i32 to index
        %get3A_114 = arith.constant 0 : index
        %get3A_115 = tpu.vector_load %arg10[%get3A_113, %get3A_114] {strides = array<i32>} : memref<128x80xi32, #tpu.memory_space<vmem>>, vector<16xi32>,
        %and3A_116 = arith.constant -65536 : i32
        %and3A_117 = vector.broadcast %and3A_116 : i32 to vector<16xi32>
        %and3A_118 = arith.andi %get3A_115, %and3A_117 : vector<16xi32>
        %bitcast_convert_type3A_119 = tpu.bitcast %and3A_118 : vector<16xi32> -> vector<16xf32>
        %shift_left3A = arith.constant 16 : i32
        %shift_left3A_120 = vector.broadcast %shift_left3A : i32 to vector<16xi32>
        %shift_left3A_121 = arith.shli %get3A_115, %shift_left3A_120 : vector<16xi32>
        %bitcast_convert_type3A_122 = tpu.bitcast %shift_left3A_121 : vector<16xi32> -> vector<16xf32>
        %broadcast_in_dim3A_123 = vector.broadcast %add3A_110 : i32 to vector<16xi32>
        %broadcast_in_dim3A_124 = arith.constant 0 : i32
        %broadcast_in_dim3A_125 = vector.broadcast %broadcast_in_dim3A_124 : i32 to vector<16xi32>
        %gather3A_126 = tpu.vector_load_idx %arg12[%broadcast_in_dim3A_123, %broadcast_in_dim3A_125] : memref<128x16xf32, #tpu.memory_space<vmem>>[vector<16xi32>, vector<16xi32>], vector<16xf32>,
        %broadcast_in_dim3A_127 = vector.broadcast %add3A_110 : i32 to vector<16xi32>
        %broadcast_in_dim3A_128 = arith.constant 1 : i32
        %broadcast_in_dim3A_129 = vector.broadcast %broadcast_in_dim3A_128 : i32 to vector<16xi32>
        %gather3A_130 = tpu.vector_load_idx %arg12[%broadcast_in_dim3A_127, %broadcast_in_dim3A_129] : memref<128x16xf32, #tpu.memory_space<vmem>>[vector<16xi32>, vector<16xi32>], vector<16xf32>,
        %mul3A_131 = arith.mulf %gather3A_126, %bitcast_convert_type3A_119 : vector<16xf32>
        %add3A_132 = arith.addf %broadcast_in_dim3A_112, %mul3A_131 : vector<16xf32>
        %mul3A_133 = arith.mulf %gather3A_130, %bitcast_convert_type3A_122 : vector<16xf32>
        %add3A_134 = arith.addf %add3A_132, %mul3A_133 : vector<16xf32>
        %get3A_135 = arith.index_cast %add3A_110 : i32 to index
        %get3A_136 = arith.constant 16 : index
        %get3A_137 = tpu.vector_load %arg10[%get3A_135, %get3A_136] {strides = array<i32>} : memref<128x80xi32, #tpu.memory_space<vmem>>, vector<16xi32>,
        %and3A_138 = arith.constant -65536 : i32
        %and3A_139 = vector.broadcast %and3A_138 : i32 to vector<16xi32>
        %and3A_140 = arith.andi %get3A_137, %and3A_139 : vector<16xi32>
        %bitcast_convert_type3A_141 = tpu.bitcast %and3A_140 : vector<16xi32> -> vector<16xf32>
        %shift_left3A_142 = arith.constant 16 : i32
        %shift_left3A_143 = vector.broadcast %shift_left3A_142 : i32 to vector<16xi32>
        %shift_left3A_144 = arith.shli %get3A_137, %shift_left3A_143 : vector<16xi32>
        %bitcast_convert_type3A_145 = tpu.bitcast %shift_left3A_144 : vector<16xi32> -> vector<16xf32>
        %broadcast_in_dim3A_146 = vector.broadcast %add3A_110 : i32 to vector<16xi32>
        %broadcast_in_dim3A_147 = arith.constant 2 : i32
        %broadcast_in_dim3A_148 = vector.broadcast %broadcast_in_dim3A_147 : i32 to vector<16xi32>
        %gather3A_149 = tpu.vector_load_idx %arg12[%broadcast_in_dim3A_146, %broadcast_in_dim3A_148] : memref<128x16xf32, #tpu.memory_space<vmem>>[vector<16xi32>, vector<16xi32>], vector<16xf32>,
        %broadcast_in_dim3A_150 = vector.broadcast %add3A_110 : i32 to vector<16xi32>
        %broadcast_in_dim3A_151 = arith.constant 3 : i32
        %broadcast_in_dim3A_152 = vector.broadcast %broadcast_in_dim3A_151 : i32 to vector<16xi32>
        %gather3A_153 = tpu.vector_load_idx %arg12[%broadcast_in_dim3A_150, %broadcast_in_dim3A_152] : memref<128x16xf32, #tpu.memory_space<vmem>>[vector<16xi32>, vector<16xi32>], vector<16xf32>,
        %mul3A_154 = arith.mulf %gather3A_149, %bitcast_convert_type3A_141 : vector<16xf32>
        %add3A_155 = arith.addf %add3A_134, %mul3A_154 : vector<16xf32>
        %mul3A_156 = arith.mulf %gather3A_153, %bitcast_convert_type3A_145 : vector<16xf32>
        %add3A_157 = arith.addf %add3A_155, %mul3A_156 : vector<16xf32>
        %get3A_158 = arith.index_cast %add3A_110 : i32 to index
        %get3A_159 = arith.constant 32 : index
        %get3A_160 = tpu.vector_load %arg10[%get3A_158, %get3A_159] {strides = array<i32>} : memref<128x80xi32, #tpu.memory_space<vmem>>, vector<16xi32>,
        %and3A_161 = arith.constant -65536 : i32
        %and3A_162 = vector.broadcast %and3A_161 : i32 to vector<16xi32>
        %and3A_163 = arith.andi %get3A_160, %and3A_162 : vector<16xi32>
        %bitcast_convert_type3A_164 = tpu.bitcast %and3A_163 : vector<16xi32> -> vector<16xf32>
        %shift_left3A_165 = arith.constant 16 : i32
        %shift_left3A_166 = vector.broadcast %shift_left3A_165 : i32 to vector<16xi32>
        %shift_left3A_167 = arith.shli %get3A_160, %shift_left3A_166 : vector<16xi32>
        %bitcast_convert_type3A_168 = tpu.bitcast %shift_left3A_167 : vector<16xi32> -> vector<16xf32>
        %broadcast_in_dim3A_169 = vector.broadcast %add3A_110 : i32 to vector<16xi32>
        %broadcast_in_dim3A_170 = arith.constant 4 : i32
        %broadcast_in_dim3A_171 = vector.broadcast %broadcast_in_dim3A_170 : i32 to vector<16xi32>
        %gather3A_172 = tpu.vector_load_idx %arg12[%broadcast_in_dim3A_169, %broadcast_in_dim3A_171] : memref<128x16xf32, #tpu.memory_space<vmem>>[vector<16xi32>, vector<16xi32>], vector<16xf32>,
        %broadcast_in_dim3A_173 = vector.broadcast %add3A_110 : i32 to vector<16xi32>
        %broadcast_in_dim3A_174 = arith.constant 5 : i32
        %broadcast_in_dim3A_175 = vector.broadcast %broadcast_in_dim3A_174 : i32 to vector<16xi32>
        %gather3A_176 = tpu.vector_load_idx %arg12[%broadcast_in_dim3A_173, %broadcast_in_dim3A_175] : memref<128x16xf32, #tpu.memory_space<vmem>>[vector<16xi32>, vector<16xi32>], vector<16xf32>,
        %mul3A_177 = arith.mulf %gather3A_172, %bitcast_convert_type3A_164 : vector<16xf32>
        %add3A_178 = arith.addf %add3A_157, %mul3A_177 : vector<16xf32>
        %mul3A_179 = arith.mulf %gather3A_176, %bitcast_convert_type3A_168 : vector<16xf32>
        %add3A_180 = arith.addf %add3A_178, %mul3A_179 : vector<16xf32>
        %get3A_181 = arith.index_cast %add3A_110 : i32 to index
        %get3A_182 = arith.constant 48 : index
        %get3A_183 = tpu.vector_load %arg10[%get3A_181, %get3A_182] {strides = array<i32>} : memref<128x80xi32, #tpu.memory_space<vmem>>, vector<16xi32>,
        %and3A_184 = arith.constant -65536 : i32
        %and3A_185 = vector.broadcast %and3A_184 : i32 to vector<16xi32>
        %and3A_186 = arith.andi %get3A_183, %and3A_185 : vector<16xi32>
        %bitcast_convert_type3A_187 = tpu.bitcast %and3A_186 : vector<16xi32> -> vector<16xf32>
        %shift_left3A_188 = arith.constant 16 : i32
        %shift_left3A_189 = vector.broadcast %shift_left3A_188 : i32 to vector<16xi32>
        %shift_left3A_190 = arith.shli %get3A_183, %shift_left3A_189 : vector<16xi32>
        %bitcast_convert_type3A_191 = tpu.bitcast %shift_left3A_190 : vector<16xi32> -> vector<16xf32>
        %broadcast_in_dim3A_192 = vector.broadcast %add3A_110 : i32 to vector<16xi32>
        %broadcast_in_dim3A_193 = arith.constant 6 : i32
        %broadcast_in_dim3A_194 = vector.broadcast %broadcast_in_dim3A_193 : i32 to vector<16xi32>
        %gather3A_195 = tpu.vector_load_idx %arg12[%broadcast_in_dim3A_192, %broadcast_in_dim3A_194] : memref<128x16xf32, #tpu.memory_space<vmem>>[vector<16xi32>, vector<16xi32>], vector<16xf32>,
        %broadcast_in_dim3A_196 = vector.broadcast %add3A_110 : i32 to vector<16xi32>
        %broadcast_in_dim3A_197 = arith.constant 7 : i32
        %broadcast_in_dim3A_198 = vector.broadcast %broadcast_in_dim3A_197 : i32 to vector<16xi32>
        %gather3A_199 = tpu.vector_load_idx %arg12[%broadcast_in_dim3A_196, %broadcast_in_dim3A_198] : memref<128x16xf32, #tpu.memory_space<vmem>>[vector<16xi32>, vector<16xi32>], vector<16xf32>,
        %mul3A_200 = arith.mulf %gather3A_195, %bitcast_convert_type3A_187 : vector<16xf32>
        %add3A_201 = arith.addf %add3A_180, %mul3A_200 : vector<16xf32>
        %mul3A_202 = arith.mulf %gather3A_199, %bitcast_convert_type3A_191 : vector<16xf32>
        %add3A_203 = arith.addf %add3A_201, %mul3A_202 : vector<16xf32>
        %swap3A_204 = arith.index_cast %add3A_110 : i32 to index
        %swap3A_205 = arith.constant 0 : index
        %swap3A_206 = tpu.vector_load %arg13[%swap3A_204, %swap3A_205] {strides = array<i32>} : memref<128x16xf32, #tpu.memory_space<vmem>>, vector<16xf32>,
        tpu.vector_store %arg13[%swap3A_204, %swap3A_205], %add3A_203 {strides = array<i32>} : memref<128x16xf32, #tpu.memory_space<vmem>>, vector<16xf32>,
        %mul3A_207 = arith.constant 2 : i32
        %mul3A_208 = arith.muli %scan3A_61, %mul3A_207 : i32
        %add3A_209 = arith.constant 1 : i32
        %add3A_210 = arith.addi %mul3A_208, %add3A_209 : i32
        %broadcast_in_dim3A_211 = arith.constant 0.000000e+00 : f32
        %broadcast_in_dim3A_212 = vector.broadcast %broadcast_in_dim3A_211 : f32 to vector<16xf32>
        %get3A_213 = arith.index_cast %add3A_210 : i32 to index
        %get3A_214 = arith.constant 0 : index
        %get3A_215 = tpu.vector_load %arg10[%get3A_213, %get3A_214] {strides = array<i32>} : memref<128x80xi32, #tpu.memory_space<vmem>>, vector<16xi32>,
        %and3A_216 = arith.constant -65536 : i32
        %and3A_217 = vector.broadcast %and3A_216 : i32 to vector<16xi32>
        %and3A_218 = arith.andi %get3A_215, %and3A_217 : vector<16xi32>
        %bitcast_convert_type3A_219 = tpu.bitcast %and3A_218 : vector<16xi32> -> vector<16xf32>
        %shift_left3A_220 = arith.constant 16 : i32
        %shift_left3A_221 = vector.broadcast %shift_left3A_220 : i32 to vector<16xi32>
        %shift_left3A_222 = arith.shli %get3A_215, %shift_left3A_221 : vector<16xi32>
        %bitcast_convert_type3A_223 = tpu.bitcast %shift_left3A_222 : vector<16xi32> -> vector<16xf32>
        %broadcast_in_dim3A_224 = vector.broadcast %add3A_210 : i32 to vector<16xi32>
        %broadcast_in_dim3A_225 = arith.constant 0 : i32
        %broadcast_in_dim3A_226 = vector.broadcast %broadcast_in_dim3A_225 : i32 to vector<16xi32>
        %gather3A_227 = tpu.vector_load_idx %arg12[%broadcast_in_dim3A_224, %broadcast_in_dim3A_226] : memref<128x16xf32, #tpu.memory_space<vmem>>[vector<16xi32>, vector<16xi32>], vector<16xf32>,
        %broadcast_in_dim3A_228 = vector.broadcast %add3A_210 : i32 to vector<16xi32>
        %broadcast_in_dim3A_229 = arith.constant 1 : i32
        %broadcast_in_dim3A_230 = vector.broadcast %broadcast_in_dim3A_229 : i32 to vector<16xi32>
        %gather3A_231 = tpu.vector_load_idx %arg12[%broadcast_in_dim3A_228, %broadcast_in_dim3A_230] : memref<128x16xf32, #tpu.memory_space<vmem>>[vector<16xi32>, vector<16xi32>], vector<16xf32>,
        %mul3A_232 = arith.mulf %gather3A_227, %bitcast_convert_type3A_219 : vector<16xf32>
        %add3A_233 = arith.addf %broadcast_in_dim3A_212, %mul3A_232 : vector<16xf32>
        %mul3A_234 = arith.mulf %gather3A_231, %bitcast_convert_type3A_223 : vector<16xf32>
        %add3A_235 = arith.addf %add3A_233, %mul3A_234 : vector<16xf32>
        %get3A_236 = arith.index_cast %add3A_210 : i32 to index
        %get3A_237 = arith.constant 16 : index
        %get3A_238 = tpu.vector_load %arg10[%get3A_236, %get3A_237] {strides = array<i32>} : memref<128x80xi32, #tpu.memory_space<vmem>>, vector<16xi32>,
        %and3A_239 = arith.constant -65536 : i32
        %and3A_240 = vector.broadcast %and3A_239 : i32 to vector<16xi32>
        %and3A_241 = arith.andi %get3A_238, %and3A_240 : vector<16xi32>
        %bitcast_convert_type3A_242 = tpu.bitcast %and3A_241 : vector<16xi32> -> vector<16xf32>
        %shift_left3A_243 = arith.constant 16 : i32
        %shift_left3A_244 = vector.broadcast %shift_left3A_243 : i32 to vector<16xi32>
        %shift_left3A_245 = arith.shli %get3A_238, %shift_left3A_244 : vector<16xi32>
        %bitcast_convert_type3A_246 = tpu.bitcast %shift_left3A_245 : vector<16xi32> -> vector<16xf32>
        %broadcast_in_dim3A_247 = vector.broadcast %add3A_210 : i32 to vector<16xi32>
        %broadcast_in_dim3A_248 = arith.constant 2 : i32
        %broadcast_in_dim3A_249 = vector.broadcast %broadcast_in_dim3A_248 : i32 to vector<16xi32>
        %gather3A_250 = tpu.vector_load_idx %arg12[%broadcast_in_dim3A_247, %broadcast_in_dim3A_249] : memref<128x16xf32, #tpu.memory_space<vmem>>[vector<16xi32>, vector<16xi32>], vector<16xf32>,
        %broadcast_in_dim3A_251 = vector.broadcast %add3A_210 : i32 to vector<16xi32>
        %broadcast_in_dim3A_252 = arith.constant 3 : i32
        %broadcast_in_dim3A_253 = vector.broadcast %broadcast_in_dim3A_252 : i32 to vector<16xi32>
        %gather3A_254 = tpu.vector_load_idx %arg12[%broadcast_in_dim3A_251, %broadcast_in_dim3A_253] : memref<128x16xf32, #tpu.memory_space<vmem>>[vector<16xi32>, vector<16xi32>], vector<16xf32>,
        %mul3A_255 = arith.mulf %gather3A_250, %bitcast_convert_type3A_242 : vector<16xf32>
        %add3A_256 = arith.addf %add3A_235, %mul3A_255 : vector<16xf32>
        %mul3A_257 = arith.mulf %gather3A_254, %bitcast_convert_type3A_246 : vector<16xf32>
        %add3A_258 = arith.addf %add3A_256, %mul3A_257 : vector<16xf32>
        %get3A_259 = arith.index_cast %add3A_210 : i32 to index
        %get3A_260 = arith.constant 32 : index
        %get3A_261 = tpu.vector_load %arg10[%get3A_259, %get3A_260] {strides = array<i32>} : memref<128x80xi32, #tpu.memory_space<vmem>>, vector<16xi32>,
        %and3A_262 = arith.constant -65536 : i32
        %and3A_263 = vector.broadcast %and3A_262 : i32 to vector<16xi32>
        %and3A_264 = arith.andi %get3A_261, %and3A_263 : vector<16xi32>
        %bitcast_convert_type3A_265 = tpu.bitcast %and3A_264 : vector<16xi32> -> vector<16xf32>
        %shift_left3A_266 = arith.constant 16 : i32
        %shift_left3A_267 = vector.broadcast %shift_left3A_266 : i32 to vector<16xi32>
        %shift_left3A_268 = arith.shli %get3A_261, %shift_left3A_267 : vector<16xi32>
        %bitcast_convert_type3A_269 = tpu.bitcast %shift_left3A_268 : vector<16xi32> -> vector<16xf32>
        %broadcast_in_dim3A_270 = vector.broadcast %add3A_210 : i32 to vector<16xi32>
        %broadcast_in_dim3A_271 = arith.constant 4 : i32
        %broadcast_in_dim3A_272 = vector.broadcast %broadcast_in_dim3A_271 : i32 to vector<16xi32>
        %gather3A_273 = tpu.vector_load_idx %arg12[%broadcast_in_dim3A_270, %broadcast_in_dim3A_272] : memref<128x16xf32, #tpu.memory_space<vmem>>[vector<16xi32>, vector<16xi32>], vector<16xf32>,
        %broadcast_in_dim3A_274 = vector.broadcast %add3A_210 : i32 to vector<16xi32>
        %broadcast_in_dim3A_275 = arith.constant 5 : i32
        %broadcast_in_dim3A_276 = vector.broadcast %broadcast_in_dim3A_275 : i32 to vector<16xi32>
        %gather3A_277 = tpu.vector_load_idx %arg12[%broadcast_in_dim3A_274, %broadcast_in_dim3A_276] : memref<128x16xf32, #tpu.memory_space<vmem>>[vector<16xi32>, vector<16xi32>], vector<16xf32>,
        %mul3A_278 = arith.mulf %gather3A_273, %bitcast_convert_type3A_265 : vector<16xf32>
        %add3A_279 = arith.addf %add3A_258, %mul3A_278 : vector<16xf32>
        %mul3A_280 = arith.mulf %gather3A_277, %bitcast_convert_type3A_269 : vector<16xf32>
        %add3A_281 = arith.addf %add3A_279, %mul3A_280 : vector<16xf32>
        %get3A_282 = arith.index_cast %add3A_210 : i32 to index
        %get3A_283 = arith.constant 48 : index
        %get3A_284 = tpu.vector_load %arg10[%get3A_282, %get3A_283] {strides = array<i32>} : memref<128x80xi32, #tpu.memory_space<vmem>>, vector<16xi32>,
        %and3A_285 = arith.constant -65536 : i32
        %and3A_286 = vector.broadcast %and3A_285 : i32 to vector<16xi32>
        %and3A_287 = arith.andi %get3A_284, %and3A_286 : vector<16xi32>
        %bitcast_convert_type3A_288 = tpu.bitcast %and3A_287 : vector<16xi32> -> vector<16xf32>
        %shift_left3A_289 = arith.constant 16 : i32
        %shift_left3A_290 = vector.broadcast %shift_left3A_289 : i32 to vector<16xi32>
        %shift_left3A_291 = arith.shli %get3A_284, %shift_left3A_290 : vector<16xi32>
        %bitcast_convert_type3A_292 = tpu.bitcast %shift_left3A_291 : vector<16xi32> -> vector<16xf32>
        %broadcast_in_dim3A_293 = vector.broadcast %add3A_210 : i32 to vector<16xi32>
        %broadcast_in_dim3A_294 = arith.constant 6 : i32
        %broadcast_in_dim3A_295 = vector.broadcast %broadcast_in_dim3A_294 : i32 to vector<16xi32>
        %gather3A_296 = tpu.vector_load_idx %arg12[%broadcast_in_dim3A_293, %broadcast_in_dim3A_295] : memref<128x16xf32, #tpu.memory_space<vmem>>[vector<16xi32>, vector<16xi32>], vector<16xf32>,
        %broadcast_in_dim3A_297 = vector.broadcast %add3A_210 : i32 to vector<16xi32>
        %broadcast_in_dim3A_298 = arith.constant 7 : i32
        %broadcast_in_dim3A_299 = vector.broadcast %broadcast_in_dim3A_298 : i32 to vector<16xi32>
        %gather3A_300 = tpu.vector_load_idx %arg12[%broadcast_in_dim3A_297, %broadcast_in_dim3A_299] : memref<128x16xf32, #tpu.memory_space<vmem>>[vector<16xi32>, vector<16xi32>], vector<16xf32>,
        %mul3A_301 = arith.mulf %gather3A_296, %bitcast_convert_type3A_288 : vector<16xf32>
        %add3A_302 = arith.addf %add3A_281, %mul3A_301 : vector<16xf32>
        %mul3A_303 = arith.mulf %gather3A_300, %bitcast_convert_type3A_292 : vector<16xf32>
        %add3A_304 = arith.addf %add3A_302, %mul3A_303 : vector<16xf32>
        %swap3A_305 = arith.index_cast %add3A_210 : i32 to index
        %swap3A_306 = arith.constant 0 : index
        %swap3A_307 = tpu.vector_load %arg13[%swap3A_305, %swap3A_306] {strides = array<i32>} : memref<128x16xf32, #tpu.memory_space<vmem>>, vector<16xf32>,
        tpu.vector_store %arg13[%swap3A_305, %swap3A_306], %add3A_304 {strides = array<i32>} : memref<128x16xf32, #tpu.memory_space<vmem>>, vector<16xf32>,
      }
      %scan3A_60 = arith.constant 64 : i32
      "tpu.region"() ({
        %run_scoped3A = tpu.sem_alloc : memref<!tpu.dma_semaphore, #tpu.memory_space<semaphore_mem>>
        %dma_start3A_61 = arith.constant 0 : i32
        %dma_start3A_62 = tpu.memref_slice %arg9[%while3A_31, %dma_start3A_61] : memref<240x128xi32, #tpu.memory_space<vmem>> -> memref<1x128xi32, #tpu.memory_space<vmem>>
        %dma_start3A_63 = tpu.memref_squeeze %dma_start3A_62 : memref<1x128xi32, #tpu.memory_space<vmem>> -> memref<128xi32, #tpu.memory_space<vmem>>
        %dma_start3A_64 = arith.constant 0 : i32
        %dma_start3A_65 = arith.constant 0 : i32
        %dma_start3A_66 = tpu.memref_slice %arg14[%dma_start3A_64, %dma_start3A_65] : memref<50008x16xf32, #tpu.memory_space<vmem_shared>> -> memref<50008x16xf32, #tpu.memory_space<vmem_shared>>
        tpu.enqueue_indirect_dma source(%arg13 : memref<128x16xf32, #tpu.memory_space<vmem>>) target(%dma_start3A_66 : memref<50008x16xf32, #tpu.memory_space<vmem_shared>>) offsets(%dma_start3A_63 : memref<128xi32, #tpu.memory_space<vmem>>) semaphore(%run_scoped3A : memref<!tpu.dma_semaphore, #tpu.memory_space<semaphore_mem>>) {add = true}
        %dma_wait3A_67 = arith.constant 0 : i32
        %dma_wait3A_68 = tpu.memref_slice %arg9[%while3A_31, %dma_wait3A_67] : memref<240x128xi32, #tpu.memory_space<vmem>> -> memref<1x128xi32, #tpu.memory_space<vmem>>
        %dma_wait3A_69 = tpu.memref_squeeze %dma_wait3A_68 : memref<1x128xi32, #tpu.memory_space<vmem>> -> memref<128xi32, #tpu.memory_space<vmem>>
        %dma_wait3A_70 = arith.constant 0 : i32
        %dma_wait3A_71 = arith.constant 0 : i32
        %dma_wait3A_72 = tpu.memref_slice %arg14[%dma_wait3A_70, %dma_wait3A_71] : memref<50008x16xf32, #tpu.memory_space<vmem_shared>> -> memref<50008x16xf32, #tpu.memory_space<vmem_shared>>
        tpu.wait_indirect_dma semaphore(%run_scoped3A : memref<!tpu.dma_semaphore, #tpu.memory_space<semaphore_mem>>) src(%arg13 : memref<128x16xf32, #tpu.memory_space<vmem>>) dst(%dma_wait3A_72 : memref<50008x16xf32, #tpu.memory_space<vmem_shared>>)
        tpu.yield
      }) : () -> ()
    }
    %while3A_24 = arith.constant 1 : i32
    scf.for %while3A_31 = %while3A_22 to %while3A_18 step %while3A_24  : i32 {
      %dma_start3A = arith.constant 0 : i32
      %dma_start3A_32 = tpu.memref_slice %arg8[%while3A_31, %dma_start3A] : memref<240x128xi32, #tpu.memory_space<vmem>> -> memref<1x128xi32, #tpu.memory_space<vmem>>
      %dma_start3A_33 = tpu.memref_squeeze %dma_start3A_32 : memref<1x128xi32, #tpu.memory_space<vmem>> -> memref<128xi32, #tpu.memory_space<vmem>>
      %dma_start3A_34 = arith.constant 0 : i32
      %dma_start3A_35 = arith.constant 0 : i32
      %dma_start3A_36 = tpu.memref_slice %arg2[%dma_start3A_34, %dma_start3A_35] : memref<10008x80xi32, #tpu.memory_space<hbm>> -> memref<10008x80xi32, #tpu.memory_space<hbm>>
      tpu.enqueue_indirect_dma source(%dma_start3A_36 : memref<10008x80xi32, #tpu.memory_space<hbm>>) target(%arg10 : memref<128x80xi32, #tpu.memory_space<vmem>>) offsets(%dma_start3A_33 : memref<128xi32, #tpu.memory_space<vmem>>) semaphore(%arg15 : memref<!tpu.dma_semaphore, #tpu.memory_space<semaphore_mem>>)
      %dma_start3A_37 = arith.constant 0 : i32
      %dma_start3A_38 = tpu.memref_slice %arg9[%while3A_31, %dma_start3A_37] : memref<240x128xi32, #tpu.memory_space<vmem>> -> memref<1x128xi32, #tpu.memory_space<vmem>>
      %dma_start3A_39 = tpu.memref_squeeze %dma_start3A_38 : memref<1x128xi32, #tpu.memory_space<vmem>> -> memref<128xi32, #tpu.memory_space<vmem>>
      %dma_start3A_40 = arith.constant 0 : i32
      %dma_start3A_41 = arith.constant 0 : i32
      %dma_start3A_42 = tpu.memref_slice %arg3[%dma_start3A_40, %dma_start3A_41] : memref<50008x16xf32, #tpu.memory_space<hbm>> -> memref<50008x16xf32, #tpu.memory_space<hbm>>
      tpu.enqueue_indirect_dma source(%dma_start3A_42 : memref<50008x16xf32, #tpu.memory_space<hbm>>) target(%arg11 : memref<128x16xf32, #tpu.memory_space<vmem>>) offsets(%dma_start3A_39 : memref<128xi32, #tpu.memory_space<vmem>>) semaphore(%arg15 : memref<!tpu.dma_semaphore, #tpu.memory_space<semaphore_mem>>)
      %dma_wait3A = arith.constant 0 : i32
      %dma_wait3A_43 = arith.constant 0 : i32
      %dma_wait3A_44 = tpu.memref_slice %arg8[%dma_wait3A, %dma_wait3A_43] : memref<240x128xi32, #tpu.memory_space<vmem>> -> memref<1x128xi32, #tpu.memory_space<vmem>>
      %dma_wait3A_45 = tpu.memref_squeeze %dma_wait3A_44 : memref<1x128xi32, #tpu.memory_space<vmem>> -> memref<128xi32, #tpu.memory_space<vmem>>
      %dma_wait3A_46 = arith.constant 0 : i32
      %dma_wait3A_47 = arith.constant 0 : i32
      %dma_wait3A_48 = tpu.memref_slice %arg2[%dma_wait3A_46, %dma_wait3A_47] : memref<10008x80xi32, #tpu.memory_space<hbm>> -> memref<10008x80xi32, #tpu.memory_space<hbm>>
      tpu.wait_indirect_dma semaphore(%arg15 : memref<!tpu.dma_semaphore, #tpu.memory_space<semaphore_mem>>) src(%dma_wait3A_48 : memref<10008x80xi32, #tpu.memory_space<hbm>>) dst(%arg10 : memref<128x80xi32, #tpu.memory_space<vmem>>)
      %dma_wait3A_49 = arith.constant 0 : i32
      %dma_wait3A_50 = arith.constant 0 : i32
      %dma_wait3A_51 = tpu.memref_slice %arg9[%dma_wait3A_49, %dma_wait3A_50] : memref<240x128xi32, #tpu.memory_space<vmem>> -> memref<1x128xi32, #tpu.memory_space<vmem>>
      %dma_wait3A_52 = tpu.memref_squeeze %dma_wait3A_51 : memref<1x128xi32, #tpu.memory_space<vmem>> -> memref<128xi32, #tpu.memory_space<vmem>>
      %dma_wait3A_53 = arith.constant 0 : i32
      %dma_wait3A_54 = arith.constant 0 : i32
      %dma_wait3A_55 = tpu.memref_slice %arg3[%dma_wait3A_53, %dma_wait3A_54] : memref<50008x16xf32, #tpu.memory_space<hbm>> -> memref<50008x16xf32, #tpu.memory_space<hbm>>
      tpu.wait_indirect_dma semaphore(%arg15 : memref<!tpu.dma_semaphore, #tpu.memory_space<semaphore_mem>>) src(%dma_wait3A_55 : memref<50008x16xf32, #tpu.memory_space<hbm>>) dst(%arg11 : memref<128x16xf32, #tpu.memory_space<vmem>>)
      %scan3A = arith.constant 0 : i32
      %scan3A_56 = arith.constant 0 : i32
      %scan3A_57 = arith.constant 64 : i32
      %scan3A_58 = arith.addi %scan3A_56, %scan3A_57 : i32
      %scan3A_59 = arith.constant 1 : i32
      scf.for %scan3A_61 = %scan3A_56 to %scan3A_58 step %scan3A_59  : i32 {
        %mul3A_62 = arith.constant 2 : i32
        %mul3A_63 = arith.muli %scan3A_61, %mul3A_62 : i32
        %add3A_64 = arith.constant 0 : i32
        %add3A_65 = arith.addi %mul3A_63, %add3A_64 : i32
        %get3A = arith.index_cast %add3A_65 : i32 to index
        %get3A_66 = arith.constant 64 : index
        %get3A_67 = tpu.vector_load %arg10[%get3A, %get3A_66] {strides = array<i32>} : memref<128x80xi32, #tpu.memory_space<vmem>>, vector<16xi32>,
        %bitcast_convert_type3A = tpu.bitcast %get3A_67 : vector<16xi32> -> vector<16xf32>
        %get3A_68 = arith.index_cast %add3A_65 : i32 to index
        %get3A_69 = arith.constant 0 : index
        %get3A_70 = tpu.vector_load %arg11[%get3A_68, %get3A_69] {strides = array<i32>} : memref<128x16xf32, #tpu.memory_space<vmem>>, vector<16xf32>,
        %add3A_71 = arith.addf %bitcast_convert_type3A, %get3A_70 : vector<16xf32>
        %jit3A_72 = arith.constant 2.000000e-01 : f32
        %ge3A = arith.constant 0.000000e+00 : f32
        %ge3A_73 = vector.broadcast %ge3A : f32 to vector<16xf32>
        %ge3A_74 = arith.cmpf oge, %add3A_71, %ge3A_73 : vector<16xf32>
        %mul3A_75 = vector.broadcast %jit3A_72 : f32 to vector<16xf32>
        %mul3A_76 = arith.mulf %mul3A_75, %add3A_71 : vector<16xf32>
        %select_n3A_77 = arith.select %ge3A_74, %add3A_71, %mul3A_76 : vector<16xi1>, vector<16xf32>
        %exp3A = math.exp %select_n3A_77 : vector<16xf32>
        %broadcast_in_dim3A = vector.broadcast %add3A_65 : i32 to vector<16xi32>
        %gather3A = tpu.vector_load_idx %arg11[%broadcast_in_dim3A, %and3A_15] : memref<128x16xf32, #tpu.memory_space<vmem>>[vector<16xi32>, vector<16xi32>], vector<16xf32>,
        %mul3A_78 = arith.mulf %exp3A, %gather3A : vector<16xf32>
        %swap3A = arith.index_cast %add3A_65 : i32 to index
        %swap3A_79 = arith.constant 0 : index
        %swap3A_80 = tpu.vector_load %arg12[%swap3A, %swap3A_79] {strides = array<i32>} : memref<128x16xf32, #tpu.memory_space<vmem>>, vector<16xf32>,
        tpu.vector_store %arg12[%swap3A, %swap3A_79], %mul3A_78 {strides = array<i32>} : memref<128x16xf32, #tpu.memory_space<vmem>>, vector<16xf32>,
        %mul3A_81 = arith.constant 2 : i32
        %mul3A_82 = arith.muli %scan3A_61, %mul3A_81 : i32
        %add3A_83 = arith.constant 1 : i32
        %add3A_84 = arith.addi %mul3A_82, %add3A_83 : i32
        %get3A_85 = arith.index_cast %add3A_84 : i32 to index
        %get3A_86 = arith.constant 64 : index
        %get3A_87 = tpu.vector_load %arg10[%get3A_85, %get3A_86] {strides = array<i32>} : memref<128x80xi32, #tpu.memory_space<vmem>>, vector<16xi32>,
        %bitcast_convert_type3A_88 = tpu.bitcast %get3A_87 : vector<16xi32> -> vector<16xf32>
        %get3A_89 = arith.index_cast %add3A_84 : i32 to index
        %get3A_90 = arith.constant 0 : index
        %get3A_91 = tpu.vector_load %arg11[%get3A_89, %get3A_90] {strides = array<i32>} : memref<128x16xf32, #tpu.memory_space<vmem>>, vector<16xf32>,
        %add3A_92 = arith.addf %bitcast_convert_type3A_88, %get3A_91 : vector<16xf32>
        %jit3A_93 = arith.constant 2.000000e-01 : f32
        %ge3A_94 = arith.constant 0.000000e+00 : f32
        %ge3A_95 = vector.broadcast %ge3A_94 : f32 to vector<16xf32>
        %ge3A_96 = arith.cmpf oge, %add3A_92, %ge3A_95 : vector<16xf32>
        %mul3A_97 = vector.broadcast %jit3A_93 : f32 to vector<16xf32>
        %mul3A_98 = arith.mulf %mul3A_97, %add3A_92 : vector<16xf32>
        %select_n3A_99 = arith.select %ge3A_96, %add3A_92, %mul3A_98 : vector<16xi1>, vector<16xf32>
        %exp3A_100 = math.exp %select_n3A_99 : vector<16xf32>
        %broadcast_in_dim3A_101 = vector.broadcast %add3A_84 : i32 to vector<16xi32>
        %gather3A_102 = tpu.vector_load_idx %arg11[%broadcast_in_dim3A_101, %and3A_15] : memref<128x16xf32, #tpu.memory_space<vmem>>[vector<16xi32>, vector<16xi32>], vector<16xf32>,
        %mul3A_103 = arith.mulf %exp3A_100, %gather3A_102 : vector<16xf32>
        %swap3A_104 = arith.index_cast %add3A_84 : i32 to index
        %swap3A_105 = arith.constant 0 : index
        %swap3A_106 = tpu.vector_load %arg12[%swap3A_104, %swap3A_105] {strides = array<i32>} : memref<128x16xf32, #tpu.memory_space<vmem>>, vector<16xf32>,
        tpu.vector_store %arg12[%swap3A_104, %swap3A_105], %mul3A_103 {strides = array<i32>} : memref<128x16xf32, #tpu.memory_space<vmem>>, vector<16xf32>,
        %mul3A_107 = arith.constant 2 : i32
        %mul3A_108 = arith.muli %scan3A_61, %mul3A_107 : i32
        %add3A_109 = arith.constant 0 : i32
        %add3A_110 = arith.addi %mul3A_108, %add3A_109 : i32
        %broadcast_in_dim3A_111 = arith.constant 0.000000e+00 : f32
        %broadcast_in_dim3A_112 = vector.broadcast %broadcast_in_dim3A_111 : f32 to vector<16xf32>
        %get3A_113 = arith.index_cast %add3A_110 : i32 to index
        %get3A_114 = arith.constant 0 : index
        %get3A_115 = tpu.vector_load %arg10[%get3A_113, %get3A_114] {strides = array<i32>} : memref<128x80xi32, #tpu.memory_space<vmem>>, vector<16xi32>,
        %and3A_116 = arith.constant -65536 : i32
        %and3A_117 = vector.broadcast %and3A_116 : i32 to vector<16xi32>
        %and3A_118 = arith.andi %get3A_115, %and3A_117 : vector<16xi32>
        %bitcast_convert_type3A_119 = tpu.bitcast %and3A_118 : vector<16xi32> -> vector<16xf32>
        %shift_left3A = arith.constant 16 : i32
        %shift_left3A_120 = vector.broadcast %shift_left3A : i32 to vector<16xi32>
        %shift_left3A_121 = arith.shli %get3A_115, %shift_left3A_120 : vector<16xi32>
        %bitcast_convert_type3A_122 = tpu.bitcast %shift_left3A_121 : vector<16xi32> -> vector<16xf32>
        %broadcast_in_dim3A_123 = vector.broadcast %add3A_110 : i32 to vector<16xi32>
        %broadcast_in_dim3A_124 = arith.constant 0 : i32
        %broadcast_in_dim3A_125 = vector.broadcast %broadcast_in_dim3A_124 : i32 to vector<16xi32>
        %gather3A_126 = tpu.vector_load_idx %arg12[%broadcast_in_dim3A_123, %broadcast_in_dim3A_125] : memref<128x16xf32, #tpu.memory_space<vmem>>[vector<16xi32>, vector<16xi32>], vector<16xf32>,
        %broadcast_in_dim3A_127 = vector.broadcast %add3A_110 : i32 to vector<16xi32>
        %broadcast_in_dim3A_128 = arith.constant 1 : i32
        %broadcast_in_dim3A_129 = vector.broadcast %broadcast_in_dim3A_128 : i32 to vector<16xi32>
        %gather3A_130 = tpu.vector_load_idx %arg12[%broadcast_in_dim3A_127, %broadcast_in_dim3A_129] : memref<128x16xf32, #tpu.memory_space<vmem>>[vector<16xi32>, vector<16xi32>], vector<16xf32>,
        %mul3A_131 = arith.mulf %gather3A_126, %bitcast_convert_type3A_119 : vector<16xf32>
        %add3A_132 = arith.addf %broadcast_in_dim3A_112, %mul3A_131 : vector<16xf32>
        %mul3A_133 = arith.mulf %gather3A_130, %bitcast_convert_type3A_122 : vector<16xf32>
        %add3A_134 = arith.addf %add3A_132, %mul3A_133 : vector<16xf32>
        %get3A_135 = arith.index_cast %add3A_110 : i32 to index
        %get3A_136 = arith.constant 16 : index
        %get3A_137 = tpu.vector_load %arg10[%get3A_135, %get3A_136] {strides = array<i32>} : memref<128x80xi32, #tpu.memory_space<vmem>>, vector<16xi32>,
        %and3A_138 = arith.constant -65536 : i32
        %and3A_139 = vector.broadcast %and3A_138 : i32 to vector<16xi32>
        %and3A_140 = arith.andi %get3A_137, %and3A_139 : vector<16xi32>
        %bitcast_convert_type3A_141 = tpu.bitcast %and3A_140 : vector<16xi32> -> vector<16xf32>
        %shift_left3A_142 = arith.constant 16 : i32
        %shift_left3A_143 = vector.broadcast %shift_left3A_142 : i32 to vector<16xi32>
        %shift_left3A_144 = arith.shli %get3A_137, %shift_left3A_143 : vector<16xi32>
        %bitcast_convert_type3A_145 = tpu.bitcast %shift_left3A_144 : vector<16xi32> -> vector<16xf32>
        %broadcast_in_dim3A_146 = vector.broadcast %add3A_110 : i32 to vector<16xi32>
        %broadcast_in_dim3A_147 = arith.constant 2 : i32
        %broadcast_in_dim3A_148 = vector.broadcast %broadcast_in_dim3A_147 : i32 to vector<16xi32>
        %gather3A_149 = tpu.vector_load_idx %arg12[%broadcast_in_dim3A_146, %broadcast_in_dim3A_148] : memref<128x16xf32, #tpu.memory_space<vmem>>[vector<16xi32>, vector<16xi32>], vector<16xf32>,
        %broadcast_in_dim3A_150 = vector.broadcast %add3A_110 : i32 to vector<16xi32>
        %broadcast_in_dim3A_151 = arith.constant 3 : i32
        %broadcast_in_dim3A_152 = vector.broadcast %broadcast_in_dim3A_151 : i32 to vector<16xi32>
        %gather3A_153 = tpu.vector_load_idx %arg12[%broadcast_in_dim3A_150, %broadcast_in_dim3A_152] : memref<128x16xf32, #tpu.memory_space<vmem>>[vector<16xi32>, vector<16xi32>], vector<16xf32>,
        %mul3A_154 = arith.mulf %gather3A_149, %bitcast_convert_type3A_141 : vector<16xf32>
        %add3A_155 = arith.addf %add3A_134, %mul3A_154 : vector<16xf32>
        %mul3A_156 = arith.mulf %gather3A_153, %bitcast_convert_type3A_145 : vector<16xf32>
        %add3A_157 = arith.addf %add3A_155, %mul3A_156 : vector<16xf32>
        %get3A_158 = arith.index_cast %add3A_110 : i32 to index
        %get3A_159 = arith.constant 32 : index
        %get3A_160 = tpu.vector_load %arg10[%get3A_158, %get3A_159] {strides = array<i32>} : memref<128x80xi32, #tpu.memory_space<vmem>>, vector<16xi32>,
        %and3A_161 = arith.constant -65536 : i32
        %and3A_162 = vector.broadcast %and3A_161 : i32 to vector<16xi32>
        %and3A_163 = arith.andi %get3A_160, %and3A_162 : vector<16xi32>
        %bitcast_convert_type3A_164 = tpu.bitcast %and3A_163 : vector<16xi32> -> vector<16xf32>
        %shift_left3A_165 = arith.constant 16 : i32
        %shift_left3A_166 = vector.broadcast %shift_left3A_165 : i32 to vector<16xi32>
        %shift_left3A_167 = arith.shli %get3A_160, %shift_left3A_166 : vector<16xi32>
        %bitcast_convert_type3A_168 = tpu.bitcast %shift_left3A_167 : vector<16xi32> -> vector<16xf32>
        %broadcast_in_dim3A_169 = vector.broadcast %add3A_110 : i32 to vector<16xi32>
        %broadcast_in_dim3A_170 = arith.constant 4 : i32
        %broadcast_in_dim3A_171 = vector.broadcast %broadcast_in_dim3A_170 : i32 to vector<16xi32>
        %gather3A_172 = tpu.vector_load_idx %arg12[%broadcast_in_dim3A_169, %broadcast_in_dim3A_171] : memref<128x16xf32, #tpu.memory_space<vmem>>[vector<16xi32>, vector<16xi32>], vector<16xf32>,
        %broadcast_in_dim3A_173 = vector.broadcast %add3A_110 : i32 to vector<16xi32>
        %broadcast_in_dim3A_174 = arith.constant 5 : i32
        %broadcast_in_dim3A_175 = vector.broadcast %broadcast_in_dim3A_174 : i32 to vector<16xi32>
        %gather3A_176 = tpu.vector_load_idx %arg12[%broadcast_in_dim3A_173, %broadcast_in_dim3A_175] : memref<128x16xf32, #tpu.memory_space<vmem>>[vector<16xi32>, vector<16xi32>], vector<16xf32>,
        %mul3A_177 = arith.mulf %gather3A_172, %bitcast_convert_type3A_164 : vector<16xf32>
        %add3A_178 = arith.addf %add3A_157, %mul3A_177 : vector<16xf32>
        %mul3A_179 = arith.mulf %gather3A_176, %bitcast_convert_type3A_168 : vector<16xf32>
        %add3A_180 = arith.addf %add3A_178, %mul3A_179 : vector<16xf32>
        %get3A_181 = arith.index_cast %add3A_110 : i32 to index
        %get3A_182 = arith.constant 48 : index
        %get3A_183 = tpu.vector_load %arg10[%get3A_181, %get3A_182] {strides = array<i32>} : memref<128x80xi32, #tpu.memory_space<vmem>>, vector<16xi32>,
        %and3A_184 = arith.constant -65536 : i32
        %and3A_185 = vector.broadcast %and3A_184 : i32 to vector<16xi32>
        %and3A_186 = arith.andi %get3A_183, %and3A_185 : vector<16xi32>
        %bitcast_convert_type3A_187 = tpu.bitcast %and3A_186 : vector<16xi32> -> vector<16xf32>
        %shift_left3A_188 = arith.constant 16 : i32
        %shift_left3A_189 = vector.broadcast %shift_left3A_188 : i32 to vector<16xi32>
        %shift_left3A_190 = arith.shli %get3A_183, %shift_left3A_189 : vector<16xi32>
        %bitcast_convert_type3A_191 = tpu.bitcast %shift_left3A_190 : vector<16xi32> -> vector<16xf32>
        %broadcast_in_dim3A_192 = vector.broadcast %add3A_110 : i32 to vector<16xi32>
        %broadcast_in_dim3A_193 = arith.constant 6 : i32
        %broadcast_in_dim3A_194 = vector.broadcast %broadcast_in_dim3A_193 : i32 to vector<16xi32>
        %gather3A_195 = tpu.vector_load_idx %arg12[%broadcast_in_dim3A_192, %broadcast_in_dim3A_194] : memref<128x16xf32, #tpu.memory_space<vmem>>[vector<16xi32>, vector<16xi32>], vector<16xf32>,
        %broadcast_in_dim3A_196 = vector.broadcast %add3A_110 : i32 to vector<16xi32>
        %broadcast_in_dim3A_197 = arith.constant 7 : i32
        %broadcast_in_dim3A_198 = vector.broadcast %broadcast_in_dim3A_197 : i32 to vector<16xi32>
        %gather3A_199 = tpu.vector_load_idx %arg12[%broadcast_in_dim3A_196, %broadcast_in_dim3A_198] : memref<128x16xf32, #tpu.memory_space<vmem>>[vector<16xi32>, vector<16xi32>], vector<16xf32>,
        %mul3A_200 = arith.mulf %gather3A_195, %bitcast_convert_type3A_187 : vector<16xf32>
        %add3A_201 = arith.addf %add3A_180, %mul3A_200 : vector<16xf32>
        %mul3A_202 = arith.mulf %gather3A_199, %bitcast_convert_type3A_191 : vector<16xf32>
        %add3A_203 = arith.addf %add3A_201, %mul3A_202 : vector<16xf32>
        %swap3A_204 = arith.index_cast %add3A_110 : i32 to index
        %swap3A_205 = arith.constant 0 : index
        %swap3A_206 = tpu.vector_load %arg13[%swap3A_204, %swap3A_205] {strides = array<i32>} : memref<128x16xf32, #tpu.memory_space<vmem>>, vector<16xf32>,
        tpu.vector_store %arg13[%swap3A_204, %swap3A_205], %add3A_203 {strides = array<i32>} : memref<128x16xf32, #tpu.memory_space<vmem>>, vector<16xf32>,
        %mul3A_207 = arith.constant 2 : i32
        %mul3A_208 = arith.muli %scan3A_61, %mul3A_207 : i32
        %add3A_209 = arith.constant 1 : i32
        %add3A_210 = arith.addi %mul3A_208, %add3A_209 : i32
        %broadcast_in_dim3A_211 = arith.constant 0.000000e+00 : f32
        %broadcast_in_dim3A_212 = vector.broadcast %broadcast_in_dim3A_211 : f32 to vector<16xf32>
        %get3A_213 = arith.index_cast %add3A_210 : i32 to index
        %get3A_214 = arith.constant 0 : index
        %get3A_215 = tpu.vector_load %arg10[%get3A_213, %get3A_214] {strides = array<i32>} : memref<128x80xi32, #tpu.memory_space<vmem>>, vector<16xi32>,
        %and3A_216 = arith.constant -65536 : i32
        %and3A_217 = vector.broadcast %and3A_216 : i32 to vector<16xi32>
        %and3A_218 = arith.andi %get3A_215, %and3A_217 : vector<16xi32>
        %bitcast_convert_type3A_219 = tpu.bitcast %and3A_218 : vector<16xi32> -> vector<16xf32>
        %shift_left3A_220 = arith.constant 16 : i32
        %shift_left3A_221 = vector.broadcast %shift_left3A_220 : i32 to vector<16xi32>
        %shift_left3A_222 = arith.shli %get3A_215, %shift_left3A_221 : vector<16xi32>
        %bitcast_convert_type3A_223 = tpu.bitcast %shift_left3A_222 : vector<16xi32> -> vector<16xf32>
        %broadcast_in_dim3A_224 = vector.broadcast %add3A_210 : i32 to vector<16xi32>
        %broadcast_in_dim3A_225 = arith.constant 0 : i32
        %broadcast_in_dim3A_226 = vector.broadcast %broadcast_in_dim3A_225 : i32 to vector<16xi32>
        %gather3A_227 = tpu.vector_load_idx %arg12[%broadcast_in_dim3A_224, %broadcast_in_dim3A_226] : memref<128x16xf32, #tpu.memory_space<vmem>>[vector<16xi32>, vector<16xi32>], vector<16xf32>,
        %broadcast_in_dim3A_228 = vector.broadcast %add3A_210 : i32 to vector<16xi32>
        %broadcast_in_dim3A_229 = arith.constant 1 : i32
        %broadcast_in_dim3A_230 = vector.broadcast %broadcast_in_dim3A_229 : i32 to vector<16xi32>
        %gather3A_231 = tpu.vector_load_idx %arg12[%broadcast_in_dim3A_228, %broadcast_in_dim3A_230] : memref<128x16xf32, #tpu.memory_space<vmem>>[vector<16xi32>, vector<16xi32>], vector<16xf32>,
        %mul3A_232 = arith.mulf %gather3A_227, %bitcast_convert_type3A_219 : vector<16xf32>
        %add3A_233 = arith.addf %broadcast_in_dim3A_212, %mul3A_232 : vector<16xf32>
        %mul3A_234 = arith.mulf %gather3A_231, %bitcast_convert_type3A_223 : vector<16xf32>
        %add3A_235 = arith.addf %add3A_233, %mul3A_234 : vector<16xf32>
        %get3A_236 = arith.index_cast %add3A_210 : i32 to index
        %get3A_237 = arith.constant 16 : index
        %get3A_238 = tpu.vector_load %arg10[%get3A_236, %get3A_237] {strides = array<i32>} : memref<128x80xi32, #tpu.memory_space<vmem>>, vector<16xi32>,
        %and3A_239 = arith.constant -65536 : i32
        %and3A_240 = vector.broadcast %and3A_239 : i32 to vector<16xi32>
        %and3A_241 = arith.andi %get3A_238, %and3A_240 : vector<16xi32>
        %bitcast_convert_type3A_242 = tpu.bitcast %and3A_241 : vector<16xi32> -> vector<16xf32>
        %shift_left3A_243 = arith.constant 16 : i32
        %shift_left3A_244 = vector.broadcast %shift_left3A_243 : i32 to vector<16xi32>
        %shift_left3A_245 = arith.shli %get3A_238, %shift_left3A_244 : vector<16xi32>
        %bitcast_convert_type3A_246 = tpu.bitcast %shift_left3A_245 : vector<16xi32> -> vector<16xf32>
        %broadcast_in_dim3A_247 = vector.broadcast %add3A_210 : i32 to vector<16xi32>
        %broadcast_in_dim3A_248 = arith.constant 2 : i32
        %broadcast_in_dim3A_249 = vector.broadcast %broadcast_in_dim3A_248 : i32 to vector<16xi32>
        %gather3A_250 = tpu.vector_load_idx %arg12[%broadcast_in_dim3A_247, %broadcast_in_dim3A_249] : memref<128x16xf32, #tpu.memory_space<vmem>>[vector<16xi32>, vector<16xi32>], vector<16xf32>,
        %broadcast_in_dim3A_251 = vector.broadcast %add3A_210 : i32 to vector<16xi32>
        %broadcast_in_dim3A_252 = arith.constant 3 : i32
        %broadcast_in_dim3A_253 = vector.broadcast %broadcast_in_dim3A_252 : i32 to vector<16xi32>
        %gather3A_254 = tpu.vector_load_idx %arg12[%broadcast_in_dim3A_251, %broadcast_in_dim3A_253] : memref<128x16xf32, #tpu.memory_space<vmem>>[vector<16xi32>, vector<16xi32>], vector<16xf32>,
        %mul3A_255 = arith.mulf %gather3A_250, %bitcast_convert_type3A_242 : vector<16xf32>
        %add3A_256 = arith.addf %add3A_235, %mul3A_255 : vector<16xf32>
        %mul3A_257 = arith.mulf %gather3A_254, %bitcast_convert_type3A_246 : vector<16xf32>
        %add3A_258 = arith.addf %add3A_256, %mul3A_257 : vector<16xf32>
        %get3A_259 = arith.index_cast %add3A_210 : i32 to index
        %get3A_260 = arith.constant 32 : index
        %get3A_261 = tpu.vector_load %arg10[%get3A_259, %get3A_260] {strides = array<i32>} : memref<128x80xi32, #tpu.memory_space<vmem>>, vector<16xi32>,
        %and3A_262 = arith.constant -65536 : i32
        %and3A_263 = vector.broadcast %and3A_262 : i32 to vector<16xi32>
        %and3A_264 = arith.andi %get3A_261, %and3A_263 : vector<16xi32>
        %bitcast_convert_type3A_265 = tpu.bitcast %and3A_264 : vector<16xi32> -> vector<16xf32>
        %shift_left3A_266 = arith.constant 16 : i32
        %shift_left3A_267 = vector.broadcast %shift_left3A_266 : i32 to vector<16xi32>
        %shift_left3A_268 = arith.shli %get3A_261, %shift_left3A_267 : vector<16xi32>
        %bitcast_convert_type3A_269 = tpu.bitcast %shift_left3A_268 : vector<16xi32> -> vector<16xf32>
        %broadcast_in_dim3A_270 = vector.broadcast %add3A_210 : i32 to vector<16xi32>
        %broadcast_in_dim3A_271 = arith.constant 4 : i32
        %broadcast_in_dim3A_272 = vector.broadcast %broadcast_in_dim3A_271 : i32 to vector<16xi32>
        %gather3A_273 = tpu.vector_load_idx %arg12[%broadcast_in_dim3A_270, %broadcast_in_dim3A_272] : memref<128x16xf32, #tpu.memory_space<vmem>>[vector<16xi32>, vector<16xi32>], vector<16xf32>,
        %broadcast_in_dim3A_274 = vector.broadcast %add3A_210 : i32 to vector<16xi32>
        %broadcast_in_dim3A_275 = arith.constant 5 : i32
        %broadcast_in_dim3A_276 = vector.broadcast %broadcast_in_dim3A_275 : i32 to vector<16xi32>
        %gather3A_277 = tpu.vector_load_idx %arg12[%broadcast_in_dim3A_274, %broadcast_in_dim3A_276] : memref<128x16xf32, #tpu.memory_space<vmem>>[vector<16xi32>, vector<16xi32>], vector<16xf32>,
        %mul3A_278 = arith.mulf %gather3A_273, %bitcast_convert_type3A_265 : vector<16xf32>
        %add3A_279 = arith.addf %add3A_258, %mul3A_278 : vector<16xf32>
        %mul3A_280 = arith.mulf %gather3A_277, %bitcast_convert_type3A_269 : vector<16xf32>
        %add3A_281 = arith.addf %add3A_279, %mul3A_280 : vector<16xf32>
        %get3A_282 = arith.index_cast %add3A_210 : i32 to index
        %get3A_283 = arith.constant 48 : index
        %get3A_284 = tpu.vector_load %arg10[%get3A_282, %get3A_283] {strides = array<i32>} : memref<128x80xi32, #tpu.memory_space<vmem>>, vector<16xi32>,
        %and3A_285 = arith.constant -65536 : i32
        %and3A_286 = vector.broadcast %and3A_285 : i32 to vector<16xi32>
        %and3A_287 = arith.andi %get3A_284, %and3A_286 : vector<16xi32>
        %bitcast_convert_type3A_288 = tpu.bitcast %and3A_287 : vector<16xi32> -> vector<16xf32>
        %shift_left3A_289 = arith.constant 16 : i32
        %shift_left3A_290 = vector.broadcast %shift_left3A_289 : i32 to vector<16xi32>
        %shift_left3A_291 = arith.shli %get3A_284, %shift_left3A_290 : vector<16xi32>
        %bitcast_convert_type3A_292 = tpu.bitcast %shift_left3A_291 : vector<16xi32> -> vector<16xf32>
        %broadcast_in_dim3A_293 = vector.broadcast %add3A_210 : i32 to vector<16xi32>
        %broadcast_in_dim3A_294 = arith.constant 6 : i32
        %broadcast_in_dim3A_295 = vector.broadcast %broadcast_in_dim3A_294 : i32 to vector<16xi32>
        %gather3A_296 = tpu.vector_load_idx %arg12[%broadcast_in_dim3A_293, %broadcast_in_dim3A_295] : memref<128x16xf32, #tpu.memory_space<vmem>>[vector<16xi32>, vector<16xi32>], vector<16xf32>,
        %broadcast_in_dim3A_297 = vector.broadcast %add3A_210 : i32 to vector<16xi32>
        %broadcast_in_dim3A_298 = arith.constant 7 : i32
        %broadcast_in_dim3A_299 = vector.broadcast %broadcast_in_dim3A_298 : i32 to vector<16xi32>
        %gather3A_300 = tpu.vector_load_idx %arg12[%broadcast_in_dim3A_297, %broadcast_in_dim3A_299] : memref<128x16xf32, #tpu.memory_space<vmem>>[vector<16xi32>, vector<16xi32>], vector<16xf32>,
        %mul3A_301 = arith.mulf %gather3A_296, %bitcast_convert_type3A_288 : vector<16xf32>
        %add3A_302 = arith.addf %add3A_281, %mul3A_301 : vector<16xf32>
        %mul3A_303 = arith.mulf %gather3A_300, %bitcast_convert_type3A_292 : vector<16xf32>
        %add3A_304 = arith.addf %add3A_302, %mul3A_303 : vector<16xf32>
        %swap3A_305 = arith.index_cast %add3A_210 : i32 to index
        %swap3A_306 = arith.constant 0 : index
        %swap3A_307 = tpu.vector_load %arg13[%swap3A_305, %swap3A_306] {strides = array<i32>} : memref<128x16xf32, #tpu.memory_space<vmem>>, vector<16xf32>,
        tpu.vector_store %arg13[%swap3A_305, %swap3A_306], %add3A_304 {strides = array<i32>} : memref<128x16xf32, #tpu.memory_space<vmem>>, vector<16xf32>,
      }
      %scan3A_60 = arith.constant 64 : i32
      "tpu.region"() ({
        %run_scoped3A = tpu.sem_alloc : memref<!tpu.dma_semaphore, #tpu.memory_space<semaphore_mem>>
        %dma_start3A_61 = arith.constant 0 : i32
        %dma_start3A_62 = tpu.memref_slice %arg9[%while3A_31, %dma_start3A_61] : memref<240x128xi32, #tpu.memory_space<vmem>> -> memref<1x128xi32, #tpu.memory_space<vmem>>
        %dma_start3A_63 = tpu.memref_squeeze %dma_start3A_62 : memref<1x128xi32, #tpu.memory_space<vmem>> -> memref<128xi32, #tpu.memory_space<vmem>>
        %dma_start3A_64 = arith.constant 0 : i32
        %dma_start3A_65 = arith.constant 0 : i32
        %dma_start3A_66 = tpu.memref_slice %arg14[%dma_start3A_64, %dma_start3A_65] : memref<50008x16xf32, #tpu.memory_space<vmem_shared>> -> memref<50008x16xf32, #tpu.memory_space<vmem_shared>>
        tpu.enqueue_indirect_dma source(%arg13 : memref<128x16xf32, #tpu.memory_space<vmem>>) target(%dma_start3A_66 : memref<50008x16xf32, #tpu.memory_space<vmem_shared>>) offsets(%dma_start3A_63 : memref<128xi32, #tpu.memory_space<vmem>>) semaphore(%run_scoped3A : memref<!tpu.dma_semaphore, #tpu.memory_space<semaphore_mem>>) {add = true}
        %dma_wait3A_67 = arith.constant 0 : i32
        %dma_wait3A_68 = tpu.memref_slice %arg9[%while3A_31, %dma_wait3A_67] : memref<240x128xi32, #tpu.memory_space<vmem>> -> memref<1x128xi32, #tpu.memory_space<vmem>>
        %dma_wait3A_69 = tpu.memref_squeeze %dma_wait3A_68 : memref<1x128xi32, #tpu.memory_space<vmem>> -> memref<128xi32, #tpu.memory_space<vmem>>
        %dma_wait3A_70 = arith.constant 0 : i32
        %dma_wait3A_71 = arith.constant 0 : i32
        %dma_wait3A_72 = tpu.memref_slice %arg14[%dma_wait3A_70, %dma_wait3A_71] : memref<50008x16xf32, #tpu.memory_space<vmem_shared>> -> memref<50008x16xf32, #tpu.memory_space<vmem_shared>>
        tpu.wait_indirect_dma semaphore(%run_scoped3A : memref<!tpu.dma_semaphore, #tpu.memory_space<semaphore_mem>>) src(%arg13 : memref<128x16xf32, #tpu.memory_space<vmem>>) dst(%dma_wait3A_72 : memref<50008x16xf32, #tpu.memory_space<vmem_shared>>)
        tpu.yield
      }) : () -> ()
    }
    %barrier3A_25 = arith.constant 0 : index
    tpu.barrier barrier_id(%barrier3A_25)
    %eq3A_26 = arith.constant 0 : i32
    %eq3A_27 = arith.cmpi eq, %arg1, %eq3A_26 : i32
    %convert_element_type3A_28 = arith.extui %eq3A_27 : i1 to i32
    %cond3A_29 = arith.constant 0 : i32
    %cond3A_30 = arith.cmpi ne, %convert_element_type3A_28, %cond3A_29 : i32
    scf.if %cond3A_30 {
      "tpu.region"() ({
        %run_scoped3A = tpu.sem_alloc : memref<!tpu.dma_semaphore, #tpu.memory_space<semaphore_mem>>
        %dma_start3A = arith.constant 0 : i32
        %dma_start3A_31 = arith.constant 0 : i32
        %dma_start3A_32 = tpu.memref_slice %arg7[%arg0, %dma_start3A, %dma_start3A_31] : memref<2x50008x16xf32, #tpu.memory_space<hbm>> -> memref<1x50008x16xf32, #tpu.memory_space<hbm>>
        %dma_start3A_33 = tpu.memref_squeeze %dma_start3A_32 : memref<1x50008x16xf32, #tpu.memory_space<hbm>> -> memref<50008x16xf32, #tpu.memory_space<hbm>>
        tpu.enqueue_dma source(%arg14 : memref<50008x16xf32, #tpu.memory_space<vmem_shared>>) target(%dma_start3A_33 : memref<50008x16xf32, #tpu.memory_space<hbm>>) target_semaphore(%run_scoped3A : memref<!tpu.dma_semaphore, #tpu.memory_space<semaphore_mem>>)
        %dma_wait3A = arith.constant 0 : i32
        %dma_wait3A_34 = arith.constant 0 : i32
        %dma_wait3A_35 = tpu.memref_slice %arg7[%arg0, %dma_wait3A, %dma_wait3A_34] : memref<2x50008x16xf32, #tpu.memory_space<hbm>> -> memref<1x50008x16xf32, #tpu.memory_space<hbm>>
        %dma_wait3A_36 = tpu.memref_squeeze %dma_wait3A_35 : memref<1x50008x16xf32, #tpu.memory_space<hbm>> -> memref<50008x16xf32, #tpu.memory_space<hbm>>
        tpu.wait_dma2 semaphore(%run_scoped3A : memref<!tpu.dma_semaphore, #tpu.memory_space<semaphore_mem>>) src(%arg14 : memref<50008x16xf32, #tpu.memory_space<vmem_shared>>) dst(%dma_wait3A_36 : memref<50008x16xf32, #tpu.memory_space<hbm>>)
        tpu.yield
      }) : () -> ()
    } else {
    }
    return
  }
}

module attributes {stable_mosaic.version = 14 : i64} {
  func.func @body(%arg0: i32, %arg1: memref<2000x128xf32, #tpu.memory_space<vmem>>, %arg2: memref<128x32xf32, #tpu.memory_space<vmem>>, %arg3: memref<128x32xf32, #tpu.memory_space<vmem>>, %arg4: memref<32x32xf32, #tpu.memory_space<vmem>>, %arg5: memref<1x32xf32, #tpu.memory_space<vmem>>, %arg6: memref<2000x80xf32, #tpu.memory_space<vmem>>, %arg7: memref<2000x32xf32, #tpu.memory_space<vmem>>) attributes {dimension_semantics = [#tpu.dimension_semantics<arbitrary>], iteration_bounds = array<i64: 25>, scalar_prefetch = 0 : i64, scratch_operands = 0 : i64, tpu.core_type = #tpu.core_type<tc>, window_params = [{transform_indices = @transform_0, window_bounds = array<i64: 2000, 128>}, {pipeline_mode = #tpu.pipeline_mode<synchronous>, transform_indices = @transform_1, window_bounds = array<i64: 128, 32>}, {pipeline_mode = #tpu.pipeline_mode<synchronous>, transform_indices = @transform_2, window_bounds = array<i64: 128, 32>}, {pipeline_mode = #tpu.pipeline_mode<synchronous>, transform_indices = @transform_3, window_bounds = array<i64: 32, 32>}, {pipeline_mode = #tpu.pipeline_mode<synchronous>, transform_indices = @transform_4, window_bounds = array<i64: 1, 32>}, {transform_indices = @transform_5, window_bounds = array<i64: 2000, 80>}, {transform_indices = @transform_6, window_bounds = array<i64: 2000, 32>}]} {
    %get3A = arith.constant 0 : index
    %get3A_0 = arith.constant 0 : index
    %get3A_1 = vector.load %arg1[%get3A, %get3A_0] : memref<2000x128xf32, #tpu.memory_space<vmem>>, vector<2000x128xf32>
    %get3A_2 = arith.constant 0 : index
    %get3A_3 = arith.constant 0 : index
    %get3A_4 = vector.load %arg2[%get3A_2, %get3A_3] : memref<128x32xf32, #tpu.memory_space<vmem>>, vector<128x32xf32>
    %dot_general3A = arith.constant dense<0.000000e+00> : vector<2000x32xf32>
    %dot_general3A_5 = tpu.matmul %get3A_1, %get3A_4, %dot_general3A {dimension_numbers = #tpu.dot_dimension_numbers<[1], [0], [0], [1], [0, 0, 1, 1], [], []>, transpose_lhs_hint = false} : vector<2000x128xf32>, vector<128x32xf32>, vector<2000x32xf32> -> vector<2000x32xf32>
    %get3A_6 = arith.constant 0 : index
    %get3A_7 = arith.constant 0 : index
    %get3A_8 = vector.load %arg3[%get3A_6, %get3A_7] : memref<128x32xf32, #tpu.memory_space<vmem>>, vector<128x32xf32>
    %dot_general3A_9 = arith.constant dense<0.000000e+00> : vector<2000x32xf32>
    %dot_general3A_10 = tpu.matmul %get3A_1, %get3A_8, %dot_general3A_9 {dimension_numbers = #tpu.dot_dimension_numbers<[1], [0], [0], [1], [0, 0, 1, 1], [], []>, transpose_lhs_hint = false} : vector<2000x128xf32>, vector<128x32xf32>, vector<2000x32xf32> -> vector<2000x32xf32>
    %get3A_11 = arith.constant 0 : index
    %get3A_12 = arith.constant 0 : index
    %get3A_13 = vector.load %arg5[%get3A_11, %get3A_12] : memref<1x32xf32, #tpu.memory_space<vmem>>, vector<1x32xf32>
    %add3A = vector.broadcast %get3A_13 : vector<1x32xf32> to vector<2000x32xf32>
    %add3A_14 = arith.addf %dot_general3A_10, %add3A : vector<2000x32xf32>
    %jit3A = arith.constant 2.000000e-01 : f32
    %ge3A = arith.constant 0.000000e+00 : f32
    %ge3A_15 = vector.broadcast %ge3A : f32 to vector<2000x32xf32>
    %ge3A_16 = arith.cmpf oge, %add3A_14, %ge3A_15 : vector<2000x32xf32>
    %mul3A = vector.broadcast %jit3A : f32 to vector<2000x32xf32>
    %mul3A_17 = arith.mulf %mul3A, %add3A_14 : vector<2000x32xf32>
    %select_n3A = arith.select %ge3A_16, %add3A_14, %mul3A_17 : vector<2000x32xi1>, vector<2000x32xf32>
    %get3A_18 = arith.constant 0 : index
    %get3A_19 = arith.constant 0 : index
    %get3A_20 = vector.load %arg4[%get3A_18, %get3A_19] : memref<32x32xf32, #tpu.memory_space<vmem>>, vector<32x32xf32>
    %dot_general3A_21 = arith.constant dense<0.000000e+00> : vector<2000x32xf32>
    %dot_general3A_22 = tpu.matmul %select_n3A, %get3A_20, %dot_general3A_21 {dimension_numbers = #tpu.dot_dimension_numbers<[1], [0], [0], [1], [0, 0, 1, 1], [], []>, transpose_lhs_hint = false} : vector<2000x32xf32>, vector<32x32xf32>, vector<2000x32xf32> -> vector<2000x32xf32>
    %broadcast_in_dim3A = arith.constant 1.000000e+00 : f32
    %broadcast_in_dim3A_23 = vector.broadcast %broadcast_in_dim3A : f32 to vector<2000x16xf32>
    %concatenate3A = tpu.concatenate %dot_general3A_5, %dot_general3A_22, %broadcast_in_dim3A_23 in 1 : vector<2000x32xf32>, vector<2000x32xf32>, vector<2000x16xf32> -> vector<2000x80xf32>
    %swap3A = arith.constant 0 : index
    %swap3A_24 = arith.constant 0 : index
    %swap3A_25 = vector.load %arg6[%swap3A, %swap3A_24] : memref<2000x80xf32, #tpu.memory_space<vmem>>, vector<2000x80xf32>
    tpu.vector_store %arg6[%swap3A, %swap3A_24], %concatenate3A {strides = array<i32>} : memref<2000x80xf32, #tpu.memory_space<vmem>>, vector<2000x80xf32>,
    %swap3A_26 = arith.constant 0 : index
    %swap3A_27 = arith.constant 0 : index
    %swap3A_28 = vector.load %arg7[%swap3A_26, %swap3A_27] : memref<2000x32xf32, #tpu.memory_space<vmem>>, vector<2000x32xf32>
    tpu.vector_store %arg7[%swap3A_26, %swap3A_27], %select_n3A {strides = array<i32>} : memref<2000x32xf32, #tpu.memory_space<vmem>>, vector<2000x32xf32>,
    return
  }
  func.func @transform_0(%arg0: i32) -> (i32, i32) {
    %c0_i32 = arith.constant 0 : i32
    %c0_i32_0 = arith.constant 0 : i32
    return %arg0, %c0_i32 : i32, i32
  }
  func.func @transform_1(%arg0: i32) -> (i32, i32) {
    %c0_i32 = arith.constant 0 : i32
    %c0_i32_0 = arith.constant 0 : i32
    %c0_i32_1 = arith.constant 0 : i32
    return %c0_i32, %c0_i32_0 : i32, i32
  }
  func.func @transform_2(%arg0: i32) -> (i32, i32) {
    %c0_i32 = arith.constant 0 : i32
    %c0_i32_0 = arith.constant 0 : i32
    %c0_i32_1 = arith.constant 0 : i32
    return %c0_i32, %c0_i32_0 : i32, i32
  }
  func.func @transform_3(%arg0: i32) -> (i32, i32) {
    %c0_i32 = arith.constant 0 : i32
    %c0_i32_0 = arith.constant 0 : i32
    %c0_i32_1 = arith.constant 0 : i32
    return %c0_i32, %c0_i32_0 : i32, i32
  }
  func.func @transform_4(%arg0: i32) -> (i32, i32) {
    %c0_i32 = arith.constant 0 : i32
    %c0_i32_0 = arith.constant 0 : i32
    %c0_i32_1 = arith.constant 0 : i32
    return %c0_i32, %c0_i32_0 : i32, i32
  }
  func.func @transform_5(%arg0: i32) -> (i32, i32) {
    %c0_i32 = arith.constant 0 : i32
    %c0_i32_0 = arith.constant 0 : i32
    return %arg0, %c0_i32 : i32, i32
  }
  func.func @transform_6(%arg0: i32) -> (i32, i32) {
    %c0_i32 = arith.constant 0 : i32
    %c0_i32_0 = arith.constant 0 : i32
    return %arg0, %c0_i32 : i32, i32
  }
}

module attributes {stable_mosaic.version = 14 : i64} {
  func.func @body(%arg0: i32, %arg1: memref<2x2000x80xf32, #tpu.memory_space<vmem>>, %arg2: memref<1x32xf32, #tpu.memory_space<vmem>>, %arg3: memref<32x32xf32, #tpu.memory_space<vmem>>, %arg4: memref<32x32xf32, #tpu.memory_space<vmem>>, %arg5: memref<2000x48xf32, #tpu.memory_space<vmem>>, %arg6: memref<2000x32xf32, #tpu.memory_space<vmem>>, %arg7: memref<2000x32xf32, #tpu.memory_space<vmem>>) attributes {dimension_semantics = [#tpu.dimension_semantics<arbitrary>], iteration_bounds = array<i64: 5>, scalar_prefetch = 0 : i64, scratch_operands = 0 : i64, tpu.core_type = #tpu.core_type<tc>, window_params = [{transform_indices = @transform_0, window_bounds = array<i64: 2, 2000, 80>}, {pipeline_mode = #tpu.pipeline_mode<synchronous>, transform_indices = @transform_1, window_bounds = array<i64: 1, 32>}, {pipeline_mode = #tpu.pipeline_mode<synchronous>, transform_indices = @transform_2, window_bounds = array<i64: 32, 32>}, {pipeline_mode = #tpu.pipeline_mode<synchronous>, transform_indices = @transform_3, window_bounds = array<i64: 32, 32>}, {transform_indices = @transform_4, window_bounds = array<i64: 2000, 48>}, {transform_indices = @transform_5, window_bounds = array<i64: 2000, 32>}, {transform_indices = @transform_6, window_bounds = array<i64: 2000, 32>}]} {
    %get3A = arith.constant 0 : index
    %get3A_0 = arith.constant 0 : index
    %get3A_1 = arith.constant 0 : index
    %get3A_2 = vector.load %arg1[%get3A, %get3A_0, %get3A_1] : memref<2x2000x80xf32, #tpu.memory_space<vmem>>, vector<1x2000x80xf32>
    %get3A_3 = vector.shape_cast %get3A_2 : vector<1x2000x80xf32> to vector<2000x80xf32>
    %get3A_4 = arith.constant 1 : index
    %get3A_5 = arith.constant 0 : index
    %get3A_6 = arith.constant 0 : index
    %get3A_7 = vector.load %arg1[%get3A_4, %get3A_5, %get3A_6] : memref<2x2000x80xf32, #tpu.memory_space<vmem>>, vector<1x2000x80xf32>
    %get3A_8 = vector.shape_cast %get3A_7 : vector<1x2000x80xf32> to vector<2000x80xf32>
    %add3A = arith.addf %get3A_3, %get3A_8 : vector<2000x80xf32>
    %slice3A = vector.extract_strided_slice %add3A {offsets = [0, 0], sizes = [2000, 32], strides = [1, 1]} : vector<2000x80xf32> to vector<2000x32xf32>
    %slice3A_9 = vector.extract_strided_slice %add3A {offsets = [0, 32], sizes = [2000, 32], strides = [1, 1]} : vector<2000x80xf32> to vector<2000x32xf32>
    %slice3A_10 = vector.extract_strided_slice %add3A {offsets = [0, 64], sizes = [2000, 1], strides = [1, 1]} : vector<2000x80xf32> to vector<2000x1xf32>
    %max3A = arith.constant 1.000000e+00 : f32
    %max3A_11 = vector.broadcast %max3A : f32 to vector<2000x1xf32>
    %max3A_12 = arith.maximumf %slice3A_10, %max3A_11 : vector<2000x1xf32>
    %div3A = vector.broadcast %max3A_12 : vector<2000x1xf32> to vector<2000x32xf32>
    %div3A_13 = arith.divf %slice3A, %div3A : vector<2000x32xf32>
    %get3A_14 = arith.constant 0 : index
    %get3A_15 = arith.constant 0 : index
    %get3A_16 = vector.load %arg2[%get3A_14, %get3A_15] : memref<1x32xf32, #tpu.memory_space<vmem>>, vector<1x32xf32>
    %add3A_17 = vector.broadcast %get3A_16 : vector<1x32xf32> to vector<2000x32xf32>
    %add3A_18 = arith.addf %div3A_13, %add3A_17 : vector<2000x32xf32>
    %jit3A = arith.constant 2.000000e-01 : f32
    %ge3A = arith.constant 0.000000e+00 : f32
    %ge3A_19 = vector.broadcast %ge3A : f32 to vector<2000x32xf32>
    %ge3A_20 = arith.cmpf oge, %add3A_18, %ge3A_19 : vector<2000x32xf32>
    %mul3A = vector.broadcast %jit3A : f32 to vector<2000x32xf32>
    %mul3A_21 = arith.mulf %mul3A, %add3A_18 : vector<2000x32xf32>
    %select_n3A = arith.select %ge3A_20, %add3A_18, %mul3A_21 : vector<2000x32xi1>, vector<2000x32xf32>
    %get3A_22 = arith.constant 0 : index
    %get3A_23 = arith.constant 0 : index
    %get3A_24 = vector.load %arg3[%get3A_22, %get3A_23] : memref<32x32xf32, #tpu.memory_space<vmem>>, vector<32x32xf32>
    %dot_general3A = arith.constant dense<0.000000e+00> : vector<2000x32xf32>
    %dot_general3A_25 = tpu.matmul %select_n3A, %get3A_24, %dot_general3A {dimension_numbers = #tpu.dot_dimension_numbers<[1], [0], [0], [1], [0, 0, 1, 1], [], []>, transpose_lhs_hint = false} : vector<2000x32xf32>, vector<32x32xf32>, vector<2000x32xf32> -> vector<2000x32xf32>
    %get3A_26 = arith.constant 0 : index
    %get3A_27 = arith.constant 0 : index
    %get3A_28 = vector.load %arg4[%get3A_26, %get3A_27] : memref<32x32xf32, #tpu.memory_space<vmem>>, vector<32x32xf32>
    %dot_general3A_29 = arith.constant dense<0.000000e+00> : vector<2000x32xf32>
    %dot_general3A_30 = tpu.matmul %select_n3A, %get3A_28, %dot_general3A_29 {dimension_numbers = #tpu.dot_dimension_numbers<[1], [0], [0], [1], [0, 0, 1, 1], [], []>, transpose_lhs_hint = false} : vector<2000x32xf32>, vector<32x32xf32>, vector<2000x32xf32> -> vector<2000x32xf32>
    %broadcast_in_dim3A = arith.constant 1.000000e+00 : f32
    %broadcast_in_dim3A_31 = vector.broadcast %broadcast_in_dim3A : f32 to vector<2000x16xf32>
    %concatenate3A = tpu.concatenate %dot_general3A_25, %broadcast_in_dim3A_31 in 1 : vector<2000x32xf32>, vector<2000x16xf32> -> vector<2000x48xf32>
    %swap3A = arith.constant 0 : index
    %swap3A_32 = arith.constant 0 : index
    %swap3A_33 = vector.load %arg5[%swap3A, %swap3A_32] : memref<2000x48xf32, #tpu.memory_space<vmem>>, vector<2000x48xf32>
    tpu.vector_store %arg5[%swap3A, %swap3A_32], %concatenate3A {strides = array<i32>} : memref<2000x48xf32, #tpu.memory_space<vmem>>, vector<2000x48xf32>,
    %swap3A_34 = arith.constant 0 : index
    %swap3A_35 = arith.constant 0 : index
    %swap3A_36 = vector.load %arg6[%swap3A_34, %swap3A_35] : memref<2000x32xf32, #tpu.memory_space<vmem>>, vector<2000x32xf32>
    tpu.vector_store %arg6[%swap3A_34, %swap3A_35], %dot_general3A_30 {strides = array<i32>} : memref<2000x32xf32, #tpu.memory_space<vmem>>, vector<2000x32xf32>,
    %div3A_37 = vector.broadcast %max3A_12 : vector<2000x1xf32> to vector<2000x32xf32>
    %div3A_38 = arith.divf %slice3A_9, %div3A_37 : vector<2000x32xf32>
    %swap3A_39 = arith.constant 0 : index
    %swap3A_40 = arith.constant 0 : index
    %swap3A_41 = vector.load %arg7[%swap3A_39, %swap3A_40] : memref<2000x32xf32, #tpu.memory_space<vmem>>, vector<2000x32xf32>
    tpu.vector_store %arg7[%swap3A_39, %swap3A_40], %div3A_38 {strides = array<i32>} : memref<2000x32xf32, #tpu.memory_space<vmem>>, vector<2000x32xf32>,
    return
  }
  func.func @transform_0(%arg0: i32) -> (i32, i32, i32) {
    %c0_i32 = arith.constant 0 : i32
    %c0_i32_0 = arith.constant 0 : i32
    %c0_i32_1 = arith.constant 0 : i32
    return %c0_i32, %arg0, %c0_i32_0 : i32, i32, i32
  }
  func.func @transform_1(%arg0: i32) -> (i32, i32) {
    %c0_i32 = arith.constant 0 : i32
    %c0_i32_0 = arith.constant 0 : i32
    %c0_i32_1 = arith.constant 0 : i32
    return %c0_i32, %c0_i32_0 : i32, i32
  }
  func.func @transform_2(%arg0: i32) -> (i32, i32) {
    %c0_i32 = arith.constant 0 : i32
    %c0_i32_0 = arith.constant 0 : i32
    %c0_i32_1 = arith.constant 0 : i32
    return %c0_i32, %c0_i32_0 : i32, i32
  }
  func.func @transform_3(%arg0: i32) -> (i32, i32) {
    %c0_i32 = arith.constant 0 : i32
    %c0_i32_0 = arith.constant 0 : i32
    %c0_i32_1 = arith.constant 0 : i32
    return %c0_i32, %c0_i32_0 : i32, i32
  }
  func.func @transform_4(%arg0: i32) -> (i32, i32) {
    %c0_i32 = arith.constant 0 : i32
    %c0_i32_0 = arith.constant 0 : i32
    return %arg0, %c0_i32 : i32, i32
  }
  func.func @transform_5(%arg0: i32) -> (i32, i32) {
    %c0_i32 = arith.constant 0 : i32
    %c0_i32_0 = arith.constant 0 : i32
    return %arg0, %c0_i32 : i32, i32
  }
  func.func @transform_6(%arg0: i32) -> (i32, i32) {
    %c0_i32 = arith.constant 0 : i32
    %c0_i32_0 = arith.constant 0 : i32
    return %arg0, %c0_i32 : i32, i32
  }
}

module attributes {stable_mosaic.version = 14 : i64} {
  func.func @body(%arg0: i32, %arg1: memref<2x2000x48xf32, #tpu.memory_space<vmem>>, %arg2: memref<2000x48xf32, #tpu.memory_space<vmem>>, %arg3: memref<2000x32xf32, #tpu.memory_space<vmem>>, %arg4: memref<1x32xf32, #tpu.memory_space<vmem>>, %arg5: memref<32x128xf32, #tpu.memory_space<vmem>>, %arg6: memref<32x128xf32, #tpu.memory_space<vmem>>, %arg7: memref<32x8xf32, #tpu.memory_space<vmem>>, %arg8: memref<2000x32xf32, #tpu.memory_space<vmem>>, %arg9: memref<2000x144xf32, #tpu.memory_space<vmem>>, %arg10: memref<2000x144xf32, #tpu.memory_space<vmem>>, %arg11: memref<2000x16xf32, #tpu.memory_space<vmem>>) attributes {dimension_semantics = [#tpu.dimension_semantics<arbitrary>], iteration_bounds = array<i64: 5>, scalar_prefetch = 0 : i64, scratch_operands = 0 : i64, tpu.core_type = #tpu.core_type<tc>, window_params = [{transform_indices = @transform_0, window_bounds = array<i64: 2, 2000, 48>}, {transform_indices = @transform_1, window_bounds = array<i64: 2000, 48>}, {transform_indices = @transform_2, window_bounds = array<i64: 2000, 32>}, {pipeline_mode = #tpu.pipeline_mode<synchronous>, transform_indices = @transform_3, window_bounds = array<i64: 1, 32>}, {pipeline_mode = #tpu.pipeline_mode<synchronous>, transform_indices = @transform_4, window_bounds = array<i64: 32, 128>}, {pipeline_mode = #tpu.pipeline_mode<synchronous>, transform_indices = @transform_5, window_bounds = array<i64: 32, 128>}, {pipeline_mode = #tpu.pipeline_mode<synchronous>, transform_indices = @transform_6, window_bounds = array<i64: 32, 8>}, {transform_indices = @transform_7, window_bounds = array<i64: 2000, 32>}, {transform_indices = @transform_8, window_bounds = array<i64: 2000, 144>}, {transform_indices = @transform_9, window_bounds = array<i64: 2000, 144>}, {transform_indices = @transform_10, window_bounds = array<i64: 2000, 16>}]} {
    %get3A = arith.constant 0 : index
    %get3A_0 = arith.constant 0 : index
    %get3A_1 = arith.constant 0 : index
    %get3A_2 = vector.load %arg1[%get3A, %get3A_0, %get3A_1] : memref<2x2000x48xf32, #tpu.memory_space<vmem>>, vector<1x2000x48xf32>
    %get3A_3 = vector.shape_cast %get3A_2 : vector<1x2000x48xf32> to vector<2000x48xf32>
    %get3A_4 = arith.constant 1 : index
    %get3A_5 = arith.constant 0 : index
    %get3A_6 = arith.constant 0 : index
    %get3A_7 = vector.load %arg1[%get3A_4, %get3A_5, %get3A_6] : memref<2x2000x48xf32, #tpu.memory_space<vmem>>, vector<1x2000x48xf32>
    %get3A_8 = vector.shape_cast %get3A_7 : vector<1x2000x48xf32> to vector<2000x48xf32>
    %add3A = arith.addf %get3A_3, %get3A_8 : vector<2000x48xf32>
    %get3A_9 = arith.constant 0 : index
    %get3A_10 = arith.constant 0 : index
    %get3A_11 = vector.load %arg2[%get3A_9, %get3A_10] : memref<2000x48xf32, #tpu.memory_space<vmem>>, vector<2000x48xf32>
    %slice3A = vector.extract_strided_slice %get3A_11 {offsets = [0, 0], sizes = [2000, 32], strides = [1, 1]} : vector<2000x48xf32> to vector<2000x32xf32>
    %slice3A_12 = vector.extract_strided_slice %add3A {offsets = [0, 0], sizes = [2000, 32], strides = [1, 1]} : vector<2000x48xf32> to vector<2000x32xf32>
    %add3A_13 = arith.addf %slice3A_12, %slice3A : vector<2000x32xf32>
    %slice3A_14 = vector.extract_strided_slice %add3A {offsets = [0, 32], sizes = [2000, 1], strides = [1, 1]} : vector<2000x48xf32> to vector<2000x1xf32>
    %add3A_15 = arith.constant 1.000000e+00 : f32
    %add3A_16 = vector.broadcast %add3A_15 : f32 to vector<2000x1xf32>
    %add3A_17 = arith.addf %slice3A_14, %add3A_16 : vector<2000x1xf32>
    %div3A = vector.broadcast %add3A_17 : vector<2000x1xf32> to vector<2000x32xf32>
    %div3A_18 = arith.divf %add3A_13, %div3A : vector<2000x32xf32>
    %get3A_19 = arith.constant 0 : index
    %get3A_20 = arith.constant 0 : index
    %get3A_21 = vector.load %arg3[%get3A_19, %get3A_20] : memref<2000x32xf32, #tpu.memory_space<vmem>>, vector<2000x32xf32>
    %add3A_22 = arith.addf %get3A_21, %div3A_18 : vector<2000x32xf32>
    %get3A_23 = arith.constant 0 : index
    %get3A_24 = arith.constant 0 : index
    %get3A_25 = vector.load %arg4[%get3A_23, %get3A_24] : memref<1x32xf32, #tpu.memory_space<vmem>>, vector<1x32xf32>
    %add3A_26 = vector.broadcast %get3A_25 : vector<1x32xf32> to vector<2000x32xf32>
    %add3A_27 = arith.addf %add3A_22, %add3A_26 : vector<2000x32xf32>
    %jit3A = arith.constant 2.000000e-01 : f32
    %ge3A = arith.constant 0.000000e+00 : f32
    %ge3A_28 = vector.broadcast %ge3A : f32 to vector<2000x32xf32>
    %ge3A_29 = arith.cmpf oge, %add3A_27, %ge3A_28 : vector<2000x32xf32>
    %mul3A = vector.broadcast %jit3A : f32 to vector<2000x32xf32>
    %mul3A_30 = arith.mulf %mul3A, %add3A_27 : vector<2000x32xf32>
    %select_n3A = arith.select %ge3A_29, %add3A_27, %mul3A_30 : vector<2000x32xi1>, vector<2000x32xf32>
    %swap3A = arith.constant 0 : index
    %swap3A_31 = arith.constant 0 : index
    %swap3A_32 = vector.load %arg8[%swap3A, %swap3A_31] : memref<2000x32xf32, #tpu.memory_space<vmem>>, vector<2000x32xf32>
    tpu.vector_store %arg8[%swap3A, %swap3A_31], %select_n3A {strides = array<i32>} : memref<2000x32xf32, #tpu.memory_space<vmem>>, vector<2000x32xf32>,
    %get3A_33 = arith.constant 0 : index
    %get3A_34 = arith.constant 0 : index
    %get3A_35 = vector.load %arg7[%get3A_33, %get3A_34] : memref<32x8xf32, #tpu.memory_space<vmem>>, vector<32x8xf32>
    %dot_general3A = arith.constant dense<0.000000e+00> : vector<2000x8xf32>
    %dot_general3A_36 = tpu.matmul %select_n3A, %get3A_35, %dot_general3A {dimension_numbers = #tpu.dot_dimension_numbers<[1], [0], [0], [1], [0, 0, 1, 1], [], []>, transpose_lhs_hint = false} : vector<2000x32xf32>, vector<32x8xf32>, vector<2000x8xf32> -> vector<2000x8xf32>
    %broadcast_in_dim3A = arith.constant 0.000000e+00 : f32
    %broadcast_in_dim3A_37 = vector.broadcast %broadcast_in_dim3A : f32 to vector<2000x8xf32>
    %concatenate3A = tpu.concatenate %dot_general3A_36, %broadcast_in_dim3A_37 in 1 : vector<2000x8xf32>, vector<2000x8xf32> -> vector<2000x16xf32>
    %get3A_38 = arith.constant 0 : index
    %get3A_39 = arith.constant 0 : index
    %get3A_40 = vector.load %arg5[%get3A_38, %get3A_39] : memref<32x128xf32, #tpu.memory_space<vmem>>, vector<32x128xf32>
    %dot_general3A_41 = arith.constant dense<0.000000e+00> : vector<2000x128xf32>
    %dot_general3A_42 = tpu.matmul %select_n3A, %get3A_40, %dot_general3A_41 {dimension_numbers = #tpu.dot_dimension_numbers<[1], [0], [0], [1], [0, 0, 1, 1], [], []>, transpose_lhs_hint = false} : vector<2000x32xf32>, vector<32x128xf32>, vector<2000x128xf32> -> vector<2000x128xf32>
    %concatenate3A_43 = tpu.concatenate %dot_general3A_42, %concatenate3A in 1 : vector<2000x128xf32>, vector<2000x16xf32> -> vector<2000x144xf32>
    %swap3A_44 = arith.constant 0 : index
    %swap3A_45 = arith.constant 0 : index
    %swap3A_46 = vector.load %arg9[%swap3A_44, %swap3A_45] : memref<2000x144xf32, #tpu.memory_space<vmem>>, vector<2000x144xf32>
    tpu.vector_store %arg9[%swap3A_44, %swap3A_45], %concatenate3A_43 {strides = array<i32>} : memref<2000x144xf32, #tpu.memory_space<vmem>>, vector<2000x144xf32>,
    %get3A_47 = arith.constant 0 : index
    %get3A_48 = arith.constant 0 : index
    %get3A_49 = vector.load %arg6[%get3A_47, %get3A_48] : memref<32x128xf32, #tpu.memory_space<vmem>>, vector<32x128xf32>
    %dot_general3A_50 = arith.constant dense<0.000000e+00> : vector<2000x128xf32>
    %dot_general3A_51 = tpu.matmul %select_n3A, %get3A_49, %dot_general3A_50 {dimension_numbers = #tpu.dot_dimension_numbers<[1], [0], [0], [1], [0, 0, 1, 1], [], []>, transpose_lhs_hint = false} : vector<2000x32xf32>, vector<32x128xf32>, vector<2000x128xf32> -> vector<2000x128xf32>
    %concatenate3A_52 = tpu.concatenate %dot_general3A_51, %concatenate3A in 1 : vector<2000x128xf32>, vector<2000x16xf32> -> vector<2000x144xf32>
    %swap3A_53 = arith.constant 0 : index
    %swap3A_54 = arith.constant 0 : index
    %swap3A_55 = vector.load %arg10[%swap3A_53, %swap3A_54] : memref<2000x144xf32, #tpu.memory_space<vmem>>, vector<2000x144xf32>
    tpu.vector_store %arg10[%swap3A_53, %swap3A_54], %concatenate3A_52 {strides = array<i32>} : memref<2000x144xf32, #tpu.memory_space<vmem>>, vector<2000x144xf32>,
    %swap3A_56 = arith.constant 0 : index
    %swap3A_57 = arith.constant 0 : index
    %swap3A_58 = vector.load %arg11[%swap3A_56, %swap3A_57] : memref<2000x16xf32, #tpu.memory_space<vmem>>, vector<2000x16xf32>
    tpu.vector_store %arg11[%swap3A_56, %swap3A_57], %concatenate3A {strides = array<i32>} : memref<2000x16xf32, #tpu.memory_space<vmem>>, vector<2000x16xf32>,
    return
  }
  func.func @transform_0(%arg0: i32) -> (i32, i32, i32) {
    %c0_i32 = arith.constant 0 : i32
    %c0_i32_0 = arith.constant 0 : i32
    %c0_i32_1 = arith.constant 0 : i32
    return %c0_i32, %arg0, %c0_i32_0 : i32, i32, i32
  }
  func.func @transform_1(%arg0: i32) -> (i32, i32) {
    %c0_i32 = arith.constant 0 : i32
    %c0_i32_0 = arith.constant 0 : i32
    return %arg0, %c0_i32 : i32, i32
  }
  func.func @transform_2(%arg0: i32) -> (i32, i32) {
    %c0_i32 = arith.constant 0 : i32
    %c0_i32_0 = arith.constant 0 : i32
    return %arg0, %c0_i32 : i32, i32
  }
  func.func @transform_3(%arg0: i32) -> (i32, i32) {
    %c0_i32 = arith.constant 0 : i32
    %c0_i32_0 = arith.constant 0 : i32
    %c0_i32_1 = arith.constant 0 : i32
    return %c0_i32, %c0_i32_0 : i32, i32
  }
  func.func @transform_4(%arg0: i32) -> (i32, i32) {
    %c0_i32 = arith.constant 0 : i32
    %c0_i32_0 = arith.constant 0 : i32
    %c0_i32_1 = arith.constant 0 : i32
    return %c0_i32, %c0_i32_0 : i32, i32
  }
  func.func @transform_5(%arg0: i32) -> (i32, i32) {
    %c0_i32 = arith.constant 0 : i32
    %c0_i32_0 = arith.constant 0 : i32
    %c0_i32_1 = arith.constant 0 : i32
    return %c0_i32, %c0_i32_0 : i32, i32
  }
  func.func @transform_6(%arg0: i32) -> (i32, i32) {
    %c0_i32 = arith.constant 0 : i32
    %c0_i32_0 = arith.constant 0 : i32
    %c0_i32_1 = arith.constant 0 : i32
    return %c0_i32, %c0_i32_0 : i32, i32
  }
  func.func @transform_7(%arg0: i32) -> (i32, i32) {
    %c0_i32 = arith.constant 0 : i32
    %c0_i32_0 = arith.constant 0 : i32
    return %arg0, %c0_i32 : i32, i32
  }
  func.func @transform_8(%arg0: i32) -> (i32, i32) {
    %c0_i32 = arith.constant 0 : i32
    %c0_i32_0 = arith.constant 0 : i32
    return %arg0, %c0_i32 : i32, i32
  }
  func.func @transform_9(%arg0: i32) -> (i32, i32) {
    %c0_i32 = arith.constant 0 : i32
    %c0_i32_0 = arith.constant 0 : i32
    return %arg0, %c0_i32 : i32, i32
  }
  func.func @transform_10(%arg0: i32) -> (i32, i32) {
    %c0_i32 = arith.constant 0 : i32
    %c0_i32_0 = arith.constant 0 : i32
    return %arg0, %c0_i32 : i32, i32
  }
}

module attributes {stable_mosaic.version = 14 : i64} {
  func.func @body(%arg0: i32, %arg1: memref<2x2000x16xf32, #tpu.memory_space<vmem>>, %arg2: memref<2x2000x16xf32, #tpu.memory_space<vmem>>, %arg3: memref<2x2000x8xf32, #tpu.memory_space<vmem>>, %arg4: memref<2000x32xf32, #tpu.memory_space<vmem>>, %arg5: memref<32x32xf32, #tpu.memory_space<vmem>>, %arg6: memref<1x32xf32, #tpu.memory_space<vmem>>, %arg7: memref<32x8xf32, #tpu.memory_space<vmem>>, %arg8: memref<32x32xf32, #tpu.memory_space<vmem>>, %arg9: memref<2000x16xf32, #tpu.memory_space<vmem>>, %arg10: memref<2000x32xf32, #tpu.memory_space<vmem>>) attributes {dimension_semantics = [#tpu.dimension_semantics<arbitrary>], iteration_bounds = array<i64: 25>, scalar_prefetch = 0 : i64, scratch_operands = 0 : i64, tpu.core_type = #tpu.core_type<tc>, window_params = [{transform_indices = @transform_0, window_bounds = array<i64: 2, 2000, 16>}, {transform_indices = @transform_1, window_bounds = array<i64: 2, 2000, 16>}, {transform_indices = @transform_2, window_bounds = array<i64: 2, 2000, 8>}, {transform_indices = @transform_3, window_bounds = array<i64: 2000, 32>}, {pipeline_mode = #tpu.pipeline_mode<synchronous>, transform_indices = @transform_4, window_bounds = array<i64: 32, 32>}, {pipeline_mode = #tpu.pipeline_mode<synchronous>, transform_indices = @transform_5, window_bounds = array<i64: 1, 32>}, {pipeline_mode = #tpu.pipeline_mode<synchronous>, transform_indices = @transform_6, window_bounds = array<i64: 32, 8>}, {pipeline_mode = #tpu.pipeline_mode<synchronous>, transform_indices = @transform_7, window_bounds = array<i64: 32, 32>}, {transform_indices = @transform_8, window_bounds = array<i64: 2000, 16>}, {transform_indices = @transform_9, window_bounds = array<i64: 2000, 32>}]} {
    %get3A = arith.constant 0 : index
    %get3A_0 = arith.constant 0 : index
    %get3A_1 = arith.constant 0 : index
    %get3A_2 = vector.load %arg1[%get3A, %get3A_0, %get3A_1] : memref<2x2000x16xf32, #tpu.memory_space<vmem>>, vector<1x2000x16xf32>
    %get3A_3 = vector.shape_cast %get3A_2 : vector<1x2000x16xf32> to vector<2000x16xf32>
    %get3A_4 = arith.constant 1 : index
    %get3A_5 = arith.constant 0 : index
    %get3A_6 = arith.constant 0 : index
    %get3A_7 = vector.load %arg1[%get3A_4, %get3A_5, %get3A_6] : memref<2x2000x16xf32, #tpu.memory_space<vmem>>, vector<1x2000x16xf32>
    %get3A_8 = vector.shape_cast %get3A_7 : vector<1x2000x16xf32> to vector<2000x16xf32>
    %add3A = arith.addf %get3A_3, %get3A_8 : vector<2000x16xf32>
    %get3A_9 = arith.constant 0 : index
    %get3A_10 = arith.constant 0 : index
    %get3A_11 = arith.constant 0 : index
    %get3A_12 = vector.load %arg2[%get3A_9, %get3A_10, %get3A_11] : memref<2x2000x16xf32, #tpu.memory_space<vmem>>, vector<1x2000x16xf32>
    %get3A_13 = vector.shape_cast %get3A_12 : vector<1x2000x16xf32> to vector<2000x16xf32>
    %get3A_14 = arith.constant 1 : index
    %get3A_15 = arith.constant 0 : index
    %get3A_16 = arith.constant 0 : index
    %get3A_17 = vector.load %arg2[%get3A_14, %get3A_15, %get3A_16] : memref<2x2000x16xf32, #tpu.memory_space<vmem>>, vector<1x2000x16xf32>
    %get3A_18 = vector.shape_cast %get3A_17 : vector<1x2000x16xf32> to vector<2000x16xf32>
    %add3A_19 = arith.addf %get3A_13, %get3A_18 : vector<2000x16xf32>
    %concatenate3A = tpu.concatenate %add3A, %add3A_19 in 1 : vector<2000x16xf32>, vector<2000x16xf32> -> vector<2000x32xf32>
    %get3A_20 = arith.constant 0 : index
    %get3A_21 = arith.constant 0 : index
    %get3A_22 = arith.constant 0 : index
    %get3A_23 = vector.load %arg3[%get3A_20, %get3A_21, %get3A_22] : memref<2x2000x8xf32, #tpu.memory_space<vmem>>, vector<1x2000x8xf32>
    %get3A_24 = vector.shape_cast %get3A_23 : vector<1x2000x8xf32> to vector<2000x8xf32>
    %get3A_25 = arith.constant 1 : index
    %get3A_26 = arith.constant 0 : index
    %get3A_27 = arith.constant 0 : index
    %get3A_28 = vector.load %arg3[%get3A_25, %get3A_26, %get3A_27] : memref<2x2000x8xf32, #tpu.memory_space<vmem>>, vector<1x2000x8xf32>
    %get3A_29 = vector.shape_cast %get3A_28 : vector<1x2000x8xf32> to vector<2000x8xf32>
    %add3A_30 = arith.addf %get3A_24, %get3A_29 : vector<2000x8xf32>
    %slice3A = vector.extract_strided_slice %add3A_30 {offsets = [0, 0], sizes = [2000, 1], strides = [1, 1]} : vector<2000x8xf32> to vector<2000x1xf32>
    %max3A = arith.constant 1.000000e+00 : f32
    %max3A_31 = vector.broadcast %max3A : f32 to vector<2000x1xf32>
    %max3A_32 = arith.maximumf %slice3A, %max3A_31 : vector<2000x1xf32>
    %get3A_33 = arith.constant 0 : index
    %get3A_34 = arith.constant 0 : index
    %get3A_35 = vector.load %arg4[%get3A_33, %get3A_34] : memref<2000x32xf32, #tpu.memory_space<vmem>>, vector<2000x32xf32>
    %div3A = vector.broadcast %max3A_32 : vector<2000x1xf32> to vector<2000x32xf32>
    %div3A_36 = arith.divf %concatenate3A, %div3A : vector<2000x32xf32>
    %get3A_37 = arith.constant 0 : index
    %get3A_38 = arith.constant 0 : index
    %get3A_39 = vector.load %arg5[%get3A_37, %get3A_38] : memref<32x32xf32, #tpu.memory_space<vmem>>, vector<32x32xf32>
    %dot_general3A = arith.constant dense<0.000000e+00> : vector<2000x32xf32>
    %dot_general3A_40 = tpu.matmul %get3A_35, %get3A_39, %dot_general3A {dimension_numbers = #tpu.dot_dimension_numbers<[1], [0], [0], [1], [0, 0, 1, 1], [], []>, transpose_lhs_hint = false} : vector<2000x32xf32>, vector<32x32xf32>, vector<2000x32xf32> -> vector<2000x32xf32>
    %add3A_41 = arith.addf %div3A_36, %dot_general3A_40 : vector<2000x32xf32>
    %get3A_42 = arith.constant 0 : index
    %get3A_43 = arith.constant 0 : index
    %get3A_44 = vector.load %arg6[%get3A_42, %get3A_43] : memref<1x32xf32, #tpu.memory_space<vmem>>, vector<1x32xf32>
    %add3A_45 = vector.broadcast %get3A_44 : vector<1x32xf32> to vector<2000x32xf32>
    %add3A_46 = arith.addf %add3A_41, %add3A_45 : vector<2000x32xf32>
    %jit3A = arith.constant 2.000000e-01 : f32
    %ge3A = arith.constant 0.000000e+00 : f32
    %ge3A_47 = vector.broadcast %ge3A : f32 to vector<2000x32xf32>
    %ge3A_48 = arith.cmpf oge, %add3A_46, %ge3A_47 : vector<2000x32xf32>
    %mul3A = vector.broadcast %jit3A : f32 to vector<2000x32xf32>
    %mul3A_49 = arith.mulf %mul3A, %add3A_46 : vector<2000x32xf32>
    %select_n3A = arith.select %ge3A_48, %add3A_46, %mul3A_49 : vector<2000x32xi1>, vector<2000x32xf32>
    %get3A_50 = arith.constant 0 : index
    %get3A_51 = arith.constant 0 : index
    %get3A_52 = vector.load %arg7[%get3A_50, %get3A_51] : memref<32x8xf32, #tpu.memory_space<vmem>>, vector<32x8xf32>
    %dot_general3A_53 = arith.constant dense<0.000000e+00> : vector<2000x8xf32>
    %dot_general3A_54 = tpu.matmul %select_n3A, %get3A_52, %dot_general3A_53 {dimension_numbers = #tpu.dot_dimension_numbers<[1], [0], [0], [1], [0, 0, 1, 1], [], []>, transpose_lhs_hint = false} : vector<2000x32xf32>, vector<32x8xf32>, vector<2000x8xf32> -> vector<2000x8xf32>
    %broadcast_in_dim3A = arith.constant 0.000000e+00 : f32
    %broadcast_in_dim3A_55 = vector.broadcast %broadcast_in_dim3A : f32 to vector<2000x8xf32>
    %concatenate3A_56 = tpu.concatenate %dot_general3A_54, %broadcast_in_dim3A_55 in 1 : vector<2000x8xf32>, vector<2000x8xf32> -> vector<2000x16xf32>
    %swap3A = arith.constant 0 : index
    %swap3A_57 = arith.constant 0 : index
    %swap3A_58 = vector.load %arg9[%swap3A, %swap3A_57] : memref<2000x16xf32, #tpu.memory_space<vmem>>, vector<2000x16xf32>
    tpu.vector_store %arg9[%swap3A, %swap3A_57], %concatenate3A_56 {strides = array<i32>} : memref<2000x16xf32, #tpu.memory_space<vmem>>, vector<2000x16xf32>,
    %get3A_59 = arith.constant 0 : index
    %get3A_60 = arith.constant 0 : index
    %get3A_61 = vector.load %arg8[%get3A_59, %get3A_60] : memref<32x32xf32, #tpu.memory_space<vmem>>, vector<32x32xf32>
    %dot_general3A_62 = arith.constant dense<0.000000e+00> : vector<2000x32xf32>
    %dot_general3A_63 = tpu.matmul %select_n3A, %get3A_61, %dot_general3A_62 {dimension_numbers = #tpu.dot_dimension_numbers<[1], [0], [0], [1], [0, 0, 1, 1], [], []>, transpose_lhs_hint = false} : vector<2000x32xf32>, vector<32x32xf32>, vector<2000x32xf32> -> vector<2000x32xf32>
    %swap3A_64 = arith.constant 0 : index
    %swap3A_65 = arith.constant 0 : index
    %swap3A_66 = vector.load %arg10[%swap3A_64, %swap3A_65] : memref<2000x32xf32, #tpu.memory_space<vmem>>, vector<2000x32xf32>
    tpu.vector_store %arg10[%swap3A_64, %swap3A_65], %dot_general3A_63 {strides = array<i32>} : memref<2000x32xf32, #tpu.memory_space<vmem>>, vector<2000x32xf32>,
    return
  }
  func.func @transform_0(%arg0: i32) -> (i32, i32, i32) {
    %c0_i32 = arith.constant 0 : i32
    %c0_i32_0 = arith.constant 0 : i32
    %c0_i32_1 = arith.constant 0 : i32
    return %c0_i32, %arg0, %c0_i32_0 : i32, i32, i32
  }
  func.func @transform_1(%arg0: i32) -> (i32, i32, i32) {
    %c0_i32 = arith.constant 0 : i32
    %c0_i32_0 = arith.constant 0 : i32
    %c0_i32_1 = arith.constant 0 : i32
    return %c0_i32, %arg0, %c0_i32_0 : i32, i32, i32
  }
  func.func @transform_2(%arg0: i32) -> (i32, i32, i32) {
    %c0_i32 = arith.constant 0 : i32
    %c0_i32_0 = arith.constant 0 : i32
    %c0_i32_1 = arith.constant 0 : i32
    return %c0_i32, %arg0, %c0_i32_0 : i32, i32, i32
  }
  func.func @transform_3(%arg0: i32) -> (i32, i32) {
    %c0_i32 = arith.constant 0 : i32
    %c0_i32_0 = arith.constant 0 : i32
    return %arg0, %c0_i32 : i32, i32
  }
  func.func @transform_4(%arg0: i32) -> (i32, i32) {
    %c0_i32 = arith.constant 0 : i32
    %c0_i32_0 = arith.constant 0 : i32
    %c0_i32_1 = arith.constant 0 : i32
    return %c0_i32, %c0_i32_0 : i32, i32
  }
  func.func @transform_5(%arg0: i32) -> (i32, i32) {
    %c0_i32 = arith.constant 0 : i32
    %c0_i32_0 = arith.constant 0 : i32
    %c0_i32_1 = arith.constant 0 : i32
    return %c0_i32, %c0_i32_0 : i32, i32
  }
  func.func @transform_6(%arg0: i32) -> (i32, i32) {
    %c0_i32 = arith.constant 0 : i32
    %c0_i32_0 = arith.constant 0 : i32
    %c0_i32_1 = arith.constant 0 : i32
    return %c0_i32, %c0_i32_0 : i32, i32
  }
  func.func @transform_7(%arg0: i32) -> (i32, i32) {
    %c0_i32 = arith.constant 0 : i32
    %c0_i32_0 = arith.constant 0 : i32
    %c0_i32_1 = arith.constant 0 : i32
    return %c0_i32, %c0_i32_0 : i32, i32
  }
  func.func @transform_8(%arg0: i32) -> (i32, i32) {
    %c0_i32 = arith.constant 0 : i32
    %c0_i32_0 = arith.constant 0 : i32
    return %arg0, %c0_i32 : i32, i32
  }
  func.func @transform_9(%arg0: i32) -> (i32, i32) {
    %c0_i32 = arith.constant 0 : i32
    %c0_i32_0 = arith.constant 0 : i32
    return %arg0, %c0_i32 : i32, i32
  }
}

module attributes {stable_mosaic.version = 14 : i64} {
  func.func @body(%arg0: i32, %arg1: memref<2x2000x16xf32, #tpu.memory_space<vmem>>, %arg2: memref<2000x16xf32, #tpu.memory_space<vmem>>, %arg3: memref<2000x16xf32, #tpu.memory_space<vmem>>) attributes {dimension_semantics = [#tpu.dimension_semantics<arbitrary>], iteration_bounds = array<i64: 25>, scalar_prefetch = 0 : i64, scratch_operands = 0 : i64, tpu.core_type = #tpu.core_type<tc>, window_params = [{transform_indices = @transform_0, window_bounds = array<i64: 2, 2000, 16>}, {transform_indices = @transform_1, window_bounds = array<i64: 2000, 16>}, {transform_indices = @transform_2, window_bounds = array<i64: 2000, 16>}]} {
    %get3A = arith.constant 0 : index
    %get3A_0 = arith.constant 0 : index
    %get3A_1 = arith.constant 0 : index
    %get3A_2 = vector.load %arg1[%get3A, %get3A_0, %get3A_1] : memref<2x2000x16xf32, #tpu.memory_space<vmem>>, vector<1x2000x16xf32>
    %get3A_3 = vector.shape_cast %get3A_2 : vector<1x2000x16xf32> to vector<2000x16xf32>
    %get3A_4 = arith.constant 1 : index
    %get3A_5 = arith.constant 0 : index
    %get3A_6 = arith.constant 0 : index
    %get3A_7 = vector.load %arg1[%get3A_4, %get3A_5, %get3A_6] : memref<2x2000x16xf32, #tpu.memory_space<vmem>>, vector<1x2000x16xf32>
    %get3A_8 = vector.shape_cast %get3A_7 : vector<1x2000x16xf32> to vector<2000x16xf32>
    %add3A = arith.addf %get3A_3, %get3A_8 : vector<2000x16xf32>
    %slice3A = vector.extract_strided_slice %add3A {offsets = [0, 0], sizes = [2000, 8], strides = [1, 1]} : vector<2000x16xf32> to vector<2000x8xf32>
    %add3A_9 = arith.constant 9.99999971E-10 : f32
    %add3A_10 = vector.broadcast %add3A_9 : f32 to vector<2000x8xf32>
    %add3A_11 = arith.addf %slice3A, %add3A_10 : vector<2000x8xf32>
    %mul3A = arith.constant 8.000000e+00 : f32
    %mul3A_12 = vector.broadcast %mul3A : f32 to vector<2000x8xf32>
    %mul3A_13 = arith.mulf %mul3A_12, %add3A_11 : vector<2000x8xf32>
    %div3A = arith.constant 1.000000e+00 : f32
    %div3A_14 = vector.broadcast %div3A : f32 to vector<2000x8xf32>
    %div3A_15 = arith.divf %div3A_14, %mul3A_13 : vector<2000x8xf32>
    %get3A_16 = arith.constant 0 : index
    %get3A_17 = arith.constant 0 : index
    %get3A_18 = vector.load %arg2[%get3A_16, %get3A_17] : memref<2000x16xf32, #tpu.memory_space<vmem>>, vector<2000x16xf32>
    %slice3A_19 = vector.extract_strided_slice %get3A_18 {offsets = [0, 0], sizes = [2000, 8], strides = [1, 1]} : vector<2000x16xf32> to vector<2000x8xf32>
    %concatenate3A = tpu.concatenate %slice3A_19, %div3A_15 in 1 : vector<2000x8xf32>, vector<2000x8xf32> -> vector<2000x16xf32>
    %swap3A = arith.constant 0 : index
    %swap3A_20 = arith.constant 0 : index
    %swap3A_21 = vector.load %arg3[%swap3A, %swap3A_20] : memref<2000x16xf32, #tpu.memory_space<vmem>>, vector<2000x16xf32>
    tpu.vector_store %arg3[%swap3A, %swap3A_20], %concatenate3A {strides = array<i32>} : memref<2000x16xf32, #tpu.memory_space<vmem>>, vector<2000x16xf32>,
    return
  }
  func.func @transform_0(%arg0: i32) -> (i32, i32, i32) {
    %c0_i32 = arith.constant 0 : i32
    %c0_i32_0 = arith.constant 0 : i32
    %c0_i32_1 = arith.constant 0 : i32
    return %c0_i32, %arg0, %c0_i32_0 : i32, i32, i32
  }
  func.func @transform_1(%arg0: i32) -> (i32, i32) {
    %c0_i32 = arith.constant 0 : i32
    %c0_i32_0 = arith.constant 0 : i32
    return %arg0, %c0_i32 : i32, i32
  }
  func.func @transform_2(%arg0: i32) -> (i32, i32) {
    %c0_i32 = arith.constant 0 : i32
    %c0_i32_0 = arith.constant 0 : i32
    return %arg0, %c0_i32 : i32, i32
  }
}

module attributes {stable_mosaic.version = 14 : i64} {
  func.func @body(%arg0: i32, %arg1: memref<2x2000x16xf32, #tpu.memory_space<vmem>>, %arg2: memref<2x2000x16xf32, #tpu.memory_space<vmem>>, %arg3: memref<2000x32xf32, #tpu.memory_space<vmem>>, %arg4: memref<2000x32xf32, #tpu.memory_space<vmem>>) attributes {dimension_semantics = [#tpu.dimension_semantics<arbitrary>], iteration_bounds = array<i64: 25>, scalar_prefetch = 0 : i64, scratch_operands = 0 : i64, tpu.core_type = #tpu.core_type<tc>, window_params = [{transform_indices = @transform_0, window_bounds = array<i64: 2, 2000, 16>}, {transform_indices = @transform_1, window_bounds = array<i64: 2, 2000, 16>}, {transform_indices = @transform_2, window_bounds = array<i64: 2000, 32>}, {transform_indices = @transform_3, window_bounds = array<i64: 2000, 32>}]} {
    %get3A = arith.constant 0 : index
    %get3A_0 = arith.constant 0 : index
    %get3A_1 = arith.constant 0 : index
    %get3A_2 = vector.load %arg1[%get3A, %get3A_0, %get3A_1] : memref<2x2000x16xf32, #tpu.memory_space<vmem>>, vector<1x2000x16xf32>
    %get3A_3 = vector.shape_cast %get3A_2 : vector<1x2000x16xf32> to vector<2000x16xf32>
    %get3A_4 = arith.constant 1 : index
    %get3A_5 = arith.constant 0 : index
    %get3A_6 = arith.constant 0 : index
    %get3A_7 = vector.load %arg1[%get3A_4, %get3A_5, %get3A_6] : memref<2x2000x16xf32, #tpu.memory_space<vmem>>, vector<1x2000x16xf32>
    %get3A_8 = vector.shape_cast %get3A_7 : vector<1x2000x16xf32> to vector<2000x16xf32>
    %add3A = arith.addf %get3A_3, %get3A_8 : vector<2000x16xf32>
    %get3A_9 = arith.constant 0 : index
    %get3A_10 = arith.constant 0 : index
    %get3A_11 = arith.constant 0 : index
    %get3A_12 = vector.load %arg2[%get3A_9, %get3A_10, %get3A_11] : memref<2x2000x16xf32, #tpu.memory_space<vmem>>, vector<1x2000x16xf32>
    %get3A_13 = vector.shape_cast %get3A_12 : vector<1x2000x16xf32> to vector<2000x16xf32>
    %get3A_14 = arith.constant 1 : index
    %get3A_15 = arith.constant 0 : index
    %get3A_16 = arith.constant 0 : index
    %get3A_17 = vector.load %arg2[%get3A_14, %get3A_15, %get3A_16] : memref<2x2000x16xf32, #tpu.memory_space<vmem>>, vector<1x2000x16xf32>
    %get3A_18 = vector.shape_cast %get3A_17 : vector<1x2000x16xf32> to vector<2000x16xf32>
    %add3A_19 = arith.addf %get3A_13, %get3A_18 : vector<2000x16xf32>
    %concatenate3A = tpu.concatenate %add3A, %add3A_19 in 1 : vector<2000x16xf32>, vector<2000x16xf32> -> vector<2000x32xf32>
    %get3A_20 = arith.constant 0 : index
    %get3A_21 = arith.constant 0 : index
    %get3A_22 = vector.load %arg3[%get3A_20, %get3A_21] : memref<2000x32xf32, #tpu.memory_space<vmem>>, vector<2000x32xf32>
    %add3A_23 = arith.addf %concatenate3A, %get3A_22 : vector<2000x32xf32>
    %swap3A = arith.constant 0 : index
    %swap3A_24 = arith.constant 0 : index
    %swap3A_25 = vector.load %arg4[%swap3A, %swap3A_24] : memref<2000x32xf32, #tpu.memory_space<vmem>>, vector<2000x32xf32>
    tpu.vector_store %arg4[%swap3A, %swap3A_24], %add3A_23 {strides = array<i32>} : memref<2000x32xf32, #tpu.memory_space<vmem>>, vector<2000x32xf32>,
    return
  }
  func.func @transform_0(%arg0: i32) -> (i32, i32, i32) {
    %c0_i32 = arith.constant 0 : i32
    %c0_i32_0 = arith.constant 0 : i32
    %c0_i32_1 = arith.constant 0 : i32
    return %c0_i32, %arg0, %c0_i32_0 : i32, i32, i32
  }
  func.func @transform_1(%arg0: i32) -> (i32, i32, i32) {
    %c0_i32 = arith.constant 0 : i32
    %c0_i32_0 = arith.constant 0 : i32
    %c0_i32_1 = arith.constant 0 : i32
    return %c0_i32, %arg0, %c0_i32_0 : i32, i32, i32
  }
  func.func @transform_2(%arg0: i32) -> (i32, i32) {
    %c0_i32 = arith.constant 0 : i32
    %c0_i32_0 = arith.constant 0 : i32
    return %arg0, %c0_i32 : i32, i32
  }
  func.func @transform_3(%arg0: i32) -> (i32, i32) {
    %c0_i32 = arith.constant 0 : i32
    %c0_i32_0 = arith.constant 0 : i32
    return %arg0, %c0_i32 : i32, i32
  }
}

</mosaic_0001>

<sc_bundles>
// kernel: sc_cg_hi.3.cloned.1.call-start
scs
__scs_entry_jumppad:
0x0: {  	(pc) =	sbr.rel $0x88, $3  }
0x1: {  	(tag) =	ssettag $0x0;
	lr =	simm.s32 $0x1  }
0x2: {  	[smem:$0x3F8D] =	sst lr;
	_ =	strace $0xD0000000  }
0x3: {  	_ = 	snop  }
0x4: {  	_ = 	snop  }
0x5: {  	_ = 	snop  }
0x6: {  	_ = 	snop  }
0x7: {  	_ = 	snop  }
__scs_overlays_trampoline_lowered:
0x8: {  	[smem:$0x3F9C] =	sst s0  }
0x9: {  	[smem:$0x3F9D] =	sst s1  }
0xa: {  	[smem:$0x3F9E] =	sst s2  }
0xb: {  	[smem:$0x3F9F] =	sst s3  }
0xc: {  	[smem:$0x3FA0] =	sst s4  }
0xd: {  	[smem:$0x3FA1] =	sst s5  }
0xe: {  	[smem:$0x3FA2] =	sst s6  }
0xf: {  	[smem:$0x3FA3] =	sst s7  }
0x10: {  	[smem:$0x3FA4] =	sst s8  }
0x11: {  	[smem:$0x3FA5] =	sst s9;
	s0 =	simm.s32 @!p0 $0x0  }
0x12: {  	s1 =	sld [smem:$0x3F8B];
	s0 =	simm.s32 @p0 $0x1  }
0x13: {  	[smem:$0x3FA6] =	sst s0;
	s0 =	simm.s32 @!p1 $0x0  }
0x14: {  	s2 =	sld [smem:$0x3F8A];
	s0 =	simm.s32 @p1 $0x1  }
0x15: {  	[smem:$0x3FA7] =	sst s0;
	s0 =	simm.s32 @!p2 $0x0  }
0x16: {  	s3 =	sld [smem:$0x3FDB];
	s0 =	simm.s32 @p2 $0x1  }
0x17: {  	s4 =	simm.s32 $0x1BF5;
	[smem:$0x3FA9] =	sst s0  }
0x18: {  	s0 =	sld [smem:$0x3F8C];
	_ =	swait.ge [sflag:s4], $0x0  }
0x19: {  	s7 =	sld [smem:$0x3F8D]  }
0x1a: {  	s8 =	sadd.s32 $0xFFFFE003, lr  }
0x1b: {  	s9 =	sadd.s32 $0xFFFFFEF7, lr;
	s5 =	simm.s32 $0xFFFFFFFF;
	p2 =	slt.u32 s8, $0xFFFFF086  }
0x1c: {  	p1 =	slt.u32 s9, $0xF7A;
	s5 =	simm.s32 @!p2 $0x0  }
0x1d: {  	s5 =	simm.s32 @p1 $0x1;
	p0 =	seq.s32 s7, s2  }
0x1e: {  	s7 =	smul.u32 @!p0 $0xF7A, s2;
	p2 =	seq.s32 @!p0 s5, $0x0  }
0x1f: {  	s9 =	smul.u32 $0xF7A, s1;
	s8 =	simm.s32 @!p0 $0x1BF5;
	p2 =	por !p2, p0  }
0x20: {  	[sflag:s8] =	ssyncset.s32 @!p0 $0xFFFFF086;
	s6 =	sadd.s32 @!p0 s3, s7;
	s7 =	simm.s32 @!p0 $0x108  }
0x21: {  	s3 =	sadd.s32 s3, s9;
	s6 =	sadd.s32 @!p0 $0x88, s6;
	s7 =	simm.s32 @p2 $0x1082  }
0x22: {  	[simem:s7], [sflag:s8] =	dma.local @!p0 [hbm:s6], $0xF7A  }
0x23: {  	s9 =	sor.u32 $0xD0000000, s2;
	s6 =	simm.s32 $0x108;
	_ =	swait.ge @!p0 [sflag:s8], $0x0  }
0x24: {  	s3 =	sadd.s32 $0x88, s3;
	s6 =	simm.s32 @!p1 $0x1082;
	[sflag:s4] =	ssyncset.s32 $0xFFFFF086  }
0x25: {  	[simem:s6], [sflag:s4] =	dma.local [hbm:s3], $0xF7A  }
0x26: {  	[smem:$0x3F8D] =	sst s1;
	(tag) =	ssettag s2;
	_ =	strace s9  }
0x27: {  	s1 =	sld [smem:$0x3F9D]  }
0x28: {  	s2 =	sld [smem:$0x3F9E]  }
0x29: {  	s4 =	sld [smem:$0x3FA0]  }
0x2a: {  	p0 =	seq.s32 s5, $0x0;
	s5 =	sld [smem:$0x3FA1]  }
0x2b: {  	s6 =	sld [smem:$0x3FA2]  }
0x2c: {  	s7 =	sld [smem:$0x3FA3]  }
0x2d: {  	s3 =	simm.s32 $0x108;
	s8 =	sld [smem:$0x3FA4]  }
0x2e: {  	s3 =	simm.s32 @!p0 $0x1082;
	s9 =	sld [smem:$0x3FA5]  }
0x2f: {  	lr =	sadd.s32 s0, s3;
	s0 =	sld [smem:$0x3F9C]  }
0x30: {  	s3 =	sld [smem:$0x3F9F]  }
0x31: {  	[smem:$0x3FA8] =	sst s10  }
0x32: {  	s10 =	sld [smem:$0x3FA6];
	_ =	sdelay $0x3  }
0x33: {  	p0 =	seq.s32 s10, $0x1;
	s10 =	sld [smem:$0x3FA8];
	_ =	sdelay $0x3  }
0x34: {  	[smem:$0x3FA8] =	sst s10  }
0x35: {  	s10 =	sld [smem:$0x3FA7];
	_ =	sdelay $0x3  }
0x36: {  	p1 =	seq.s32 s10, $0x1;
	s10 =	sld [smem:$0x3FA8];
	_ =	sdelay $0x3  }
0x37: {  	[smem:$0x3FA8] =	sst s10  }
0x38: {  	s10 =	sld [smem:$0x3FA9]  }
0x39: {  	_ = 	snop;
	(pc) =	sbr.ind lr, $3  }
0x3a: {  	_ = 	snop  }
0x3b: {  	_ = 	snop  }
0x3c: {  	p2 =	seq.s32 s10, $0x1;
	s10 =	sld [smem:$0x3FA8]  }
0x3d: {  	_ =	shalt  }
0x3e: {  	_ =	shalt  }
0x3f: {  	_ =	shalt  }
0x40: {  	_ =	shalt  }
0x41: {  	_ =	shalt  }
0x42: {  	_ =	shalt  }
0x43: {  	_ =	shalt  }
0x44: {  	_ =	shalt  }
0x45: {  	_ =	shalt  }
0x46: {  	_ =	shalt  }
0x47: {  	_ =	shalt  }
0x48: {  	_ =	shalt  }
0x49: {  	_ =	shalt  }
0x4a: {  	_ =	shalt  }
0x4b: {  	_ =	shalt  }
0x4c: {  	_ =	shalt  }
0x4d: {  	_ =	shalt  }
0x4e: {  	_ =	shalt  }
0x4f: {  	_ =	shalt  }
0x50: {  	_ =	shalt  }
0x51: {  	_ =	shalt  }
0x52: {  	_ =	shalt  }
0x53: {  	_ =	shalt  }
0x54: {  	_ =	shalt  }
0x55: {  	_ =	shalt  }
0x56: {  	_ =	shalt  }
0x57: {  	_ =	shalt  }
0x58: {  	_ =	shalt  }
0x59: {  	_ =	shalt  }
0x5a: {  	_ =	shalt  }
0x5b: {  	_ =	shalt  }
0x5c: {  	_ =	shalt  }
0x5d: {  	_ =	shalt  }
0x5e: {  	_ =	shalt  }
0x5f: {  	_ =	shalt  }
0x60: {  	_ =	shalt  }
0x61: {  	_ =	shalt  }
0x62: {  	_ =	shalt  }
0x63: {  	_ =	shalt  }
0x64: {  	_ =	shalt  }
0x65: {  	_ =	shalt  }
0x66: {  	_ =	shalt  }
0x67: {  	_ =	shalt  }
0x68: {  	_ =	shalt  }
0x69: {  	_ =	shalt  }
0x6a: {  	_ =	shalt  }
0x6b: {  	_ =	shalt  }
0x6c: {  	_ =	shalt  }
0x6d: {  	_ =	shalt  }
0x6e: {  	_ =	shalt  }
0x6f: {  	_ =	shalt  }
0x70: {  	_ =	shalt  }
0x71: {  	_ =	shalt  }
0x72: {  	_ =	shalt  }
0x73: {  	_ =	shalt  }
0x74: {  	_ =	shalt  }
0x75: {  	_ =	shalt  }
0x76: {  	_ =	shalt  }
0x77: {  	_ =	shalt  }
0x78: {  	_ =	shalt  }
0x79: {  	_ =	shalt  }
0x7a: {  	_ =	shalt  }
0x7b: {  	_ =	shalt  }
0x7c: {  	_ =	shalt  }
0x7d: {  	_ =	shalt  }
0x7e: {  	_ =	shalt  }
0x7f: {  	_ =	shalt  }
0x80: {  	_ =	shalt  }
0x81: {  	_ =	shalt  }
0x82: {  	_ =	shalt  }
0x83: {  	_ =	shalt  }
0x84: {  	_ =	shalt  }
0x85: {  	_ =	shalt  }
0x86: {  	_ =	shalt  }
0x87: {  	_ =	shalt  }
.Lfunc_end0:
.L_simem_size_0:
called_computation.4_lowered:
.L_overlay_start_0:
0x88: {  	s2 =	sld [smem:$0x3FD9]  }
0x89: {  	s3 =	sld [smem:$0x3FFE];
	_ =	sdelay $0x1  }
0x8a: {  	s1 =	srdreg.scid  }
0x8b: {  	s0 =	sand.u32 $0x1, s1  }
0x8c: {  	s17 =	sshll.u32 s0, $0xA;
	s2 =	sadd.s32 s3, s2  }
0x8d: {  	s2 =	sadd.s32 s2, s17  }
0x8e: {  	[smem:$0x3FB4] =	sst s2  }
0x8f: {  	_ = 	snop  }
0x90: {  	(tm) =	ssettm $0x1  }
0x91: {  	s18 =	sld [smem:$0x3FFB];
	_ =	sdelay $0x3  }
0x92: {  	_ =	strace s18  }
0x93: {  	s2 =	sld [smem:$0x3FFC];
	_ =	sdelay $0x3  }
0x94: {  	_ =	strace s2  }
0x95: {  	s2 =	sld [smem:$0x3FFD];
	_ =	sdelay $0x3  }
0x96: {  	_ =	strace s2  }
0x97: {  	_ =	strace $0x8FFFFFFF  }
0x98: {  	s19 =	sld [smem:$0x3FDB];
	_ =	sdelay $0x1  }
0x99: {  	s20 =	simm.s32 $_scs_section_size  }
0x9a: {  	s4 =	simm.s32 $_size__tile_overlayer_lowered;
	s5 =	simm.s32 $_tile_overlayer_lowered  }
0x9b: {  	s6 =	simm.s32 $0x1BFF;
	s21 =	sshll.u32 s5, $0x1;
	s3 =	sadd.s32 s20, s19  }
0x9c: {  	s22 =	simm.s32 $0x0;
	s4 =	sshll.u32 s4, $0x1;
	s5 =	sadd.s32 s21, s3  }
0x9d: {  	[timem:s22], [sflag:s6] =	dma.local [hbm:s5], s4  }
0x9e: {  	_ =	swait.ge [sflag:s6], s4  }
0x9f: {  	s4 =	ssub.s32 $0x0, s4;
	[sflag:s6] =	ssyncset.done $0x0  }
0xa0: {  	[sflag:s6] =	ssyncadd.s32 s4;
	_ =	sdelay $0x1  }
0xa1: {  	s23 =	simm.s32 $0x1B8B  }
0xa2: {  	_ =	swait.ge [sflag:s23], $0x1  }
0xa3: {  	[sflag:s23] =	ssyncset.done $0x0  }
0xa4: {  	[sflag:s23] =	ssyncadd.s32 $0xFFFFFFFF  }
0xa5: {  	s4 =	sld [smem:$0x0]  }
0xa6: {  	s5 =	sand.u32 $0xFFFFFFFE, s1  }
0xa7: {  	p0 =	sne.s32 s1, s5  }
0xa8: {  	s5 =	sshll.u32 @p0 s5, $0xE  }
0xa9: {  	s5 =	sadd.s32 @p0 $0x11B8D, s5;
	s6 =	sshll.u32 @p0 s4, $0x11  }
0xaa: {  	s5 =	sor.u32 @p0 s6, s5  }
0xab: {  	[sflag:s5] =	ssyncadd.remote.s32 @p0 $0x1;
	_ =	sdelay $0x1  }
0xac: {  	s5 =	simm.s32 @p0 $0x1B8D  }
0xad: {  	_ =	swait.eq @p0 [sflag:s5], $0x1  }
0xae: {  	[sflag:s5] =	ssyncadd.s32 @p0 $0xFFFFFFFF  }
0xaf: {  	s6 =	sshll.u32 @!p0 s1, $0xE  }
0xb0: {  	s6 =	sor.u32 @!p0 $0x4000, s6;
	s5 =	simm.s32 @!p0 $0x1B8D  }
0xb1: {  	s4 =	sshll.u32 @!p0 s4, $0x11;
	s6 =	sadd.s32 @!p0 $0x11B8D, s6;
	_ =	swait.eq @!p0 [sflag:s5], $0x1  }
0xb2: {  	s4 =	sor.u32 @!p0 s4, s6;
	[sflag:s5] =	ssyncadd.s32 @!p0 $0xFFFFFFFF  }
0xb3: {  	s25 =	simm.s32 $0x1B8E;
	s24 =	sld [smem:$0x3FFE];
	[sflag:s4] =	ssyncadd.remote.s32 @!p0 $0x1  }
0xb4: {  	s26 =	simm.s32 $execute0_lowered;
	[smem:$0x3FD2] =	sst s25  }
0xb5: {  	s5 =	sshll.u32 s26, $0x1;
	_ =	strace $0x8000004F;
	[dreg:$0x1] =	wrdreg $0xFFFFFFFF  }
0xb6: {  	s28 =	simm.s32 $_size_execute0_lowered;
	s3 =	sadd.s32 s3, s5;
	[dreg:$0x0] =	wrdreg $0x0  }
0xb7: {  	s5 =	sshll.u32 s28, $0x1;
	[dreg:$0x2] =	wrdreg s3  }
0xb8: {  	[dreg:$0x3] =	wrdreg s5  }
0xb9: {  	[dreg:$0x4] =	wrdreg $0xC0  }
0xba: {  	_ =	task [dreg:s22], $0x5FFFF  }
0xbb: {  	[dreg:$0x1] =	wrdreg $0xFFFFFFFF  }
0xbc: {  	[dreg:$0x0] =	wrdreg $0x60  }
0xbd: {  	[dreg:$0x2] =	wrdreg s24  }
0xbe: {  	[dreg:$0x3] =	wrdreg $0xD8000  }
0xbf: {  	[dreg:$0x4] =	wrdreg $0xC  }
0xc0: {  	_ =	task.clear_ibuf [dreg:s22], $0x5FFFF;
	_ =	strace $0x9000004F  }
0xc1: {  	s29 =	simm.s32 $0xC;
	_ =	strace $0x80000051  }
0xc2: {  	_ =	swait.ge [sflag:s29], $0x1  }
0xc3: {  	[sflag:s29] =	ssyncadd.s32 $0xFFFFFFFF  }
0xc4: {  	_ =	strace $0x90000051  }
0xc5: {  	_ =	sfence  }
0xc6: {  	s30 =	sld [smem:$0x0];
	_ =	sdelay $0x2  }
0xc7: {  	s31 =	sshll.u32 s1, $0xD;
	s1 =	sshrl.u32 s1, $0x2  }
0xc8: {  	s4 =	sand.u32 $0x4000, s31;
	s1 =	sadd.s32 s1, s30  }
0xc9: {  	s0 =	sor.u32 s4, s0;
	s1 =	sshll.u32 s1, $0x11  }
0xca: {  	s0 =	sor.u32 s1, s0  }
0xcb: {  	s0 =	sadd.s32 $0x8F2B, s0  }
0xcc: {  	[sflag:s0] =	ssyncadd.remote.s32 $0x1  }
0xcd: {  	_ =	sfence.sel $0xFFFF  }
0xce: {  	[dreg:$0x0] =	wrdreg $0xFFFFFFFF;
	(pc) =	sbr.abs _section_cstart, $3  }
0xcf: {  	[dreg:$0x1] =	wrdreg $0xFFFFFFFF  }
0xd0: {  	_ =	task.clear_ibuf [dreg:s22], $0x2FFFF;
	_ =	strace $0x9FFFFFFF  }
0xd1: {  	(tm) =	ssettm $0x7FFFFFFF  }
tec
execute0_lowered:
.L_overlay_start_1:
0x0: {  	(tag) =	ssettag $0x1  }
0x1: {  	s5 =	rddreg [dreg:$0x0]  }
0x2: {  	s1 =	rddreg [dreg:$0x1]  }
0x3: {  	s0 =	rddreg [dreg:$0x2]  }
0x4: {  	s3 =	srdreg.scid;
	s8 =	stileid.u32;
	s2 =	simm.s32 $0x0  }
0x5: {  	s11 =	simm.s32 $0x6400;
	s12 =	simm.s32 $0x80;
	s13 =	simm.s32 $0xC800  }
0x6: {  	s14 =	simm.s32 $0xD000;
	s15 =	simm.s32 $0x1;
	s16 =	simm.s32 $0x6380  }
0x7: {  	s17 =	simm.s32 $0xC700;
	s18 =	simm.s32 $0xC780;
	s19 =	simm.s32 $0x0  }
0x8: {  	s4 =	sand.u32 $0x1, s3;
	s31 =	sshll.u32 s8, $0x1;
	[smem:$0x7FF] =	sst s2  }
0x9: {  	p0 =	sne.s32 s8, $0x0;
	s3 =	sor.u32 s4, s31;
	_ =	strace $0x80000050  }
0xa: {  	s7 =	smul.u32 $0x186B0, s4;
	s9 =	ssub.s32 $0x2, s4;
	s4 =	sadd.s32 $0x31400, s5  }
0xb: {  	s6 =	smul.u32 $0xC80, s3;
	s3 =	sadd.s32 $0x19AA00, s5;
	s10 =	sshrl.u32 s9, $0x1  }
0xc: {  	s7 =	sadd.s32 s7, s5;
	s9 =	ssub.s32 s9, s10;
	s10 =	simm.s32 $0x2  }
0xd: {  	s6 =	sadd.s32 s6, s5;
	s7 =	sadd.s32 $0x49C00, s7;
	s8 =	smax.u32 s9, $0x1  }
0xe: {  	s9 =	sshrl.u32 @!p0 s1, $0x3;
	s5 =	sadd.s32 $0x99400, s6;
	s6 =	sadd.s32 $0x7F400, s6  }
.LBB2_1:
0xf: {  	s20 =	simm.s32 @!p0 $0x1C02  }
0x10: {  	[spmem:s9], [sflag:s20] =	dma.local @!p0 [hbm:s4], $0x186B0  }
0x11: {  	s20 =	simm.s32 @!p0 $0x2  }
0x12: {  	_ =	swait.ge @!p0 [sflag:s20], $0x186B0  }
0x13: {  	[sflag:s20] =	ssyncset.done @!p0 $0x0  }
0x14: {  	[sflag:s20] =	ssyncadd.s32 @!p0 $0xFFFE7950  }
0x15: {  	[tilespmem:s2], [sflag:$0x2] =	stream.linear.gather [hbm4b:s5+s2], $0x6400, $0x38;
	[tilespmem:$0x19B58] =	vst v63  }
0x16: {  	_ =	swait.ge [sflag:s10], $0x6400  }
0x17: {  	[sflag:s10] =	ssyncset.done $0x0  }
0x18: {  	[sflag:s10] =	ssyncadd.s32 $0xFFFF9C00  }
0x19: {  	[tilespmem:s11], [sflag:$0x2] =	stream.linear.gather [hbm4b:s6+s2], $0x6400, $0x38;
	[tilespmem:$0x19B58] =	vst v63  }
0x1a: {  	_ =	swait.ge [sflag:s10], $0x6400  }
0x1b: {  	[sflag:s10] =	ssyncset.done $0x0  }
0x1c: {  	[sflag:s10] =	ssyncadd.s32 $0xFFFF9C00  }
0x1d: {  	[bflag:$0x0] =	sbarrier.arrive $0xFFFF  }
0x1e: {  	[tilespmem:s13], [sflag:$0x1] =	stream.indirect.gather [hbm4b:s3+s12], $0x10, s2, s12, $0xb8;
	[tilespmem:$0x19B58] =	vst v63  }
0x1f: {  	s28 =	simm.s32 $0x80  }
0x20: {  	[tilespmem:s14], [sflag:$0x1] =	stream.indirect.gather [hbm4b:s3+s12], $0x10, s28, s12, $0xb8;
	[tilespmem:$0x19B58] =	vst v63  }
0x21: {  	_ =	swait.ge [sflag:s15], $0x800  }
0x22: {  	[sflag:s15] =	ssyncset.done $0x0  }
0x23: {  	s29 =	simm.s32 $0x6400;
	[sflag:s15] =	ssyncadd.s32 $0xFFFFF800  }
0x24: {  	[spmem:s1] =	stream.indirect.scatter.add.f32 [tilespmem:s13], [sflag:$0x2], $0x10, s29, s12, $0xb8;
	[tilespmem:$0x19B58] =	vst v63  }
0x25: {  	_ =	swait.ge [sflag:s10], $0x800  }
0x26: {  	[sflag:s10] =	ssyncset.done $0x0  }
0x27: {  	s30 =	simm.s32 $0x100;
	[sflag:s10] =	ssyncadd.s32 $0xFFFFF800  }
0x28: {  	[tilespmem:s13], [sflag:$0x1] =	stream.indirect.gather [hbm4b:s3+s12], $0x10, s30, s12, $0xb8;
	[tilespmem:$0x19B58] =	vst v63  }
0x29: {  	_ =	swait.ge [sflag:s15], $0x800  }
0x2a: {  	[sflag:s15] =	ssyncset.done $0x0  }
0x2b: {  	s31 =	simm.s32 $0x6480;
	[sflag:s15] =	ssyncadd.s32 $0xFFFFF800  }
0x2c: {  	[spmem:s1] =	stream.indirect.scatter.add.f32 [tilespmem:s14], [sflag:$0x2], $0x10, s31, s12, $0xb8;
	[tilespmem:$0x19B58] =	vst v63  }
0x2d: {  	_ =	swait.ge [sflag:s10], $0x800  }
0x2e: {  	s21 =	simm.s32 $0x800;
	s20 =	simm.s32 $0x100;
	[sflag:s10] =	ssyncset.done $0x0  }
.LBB2_2:
0x2f: {  	s22 =	sadd.s32 $0x80, s20  }
0x30: {  	[sflag:s10] =	ssyncadd.s32 $0xFFFFF800;
	s23 =	smov.u32 s21;
	s24 =	sadd.s32 $0x400, s21  }
0x31: {  	[tilespmem:s14], [sflag:$0x1] =	stream.indirect.gather [hbm4b:s3+s12], $0x10, s22, s12, $0xb8;
	[tilespmem:$0x19B58] =	vst v63  }
0x32: {  	p1 =	sne.s32 s21, $0x18800;
	_ =	swait.ge [sflag:s15], $0x800  }
0x33: {  	[sflag:s15] =	ssyncset.done $0x0  }
0x34: {  	s21 =	sadd.s32 $0x6400, s20;
	[sflag:s15] =	ssyncadd.s32 $0xFFFFF800  }
0x35: {  	[spmem:s1] =	stream.indirect.scatter.add.f32 [tilespmem:s13], [sflag:$0x2], $0x10, s21, s12, $0xb8;
	[tilespmem:$0x19B58] =	vst v63  }
0x36: {  	_ =	swait.ge [sflag:s10], $0x800  }
0x37: {  	[sflag:s10] =	ssyncset.done $0x0  }
0x38: {  	s21 =	sadd.s32 $0x100, s20;
	[sflag:s10] =	ssyncadd.s32 $0xFFFFF800  }
0x39: {  	[tilespmem:s13], [sflag:$0x1] =	stream.indirect.gather [hbm4b:s3+s12], $0x10, s21, s12, $0xb8;
	[tilespmem:$0x19B58] =	vst v63  }
0x3a: {  	_ =	swait.ge [sflag:s15], $0x800  }
.Ltmp0:
0x3b: {  	[sflag:s15] =	ssyncset.done $0x0;
	(pc) =	sbr.rel @p1 .LBB2_2-.Ltmp0, $4  }
0x3c: {  	s20 =	sadd.s32 $0x6480, s20;
	[sflag:s15] =	ssyncadd.s32 $0xFFFFF800  }
0x3d: {  	[spmem:s1] =	stream.indirect.scatter.add.f32 [tilespmem:s14], [sflag:$0x2], $0x10, s20, s12, $0xb8;
	[tilespmem:$0x19B58] =	vst v63  }
0x3e: {  	_ =	swait.ge [sflag:s10], $0x800  }
0x3f: {  	s21 =	smov.u32 s24;
	s20 =	sshra.s32 s23, $0x2;
	[sflag:s10] =	ssyncset.done $0x0  }
0x40: {  	s21 =	sadd.s32 $0x80, s20;
	[sflag:s10] =	ssyncadd.s32 $0xFFFFF800  }
0x41: {  	[tilespmem:s14], [sflag:$0x1] =	stream.indirect.gather [hbm4b:s3+s12], $0x10, s21, s12, $0xb8;
	[tilespmem:$0x19B58] =	vst v63  }
0x42: {  	_ =	swait.ge [sflag:s15], $0x800  }
0x43: {  	[sflag:s15] =	ssyncset.done $0x0  }
0x44: {  	s29 =	sadd.s32 $0x6400, s20;
	[sflag:s15] =	ssyncadd.s32 $0xFFFFF800  }
0x45: {  	[spmem:s1] =	stream.indirect.scatter.add.f32 [tilespmem:s13], [sflag:$0x2], $0x10, s29, s12, $0xb8;
	[tilespmem:$0x19B58] =	vst v63  }
0x46: {  	_ =	swait.ge [sflag:s10], $0x800  }
0x47: {  	[sflag:s10] =	ssyncset.done $0x0  }
0x48: {  	s30 =	sadd.s32 $0x100, s20;
	[sflag:s10] =	ssyncadd.s32 $0xFFFFF800  }
0x49: {  	[tilespmem:s13], [sflag:$0x1] =	stream.indirect.gather [hbm4b:s3+s12], $0x10, s30, s12, $0xb8;
	[tilespmem:$0x19B58] =	vst v63  }
0x4a: {  	_ =	swait.ge [sflag:s15], $0x800  }
0x4b: {  	[sflag:s15] =	ssyncset.done $0x0  }
0x4c: {  	s31 =	sadd.s32 $0x6480, s20;
	[sflag:s15] =	ssyncadd.s32 $0xFFFFF800  }
0x4d: {  	[spmem:s1] =	stream.indirect.scatter.add.f32 [tilespmem:s14], [sflag:$0x2], $0x10, s31, s12, $0xb8;
	[tilespmem:$0x19B58] =	vst v63  }
0x4e: {  	_ =	swait.ge [sflag:s10], $0x800  }
0x4f: {  	[sflag:s10] =	ssyncset.done $0x0  }
0x50: {  	[sflag:s10] =	ssyncadd.s32 $0xFFFFF800  }
0x51: {  	[tilespmem:s14], [sflag:$0x1] =	stream.indirect.gather [hbm4b:s3+s12], $0x10, s16, s12, $0xb8;
	[tilespmem:$0x19B58] =	vst v63  }
0x52: {  	_ =	swait.ge [sflag:s15], $0x800  }
0x53: {  	[sflag:s15] =	ssyncset.done $0x0  }
0x54: {  	[sflag:s15] =	ssyncadd.s32 $0xFFFFF800  }
0x55: {  	[spmem:s1] =	stream.indirect.scatter.add.f32 [tilespmem:s13], [sflag:$0x2], $0x10, s17, s12, $0xb8;
	[tilespmem:$0x19B58] =	vst v63  }
0x56: {  	_ =	swait.ge [sflag:s10], $0x800  }
0x57: {  	[sflag:s10] =	ssyncset.done $0x0  }
0x58: {  	[sflag:s10] =	ssyncadd.s32 $0xFFFFF800  }
0x59: {  	[tilespmem:s13], [sflag:$0x1] =	stream.indirect.gather [hbm4b:s3+s12], $0x10, s16, s12, $0xb8;
	[tilespmem:$0x19B58] =	vst v63  }
0x5a: {  	_ =	swait.ge [sflag:s15], $0x800  }
0x5b: {  	[sflag:s15] =	ssyncset.done $0x0  }
0x5c: {  	[sflag:s15] =	ssyncadd.s32 $0xFFFFF800  }
0x5d: {  	[spmem:s1] =	stream.indirect.scatter.add.f32 [tilespmem:s14], [sflag:$0x2], $0x10, s18, s12, $0xb8;
	[tilespmem:$0x19B58] =	vst v63  }
0x5e: {  	_ =	swait.ge [sflag:s10], $0x800  }
0x5f: {  	[sflag:s10] =	ssyncset.done $0x0  }
0x60: {  	[sflag:s10] =	ssyncadd.s32 $0xFFFFF800  }
0x61: {  	_ =	swait.ge [sflag:s15], $0x800  }
0x62: {  	[sflag:s15] =	ssyncset.done $0x0  }
0x63: {  	s19 =	sadd.s32 $0x1, s19;
	[sflag:s15] =	ssyncadd.s32 $0xFFFFF800  }
0x64: {  	s20 =	simm.s32 @!p0 $0x1C02;
	p1 =	sne.s32 s19, s8;
	[bflag:$0x0] =	sbarrier.arrive $0xFFFF  }
0x65: {  	[hbm:s7], [sflag:s20] =	dma.local @!p0 [spmem:s9], $0x186B0  }
.Ltmp1:
0x66: {  	_ = 	snop;
	(pc) =	sbr.rel @p1 .LBB2_1-.Ltmp1, $4  }
0x67: {  	s20 =	simm.s32 @!p0 $0x2  }
0x68: {  	_ =	swait.ge @!p0 [sflag:s20], $0x186B0  }
0x69: {  	[sflag:s20] =	ssyncset.done @!p0 $0x0  }
0x6a: {  	[sflag:s20] =	ssyncadd.s32 @!p0 $0xFFFE7950  }
0x6b: {  	_ =	sfence.sel $0x180000  }
0x6c: {  	[bflag:$0x0] =	sbarrier.arrive $0xFFFF  }
0x6d: {  	_ =	strace $0x90000050  }
0x6e: {  	s0 =	sadd.s32 @!p0 $0x100000, s0;
	[bflag:$0x2] =	sbarrier.arrive $0xFFFF  }
0x6f: {  	[sflag:s0] =	ssyncadd.tile.s32 @!p0 $0x1;
	_ =	shalt  }
.Lfunc_end2:
_tile_overlayer_lowered:
.L_overlay_start_2:
0x70: {  	(tag) =	ssettag $0x2  }
0x71: {  	s0 =	rddreg [dreg:$0x0];
	s2 =	stileid.u32  }
0x72: {  	s1 =	rddreg [dreg:$0x1];
	p0 =	sne.s32 s2, $0x0  }
0x73: {  	s3 =	rddreg [dreg:$0x2];
	[bflag:$0x3] =	sbarrier.arrive $0xFFFF;
	s2 =	simm.s32 @!p0 $0x1C02  }
0x74: {  	[timem:s3], [sflag:s2] =	dma.local @!p0 [hbm:s0], s1  }
0x75: {  	s0 =	simm.s32 @!p0 $0x2  }
0x76: {  	_ =	swait.ge @!p0 [sflag:s0], s1  }
0x77: {  	s1 =	ssub.s32 @!p0 $0x0, s1;
	[sflag:s0] =	ssyncset.done @!p0 $0x0  }
0x78: {  	[sflag:s0] =	ssyncadd.s32 @!p0 s1  }
0x79: {  	[bflag:$0x3] =	sbarrier.arrive $0xFFFF  }
0x7a: {  	_ =	shalt  }

// kernel: sc_cg_lo.3.cloned.1.call-start
scs
__scs_entry_jumppad:
0x0: {  	(pc) =	sbr.rel $0x88, $3  }
0x1: {  	(tag) =	ssettag $0x0;
	lr =	simm.s32 $0x1  }
0x2: {  	[smem:$0x3F8D] =	sst lr;
	_ =	strace $0xD0000000  }
0x3: {  	_ = 	snop  }
0x4: {  	_ = 	snop  }
0x5: {  	_ = 	snop  }
0x6: {  	_ = 	snop  }
0x7: {  	_ = 	snop  }
__scs_overlays_trampoline_lowered:
0x8: {  	[smem:$0x3F9C] =	sst s0  }
0x9: {  	[smem:$0x3F9D] =	sst s1  }
0xa: {  	[smem:$0x3F9E] =	sst s2  }
0xb: {  	[smem:$0x3F9F] =	sst s3  }
0xc: {  	[smem:$0x3FA0] =	sst s4  }
0xd: {  	[smem:$0x3FA1] =	sst s5  }
0xe: {  	[smem:$0x3FA2] =	sst s6  }
0xf: {  	[smem:$0x3FA3] =	sst s7  }
0x10: {  	[smem:$0x3FA4] =	sst s8  }
0x11: {  	[smem:$0x3FA5] =	sst s9;
	s0 =	simm.s32 @!p0 $0x0  }
0x12: {  	s1 =	sld [smem:$0x3F8B];
	s0 =	simm.s32 @p0 $0x1  }
0x13: {  	[smem:$0x3FA6] =	sst s0;
	s0 =	simm.s32 @!p1 $0x0  }
0x14: {  	s2 =	sld [smem:$0x3F8A];
	s0 =	simm.s32 @p1 $0x1  }
0x15: {  	[smem:$0x3FA7] =	sst s0;
	s0 =	simm.s32 @!p2 $0x0  }
0x16: {  	s3 =	sld [smem:$0x3FDB];
	s0 =	simm.s32 @p2 $0x1  }
0x17: {  	s4 =	simm.s32 $0x1BF5;
	[smem:$0x3FA9] =	sst s0  }
0x18: {  	s0 =	sld [smem:$0x3F8C];
	_ =	swait.ge [sflag:s4], $0x0  }
0x19: {  	s7 =	sld [smem:$0x3F8D]  }
0x1a: {  	s8 =	sadd.s32 $0xFFFFE003, lr  }
0x1b: {  	s9 =	sadd.s32 $0xFFFFFEF7, lr;
	s5 =	simm.s32 $0xFFFFFFFF;
	p2 =	slt.u32 s8, $0xFFFFF086  }
0x1c: {  	p1 =	slt.u32 s9, $0xF7A;
	s5 =	simm.s32 @!p2 $0x0  }
0x1d: {  	s5 =	simm.s32 @p1 $0x1;
	p0 =	seq.s32 s7, s2  }
0x1e: {  	s7 =	smul.u32 @!p0 $0xF7A, s2;
	p2 =	seq.s32 @!p0 s5, $0x0  }
0x1f: {  	s9 =	smul.u32 $0xF7A, s1;
	s8 =	simm.s32 @!p0 $0x1BF5;
	p2 =	por !p2, p0  }
0x20: {  	[sflag:s8] =	ssyncset.s32 @!p0 $0xFFFFF086;
	s6 =	sadd.s32 @!p0 s3, s7;
	s7 =	simm.s32 @!p0 $0x108  }
0x21: {  	s3 =	sadd.s32 s3, s9;
	s6 =	sadd.s32 @!p0 $0x88, s6;
	s7 =	simm.s32 @p2 $0x1082  }
0x22: {  	[simem:s7], [sflag:s8] =	dma.local @!p0 [hbm:s6], $0xF7A  }
0x23: {  	s9 =	sor.u32 $0xD0000000, s2;
	s6 =	simm.s32 $0x108;
	_ =	swait.ge @!p0 [sflag:s8], $0x0  }
0x24: {  	s3 =	sadd.s32 $0x88, s3;
	s6 =	simm.s32 @!p1 $0x1082;
	[sflag:s4] =	ssyncset.s32 $0xFFFFF086  }
0x25: {  	[simem:s6], [sflag:s4] =	dma.local [hbm:s3], $0xF7A  }
0x26: {  	[smem:$0x3F8D] =	sst s1;
	(tag) =	ssettag s2;
	_ =	strace s9  }
0x27: {  	s1 =	sld [smem:$0x3F9D]  }
0x28: {  	s2 =	sld [smem:$0x3F9E]  }
0x29: {  	s4 =	sld [smem:$0x3FA0]  }
0x2a: {  	p0 =	seq.s32 s5, $0x0;
	s5 =	sld [smem:$0x3FA1]  }
0x2b: {  	s6 =	sld [smem:$0x3FA2]  }
0x2c: {  	s7 =	sld [smem:$0x3FA3]  }
0x2d: {  	s3 =	simm.s32 $0x108;
	s8 =	sld [smem:$0x3FA4]  }
0x2e: {  	s3 =	simm.s32 @!p0 $0x1082;
	s9 =	sld [smem:$0x3FA5]  }
0x2f: {  	lr =	sadd.s32 s0, s3;
	s0 =	sld [smem:$0x3F9C]  }
0x30: {  	s3 =	sld [smem:$0x3F9F]  }
0x31: {  	[smem:$0x3FA8] =	sst s10  }
0x32: {  	s10 =	sld [smem:$0x3FA6];
	_ =	sdelay $0x3  }
0x33: {  	p0 =	seq.s32 s10, $0x1;
	s10 =	sld [smem:$0x3FA8];
	_ =	sdelay $0x3  }
0x34: {  	[smem:$0x3FA8] =	sst s10  }
0x35: {  	s10 =	sld [smem:$0x3FA7];
	_ =	sdelay $0x3  }
0x36: {  	p1 =	seq.s32 s10, $0x1;
	s10 =	sld [smem:$0x3FA8];
	_ =	sdelay $0x3  }
0x37: {  	[smem:$0x3FA8] =	sst s10  }
0x38: {  	s10 =	sld [smem:$0x3FA9]  }
0x39: {  	_ = 	snop;
	(pc) =	sbr.ind lr, $3  }
0x3a: {  	_ = 	snop  }
0x3b: {  	_ = 	snop  }
0x3c: {  	p2 =	seq.s32 s10, $0x1;
	s10 =	sld [smem:$0x3FA8]  }
0x3d: {  	_ =	shalt  }
0x3e: {  	_ =	shalt  }
0x3f: {  	_ =	shalt  }
0x40: {  	_ =	shalt  }
0x41: {  	_ =	shalt  }
0x42: {  	_ =	shalt  }
0x43: {  	_ =	shalt  }
0x44: {  	_ =	shalt  }
0x45: {  	_ =	shalt  }
0x46: {  	_ =	shalt  }
0x47: {  	_ =	shalt  }
0x48: {  	_ =	shalt  }
0x49: {  	_ =	shalt  }
0x4a: {  	_ =	shalt  }
0x4b: {  	_ =	shalt  }
0x4c: {  	_ =	shalt  }
0x4d: {  	_ =	shalt  }
0x4e: {  	_ =	shalt  }
0x4f: {  	_ =	shalt  }
0x50: {  	_ =	shalt  }
0x51: {  	_ =	shalt  }
0x52: {  	_ =	shalt  }
0x53: {  	_ =	shalt  }
0x54: {  	_ =	shalt  }
0x55: {  	_ =	shalt  }
0x56: {  	_ =	shalt  }
0x57: {  	_ =	shalt  }
0x58: {  	_ =	shalt  }
0x59: {  	_ =	shalt  }
0x5a: {  	_ =	shalt  }
0x5b: {  	_ =	shalt  }
0x5c: {  	_ =	shalt  }
0x5d: {  	_ =	shalt  }
0x5e: {  	_ =	shalt  }
0x5f: {  	_ =	shalt  }
0x60: {  	_ =	shalt  }
0x61: {  	_ =	shalt  }
0x62: {  	_ =	shalt  }
0x63: {  	_ =	shalt  }
0x64: {  	_ =	shalt  }
0x65: {  	_ =	shalt  }
0x66: {  	_ =	shalt  }
0x67: {  	_ =	shalt  }
0x68: {  	_ =	shalt  }
0x69: {  	_ =	shalt  }
0x6a: {  	_ =	shalt  }
0x6b: {  	_ =	shalt  }
0x6c: {  	_ =	shalt  }
0x6d: {  	_ =	shalt  }
0x6e: {  	_ =	shalt  }
0x6f: {  	_ =	shalt  }
0x70: {  	_ =	shalt  }
0x71: {  	_ =	shalt  }
0x72: {  	_ =	shalt  }
0x73: {  	_ =	shalt  }
0x74: {  	_ =	shalt  }
0x75: {  	_ =	shalt  }
0x76: {  	_ =	shalt  }
0x77: {  	_ =	shalt  }
0x78: {  	_ =	shalt  }
0x79: {  	_ =	shalt  }
0x7a: {  	_ =	shalt  }
0x7b: {  	_ =	shalt  }
0x7c: {  	_ =	shalt  }
0x7d: {  	_ =	shalt  }
0x7e: {  	_ =	shalt  }
0x7f: {  	_ =	shalt  }
0x80: {  	_ =	shalt  }
0x81: {  	_ =	shalt  }
0x82: {  	_ =	shalt  }
0x83: {  	_ =	shalt  }
0x84: {  	_ =	shalt  }
0x85: {  	_ =	shalt  }
0x86: {  	_ =	shalt  }
0x87: {  	_ =	shalt  }
.Lfunc_end0:
.L_simem_size_0:
called_computation.3_lowered:
.L_overlay_start_0:
0x88: {  	s2 =	sld [smem:$0x3FD9]  }
0x89: {  	s3 =	sld [smem:$0x3FFE];
	_ =	sdelay $0x1  }
0x8a: {  	s1 =	srdreg.scid  }
0x8b: {  	s0 =	sand.u32 $0x1, s1  }
0x8c: {  	s15 =	sshll.u32 s0, $0xA;
	s2 =	sadd.s32 s3, s2  }
0x8d: {  	s2 =	sadd.s32 s2, s15  }
0x8e: {  	[smem:$0x3FB4] =	sst s2  }
0x8f: {  	_ = 	snop  }
0x90: {  	s2 =	sld [smem:$0x3FD0];
	_ =	sdelay $0x2  }
0x91: {  	s16 =	simm.s32 $0xD;
	s4 =	simm.s32 $0x10  }
0x92: {  	[smem:s4], [sflag:s16] =	dma.local [hbm:s2], $0x1  }
0x93: {  	_ =	swait.eq [sflag:s16], $0x1  }
0x94: {  	[sflag:s16] =	ssyncset.done $0x0  }
0x95: {  	[sflag:s16] =	ssyncadd.s32 $0xFFFFFFFF  }
0x96: {  	s17 =	sld [smem:$0x10];
	(tm) =	ssettm $0x1  }
0x97: {  	s18 =	sld [smem:$0x3FFB];
	_ =	sdelay $0x3  }
0x98: {  	_ =	strace s18  }
0x99: {  	s2 =	sld [smem:$0x3FFC];
	_ =	sdelay $0x3  }
0x9a: {  	_ =	strace s2  }
0x9b: {  	s2 =	sld [smem:$0x3FFD];
	_ =	sdelay $0x3  }
0x9c: {  	_ =	strace s2  }
0x9d: {  	_ =	strace $0x8FFFFFFF  }
0x9e: {  	s19 =	sld [smem:$0x3FDB];
	_ =	sdelay $0x1  }
0x9f: {  	s20 =	simm.s32 $_scs_section_size  }
0xa0: {  	s5 =	simm.s32 $_size__tile_overlayer_lowered;
	s6 =	simm.s32 $_tile_overlayer_lowered  }
0xa1: {  	s7 =	simm.s32 $0x1BFF;
	s21 =	sshll.u32 s6, $0x1;
	s4 =	sadd.s32 s20, s19  }
0xa2: {  	s22 =	simm.s32 $0x0;
	s5 =	sshll.u32 s5, $0x1;
	s6 =	sadd.s32 s21, s4  }
0xa3: {  	[timem:s22], [sflag:s7] =	dma.local [hbm:s6], s5  }
0xa4: {  	_ =	swait.ge [sflag:s7], s5  }
0xa5: {  	s5 =	ssub.s32 $0x0, s5;
	[sflag:s7] =	ssyncset.done $0x0  }
0xa6: {  	[sflag:s7] =	ssyncadd.s32 s5;
	_ =	sdelay $0x1  }
0xa7: {  	s23 =	simm.s32 $0x1B8B  }
0xa8: {  	_ =	swait.ge [sflag:s23], $0x1  }
0xa9: {  	[sflag:s23] =	ssyncset.done $0x0  }
0xaa: {  	[sflag:s23] =	ssyncadd.s32 $0xFFFFFFFF  }
0xab: {  	s5 =	sld [smem:$0x0]  }
0xac: {  	s6 =	sand.u32 $0xFFFFFFFE, s1  }
0xad: {  	p0 =	sne.s32 s1, s6  }
0xae: {  	s6 =	sshll.u32 @p0 s6, $0xE  }
0xaf: {  	s6 =	sadd.s32 @p0 $0x11B8D, s6;
	s7 =	sshll.u32 @p0 s5, $0x11  }
0xb0: {  	s6 =	sor.u32 @p0 s7, s6  }
0xb1: {  	[sflag:s6] =	ssyncadd.remote.s32 @p0 $0x1;
	_ =	sdelay $0x1  }
0xb2: {  	s6 =	simm.s32 @p0 $0x1B8D  }
0xb3: {  	_ =	swait.eq @p0 [sflag:s6], $0x1  }
0xb4: {  	[sflag:s6] =	ssyncadd.s32 @p0 $0xFFFFFFFF  }
0xb5: {  	s7 =	sshll.u32 @!p0 s1, $0xE  }
0xb6: {  	s7 =	sor.u32 @!p0 $0x4000, s7;
	s6 =	simm.s32 @!p0 $0x1B8D  }
0xb7: {  	s5 =	sshll.u32 @!p0 s5, $0x11;
	s7 =	sadd.s32 @!p0 $0x11B8D, s7;
	_ =	swait.eq @!p0 [sflag:s6], $0x1  }
0xb8: {  	s5 =	sor.u32 @!p0 s5, s7;
	[sflag:s6] =	ssyncadd.s32 @!p0 $0xFFFFFFFF  }
0xb9: {  	s25 =	simm.s32 $0x1B8E;
	s24 =	sld [smem:$0x3FFE];
	[sflag:s5] =	ssyncadd.remote.s32 @!p0 $0x1  }
0xba: {  	s26 =	simm.s32 $execute0_lowered;
	[smem:$0x3FD2] =	sst s25  }
0xbb: {  	s6 =	sshll.u32 s26, $0x1;
	_ =	strace $0x80000052;
	[dreg:$0x1] =	wrdreg $0xFFFFFFFF  }
0xbc: {  	s28 =	simm.s32 $_size_execute0_lowered;
	s4 =	sadd.s32 s4, s6;
	[dreg:$0x0] =	wrdreg $0x0  }
0xbd: {  	s6 =	sshll.u32 s28, $0x1;
	[dreg:$0x2] =	wrdreg s4  }
0xbe: {  	[dreg:$0x3] =	wrdreg s6  }
0xbf: {  	[dreg:$0x4] =	wrdreg $0xC0  }
0xc0: {  	_ =	task [dreg:s22], $0x5FFFF  }
0xc1: {  	[dreg:$0x1] =	wrdreg $0xFFFFFFFF  }
0xc2: {  	[dreg:$0x0] =	wrdreg $0x60  }
0xc3: {  	[dreg:$0x2] =	wrdreg s24  }
0xc4: {  	[dreg:$0x3] =	wrdreg s17  }
0xc5: {  	[dreg:$0x4] =	wrdreg $0xD8000  }
0xc6: {  	[dreg:$0x5] =	wrdreg $0xB  }
0xc7: {  	_ =	task.clear_ibuf [dreg:s22], $0x6FFFF;
	_ =	strace $0x90000052  }
0xc8: {  	s29 =	simm.s32 $0xB;
	_ =	strace $0x80000054  }
0xc9: {  	_ =	swait.ge [sflag:s29], $0x1  }
0xca: {  	[sflag:s29] =	ssyncadd.s32 $0xFFFFFFFF  }
0xcb: {  	_ =	strace $0x90000054  }
0xcc: {  	_ =	sfence  }
0xcd: {  	s30 =	sld [smem:$0x0];
	_ =	sdelay $0x2  }
0xce: {  	s31 =	sshll.u32 s1, $0xD;
	s1 =	sshrl.u32 s1, $0x2  }
0xcf: {  	s4 =	sand.u32 $0x4000, s31;
	s1 =	sadd.s32 s1, s30  }
0xd0: {  	s0 =	sor.u32 s4, s0;
	s1 =	sshll.u32 s1, $0x11  }
0xd1: {  	s0 =	sor.u32 s1, s0  }
0xd2: {  	s0 =	sadd.s32 $0x8F2B, s0  }
0xd3: {  	[sflag:s0] =	ssyncadd.remote.s32 $0x1  }
0xd4: {  	_ =	sfence.sel $0xFFFF  }
0xd5: {  	[dreg:$0x0] =	wrdreg $0xFFFFFFFF;
	(pc) =	sbr.abs _section_cstart, $3  }
0xd6: {  	[dreg:$0x1] =	wrdreg $0xFFFFFFFF  }
0xd7: {  	_ =	task.clear_ibuf [dreg:s22], $0x2FFFF;
	_ =	strace $0x9FFFFFFF  }
0xd8: {  	(tm) =	ssettm $0x7FFFFFFF  }
0xd9: {  	_ =	shalt  }
tec
execute0_lowered:
.L_overlay_start_1:
0x0: {  	(tag) =	ssettag $0x1  }
0x1: {  	s4 =	rddreg [dreg:$0x0]  }
0x2: {  	s7 =	rddreg [dreg:$0x1];
	s0 =	srdreg.scid  }
0x3: {  	s8 =	stileid.u32;
	s1 =	rddreg [dreg:$0x2];
	s2 =	simm.s32 $0x0  }
0x4: {  	s12 =	simm.s32 $0x80;
	s13 =	simm.s32 $0xC800;
	s14 =	simm.s32 $0xD000  }
0x5: {  	s15 =	simm.s32 $0x1;
	s16 =	simm.s32 $0x6380;
	s17 =	simm.s32 $0xC700  }
0x6: {  	s18 =	simm.s32 $0xC780;
	s5 =	sand.u32 $0x1, s0;
	s0 =	rddreg [dreg:$0x3]  }
0x7: {  	s19 =	simm.s32 $0x0;
	s3 =	sshll.u32 s8, $0x1;
	[smem:$0x7FF] =	sst s2  }
0x8: {  	p0 =	sne.s32 s8, $0x0;
	s3 =	sor.u32 s5, s3;
	s9 =	ssub.s32 $0x2, s5  }
0x9: {  	_ =	strace $0x80000053;
	s11 =	smul.u32 $0x186B0, s5;
	s10 =	sshrl.u32 s9, $0x1  }
0xa: {  	s6 =	smul.u32 $0xC80, s3;
	s3 =	sadd.s32 $0x1BCE00, s4;
	s9 =	ssub.s32 s9, s10  }
0xb: {  	s7 =	sadd.s32 s7, s11;
	s10 =	simm.s32 $0x2;
	s11 =	simm.s32 $0x6400  }
0xc: {  	s6 =	sadd.s32 s6, s4;
	s4 =	sadd.s32 $0x31400, s4;
	s8 =	smax.u32 s9, $0x1  }
0xd: {  	s9 =	sshrl.u32 @!p0 s1, $0x3;
	s5 =	sadd.s32 $0x99400, s6;
	s6 =	sadd.s32 $0x7F400, s6  }
.LBB2_1:
0xe: {  	s20 =	simm.s32 @!p0 $0x1C02  }
0xf: {  	[spmem:s9], [sflag:s20] =	dma.local @!p0 [hbm:s4], $0x186B0  }
0x10: {  	s20 =	simm.s32 @!p0 $0x2  }
0x11: {  	_ =	swait.ge @!p0 [sflag:s20], $0x186B0  }
0x12: {  	[sflag:s20] =	ssyncset.done @!p0 $0x0  }
0x13: {  	[sflag:s20] =	ssyncadd.s32 @!p0 $0xFFFE7950  }
0x14: {  	[tilespmem:s2], [sflag:$0x2] =	stream.linear.gather [hbm4b:s5+s2], $0x6400, $0x38;
	[tilespmem:$0x19B58] =	vst v63  }
0x15: {  	_ =	swait.ge [sflag:s10], $0x6400  }
0x16: {  	[sflag:s10] =	ssyncset.done $0x0  }
0x17: {  	[sflag:s10] =	ssyncadd.s32 $0xFFFF9C00  }
0x18: {  	[tilespmem:s11], [sflag:$0x2] =	stream.linear.gather [hbm4b:s6+s2], $0x6400, $0x38;
	[tilespmem:$0x19B58] =	vst v63  }
0x19: {  	_ =	swait.ge [sflag:s10], $0x6400  }
0x1a: {  	[sflag:s10] =	ssyncset.done $0x0  }
0x1b: {  	[sflag:s10] =	ssyncadd.s32 $0xFFFF9C00  }
0x1c: {  	[bflag:$0x0] =	sbarrier.arrive $0xFFFF  }
0x1d: {  	[tilespmem:s13], [sflag:$0x1] =	stream.indirect.gather [hbm4b:s3+s12], $0x10, s2, s12, $0xb8;
	[tilespmem:$0x19B58] =	vst v63  }
0x1e: {  	s28 =	simm.s32 $0x80  }
0x1f: {  	[tilespmem:s14], [sflag:$0x1] =	stream.indirect.gather [hbm4b:s3+s12], $0x10, s28, s12, $0xb8;
	[tilespmem:$0x19B58] =	vst v63  }
0x20: {  	_ =	swait.ge [sflag:s15], $0x800  }
0x21: {  	[sflag:s15] =	ssyncset.done $0x0  }
0x22: {  	s29 =	simm.s32 $0x6400;
	[sflag:s15] =	ssyncadd.s32 $0xFFFFF800  }
0x23: {  	[spmem:s1] =	stream.indirect.scatter.add.f32 [tilespmem:s13], [sflag:$0x2], $0x10, s29, s12, $0xb8;
	[tilespmem:$0x19B58] =	vst v63  }
0x24: {  	_ =	swait.ge [sflag:s10], $0x800  }
0x25: {  	[sflag:s10] =	ssyncset.done $0x0  }
0x26: {  	s30 =	simm.s32 $0x100;
	[sflag:s10] =	ssyncadd.s32 $0xFFFFF800  }
0x27: {  	[tilespmem:s13], [sflag:$0x1] =	stream.indirect.gather [hbm4b:s3+s12], $0x10, s30, s12, $0xb8;
	[tilespmem:$0x19B58] =	vst v63  }
0x28: {  	_ =	swait.ge [sflag:s15], $0x800  }
0x29: {  	[sflag:s15] =	ssyncset.done $0x0  }
0x2a: {  	s31 =	simm.s32 $0x6480;
	[sflag:s15] =	ssyncadd.s32 $0xFFFFF800  }
0x2b: {  	[spmem:s1] =	stream.indirect.scatter.add.f32 [tilespmem:s14], [sflag:$0x2], $0x10, s31, s12, $0xb8;
	[tilespmem:$0x19B58] =	vst v63  }
0x2c: {  	_ =	swait.ge [sflag:s10], $0x800  }
0x2d: {  	s21 =	simm.s32 $0x800;
	s20 =	simm.s32 $0x100;
	[sflag:s10] =	ssyncset.done $0x0  }
.LBB2_2:
0x2e: {  	s22 =	sadd.s32 $0x80, s20  }
0x2f: {  	[sflag:s10] =	ssyncadd.s32 $0xFFFFF800;
	s23 =	smov.u32 s21;
	s24 =	sadd.s32 $0x400, s21  }
0x30: {  	[tilespmem:s14], [sflag:$0x1] =	stream.indirect.gather [hbm4b:s3+s12], $0x10, s22, s12, $0xb8;
	[tilespmem:$0x19B58] =	vst v63  }
0x31: {  	p1 =	sne.s32 s21, $0x18800;
	_ =	swait.ge [sflag:s15], $0x800  }
0x32: {  	[sflag:s15] =	ssyncset.done $0x0  }
0x33: {  	s21 =	sadd.s32 $0x6400, s20;
	[sflag:s15] =	ssyncadd.s32 $0xFFFFF800  }
0x34: {  	[spmem:s1] =	stream.indirect.scatter.add.f32 [tilespmem:s13], [sflag:$0x2], $0x10, s21, s12, $0xb8;
	[tilespmem:$0x19B58] =	vst v63  }
0x35: {  	_ =	swait.ge [sflag:s10], $0x800  }
0x36: {  	[sflag:s10] =	ssyncset.done $0x0  }
0x37: {  	s21 =	sadd.s32 $0x100, s20;
	[sflag:s10] =	ssyncadd.s32 $0xFFFFF800  }
0x38: {  	[tilespmem:s13], [sflag:$0x1] =	stream.indirect.gather [hbm4b:s3+s12], $0x10, s21, s12, $0xb8;
	[tilespmem:$0x19B58] =	vst v63  }
0x39: {  	_ =	swait.ge [sflag:s15], $0x800  }
.Ltmp0:
0x3a: {  	[sflag:s15] =	ssyncset.done $0x0;
	(pc) =	sbr.rel @p1 .LBB2_2-.Ltmp0, $4  }
0x3b: {  	s20 =	sadd.s32 $0x6480, s20;
	[sflag:s15] =	ssyncadd.s32 $0xFFFFF800  }
0x3c: {  	[spmem:s1] =	stream.indirect.scatter.add.f32 [tilespmem:s14], [sflag:$0x2], $0x10, s20, s12, $0xb8;
	[tilespmem:$0x19B58] =	vst v63  }
0x3d: {  	_ =	swait.ge [sflag:s10], $0x800  }
0x3e: {  	s21 =	smov.u32 s24;
	s20 =	sshra.s32 s23, $0x2;
	[sflag:s10] =	ssyncset.done $0x0  }
0x3f: {  	s21 =	sadd.s32 $0x80, s20;
	[sflag:s10] =	ssyncadd.s32 $0xFFFFF800  }
0x40: {  	[tilespmem:s14], [sflag:$0x1] =	stream.indirect.gather [hbm4b:s3+s12], $0x10, s21, s12, $0xb8;
	[tilespmem:$0x19B58] =	vst v63  }
0x41: {  	_ =	swait.ge [sflag:s15], $0x800  }
0x42: {  	[sflag:s15] =	ssyncset.done $0x0  }
0x43: {  	s29 =	sadd.s32 $0x6400, s20;
	[sflag:s15] =	ssyncadd.s32 $0xFFFFF800  }
0x44: {  	[spmem:s1] =	stream.indirect.scatter.add.f32 [tilespmem:s13], [sflag:$0x2], $0x10, s29, s12, $0xb8;
	[tilespmem:$0x19B58] =	vst v63  }
0x45: {  	_ =	swait.ge [sflag:s10], $0x800  }
0x46: {  	[sflag:s10] =	ssyncset.done $0x0  }
0x47: {  	s30 =	sadd.s32 $0x100, s20;
	[sflag:s10] =	ssyncadd.s32 $0xFFFFF800  }
0x48: {  	[tilespmem:s13], [sflag:$0x1] =	stream.indirect.gather [hbm4b:s3+s12], $0x10, s30, s12, $0xb8;
	[tilespmem:$0x19B58] =	vst v63  }
0x49: {  	_ =	swait.ge [sflag:s15], $0x800  }
0x4a: {  	[sflag:s15] =	ssyncset.done $0x0  }
0x4b: {  	s31 =	sadd.s32 $0x6480, s20;
	[sflag:s15] =	ssyncadd.s32 $0xFFFFF800  }
0x4c: {  	[spmem:s1] =	stream.indirect.scatter.add.f32 [tilespmem:s14], [sflag:$0x2], $0x10, s31, s12, $0xb8;
	[tilespmem:$0x19B58] =	vst v63  }
0x4d: {  	_ =	swait.ge [sflag:s10], $0x800  }
0x4e: {  	[sflag:s10] =	ssyncset.done $0x0  }
0x4f: {  	[sflag:s10] =	ssyncadd.s32 $0xFFFFF800  }
0x50: {  	[tilespmem:s14], [sflag:$0x1] =	stream.indirect.gather [hbm4b:s3+s12], $0x10, s16, s12, $0xb8;
	[tilespmem:$0x19B58] =	vst v63  }
0x51: {  	_ =	swait.ge [sflag:s15], $0x800  }
0x52: {  	[sflag:s15] =	ssyncset.done $0x0  }
0x53: {  	[sflag:s15] =	ssyncadd.s32 $0xFFFFF800  }
0x54: {  	[spmem:s1] =	stream.indirect.scatter.add.f32 [tilespmem:s13], [sflag:$0x2], $0x10, s17, s12, $0xb8;
	[tilespmem:$0x19B58] =	vst v63  }
0x55: {  	_ =	swait.ge [sflag:s10], $0x800  }
0x56: {  	[sflag:s10] =	ssyncset.done $0x0  }
0x57: {  	[sflag:s10] =	ssyncadd.s32 $0xFFFFF800  }
0x58: {  	[tilespmem:s13], [sflag:$0x1] =	stream.indirect.gather [hbm4b:s3+s12], $0x10, s16, s12, $0xb8;
	[tilespmem:$0x19B58] =	vst v63  }
0x59: {  	_ =	swait.ge [sflag:s15], $0x800  }
0x5a: {  	[sflag:s15] =	ssyncset.done $0x0  }
0x5b: {  	[sflag:s15] =	ssyncadd.s32 $0xFFFFF800  }
0x5c: {  	[spmem:s1] =	stream.indirect.scatter.add.f32 [tilespmem:s14], [sflag:$0x2], $0x10, s18, s12, $0xb8;
	[tilespmem:$0x19B58] =	vst v63  }
0x5d: {  	_ =	swait.ge [sflag:s10], $0x800  }
0x5e: {  	[sflag:s10] =	ssyncset.done $0x0  }
0x5f: {  	[sflag:s10] =	ssyncadd.s32 $0xFFFFF800  }
0x60: {  	_ =	swait.ge [sflag:s15], $0x800  }
0x61: {  	[sflag:s15] =	ssyncset.done $0x0  }
0x62: {  	s19 =	sadd.s32 $0x1, s19;
	[sflag:s15] =	ssyncadd.s32 $0xFFFFF800  }
0x63: {  	s20 =	simm.s32 @!p0 $0x1C02;
	p1 =	sne.s32 s19, s8;
	[bflag:$0x0] =	sbarrier.arrive $0xFFFF  }
0x64: {  	[hbm:s7], [sflag:s20] =	dma.local @!p0 [spmem:s9], $0x186B0  }
.Ltmp1:
0x65: {  	_ = 	snop;
	(pc) =	sbr.rel @p1 .LBB2_1-.Ltmp1, $4  }
0x66: {  	s20 =	simm.s32 @!p0 $0x2  }
0x67: {  	_ =	swait.ge @!p0 [sflag:s20], $0x186B0  }
0x68: {  	[sflag:s20] =	ssyncset.done @!p0 $0x0  }
0x69: {  	[sflag:s20] =	ssyncadd.s32 @!p0 $0xFFFE7950  }
0x6a: {  	_ =	sfence.sel $0x180000  }
0x6b: {  	[bflag:$0x0] =	sbarrier.arrive $0xFFFF  }
0x6c: {  	_ =	strace $0x90000053  }
0x6d: {  	s0 =	sadd.s32 @!p0 $0x100000, s0;
	[bflag:$0x2] =	sbarrier.arrive $0xFFFF  }
0x6e: {  	[sflag:s0] =	ssyncadd.tile.s32 @!p0 $0x1;
	_ =	shalt  }
.Lfunc_end2:
_tile_overlayer_lowered:
.L_overlay_start_2:
0x6f: {  	(tag) =	ssettag $0x2  }
0x70: {  	s0 =	rddreg [dreg:$0x0];
	s2 =	stileid.u32  }
0x71: {  	s1 =	rddreg [dreg:$0x1];
	p0 =	sne.s32 s2, $0x0  }
0x72: {  	s3 =	rddreg [dreg:$0x2];
	[bflag:$0x3] =	sbarrier.arrive $0xFFFF;
	s2 =	simm.s32 @!p0 $0x1C02  }
0x73: {  	[timem:s3], [sflag:s2] =	dma.local @!p0 [hbm:s0], s1  }
0x74: {  	s0 =	simm.s32 @!p0 $0x2  }
0x75: {  	_ =	swait.ge @!p0 [sflag:s0], s1  }
0x76: {  	s1 =	ssub.s32 @!p0 $0x0, s1;
	[sflag:s0] =	ssyncset.done @!p0 $0x0  }
0x77: {  	[sflag:s0] =	ssyncadd.s32 @!p0 s1  }
0x78: {  	[bflag:$0x3] =	sbarrier.arrive $0xFFFF  }
0x79: {  	_ =	shalt  }

// kernel: sc_count.3.cloned.1.call-start
scs
__scs_entry_jumppad:
0x0: {  	(pc) =	sbr.rel $0x88, $3  }
0x1: {  	(tag) =	ssettag $0x0;
	lr =	simm.s32 $0x1  }
0x2: {  	[smem:$0x3F8D] =	sst lr;
	_ =	strace $0xD0000000  }
0x3: {  	_ = 	snop  }
0x4: {  	_ = 	snop  }
0x5: {  	_ = 	snop  }
0x6: {  	_ = 	snop  }
0x7: {  	_ = 	snop  }
__scs_overlays_trampoline_lowered:
0x8: {  	[smem:$0x3F9C] =	sst s0  }
0x9: {  	[smem:$0x3F9D] =	sst s1  }
0xa: {  	[smem:$0x3F9E] =	sst s2  }
0xb: {  	[smem:$0x3F9F] =	sst s3  }
0xc: {  	[smem:$0x3FA0] =	sst s4  }
0xd: {  	[smem:$0x3FA1] =	sst s5  }
0xe: {  	[smem:$0x3FA2] =	sst s6  }
0xf: {  	[smem:$0x3FA3] =	sst s7  }
0x10: {  	[smem:$0x3FA4] =	sst s8  }
0x11: {  	[smem:$0x3FA5] =	sst s9;
	s0 =	simm.s32 @!p0 $0x0  }
0x12: {  	s1 =	sld [smem:$0x3F8B];
	s0 =	simm.s32 @p0 $0x1  }
0x13: {  	[smem:$0x3FA6] =	sst s0;
	s0 =	simm.s32 @!p1 $0x0  }
0x14: {  	s2 =	sld [smem:$0x3F8A];
	s0 =	simm.s32 @p1 $0x1  }
0x15: {  	[smem:$0x3FA7] =	sst s0;
	s0 =	simm.s32 @!p2 $0x0  }
0x16: {  	s3 =	sld [smem:$0x3FDB];
	s0 =	simm.s32 @p2 $0x1  }
0x17: {  	s4 =	simm.s32 $0x1BF5;
	[smem:$0x3FA9] =	sst s0  }
0x18: {  	s0 =	sld [smem:$0x3F8C];
	_ =	swait.ge [sflag:s4], $0x0  }
0x19: {  	s7 =	sld [smem:$0x3F8D]  }
0x1a: {  	s8 =	sadd.s32 $0xFFFFE003, lr  }
0x1b: {  	s9 =	sadd.s32 $0xFFFFFEF7, lr;
	s5 =	simm.s32 $0xFFFFFFFF;
	p2 =	slt.u32 s8, $0xFFFFF086  }
0x1c: {  	p1 =	slt.u32 s9, $0xF7A;
	s5 =	simm.s32 @!p2 $0x0  }
0x1d: {  	s5 =	simm.s32 @p1 $0x1;
	p0 =	seq.s32 s7, s2  }
0x1e: {  	s7 =	smul.u32 @!p0 $0xF7A, s2;
	p2 =	seq.s32 @!p0 s5, $0x0  }
0x1f: {  	s9 =	smul.u32 $0xF7A, s1;
	s8 =	simm.s32 @!p0 $0x1BF5;
	p2 =	por !p2, p0  }
0x20: {  	[sflag:s8] =	ssyncset.s32 @!p0 $0xFFFFF086;
	s6 =	sadd.s32 @!p0 s3, s7;
	s7 =	simm.s32 @!p0 $0x108  }
0x21: {  	s3 =	sadd.s32 s3, s9;
	s6 =	sadd.s32 @!p0 $0x88, s6;
	s7 =	simm.s32 @p2 $0x1082  }
0x22: {  	[simem:s7], [sflag:s8] =	dma.local @!p0 [hbm:s6], $0xF7A  }
0x23: {  	s9 =	sor.u32 $0xD0000000, s2;
	s6 =	simm.s32 $0x108;
	_ =	swait.ge @!p0 [sflag:s8], $0x0  }
0x24: {  	s3 =	sadd.s32 $0x88, s3;
	s6 =	simm.s32 @!p1 $0x1082;
	[sflag:s4] =	ssyncset.s32 $0xFFFFF086  }
0x25: {  	[simem:s6], [sflag:s4] =	dma.local [hbm:s3], $0xF7A  }
0x26: {  	[smem:$0x3F8D] =	sst s1;
	(tag) =	ssettag s2;
	_ =	strace s9  }
0x27: {  	s1 =	sld [smem:$0x3F9D]  }
0x28: {  	s2 =	sld [smem:$0x3F9E]  }
0x29: {  	s4 =	sld [smem:$0x3FA0]  }
0x2a: {  	p0 =	seq.s32 s5, $0x0;
	s5 =	sld [smem:$0x3FA1]  }
0x2b: {  	s6 =	sld [smem:$0x3FA2]  }
0x2c: {  	s7 =	sld [smem:$0x3FA3]  }
0x2d: {  	s3 =	simm.s32 $0x108;
	s8 =	sld [smem:$0x3FA4]  }
0x2e: {  	s3 =	simm.s32 @!p0 $0x1082;
	s9 =	sld [smem:$0x3FA5]  }
0x2f: {  	lr =	sadd.s32 s0, s3;
	s0 =	sld [smem:$0x3F9C]  }
0x30: {  	s3 =	sld [smem:$0x3F9F]  }
0x31: {  	[smem:$0x3FA8] =	sst s10  }
0x32: {  	s10 =	sld [smem:$0x3FA6];
	_ =	sdelay $0x3  }
0x33: {  	p0 =	seq.s32 s10, $0x1;
	s10 =	sld [smem:$0x3FA8];
	_ =	sdelay $0x3  }
0x34: {  	[smem:$0x3FA8] =	sst s10  }
0x35: {  	s10 =	sld [smem:$0x3FA7];
	_ =	sdelay $0x3  }
0x36: {  	p1 =	seq.s32 s10, $0x1;
	s10 =	sld [smem:$0x3FA8];
	_ =	sdelay $0x3  }
0x37: {  	[smem:$0x3FA8] =	sst s10  }
0x38: {  	s10 =	sld [smem:$0x3FA9]  }
0x39: {  	_ = 	snop;
	(pc) =	sbr.ind lr, $3  }
0x3a: {  	_ = 	snop  }
0x3b: {  	_ = 	snop  }
0x3c: {  	p2 =	seq.s32 s10, $0x1;
	s10 =	sld [smem:$0x3FA8]  }
0x3d: {  	_ =	shalt  }
0x3e: {  	_ =	shalt  }
0x3f: {  	_ =	shalt  }
0x40: {  	_ =	shalt  }
0x41: {  	_ =	shalt  }
0x42: {  	_ =	shalt  }
0x43: {  	_ =	shalt  }
0x44: {  	_ =	shalt  }
0x45: {  	_ =	shalt  }
0x46: {  	_ =	shalt  }
0x47: {  	_ =	shalt  }
0x48: {  	_ =	shalt  }
0x49: {  	_ =	shalt  }
0x4a: {  	_ =	shalt  }
0x4b: {  	_ =	shalt  }
0x4c: {  	_ =	shalt  }
0x4d: {  	_ =	shalt  }
0x4e: {  	_ =	shalt  }
0x4f: {  	_ =	shalt  }
0x50: {  	_ =	shalt  }
0x51: {  	_ =	shalt  }
0x52: {  	_ =	shalt  }
0x53: {  	_ =	shalt  }
0x54: {  	_ =	shalt  }
0x55: {  	_ =	shalt  }
0x56: {  	_ =	shalt  }
0x57: {  	_ =	shalt  }
0x58: {  	_ =	shalt  }
0x59: {  	_ =	shalt  }
0x5a: {  	_ =	shalt  }
0x5b: {  	_ =	shalt  }
0x5c: {  	_ =	shalt  }
0x5d: {  	_ =	shalt  }
0x5e: {  	_ =	shalt  }
0x5f: {  	_ =	shalt  }
0x60: {  	_ =	shalt  }
0x61: {  	_ =	shalt  }
0x62: {  	_ =	shalt  }
0x63: {  	_ =	shalt  }
0x64: {  	_ =	shalt  }
0x65: {  	_ =	shalt  }
0x66: {  	_ =	shalt  }
0x67: {  	_ =	shalt  }
0x68: {  	_ =	shalt  }
0x69: {  	_ =	shalt  }
0x6a: {  	_ =	shalt  }
0x6b: {  	_ =	shalt  }
0x6c: {  	_ =	shalt  }
0x6d: {  	_ =	shalt  }
0x6e: {  	_ =	shalt  }
0x6f: {  	_ =	shalt  }
0x70: {  	_ =	shalt  }
0x71: {  	_ =	shalt  }
0x72: {  	_ =	shalt  }
0x73: {  	_ =	shalt  }
0x74: {  	_ =	shalt  }
0x75: {  	_ =	shalt  }
0x76: {  	_ =	shalt  }
0x77: {  	_ =	shalt  }
0x78: {  	_ =	shalt  }
0x79: {  	_ =	shalt  }
0x7a: {  	_ =	shalt  }
0x7b: {  	_ =	shalt  }
0x7c: {  	_ =	shalt  }
0x7d: {  	_ =	shalt  }
0x7e: {  	_ =	shalt  }
0x7f: {  	_ =	shalt  }
0x80: {  	_ =	shalt  }
0x81: {  	_ =	shalt  }
0x82: {  	_ =	shalt  }
0x83: {  	_ =	shalt  }
0x84: {  	_ =	shalt  }
0x85: {  	_ =	shalt  }
0x86: {  	_ =	shalt  }
0x87: {  	_ =	shalt  }
.Lfunc_end0:
.L_simem_size_0:
called_computation.1_lowered:
.L_overlay_start_0:
0x88: {  	s2 =	sld [smem:$0x3FD9]  }
0x89: {  	s3 =	sld [smem:$0x3FFE];
	_ =	sdelay $0x1  }
0x8a: {  	s1 =	srdreg.scid  }
0x8b: {  	s0 =	sand.u32 $0x1, s1  }
0x8c: {  	s17 =	sshll.u32 s0, $0xA;
	s2 =	sadd.s32 s3, s2  }
0x8d: {  	s2 =	sadd.s32 s2, s17  }
0x8e: {  	[smem:$0x3FB4] =	sst s2  }
0x8f: {  	_ = 	snop  }
0x90: {  	(tm) =	ssettm $0x1  }
0x91: {  	s18 =	sld [smem:$0x3FFB];
	_ =	sdelay $0x3  }
0x92: {  	_ =	strace s18  }
0x93: {  	s2 =	sld [smem:$0x3FFC];
	_ =	sdelay $0x3  }
0x94: {  	_ =	strace s2  }
0x95: {  	s2 =	sld [smem:$0x3FFD];
	_ =	sdelay $0x3  }
0x96: {  	_ =	strace s2  }
0x97: {  	_ =	strace $0x8FFFFFFF  }
0x98: {  	s19 =	sld [smem:$0x3FDB];
	_ =	sdelay $0x1  }
0x99: {  	s20 =	simm.s32 $_scs_section_size  }
0x9a: {  	s4 =	simm.s32 $_size__tile_overlayer_lowered;
	s5 =	simm.s32 $_tile_overlayer_lowered  }
0x9b: {  	s6 =	simm.s32 $0x1BFF;
	s21 =	sshll.u32 s5, $0x1;
	s3 =	sadd.s32 s20, s19  }
0x9c: {  	s22 =	simm.s32 $0x0;
	s4 =	sshll.u32 s4, $0x1;
	s5 =	sadd.s32 s21, s3  }
0x9d: {  	[timem:s22], [sflag:s6] =	dma.local [hbm:s5], s4  }
0x9e: {  	_ =	swait.ge [sflag:s6], s4  }
0x9f: {  	s4 =	ssub.s32 $0x0, s4;
	[sflag:s6] =	ssyncset.done $0x0  }
0xa0: {  	[sflag:s6] =	ssyncadd.s32 s4;
	_ =	sdelay $0x1  }
0xa1: {  	s23 =	simm.s32 $0x1B8B  }
0xa2: {  	_ =	swait.ge [sflag:s23], $0x1  }
0xa3: {  	[sflag:s23] =	ssyncset.done $0x0  }
0xa4: {  	[sflag:s23] =	ssyncadd.s32 $0xFFFFFFFF  }
0xa5: {  	s4 =	sld [smem:$0x0]  }
0xa6: {  	s5 =	sand.u32 $0xFFFFFFFE, s1  }
0xa7: {  	p0 =	sne.s32 s1, s5  }
0xa8: {  	s5 =	sshll.u32 @p0 s5, $0xE  }
0xa9: {  	s5 =	sadd.s32 @p0 $0x11B8D, s5;
	s6 =	sshll.u32 @p0 s4, $0x11  }
0xaa: {  	s5 =	sor.u32 @p0 s6, s5  }
0xab: {  	[sflag:s5] =	ssyncadd.remote.s32 @p0 $0x1;
	_ =	sdelay $0x1  }
0xac: {  	s5 =	simm.s32 @p0 $0x1B8D  }
0xad: {  	_ =	swait.eq @p0 [sflag:s5], $0x1  }
0xae: {  	[sflag:s5] =	ssyncadd.s32 @p0 $0xFFFFFFFF  }
0xaf: {  	s6 =	sshll.u32 @!p0 s1, $0xE  }
0xb0: {  	s6 =	sor.u32 @!p0 $0x4000, s6;
	s5 =	simm.s32 @!p0 $0x1B8D  }
0xb1: {  	s4 =	sshll.u32 @!p0 s4, $0x11;
	s6 =	sadd.s32 @!p0 $0x11B8D, s6;
	_ =	swait.eq @!p0 [sflag:s5], $0x1  }
0xb2: {  	s4 =	sor.u32 @!p0 s4, s6;
	[sflag:s5] =	ssyncadd.s32 @!p0 $0xFFFFFFFF  }
0xb3: {  	s25 =	simm.s32 $0x1B8E;
	s24 =	sld [smem:$0x3FFE];
	[sflag:s4] =	ssyncadd.remote.s32 @!p0 $0x1  }
0xb4: {  	s26 =	simm.s32 $execute0_lowered;
	[smem:$0x3FD2] =	sst s25  }
0xb5: {  	s5 =	sshll.u32 s26, $0x1;
	_ =	strace $0x80000049;
	[dreg:$0x1] =	wrdreg $0xFFFFFFFF  }
0xb6: {  	s28 =	simm.s32 $_size_execute0_lowered;
	s3 =	sadd.s32 s3, s5;
	[dreg:$0x0] =	wrdreg $0x0  }
0xb7: {  	s5 =	sshll.u32 s28, $0x1;
	[dreg:$0x2] =	wrdreg s3  }
0xb8: {  	[dreg:$0x3] =	wrdreg s5  }
0xb9: {  	[dreg:$0x4] =	wrdreg $0xC0  }
0xba: {  	_ =	task [dreg:s22], $0x5FFFF  }
0xbb: {  	[dreg:$0x1] =	wrdreg $0xFFFFFFFF  }
0xbc: {  	[dreg:$0x0] =	wrdreg $0x60  }
0xbd: {  	[dreg:$0x2] =	wrdreg s24  }
0xbe: {  	[dreg:$0x3] =	wrdreg $0x68000  }
0xbf: {  	[dreg:$0x4] =	wrdreg $0x9  }
0xc0: {  	_ =	task.clear_ibuf [dreg:s22], $0x5FFFF;
	_ =	strace $0x90000049  }
0xc1: {  	s29 =	simm.s32 $0x9;
	_ =	strace $0x8000004B  }
0xc2: {  	_ =	swait.ge [sflag:s29], $0x1  }
0xc3: {  	[sflag:s29] =	ssyncadd.s32 $0xFFFFFFFF  }
0xc4: {  	_ =	strace $0x9000004B  }
0xc5: {  	_ =	sfence  }
0xc6: {  	s30 =	sld [smem:$0x0];
	_ =	sdelay $0x2  }
0xc7: {  	s31 =	sshll.u32 s1, $0xD;
	s1 =	sshrl.u32 s1, $0x2  }
0xc8: {  	s4 =	sand.u32 $0x4000, s31;
	s1 =	sadd.s32 s1, s30  }
0xc9: {  	s0 =	sor.u32 s4, s0;
	s1 =	sshll.u32 s1, $0x11  }
0xca: {  	s0 =	sor.u32 s1, s0  }
0xcb: {  	s0 =	sadd.s32 $0x8F2B, s0  }
0xcc: {  	[sflag:s0] =	ssyncadd.remote.s32 $0x1  }
0xcd: {  	_ =	sfence.sel $0xFFFF  }
0xce: {  	[dreg:$0x0] =	wrdreg $0xFFFFFFFF;
	(pc) =	sbr.abs _section_cstart, $3  }
0xcf: {  	[dreg:$0x1] =	wrdreg $0xFFFFFFFF  }
0xd0: {  	_ =	task.clear_ibuf [dreg:s22], $0x2FFFF;
	_ =	strace $0x9FFFFFFF  }
0xd1: {  	(tm) =	ssettm $0x7FFFFFFF  }
tec
execute0_lowered:
.L_overlay_start_1:
0x0: {  	(tag) =	ssettag $0x1  }
0x1: {  	s5 =	rddreg [dreg:$0x0];
	s0 =	srdreg.scid  }
0x2: {  	s7 =	stileid.u32;
	s1 =	rddreg [dreg:$0x1];
	s2 =	simm.s32 $0x0  }
0x3: {  	s11 =	simm.s32 $0x80;
	s3 =	sand.u32 $0x1, s0;
	s0 =	rddreg [dreg:$0x2]  }
0x4: {  	s12 =	simm.s32 $0x0;
	s4 =	sshll.u32 s7, $0x1;
	[smem:$0x7FF] =	sst s2  }
0x5: {  	p0 =	sne.s32 s7, $0x0;
	s4 =	sor.u32 s3, s4;
	s6 =	smul.u32 $0xC358, s3  }
0x6: {  	_ =	strace $0x8000004A;
	s8 =	ssub.s32 $0x2, s3;
	s4 =	smul.u32 $0xC80, s4  }
0x7: {  	s3 =	sadd.s32 $0xB3400, s5;
	s10 =	sshrl.u32 s8, $0x1;
	s6 =	sadd.s32 s6, s5  }
0x8: {  	s8 =	ssub.s32 s8, s10;
	s10 =	simm.s32 $0x1;
	s9 =	sadd.s32 s4, s5  }
0x9: {  	s4 =	sadd.s32 $0xB3600, s5;
	s6 =	sadd.s32 $0x1A4600, s6;
	s7 =	smax.u32 s8, $0x1  }
0xa: {  	s8 =	sshrl.u32 @!p0 s1, $0x3;
	s5 =	sadd.s32 $0x7F400, s9;
	s9 =	simm.s32 $0x6400  }
.LBB2_1:
0xb: {  	s13 =	simm.s32 @!p0 $0x1C01  }
0xc: {  	[spmem:s8], [sflag:s13] =	dma.local @!p0 [hbm:s4], $0xC358  }
0xd: {  	s13 =	simm.s32 @!p0 $0x1  }
0xe: {  	_ =	swait.ge @!p0 [sflag:s13], $0xC358  }
0xf: {  	[sflag:s13] =	ssyncset.done @!p0 $0x0  }
0x10: {  	[sflag:s13] =	ssyncadd.s32 @!p0 $0xFFFF3CA8  }
0x11: {  	[tilespmem:s9], [sflag:$0x1] =	stream.linear.gather [hbm4b:s3+s2], $0x400, $0x38;
	[tilespmem:$0xC9B0] =	vst v63  }
0x12: {  	_ =	swait.ge [sflag:s10], $0x400  }
0x13: {  	[sflag:s10] =	ssyncset.done $0x0  }
0x14: {  	[sflag:s10] =	ssyncadd.s32 $0xFFFFFC00  }
0x15: {  	[tilespmem:s2], [sflag:$0x1] =	stream.linear.gather [hbm4b:s5+s2], $0x6400, $0x38;
	[tilespmem:$0xC9B0] =	vst v63  }
0x16: {  	_ =	swait.ge [sflag:s10], $0x6400  }
0x17: {  	[sflag:s10] =	ssyncset.done $0x0  }
0x18: {  	[sflag:s10] =	ssyncadd.s32 $0xFFFF9C00  }
0x19: {  	s31 =	simm.s32 $0x0;
	[bflag:$0x0] =	sbarrier.arrive $0xFFFF  }
0x1a: {  	[spmem:s1] =	stream.indirect.scatter.add.f32 [tilespmem:s9], [sflag:$0x1], $0x8, s31, s11, $0xb8;
	[tilespmem:$0xC9B0] =	vst v63  }
0x1b: {  	_ =	swait.ge [sflag:s10], $0x400  }
0x1c: {  	s13 =	simm.s32 $0x200;
	[sflag:s10] =	ssyncset.done $0x0  }
.LBB2_2:
0x1d: {  	s14 =	sshra.s32 s13, $0x2;
	[sflag:s10] =	ssyncadd.s32 $0xFFFFFC00;
	p1 =	sne.s32 s13, $0x18E00  }
0x1e: {  	[spmem:s1] =	stream.indirect.scatter.add.f32 [tilespmem:s9], [sflag:$0x1], $0x8, s14, s11, $0xb8;
	[tilespmem:$0xC9B0] =	vst v63  }
.Ltmp0:
0x1f: {  	_ = 	snop;
	(pc) =	sbr.rel @p1 .LBB2_2-.Ltmp0, $4  }
0x20: {  	_ = 	snop  }
0x21: {  	s13 =	sadd.s32 $0x200, s13  }
0x22: {  	_ =	swait.ge [sflag:s10], $0x400  }
0x23: {  	[sflag:s10] =	ssyncset.done $0x0  }
0x24: {  	[sflag:s10] =	ssyncadd.s32 $0xFFFFFC00;
	s12 =	sadd.s32 $0x1, s12  }
0x25: {  	s13 =	simm.s32 @!p0 $0x1C01;
	[bflag:$0x0] =	sbarrier.arrive $0xFFFF;
	p1 =	sne.s32 s12, s7  }
0x26: {  	[hbm:s6], [sflag:s13] =	dma.local @!p0 [spmem:s8], $0xC358  }
.Ltmp1:
0x27: {  	_ = 	snop;
	(pc) =	sbr.rel @p1 .LBB2_1-.Ltmp1, $4  }
0x28: {  	s13 =	simm.s32 @!p0 $0x1  }
0x29: {  	_ =	swait.ge @!p0 [sflag:s13], $0xC358  }
0x2a: {  	[sflag:s13] =	ssyncset.done @!p0 $0x0  }
0x2b: {  	[sflag:s13] =	ssyncadd.s32 @!p0 $0xFFFF3CA8  }
0x2c: {  	_ =	sfence.sel $0x180000  }
0x2d: {  	[bflag:$0x0] =	sbarrier.arrive $0xFFFF  }
0x2e: {  	_ =	strace $0x9000004A  }
0x2f: {  	s0 =	sadd.s32 @!p0 $0x100000, s0;
	[bflag:$0x2] =	sbarrier.arrive $0xFFFF  }
0x30: {  	[sflag:s0] =	ssyncadd.tile.s32 @!p0 $0x1;
	_ =	shalt  }
.Lfunc_end2:
_tile_overlayer_lowered:
.L_overlay_start_2:
0x31: {  	(tag) =	ssettag $0x2  }
0x32: {  	s0 =	rddreg [dreg:$0x0];
	s2 =	stileid.u32  }
0x33: {  	s1 =	rddreg [dreg:$0x1];
	p0 =	sne.s32 s2, $0x0  }
0x34: {  	s3 =	rddreg [dreg:$0x2];
	[bflag:$0x3] =	sbarrier.arrive $0xFFFF;
	s2 =	simm.s32 @!p0 $0x1C01  }
0x35: {  	[timem:s3], [sflag:s2] =	dma.local @!p0 [hbm:s0], s1  }
0x36: {  	s0 =	simm.s32 @!p0 $0x1  }
0x37: {  	_ =	swait.ge @!p0 [sflag:s0], s1  }
0x38: {  	s1 =	ssub.s32 @!p0 $0x0, s1;
	[sflag:s0] =	ssyncset.done @!p0 $0x0  }
0x39: {  	[sflag:s0] =	ssyncadd.s32 @!p0 s1  }
0x3a: {  	[bflag:$0x3] =	sbarrier.arrive $0xFFFF  }
0x3b: {  	_ =	shalt  }

// kernel: sc_gat_hi.3.cloned.1.call-start
scs
__scs_entry_jumppad:
0x0: {  	(pc) =	sbr.rel $0x88, $3  }
0x1: {  	(tag) =	ssettag $0x0;
	lr =	simm.s32 $0x1  }
0x2: {  	[smem:$0x3F8D] =	sst lr;
	_ =	strace $0xD0000000  }
0x3: {  	_ = 	snop  }
0x4: {  	_ = 	snop  }
0x5: {  	_ = 	snop  }
0x6: {  	_ = 	snop  }
0x7: {  	_ = 	snop  }
__scs_overlays_trampoline_lowered:
0x8: {  	[smem:$0x3F9C] =	sst s0  }
0x9: {  	[smem:$0x3F9D] =	sst s1  }
0xa: {  	[smem:$0x3F9E] =	sst s2  }
0xb: {  	[smem:$0x3F9F] =	sst s3  }
0xc: {  	[smem:$0x3FA0] =	sst s4  }
0xd: {  	[smem:$0x3FA1] =	sst s5  }
0xe: {  	[smem:$0x3FA2] =	sst s6  }
0xf: {  	[smem:$0x3FA3] =	sst s7  }
0x10: {  	[smem:$0x3FA4] =	sst s8  }
0x11: {  	[smem:$0x3FA5] =	sst s9;
	s0 =	simm.s32 @!p0 $0x0  }
0x12: {  	s1 =	sld [smem:$0x3F8B];
	s0 =	simm.s32 @p0 $0x1  }
0x13: {  	[smem:$0x3FA6] =	sst s0;
	s0 =	simm.s32 @!p1 $0x0  }
0x14: {  	s2 =	sld [smem:$0x3F8A];
	s0 =	simm.s32 @p1 $0x1  }
0x15: {  	[smem:$0x3FA7] =	sst s0;
	s0 =	simm.s32 @!p2 $0x0  }
0x16: {  	s3 =	sld [smem:$0x3FDB];
	s0 =	simm.s32 @p2 $0x1  }
0x17: {  	s4 =	simm.s32 $0x1BF5;
	[smem:$0x3FA9] =	sst s0  }
0x18: {  	s0 =	sld [smem:$0x3F8C];
	_ =	swait.ge [sflag:s4], $0x0  }
0x19: {  	s7 =	sld [smem:$0x3F8D]  }
0x1a: {  	s8 =	sadd.s32 $0xFFFFE003, lr  }
0x1b: {  	s9 =	sadd.s32 $0xFFFFFEF7, lr;
	s5 =	simm.s32 $0xFFFFFFFF;
	p2 =	slt.u32 s8, $0xFFFFF086  }
0x1c: {  	p1 =	slt.u32 s9, $0xF7A;
	s5 =	simm.s32 @!p2 $0x0  }
0x1d: {  	s5 =	simm.s32 @p1 $0x1;
	p0 =	seq.s32 s7, s2  }
0x1e: {  	s7 =	smul.u32 @!p0 $0xF7A, s2;
	p2 =	seq.s32 @!p0 s5, $0x0  }
0x1f: {  	s9 =	smul.u32 $0xF7A, s1;
	s8 =	simm.s32 @!p0 $0x1BF5;
	p2 =	por !p2, p0  }
0x20: {  	[sflag:s8] =	ssyncset.s32 @!p0 $0xFFFFF086;
	s6 =	sadd.s32 @!p0 s3, s7;
	s7 =	simm.s32 @!p0 $0x108  }
0x21: {  	s3 =	sadd.s32 s3, s9;
	s6 =	sadd.s32 @!p0 $0x88, s6;
	s7 =	simm.s32 @p2 $0x1082  }
0x22: {  	[simem:s7], [sflag:s8] =	dma.local @!p0 [hbm:s6], $0xF7A  }
0x23: {  	s9 =	sor.u32 $0xD0000000, s2;
	s6 =	simm.s32 $0x108;
	_ =	swait.ge @!p0 [sflag:s8], $0x0  }
0x24: {  	s3 =	sadd.s32 $0x88, s3;
	s6 =	simm.s32 @!p1 $0x1082;
	[sflag:s4] =	ssyncset.s32 $0xFFFFF086  }
0x25: {  	[simem:s6], [sflag:s4] =	dma.local [hbm:s3], $0xF7A  }
0x26: {  	[smem:$0x3F8D] =	sst s1;
	(tag) =	ssettag s2;
	_ =	strace s9  }
0x27: {  	s1 =	sld [smem:$0x3F9D]  }
0x28: {  	s2 =	sld [smem:$0x3F9E]  }
0x29: {  	s4 =	sld [smem:$0x3FA0]  }
0x2a: {  	p0 =	seq.s32 s5, $0x0;
	s5 =	sld [smem:$0x3FA1]  }
0x2b: {  	s6 =	sld [smem:$0x3FA2]  }
0x2c: {  	s7 =	sld [smem:$0x3FA3]  }
0x2d: {  	s3 =	simm.s32 $0x108;
	s8 =	sld [smem:$0x3FA4]  }
0x2e: {  	s3 =	simm.s32 @!p0 $0x1082;
	s9 =	sld [smem:$0x3FA5]  }
0x2f: {  	lr =	sadd.s32 s0, s3;
	s0 =	sld [smem:$0x3F9C]  }
0x30: {  	s3 =	sld [smem:$0x3F9F]  }
0x31: {  	[smem:$0x3FA8] =	sst s10  }
0x32: {  	s10 =	sld [smem:$0x3FA6];
	_ =	sdelay $0x3  }
0x33: {  	p0 =	seq.s32 s10, $0x1;
	s10 =	sld [smem:$0x3FA8];
	_ =	sdelay $0x3  }
0x34: {  	[smem:$0x3FA8] =	sst s10  }
0x35: {  	s10 =	sld [smem:$0x3FA7];
	_ =	sdelay $0x3  }
0x36: {  	p1 =	seq.s32 s10, $0x1;
	s10 =	sld [smem:$0x3FA8];
	_ =	sdelay $0x3  }
0x37: {  	[smem:$0x3FA8] =	sst s10  }
0x38: {  	s10 =	sld [smem:$0x3FA9]  }
0x39: {  	_ = 	snop;
	(pc) =	sbr.ind lr, $3  }
0x3a: {  	_ = 	snop  }
0x3b: {  	_ = 	snop  }
0x3c: {  	p2 =	seq.s32 s10, $0x1;
	s10 =	sld [smem:$0x3FA8]  }
0x3d: {  	_ =	shalt  }
0x3e: {  	_ =	shalt  }
0x3f: {  	_ =	shalt  }
0x40: {  	_ =	shalt  }
0x41: {  	_ =	shalt  }
0x42: {  	_ =	shalt  }
0x43: {  	_ =	shalt  }
0x44: {  	_ =	shalt  }
0x45: {  	_ =	shalt  }
0x46: {  	_ =	shalt  }
0x47: {  	_ =	shalt  }
0x48: {  	_ =	shalt  }
0x49: {  	_ =	shalt  }
0x4a: {  	_ =	shalt  }
0x4b: {  	_ =	shalt  }
0x4c: {  	_ =	shalt  }
0x4d: {  	_ =	shalt  }
0x4e: {  	_ =	shalt  }
0x4f: {  	_ =	shalt  }
0x50: {  	_ =	shalt  }
0x51: {  	_ =	shalt  }
0x52: {  	_ =	shalt  }
0x53: {  	_ =	shalt  }
0x54: {  	_ =	shalt  }
0x55: {  	_ =	shalt  }
0x56: {  	_ =	shalt  }
0x57: {  	_ =	shalt  }
0x58: {  	_ =	shalt  }
0x59: {  	_ =	shalt  }
0x5a: {  	_ =	shalt  }
0x5b: {  	_ =	shalt  }
0x5c: {  	_ =	shalt  }
0x5d: {  	_ =	shalt  }
0x5e: {  	_ =	shalt  }
0x5f: {  	_ =	shalt  }
0x60: {  	_ =	shalt  }
0x61: {  	_ =	shalt  }
0x62: {  	_ =	shalt  }
0x63: {  	_ =	shalt  }
0x64: {  	_ =	shalt  }
0x65: {  	_ =	shalt  }
0x66: {  	_ =	shalt  }
0x67: {  	_ =	shalt  }
0x68: {  	_ =	shalt  }
0x69: {  	_ =	shalt  }
0x6a: {  	_ =	shalt  }
0x6b: {  	_ =	shalt  }
0x6c: {  	_ =	shalt  }
0x6d: {  	_ =	shalt  }
0x6e: {  	_ =	shalt  }
0x6f: {  	_ =	shalt  }
0x70: {  	_ =	shalt  }
0x71: {  	_ =	shalt  }
0x72: {  	_ =	shalt  }
0x73: {  	_ =	shalt  }
0x74: {  	_ =	shalt  }
0x75: {  	_ =	shalt  }
0x76: {  	_ =	shalt  }
0x77: {  	_ =	shalt  }
0x78: {  	_ =	shalt  }
0x79: {  	_ =	shalt  }
0x7a: {  	_ =	shalt  }
0x7b: {  	_ =	shalt  }
0x7c: {  	_ =	shalt  }
0x7d: {  	_ =	shalt  }
0x7e: {  	_ =	shalt  }
0x7f: {  	_ =	shalt  }
0x80: {  	_ =	shalt  }
0x81: {  	_ =	shalt  }
0x82: {  	_ =	shalt  }
0x83: {  	_ =	shalt  }
0x84: {  	_ =	shalt  }
0x85: {  	_ =	shalt  }
0x86: {  	_ =	shalt  }
0x87: {  	_ =	shalt  }
.Lfunc_end0:
.L_simem_size_0:
called_computation.7_lowered:
.L_overlay_start_0:
0x88: {  	s2 =	sld [smem:$0x3FD9]  }
0x89: {  	s3 =	sld [smem:$0x3FFE];
	_ =	sdelay $0x1  }
0x8a: {  	s1 =	srdreg.scid  }
0x8b: {  	s0 =	sand.u32 $0x1, s1  }
0x8c: {  	s15 =	sshll.u32 s0, $0xA;
	s2 =	sadd.s32 s3, s2  }
0x8d: {  	s2 =	sadd.s32 s2, s15  }
0x8e: {  	[smem:$0x3FB4] =	sst s2  }
0x8f: {  	_ = 	snop  }
0x90: {  	s2 =	sld [smem:$0x3FD0];
	_ =	sdelay $0x2  }
0x91: {  	s16 =	simm.s32 $0xD;
	s4 =	simm.s32 $0x10  }
0x92: {  	[smem:s4], [sflag:s16] =	dma.local [hbm:s2], $0x1  }
0x93: {  	_ =	swait.eq [sflag:s16], $0x1  }
0x94: {  	[sflag:s16] =	ssyncset.done $0x0  }
0x95: {  	[sflag:s16] =	ssyncadd.s32 $0xFFFFFFFF  }
0x96: {  	s17 =	sld [smem:$0x10];
	(tm) =	ssettm $0x1  }
0x97: {  	s18 =	sld [smem:$0x3FFB];
	_ =	sdelay $0x3  }
0x98: {  	_ =	strace s18  }
0x99: {  	s2 =	sld [smem:$0x3FFC];
	_ =	sdelay $0x3  }
0x9a: {  	_ =	strace s2  }
0x9b: {  	s2 =	sld [smem:$0x3FFD];
	_ =	sdelay $0x3  }
0x9c: {  	_ =	strace s2  }
0x9d: {  	_ =	strace $0x8FFFFFFF  }
0x9e: {  	s19 =	sld [smem:$0x3FDB];
	_ =	sdelay $0x1  }
0x9f: {  	s20 =	simm.s32 $_scs_section_size  }
0xa0: {  	s5 =	simm.s32 $_size__tile_overlayer_lowered;
	s6 =	simm.s32 $_tile_overlayer_lowered  }
0xa1: {  	s7 =	simm.s32 $0x1BFF;
	s21 =	sshll.u32 s6, $0x1;
	s4 =	sadd.s32 s20, s19  }
0xa2: {  	s22 =	simm.s32 $0x0;
	s5 =	sshll.u32 s5, $0x1;
	s6 =	sadd.s32 s21, s4  }
0xa3: {  	[timem:s22], [sflag:s7] =	dma.local [hbm:s6], s5  }
0xa4: {  	_ =	swait.ge [sflag:s7], s5  }
0xa5: {  	s5 =	ssub.s32 $0x0, s5;
	[sflag:s7] =	ssyncset.done $0x0  }
0xa6: {  	[sflag:s7] =	ssyncadd.s32 s5;
	_ =	sdelay $0x1  }
0xa7: {  	s23 =	simm.s32 $0x1B8B  }
0xa8: {  	_ =	swait.ge [sflag:s23], $0x1  }
0xa9: {  	[sflag:s23] =	ssyncset.done $0x0  }
0xaa: {  	[sflag:s23] =	ssyncadd.s32 $0xFFFFFFFF  }
0xab: {  	s5 =	sld [smem:$0x0]  }
0xac: {  	s6 =	sand.u32 $0xFFFFFFFE, s1  }
0xad: {  	p0 =	sne.s32 s1, s6  }
0xae: {  	s6 =	sshll.u32 @p0 s6, $0xE  }
0xaf: {  	s6 =	sadd.s32 @p0 $0x11B8D, s6;
	s7 =	sshll.u32 @p0 s5, $0x11  }
0xb0: {  	s6 =	sor.u32 @p0 s7, s6  }
0xb1: {  	[sflag:s6] =	ssyncadd.remote.s32 @p0 $0x1;
	_ =	sdelay $0x1  }
0xb2: {  	s6 =	simm.s32 @p0 $0x1B8D  }
0xb3: {  	_ =	swait.eq @p0 [sflag:s6], $0x1  }
0xb4: {  	[sflag:s6] =	ssyncadd.s32 @p0 $0xFFFFFFFF  }
0xb5: {  	s7 =	sshll.u32 @!p0 s1, $0xE  }
0xb6: {  	s7 =	sor.u32 @!p0 $0x4000, s7;
	s6 =	simm.s32 @!p0 $0x1B8D  }
0xb7: {  	s5 =	sshll.u32 @!p0 s5, $0x11;
	s7 =	sadd.s32 @!p0 $0x11B8D, s7;
	_ =	swait.eq @!p0 [sflag:s6], $0x1  }
0xb8: {  	s5 =	sor.u32 @!p0 s5, s7;
	[sflag:s6] =	ssyncadd.s32 @!p0 $0xFFFFFFFF  }
0xb9: {  	s25 =	simm.s32 $0x1B8E;
	s24 =	sld [smem:$0x3FFE];
	[sflag:s5] =	ssyncadd.remote.s32 @!p0 $0x1  }
0xba: {  	s26 =	simm.s32 $execute0_lowered;
	[smem:$0x3FD2] =	sst s25  }
0xbb: {  	s6 =	sshll.u32 s26, $0x1;
	_ =	strace $0x8000005B;
	[dreg:$0x1] =	wrdreg $0xFFFFFFFF  }
0xbc: {  	s28 =	simm.s32 $_size_execute0_lowered;
	s4 =	sadd.s32 s4, s6;
	[dreg:$0x0] =	wrdreg $0x0  }
0xbd: {  	s6 =	sshll.u32 s28, $0x1;
	[dreg:$0x2] =	wrdreg s4  }
0xbe: {  	[dreg:$0x3] =	wrdreg s6  }
0xbf: {  	[dreg:$0x4] =	wrdreg $0xC0  }
0xc0: {  	_ =	task [dreg:s22], $0x5FFFF  }
0xc1: {  	[dreg:$0x1] =	wrdreg $0xFFFFFFFF  }
0xc2: {  	[dreg:$0x0] =	wrdreg $0x60  }
0xc3: {  	[dreg:$0x2] =	wrdreg s24  }
0xc4: {  	[dreg:$0x3] =	wrdreg s17  }
0xc5: {  	[dreg:$0x4] =	wrdreg $0x130000  }
0xc6: {  	[dreg:$0x5] =	wrdreg $0xA  }
0xc7: {  	_ =	task.clear_ibuf [dreg:s22], $0x6FFFF;
	_ =	strace $0x9000005B  }
0xc8: {  	s29 =	simm.s32 $0xA;
	_ =	strace $0x8000005D  }
0xc9: {  	_ =	swait.ge [sflag:s29], $0x1  }
0xca: {  	[sflag:s29] =	ssyncadd.s32 $0xFFFFFFFF  }
0xcb: {  	_ =	strace $0x9000005D  }
0xcc: {  	_ =	sfence  }
0xcd: {  	s30 =	sld [smem:$0x0];
	_ =	sdelay $0x2  }
0xce: {  	s31 =	sshll.u32 s1, $0xD;
	s1 =	sshrl.u32 s1, $0x2  }
0xcf: {  	s4 =	sand.u32 $0x4000, s31;
	s1 =	sadd.s32 s1, s30  }
0xd0: {  	s0 =	sor.u32 s4, s0;
	s1 =	sshll.u32 s1, $0x11  }
0xd1: {  	s0 =	sor.u32 s1, s0  }
0xd2: {  	s0 =	sadd.s32 $0x8F2B, s0  }
0xd3: {  	[sflag:s0] =	ssyncadd.remote.s32 $0x1  }
0xd4: {  	_ =	sfence.sel $0xFFFF  }
0xd5: {  	[dreg:$0x0] =	wrdreg $0xFFFFFFFF;
	(pc) =	sbr.abs _section_cstart, $3  }
0xd6: {  	[dreg:$0x1] =	wrdreg $0xFFFFFFFF  }
0xd7: {  	_ =	task.clear_ibuf [dreg:s22], $0x2FFFF;
	_ =	strace $0x9FFFFFFF  }
0xd8: {  	(tm) =	ssettm $0x7FFFFFFF  }
0xd9: {  	_ =	shalt  }
tec
execute0_lowered:
.L_overlay_start_1:
0x0: {  	(tag) =	ssettag $0x1  }
0x1: {  	s5 =	rddreg [dreg:$0x0]  }
0x2: {  	s9 =	rddreg [dreg:$0x1]  }
0x3: {  	s0 =	srdreg.scid;
	s10 =	stileid.u32  }
0x4: {  	s1 =	rddreg [dreg:$0x2];
	s2 =	simm.s32 $0x0;
	s13 =	simm.s32 $0x7800  }
0x5: {  	s14 =	simm.s32 $0x80;
	s15 =	simm.s32 $0xF000;
	s16 =	simm.s32 $0x11800  }
0x6: {  	s17 =	simm.s32 $0x1;
	s18 =	simm.s32 $0x12000;
	s19 =	simm.s32 $0x12800  }
0x7: {  	s7 =	sand.u32 $0x1, s0;
	s3 =	smul.u32 $0x190, s10;
	s0 =	rddreg [dreg:$0x3]  }
0x8: {  	s20 =	simm.s32 $0x0;
	[smem:$0x7FF] =	sst s2;
	s4 =	smul.u32 $0xF0, s7  }
0x9: {  	v0 =	vimm.s32 $0xFEDCBA98;
	_ =	strace $0x8000005C;
	s11 =	ssub.s32 $0x2, s7;
	p0 =	seq.s32 s7, $0x0  }
0xa: {  	v1 =	vimm.s32 $0x76543210;
	v0 =	vunpack.c.l.s4.s8 v0;
	s31 =	smul.u32 $0x186B0, s7;
	s12 =	sshrl.u32 s11, $0x1;
	s6 =	sadd.s32 s4, s3  }
0xb: {  	v1 =	vunpack.c.l.s4.s8 v1;
	s3 =	sadd.s32 $0xE4200, s5;
	s4 =	sadd.s32 $0x49C00, s5;
	s11 =	ssub.s32 s11, s12  }
0xc: {  	v0 =	vunpack.c.0.s8.s32 v0;
	s9 =	sadd.s32 s9, s31;
	s12 =	simm.s32 $0x2;
	s6 =	sshll.u32 s6, $0x4  }
0xd: {  	v1 =	vunpack.c.0.s8.s32 v1;
	s8 =	sadd.s32 s6, s5;
	s5 =	sadd.s32 $0x31400, s5;
	s6 =	simm.s32 $0xF0  }
0xe: {  	v0 =	vand.u32 $0xF, v0;
	s6 =	simm.s32 @!p0 $0xA0;
	s7 =	sadd.s32 $0x99400, s8;
	p0 =	sne.s32 s10, $0x0  }
0xf: {  	v0 =	vcombine.low v0, v1;
	s8 =	sadd.s32 $0x7F400, s8;
	s10 =	smax.u32 s11, $0x1;
	s11 =	sshrl.u32 @!p0 s1, $0x3  }
.LBB2_1:
0x10: {  	s21 =	simm.s32 @!p0 $0x1C02  }
0x11: {  	[spmem:s11], [sflag:s21] =	dma.local @!p0 [hbm:s5], $0x186B0  }
0x12: {  	s21 =	simm.s32 @!p0 $0x2  }
0x13: {  	_ =	swait.ge @!p0 [sflag:s21], $0x186B0  }
0x14: {  	[sflag:s21] =	ssyncset.done @!p0 $0x0  }
0x15: {  	[sflag:s21] =	ssyncadd.s32 @!p0 $0xFFFE7950  }
0x16: {  	[tilespmem:s2], [sflag:$0x2] =	stream.linear.gather [hbm4b:s7+s2], $0x7800, $0x38;
	[tilespmem:$0x1F358] =	vst v63  }
0x17: {  	_ =	swait.ge [sflag:s12], $0x7800  }
0x18: {  	[sflag:s12] =	ssyncset.done $0x0  }
0x19: {  	[sflag:s12] =	ssyncadd.s32 $0xFFFF8800  }
0x1a: {  	[tilespmem:s13], [sflag:$0x2] =	stream.linear.gather [hbm4b:s8+s2], $0x7800, $0x38;
	[tilespmem:$0x1F358] =	vst v63  }
0x1b: {  	_ =	swait.ge [sflag:s12], $0x7800  }
0x1c: {  	[sflag:s12] =	ssyncset.done $0x0  }
0x1d: {  	[sflag:s12] =	ssyncadd.s32 $0xFFFF8800  }
0x1e: {  	s21 =	simm.s32 $0x0;
	[bflag:$0x0] =	sbarrier.arrive $0xFFFF  }
.LBB2_2:
0x1f: {  	s22 =	sshll.u32 s21, $0x7  }
0x20: {  	[tilespmem:s15], [sflag:$0x1] =	stream.indirect.gather [hbm4b:s3+s14], $0x50, s22, s14, $0xb8;
	[tilespmem:$0x1F358] =	vst v63  }
0x21: {  	s22 =	sadd.s32 $0x7800, s22  }
0x22: {  	[tilespmem:s16], [sflag:$0x1] =	stream.indirect.gather [hbm4b:s4+s14], $0x10, s22, s14, $0xb8;
	[tilespmem:$0x1F358] =	vst v63  }
0x23: {  	_ =	swait.ge [sflag:s17], $0x2800  }
0x24: {  	[sflag:s17] =	ssyncset.done $0x0  }
0x25: {  	[sflag:s17] =	ssyncadd.s32 $0xFFFFD800  }
0x26: {  	_ =	swait.ge [sflag:s17], $0x800  }
0x27: {  	[sflag:s17] =	ssyncset.done $0x0  }
0x28: {  	s23 =	simm.s32 $0x0;
	[sflag:s17] =	ssyncadd.s32 $0xFFFFF800  }
0x29: {  	s24 =	simm.s32 $0xF050;
	v1 =	vld [tilespmem:s23+$0x11800]  }
0x2a: {  	v2 =	vld [tilespmem:s24+$0xFFFFFFF0];
	_ =	sdelay $0x4  }
0x2b: {  	v1 =	vadd.f32 v1, v2;
	_ =	sdelay $0x1  }
0x2c: {  	v2 =	vmul.f32 $2.000000030e-01, v1  }
0x2d: {  	vm0 =	vge.f32 v1, $0.0e+00  }
0x2e: {  	v1 =	vsel vm0, v1, v2  }
0x2f: {  	v1 =	vmul.f32 $1.442695020e+00, v1  }
0x30: {  	s25 =	simm.s32 $0x0  }
0x31: {  	v2 =	vor.u32 s25, v0;
	(erf) = vpow2.f32 v1;
	_ =	sdelay $0x4  }
0x32: {  	v1 =	vld.idx.msk [tilespmem:v2+s16+$0x0], $0xffff;
	_ =	sdelay $0x3  }
0x33: {  	v2 =	vpop (erf)  }
0x34: {  	v1 =	vmul.f32 v2, v1;
	_ =	sdelay $0x1  }
0x35: {  	[tilespmem:s23+$0x12000] =	vst v1;
	v1 =	vld [tilespmem:s23+$0x11810]  }
0x36: {  	v2 =	vld [tilespmem:s24+$0x40];
	_ =	sdelay $0x4  }
0x37: {  	v1 =	vadd.f32 v1, v2;
	_ =	sdelay $0x1  }
0x38: {  	v2 =	vmul.f32 $2.000000030e-01, v1  }
0x39: {  	vm15 =	vge.f32 v1, $0.0e+00  }
0x3a: {  	v1 =	vsel vm15, v1, v2  }
0x3b: {  	v1 =	vmul.f32 $1.442695020e+00, v1  }
0x3c: {  	s26 =	simm.s32 $0x10  }
0x3d: {  	v2 =	vor.u32 s26, v0;
	(erf) = vpow2.f32 v1;
	_ =	sdelay $0x4  }
0x3e: {  	v1 =	vld.idx.msk [tilespmem:v2+s16+$0x0], $0xffff;
	_ =	sdelay $0x3  }
0x3f: {  	v2 =	vmov s25;
	v3 =	vpop (erf)  }
0x40: {  	v1 =	vmul.f32 v3, v1  }
0x41: {  	v3 =	vor.u32 $0x1, v2  }
0x42: {  	[tilespmem:s23+$0x12010] =	vst v1  }
0x43: {  	v4 =	vor.u32 $0x2, v2;
	v1 =	vld [tilespmem:s24+$0xFFFFFFB0]  }
0x44: {  	v5 =	vld.idx.msk [tilespmem:v2+s18+$0x0], $0xffff  }
0x45: {  	v6 =	vor.u32 $0x3, v2  }
0x46: {  	v3 =	vld.idx.msk [tilespmem:v3+s18+$0x0], $0xffff  }
0x47: {  	v7 =	vor.u32 $0x4, v2;
	v8 =	vld [tilespmem:s24+$0xFFFFFFC0]  }
0x48: {  	v4 =	vld.idx.msk [tilespmem:v4+s18+$0x0], $0xffff;
	v9 =	vand.u32 $0xFFFF0000, v1  }
0x49: {  	v10 =	vor.u32 $0x5, v2;
	v5 =	vmul.f32 v9, v5  }
0x4a: {  	v6 =	vld.idx.msk [tilespmem:v6+s18+$0x0], $0xffff;
	v1 =	vshll.u32 v1, $0x10  }
0x4b: {  	v9 =	vor.u32 $0x6, v2;
	v1 =	vmul.f32 v1, v3;
	v3 =	vld [tilespmem:s24+$0xFFFFFFD0];
	v5 =	vadd.f32 $0.0e+00, v5  }
0x4c: {  	v7 =	vld.idx.msk [tilespmem:v7+s18+$0x0], $0xffff;
	v11 =	vand.u32 $0xFFFF0000, v8  }
0x4d: {  	v2 =	vor.u32 $0x7, v2;
	v4 =	vmul.f32 v11, v4;
	v1 =	vadd.f32 v5, v1  }
0x4e: {  	v8 =	vshll.u32 v8, $0x10;
	v5 =	vld.idx.msk [tilespmem:v10+s18+$0x0], $0xffff  }
0x4f: {  	v1 =	vadd.f32 v4, v1;
	v4 =	vmul.f32 v8, v6;
	v6 =	vld [tilespmem:s24+$0xFFFFFFE0]  }
0x50: {  	v8 =	vld.idx.msk [tilespmem:v9+s18+$0x0], $0xffff;
	v9 =	vand.u32 $0xFFFF0000, v3  }
0x51: {  	v1 =	vadd.f32 v1, v4;
	v4 =	vmul.f32 v9, v7  }
0x52: {  	v2 =	vld.idx.msk [tilespmem:v2+s18+$0x0], $0xffff;
	v3 =	vshll.u32 v3, $0x10  }
0x53: {  	v3 =	vmul.f32 v3, v5;
	v1 =	vadd.f32 v4, v1  }
0x54: {  	v4 =	vand.u32 $0xFFFF0000, v6  }
0x55: {  	v1 =	vadd.f32 v1, v3;
	v3 =	vmul.f32 v4, v8  }
0x56: {  	v4 =	vshll.u32 v6, $0x10  }
0x57: {  	v2 =	vmul.f32 v4, v2;
	v1 =	vadd.f32 v3, v1  }
0x58: {  	v3 =	vmov s26  }
0x59: {  	v1 =	vadd.f32 v1, v2  }
0x5a: {  	v2 =	vor.u32 $0x1, v3  }
0x5b: {  	[tilespmem:s23+$0x12800] =	vst v1  }
0x5c: {  	v5 =	vor.u32 $0x3, v3;
	v4 =	vld [tilespmem:s24+$0x0]  }
0x5d: {  	v1 =	vor.u32 $0x2, v3;
	v6 =	vld.idx.msk [tilespmem:v3+s18+$0x0], $0xffff  }
0x5e: {  	v7 =	vor.u32 $0x4, v3;
	v8 =	vld [tilespmem:s24+$0x10]  }
0x5f: {  	v9 =	vor.u32 $0x5, v3;
	v2 =	vld.idx.msk [tilespmem:v2+s18+$0x0], $0xffff  }
0x60: {  	v12 =	vld [tilespmem:s24+$0x20]  }
0x61: {  	v11 =	vld.idx.msk [tilespmem:v5+s18+$0x0], $0xffff  }
0x62: {  	v5 =	vor.u32 $0x6, v3;
	v10 =	vld.idx.msk [tilespmem:v1+s18+$0x0], $0xffff;
	v1 =	vand.u32 $0xFFFF0000, v4  }
0x63: {  	v13 =	vor.u32 $0x7, v3;
	v3 =	vld.idx.msk [tilespmem:v7+s18+$0x0], $0xffff;
	v4 =	vshll.u32 v4, $0x10;
	v1 =	vmul.f32 v1, v6  }
0x64: {  	v6 =	vmul.f32 v4, v2;
	v2 =	vld.idx.msk [tilespmem:v9+s18+$0x0], $0xffff  }
0x65: {  	v9 =	vadd.f32 $0.0e+00, v1;
	v1 =	vld [tilespmem:s24+$0x30]  }
0x66: {  	v4 =	vand.u32 $0xFFFF0000, v8  }
0x67: {  	v8 =	vshll.u32 v8, $0x10;
	v7 =	vmul.f32 v4, v10;
	v4 =	vld.idx.msk [tilespmem:v5+s18+$0x0], $0xffff;
	v9 =	vadd.f32 v9, v6  }
0x68: {  	s25 =	simm.s32 $0x0;
	s26 =	simm.s32 $0x80;
	v8 =	vmul.f32 v8, v11;
	v5 =	vld.idx.msk [tilespmem:v13+s18+$0x0], $0xffff;
	v10 =	vand.u32 $0xFFFF0000, v12;
	v6 =	vshll.u32 v12, $0x10  }
.LBB2_3:
0x69: {  	p1 =	sne.s32 s26, $0x1F80;
	v7 =	vadd.f32 v7, v9;
	s25 =	sadd.s32 $0x2, s25;
	s24 =	sadd.s32 $0xA0, s24  }
0x6a: {  	v3 =	vmul.f32 v10, v3;
	s28 =	smov.u32 s26;
	s26 =	sadd.s32 $0x80, s26;
	v9 =	vand.u32 $0xFFFF0000, v1  }
0x6b: {  	s28 =	sshra.s32 s28, $0x2;
	v7 =	vadd.f32 v7, v8  }
0x6c: {  	v2 =	vmul.f32 v6, v2;
	v4 =	vmul.f32 v9, v4;
	v8 =	vld [tilespmem:s28+$0x11800]  }
0x6d: {  	v3 =	vadd.f32 v3, v7;
	_ =	sdelay $0x1  }
0x6e: {  	v1 =	vshll.u32 v1, $0x10;
	v2 =	vadd.f32 v3, v2  }
0x6f: {  	v1 =	vmul.f32 v1, v5  }
0x70: {  	v2 =	vadd.f32 v4, v2;
	_ =	sdelay $0x1  }
0x71: {  	v1 =	vadd.f32 v2, v1;
	_ =	sdelay $0x1  }
0x72: {  	[tilespmem:s23+$0x12810] =	vst v1;
	s23 =	smov.u32 s28  }
0x73: {  	v1 =	vld [tilespmem:s24+$0xFFFFFFF0];
	_ =	sdelay $0x4  }
0x74: {  	v1 =	vadd.f32 v8, v1;
	_ =	sdelay $0x1  }
0x75: {  	vm0 =	vge.f32 v1, $0.0e+00;
	v2 =	vmul.f32 $2.000000030e-01, v1;
	_ =	sdelay $0x1  }
0x76: {  	v1 =	vsel vm0, v1, v2  }
0x77: {  	s29 =	sshll.u32 s25, $0x4;
	v1 =	vmul.f32 $1.442695020e+00, v1  }
0x78: {  	s28 =	sadd.s32 $0x10, s29;
	v2 =	vor.u32 s29, v0  }
0x79: {  	(erf) = vpow2.f32 v1;
	_ =	sdelay $0x3  }
0x7a: {  	v1 =	vld.idx.msk [tilespmem:v2+s16+$0x0], $0xffff;
	_ =	sdelay $0x4  }
0x7b: {  	v2 =	vpop (erf)  }
0x7c: {  	v1 =	vmul.f32 v2, v1;
	_ =	sdelay $0x1  }
0x7d: {  	[tilespmem:s23+$0x12000] =	vst v1;
	v1 =	vld [tilespmem:s23+$0x11810]  }
0x7e: {  	v2 =	vld [tilespmem:s24+$0x40];
	_ =	sdelay $0x4  }
0x7f: {  	v1 =	vadd.f32 v1, v2;
	_ =	sdelay $0x1  }
0x80: {  	vm0 =	vge.f32 v1, $0.0e+00;
	v2 =	vmul.f32 $2.000000030e-01, v1;
	_ =	sdelay $0x1  }
0x81: {  	v1 =	vsel vm0, v1, v2  }
0x82: {  	v1 =	vmul.f32 $1.442695020e+00, v1  }
0x83: {  	v2 =	vor.u32 s28, v0  }
0x84: {  	(erf) = vpow2.f32 v1;
	_ =	sdelay $0x3  }
0x85: {  	v1 =	vld.idx.msk [tilespmem:v2+s16+$0x0], $0xffff;
	_ =	sdelay $0x4  }
0x86: {  	v2 =	vmov s29;
	v3 =	vpop (erf)  }
0x87: {  	v1 =	vmul.f32 v3, v1;
	v3 =	vor.u32 $0x1, v2  }
0x88: {  	v4 =	vor.u32 $0x5, v2  }
0x89: {  	[tilespmem:s23+$0x12010] =	vst v1  }
0x8a: {  	v5 =	vor.u32 $0x2, v2;
	v1 =	vld [tilespmem:s24+$0xFFFFFFB0]  }
0x8b: {  	v6 =	vld.idx.msk [tilespmem:v2+s18+$0x0], $0xffff  }
0x8c: {  	v7 =	vor.u32 $0x3, v2;
	v3 =	vld.idx.msk [tilespmem:v3+s18+$0x0], $0xffff  }
0x8d: {  	v8 =	vor.u32 $0x4, v2;
	v4 =	vld.idx.msk [tilespmem:v4+s18+$0x0], $0xffff  }
0x8e: {  	v9 =	vld [tilespmem:s24+$0xFFFFFFC0]  }
0x8f: {  	v5 =	vld.idx.msk [tilespmem:v5+s18+$0x0], $0xffff  }
0x90: {  	v10 =	vand.u32 $0xFFFF0000, v1  }
0x91: {  	v6 =	vmul.f32 v10, v6;
	v10 =	vor.u32 $0x6, v2;
	v7 =	vld.idx.msk [tilespmem:v7+s18+$0x0], $0xffff  }
0x92: {  	v1 =	vshll.u32 v1, $0x10;
	v8 =	vld.idx.msk [tilespmem:v8+s18+$0x0], $0xffff  }
0x93: {  	v1 =	vmul.f32 v1, v3;
	v6 =	vadd.f32 $0.0e+00, v6;
	v3 =	vand.u32 $0xFFFF0000, v9;
	v11 =	vld [tilespmem:s24+$0xFFFFFFD0]  }
0x94: {  	v2 =	vor.u32 $0x7, v2;
	v9 =	vshll.u32 v9, $0x10  }
0x95: {  	v1 =	vadd.f32 v6, v1;
	v3 =	vmul.f32 v3, v5  }
0x96: {  	v5 =	vld.idx.msk [tilespmem:v10+s18+$0x0], $0xffff  }
0x97: {  	v1 =	vadd.f32 v3, v1;
	v3 =	vmul.f32 v9, v7;
	v6 =	vld [tilespmem:s24+$0xFFFFFFE0]  }
0x98: {  	v7 =	vand.u32 $0xFFFF0000, v11  }
0x99: {  	v1 =	vadd.f32 v1, v3;
	v3 =	vmul.f32 v7, v8;
	v2 =	vld.idx.msk [tilespmem:v2+s18+$0x0], $0xffff  }
0x9a: {  	v7 =	vshll.u32 v11, $0x10  }
0x9b: {  	v1 =	vadd.f32 v3, v1;
	v3 =	vmul.f32 v7, v4  }
0x9c: {  	v4 =	vand.u32 $0xFFFF0000, v6;
	v6 =	vshll.u32 v6, $0x10  }
0x9d: {  	v1 =	vadd.f32 v1, v3;
	v3 =	vmul.f32 v4, v5;
	_ =	sdelay $0x1  }
0x9e: {  	v4 =	vmov s28;
	v2 =	vmul.f32 v6, v2;
	v1 =	vadd.f32 v3, v1;
	_ =	sdelay $0x1  }
0x9f: {  	v1 =	vadd.f32 v1, v2;
	v2 =	vor.u32 $0x1, v4;
	_ =	sdelay $0x1  }
0xa0: {  	[tilespmem:s23+$0x12800] =	vst v1;
	v1 =	vor.u32 $0x2, v4  }
0xa1: {  	v5 =	vor.u32 $0x3, v4;
	v3 =	vld [tilespmem:s24+$0x0]  }
0xa2: {  	v6 =	vld.idx.msk [tilespmem:v4+s18+$0x0], $0xffff  }
0xa3: {  	v7 =	vor.u32 $0x4, v4;
	v2 =	vld.idx.msk [tilespmem:v2+s18+$0x0], $0xffff  }
0xa4: {  	v9 =	vor.u32 $0x5, v4;
	v8 =	vld [tilespmem:s24+$0x10]  }
0xa5: {  	v10 =	vld.idx.msk [tilespmem:v1+s18+$0x0], $0xffff  }
0xa6: {  	v1 =	vand.u32 $0xFFFF0000, v3;
	v11 =	vshll.u32 v3, $0x10;
	v12 =	vld.idx.msk [tilespmem:v5+s18+$0x0], $0xffff;
	v5 =	vor.u32 $0x6, v4  }
0xa7: {  	v14 =	vor.u32 $0x7, v4;
	v13 =	vld [tilespmem:s24+$0x20]  }
0xa8: {  	v1 =	vmul.f32 v1, v6;
	v3 =	vld.idx.msk [tilespmem:v7+s18+$0x0], $0xffff  }
.Ltmp0:
0xa9: {  	v6 =	vmul.f32 v11, v2;
	v4 =	vand.u32 $0xFFFF0000, v8;
	v2 =	vld.idx.msk [tilespmem:v9+s18+$0x0], $0xffff;
	(pc) =	sbr.rel @p1 .LBB2_3-.Ltmp0, $4  }
0xaa: {  	v9 =	vadd.f32 $0.0e+00, v1;
	v1 =	vld [tilespmem:s24+$0x30]  }
0xab: {  	v7 =	vmul.f32 v4, v10;
	v4 =	vld.idx.msk [tilespmem:v5+s18+$0x0], $0xffff  }
0xac: {  	v8 =	vshll.u32 v8, $0x10;
	v9 =	vadd.f32 v9, v6;
	v6 =	vshll.u32 v13, $0x10;
	v5 =	vld.idx.msk [tilespmem:v14+s18+$0x0], $0xffff  }
0xad: {  	v8 =	vmul.f32 v8, v12;
	v10 =	vand.u32 $0xFFFF0000, v13  }
0xae: {  	v7 =	vadd.f32 v7, v9;
	_ =	sdelay $0x1  }
0xaf: {  	v3 =	vmul.f32 v10, v3;
	v7 =	vadd.f32 v7, v8;
	_ =	sdelay $0x1  }
0xb0: {  	v2 =	vmul.f32 v6, v2;
	v3 =	vadd.f32 v3, v7  }
0xb1: {  	v63 =	vand.u32 $0xFFFF0000, v1  }
0xb2: {  	v4 =	vmul.f32 v63, v4;
	v2 =	vadd.f32 v3, v2  }
0xb3: {  	v1 =	vshll.u32 v1, $0x10  }
0xb4: {  	v1 =	vmul.f32 v1, v5;
	v2 =	vadd.f32 v4, v2;
	_ =	sdelay $0x1  }
0xb5: {  	s21 =	sadd.s32 $0x1, s21;
	v1 =	vadd.f32 v2, v1  }
0xb6: {  	p1 =	sne.s32 s21, s6  }
.Ltmp1:
0xb7: {  	[tilespmem:s23+$0x12810] =	vst v1;
	(pc) =	sbr.rel @p1 .LBB2_2-.Ltmp1, $4  }
0xb8: {  	[spmem:s1] =	stream.indirect.scatter.add.f32 [tilespmem:s19], [sflag:$0x2], $0x10, s22, s14, $0xb8;
	[tilespmem:$0x1F358] =	vst v63  }
0xb9: {  	_ =	swait.ge [sflag:s12], $0x800  }
0xba: {  	[sflag:s12] =	ssyncset.done $0x0  }
0xbb: {  	[sflag:s12] =	ssyncadd.s32 $0xFFFFF800  }
0xbc: {  	[bflag:$0x0] =	sbarrier.arrive $0xFFFF;
	s21 =	simm.s32 @!p0 $0x1C02;
	s20 =	sadd.s32 $0x1, s20  }
0xbd: {  	[hbm:s9], [sflag:s21] =	dma.local @!p0 [spmem:s11], $0x186B0  }
0xbe: {  	p1 =	sne.s32 s20, s10  }
.Ltmp2:
0xbf: {  	_ = 	snop;
	(pc) =	sbr.rel @p1 .LBB2_1-.Ltmp2, $4  }
0xc0: {  	s21 =	simm.s32 @!p0 $0x2  }
0xc1: {  	_ =	swait.ge @!p0 [sflag:s21], $0x186B0  }
0xc2: {  	[sflag:s21] =	ssyncset.done @!p0 $0x0  }
0xc3: {  	[sflag:s21] =	ssyncadd.s32 @!p0 $0xFFFE7950  }
0xc4: {  	_ =	sfence.sel $0x180000  }
0xc5: {  	[bflag:$0x0] =	sbarrier.arrive $0xFFFF  }
0xc6: {  	_ =	strace $0x9000005C  }
0xc7: {  	s0 =	sadd.s32 @!p0 $0x100000, s0;
	[bflag:$0x2] =	sbarrier.arrive $0xFFFF  }
0xc8: {  	[sflag:s0] =	ssyncadd.tile.s32 @!p0 $0x1;
	_ =	shalt  }
.Lfunc_end2:
_tile_overlayer_lowered:
.L_overlay_start_2:
0xc9: {  	(tag) =	ssettag $0x2  }
0xca: {  	s0 =	rddreg [dreg:$0x0];
	s2 =	stileid.u32  }
0xcb: {  	s1 =	rddreg [dreg:$0x1];
	p0 =	sne.s32 s2, $0x0  }
0xcc: {  	s3 =	rddreg [dreg:$0x2];
	[bflag:$0x3] =	sbarrier.arrive $0xFFFF;
	s2 =	simm.s32 @!p0 $0x1C02  }
0xcd: {  	[timem:s3], [sflag:s2] =	dma.local @!p0 [hbm:s0], s1  }
0xce: {  	s0 =	simm.s32 @!p0 $0x2  }
0xcf: {  	_ =	swait.ge @!p0 [sflag:s0], s1  }
0xd0: {  	s1 =	ssub.s32 @!p0 $0x0, s1;
	[sflag:s0] =	ssyncset.done @!p0 $0x0  }
0xd1: {  	[sflag:s0] =	ssyncadd.s32 @!p0 s1  }
0xd2: {  	[bflag:$0x3] =	sbarrier.arrive $0xFFFF  }
0xd3: {  	_ =	shalt  }

// kernel: sc_gat_lo.3.cloned.1.call-start
scs
__scs_entry_jumppad:
0x0: {  	(pc) =	sbr.rel $0x88, $3  }
0x1: {  	(tag) =	ssettag $0x0;
	lr =	simm.s32 $0x1  }
0x2: {  	[smem:$0x3F8D] =	sst lr;
	_ =	strace $0xD0000000  }
0x3: {  	_ = 	snop  }
0x4: {  	_ = 	snop  }
0x5: {  	_ = 	snop  }
0x6: {  	_ = 	snop  }
0x7: {  	_ = 	snop  }
__scs_overlays_trampoline_lowered:
0x8: {  	[smem:$0x3F9C] =	sst s0  }
0x9: {  	[smem:$0x3F9D] =	sst s1  }
0xa: {  	[smem:$0x3F9E] =	sst s2  }
0xb: {  	[smem:$0x3F9F] =	sst s3  }
0xc: {  	[smem:$0x3FA0] =	sst s4  }
0xd: {  	[smem:$0x3FA1] =	sst s5  }
0xe: {  	[smem:$0x3FA2] =	sst s6  }
0xf: {  	[smem:$0x3FA3] =	sst s7  }
0x10: {  	[smem:$0x3FA4] =	sst s8  }
0x11: {  	[smem:$0x3FA5] =	sst s9;
	s0 =	simm.s32 @!p0 $0x0  }
0x12: {  	s1 =	sld [smem:$0x3F8B];
	s0 =	simm.s32 @p0 $0x1  }
0x13: {  	[smem:$0x3FA6] =	sst s0;
	s0 =	simm.s32 @!p1 $0x0  }
0x14: {  	s2 =	sld [smem:$0x3F8A];
	s0 =	simm.s32 @p1 $0x1  }
0x15: {  	[smem:$0x3FA7] =	sst s0;
	s0 =	simm.s32 @!p2 $0x0  }
0x16: {  	s3 =	sld [smem:$0x3FDB];
	s0 =	simm.s32 @p2 $0x1  }
0x17: {  	s4 =	simm.s32 $0x1BF5;
	[smem:$0x3FA9] =	sst s0  }
0x18: {  	s0 =	sld [smem:$0x3F8C];
	_ =	swait.ge [sflag:s4], $0x0  }
0x19: {  	s7 =	sld [smem:$0x3F8D]  }
0x1a: {  	s8 =	sadd.s32 $0xFFFFE003, lr  }
0x1b: {  	s9 =	sadd.s32 $0xFFFFFEF7, lr;
	s5 =	simm.s32 $0xFFFFFFFF;
	p2 =	slt.u32 s8, $0xFFFFF086  }
0x1c: {  	p1 =	slt.u32 s9, $0xF7A;
	s5 =	simm.s32 @!p2 $0x0  }
0x1d: {  	s5 =	simm.s32 @p1 $0x1;
	p0 =	seq.s32 s7, s2  }
0x1e: {  	s7 =	smul.u32 @!p0 $0xF7A, s2;
	p2 =	seq.s32 @!p0 s5, $0x0  }
0x1f: {  	s9 =	smul.u32 $0xF7A, s1;
	s8 =	simm.s32 @!p0 $0x1BF5;
	p2 =	por !p2, p0  }
0x20: {  	[sflag:s8] =	ssyncset.s32 @!p0 $0xFFFFF086;
	s6 =	sadd.s32 @!p0 s3, s7;
	s7 =	simm.s32 @!p0 $0x108  }
0x21: {  	s3 =	sadd.s32 s3, s9;
	s6 =	sadd.s32 @!p0 $0x88, s6;
	s7 =	simm.s32 @p2 $0x1082  }
0x22: {  	[simem:s7], [sflag:s8] =	dma.local @!p0 [hbm:s6], $0xF7A  }
0x23: {  	s9 =	sor.u32 $0xD0000000, s2;
	s6 =	simm.s32 $0x108;
	_ =	swait.ge @!p0 [sflag:s8], $0x0  }
0x24: {  	s3 =	sadd.s32 $0x88, s3;
	s6 =	simm.s32 @!p1 $0x1082;
	[sflag:s4] =	ssyncset.s32 $0xFFFFF086  }
0x25: {  	[simem:s6], [sflag:s4] =	dma.local [hbm:s3], $0xF7A  }
0x26: {  	[smem:$0x3F8D] =	sst s1;
	(tag) =	ssettag s2;
	_ =	strace s9  }
0x27: {  	s1 =	sld [smem:$0x3F9D]  }
0x28: {  	s2 =	sld [smem:$0x3F9E]  }
0x29: {  	s4 =	sld [smem:$0x3FA0]  }
0x2a: {  	p0 =	seq.s32 s5, $0x0;
	s5 =	sld [smem:$0x3FA1]  }
0x2b: {  	s6 =	sld [smem:$0x3FA2]  }
0x2c: {  	s7 =	sld [smem:$0x3FA3]  }
0x2d: {  	s3 =	simm.s32 $0x108;
	s8 =	sld [smem:$0x3FA4]  }
0x2e: {  	s3 =	simm.s32 @!p0 $0x1082;
	s9 =	sld [smem:$0x3FA5]  }
0x2f: {  	lr =	sadd.s32 s0, s3;
	s0 =	sld [smem:$0x3F9C]  }
0x30: {  	s3 =	sld [smem:$0x3F9F]  }
0x31: {  	[smem:$0x3FA8] =	sst s10  }
0x32: {  	s10 =	sld [smem:$0x3FA6];
	_ =	sdelay $0x3  }
0x33: {  	p0 =	seq.s32 s10, $0x1;
	s10 =	sld [smem:$0x3FA8];
	_ =	sdelay $0x3  }
0x34: {  	[smem:$0x3FA8] =	sst s10  }
0x35: {  	s10 =	sld [smem:$0x3FA7];
	_ =	sdelay $0x3  }
0x36: {  	p1 =	seq.s32 s10, $0x1;
	s10 =	sld [smem:$0x3FA8];
	_ =	sdelay $0x3  }
0x37: {  	[smem:$0x3FA8] =	sst s10  }
0x38: {  	s10 =	sld [smem:$0x3FA9]  }
0x39: {  	_ = 	snop;
	(pc) =	sbr.ind lr, $3  }
0x3a: {  	_ = 	snop  }
0x3b: {  	_ = 	snop  }
0x3c: {  	p2 =	seq.s32 s10, $0x1;
	s10 =	sld [smem:$0x3FA8]  }
0x3d: {  	_ =	shalt  }
0x3e: {  	_ =	shalt  }
0x3f: {  	_ =	shalt  }
0x40: {  	_ =	shalt  }
0x41: {  	_ =	shalt  }
0x42: {  	_ =	shalt  }
0x43: {  	_ =	shalt  }
0x44: {  	_ =	shalt  }
0x45: {  	_ =	shalt  }
0x46: {  	_ =	shalt  }
0x47: {  	_ =	shalt  }
0x48: {  	_ =	shalt  }
0x49: {  	_ =	shalt  }
0x4a: {  	_ =	shalt  }
0x4b: {  	_ =	shalt  }
0x4c: {  	_ =	shalt  }
0x4d: {  	_ =	shalt  }
0x4e: {  	_ =	shalt  }
0x4f: {  	_ =	shalt  }
0x50: {  	_ =	shalt  }
0x51: {  	_ =	shalt  }
0x52: {  	_ =	shalt  }
0x53: {  	_ =	shalt  }
0x54: {  	_ =	shalt  }
0x55: {  	_ =	shalt  }
0x56: {  	_ =	shalt  }
0x57: {  	_ =	shalt  }
0x58: {  	_ =	shalt  }
0x59: {  	_ =	shalt  }
0x5a: {  	_ =	shalt  }
0x5b: {  	_ =	shalt  }
0x5c: {  	_ =	shalt  }
0x5d: {  	_ =	shalt  }
0x5e: {  	_ =	shalt  }
0x5f: {  	_ =	shalt  }
0x60: {  	_ =	shalt  }
0x61: {  	_ =	shalt  }
0x62: {  	_ =	shalt  }
0x63: {  	_ =	shalt  }
0x64: {  	_ =	shalt  }
0x65: {  	_ =	shalt  }
0x66: {  	_ =	shalt  }
0x67: {  	_ =	shalt  }
0x68: {  	_ =	shalt  }
0x69: {  	_ =	shalt  }
0x6a: {  	_ =	shalt  }
0x6b: {  	_ =	shalt  }
0x6c: {  	_ =	shalt  }
0x6d: {  	_ =	shalt  }
0x6e: {  	_ =	shalt  }
0x6f: {  	_ =	shalt  }
0x70: {  	_ =	shalt  }
0x71: {  	_ =	shalt  }
0x72: {  	_ =	shalt  }
0x73: {  	_ =	shalt  }
0x74: {  	_ =	shalt  }
0x75: {  	_ =	shalt  }
0x76: {  	_ =	shalt  }
0x77: {  	_ =	shalt  }
0x78: {  	_ =	shalt  }
0x79: {  	_ =	shalt  }
0x7a: {  	_ =	shalt  }
0x7b: {  	_ =	shalt  }
0x7c: {  	_ =	shalt  }
0x7d: {  	_ =	shalt  }
0x7e: {  	_ =	shalt  }
0x7f: {  	_ =	shalt  }
0x80: {  	_ =	shalt  }
0x81: {  	_ =	shalt  }
0x82: {  	_ =	shalt  }
0x83: {  	_ =	shalt  }
0x84: {  	_ =	shalt  }
0x85: {  	_ =	shalt  }
0x86: {  	_ =	shalt  }
0x87: {  	_ =	shalt  }
.Lfunc_end0:
.L_simem_size_0:
called_computation.6_lowered:
.L_overlay_start_0:
0x88: {  	s2 =	sld [smem:$0x3FD9]  }
0x89: {  	s3 =	sld [smem:$0x3FFE];
	_ =	sdelay $0x1  }
0x8a: {  	s1 =	srdreg.scid  }
0x8b: {  	s0 =	sand.u32 $0x1, s1  }
0x8c: {  	s16 =	sshll.u32 s0, $0xA;
	s2 =	sadd.s32 s3, s2  }
0x8d: {  	s2 =	sadd.s32 s2, s16  }
0x8e: {  	[smem:$0x3FB4] =	sst s2  }
0x8f: {  	_ = 	snop  }
0x90: {  	(tm) =	ssettm $0x1  }
0x91: {  	s17 =	sld [smem:$0x3FFB];
	_ =	sdelay $0x3  }
0x92: {  	_ =	strace s17  }
0x93: {  	s2 =	sld [smem:$0x3FFC];
	_ =	sdelay $0x3  }
0x94: {  	_ =	strace s2  }
0x95: {  	s2 =	sld [smem:$0x3FFD];
	_ =	sdelay $0x3  }
0x96: {  	_ =	strace s2  }
0x97: {  	_ =	strace $0x8FFFFFFF  }
0x98: {  	s18 =	sld [smem:$0x3FDB];
	_ =	sdelay $0x1  }
0x99: {  	s19 =	simm.s32 $_scs_section_size  }
0x9a: {  	s4 =	simm.s32 $_size__tile_overlayer_lowered;
	s5 =	simm.s32 $_tile_overlayer_lowered  }
0x9b: {  	s22 =	simm.s32 $0x1BFF;
	s21 =	sshll.u32 s5, $0x1;
	s2 =	sadd.s32 s19, s18  }
0x9c: {  	s6 =	simm.s32 $0x0;
	s20 =	sshll.u32 s4, $0x1;
	s4 =	sadd.s32 s21, s2  }
0x9d: {  	[timem:s6], [sflag:s22] =	dma.local [hbm:s4], s20  }
0x9e: {  	_ =	swait.ge [sflag:s22], s20  }
0x9f: {  	s3 =	ssub.s32 $0x0, s20;
	[sflag:s22] =	ssyncset.done $0x0  }
0xa0: {  	[sflag:s22] =	ssyncadd.s32 s3;
	_ =	sdelay $0x1  }
0xa1: {  	s23 =	simm.s32 $0x1B8B  }
0xa2: {  	_ =	swait.ge [sflag:s23], $0x1  }
0xa3: {  	[sflag:s23] =	ssyncset.done $0x0  }
0xa4: {  	s25 =	simm.s32 $0x1B8E;
	s24 =	sld [smem:$0x3FFE];
	[sflag:s23] =	ssyncadd.s32 $0xFFFFFFFF  }
0xa5: {  	s26 =	simm.s32 $execute0_lowered;
	[smem:$0x3FD2] =	sst s25  }
0xa6: {  	s4 =	sshll.u32 s26, $0x1;
	_ =	strace $0x80000058;
	[dreg:$0x1] =	wrdreg $0xFFFFFFFF  }
0xa7: {  	s28 =	simm.s32 $_size_execute0_lowered;
	s2 =	sadd.s32 s2, s4;
	[dreg:$0x0] =	wrdreg $0x0  }
0xa8: {  	s4 =	sshll.u32 s28, $0x1;
	[dreg:$0x2] =	wrdreg s2  }
0xa9: {  	[dreg:$0x3] =	wrdreg s4  }
0xaa: {  	[dreg:$0x4] =	wrdreg $0xC0  }
0xab: {  	_ =	task [dreg:s6], $0x5FFFF  }
0xac: {  	[dreg:$0x1] =	wrdreg $0xFFFFFFFF  }
0xad: {  	[dreg:$0x0] =	wrdreg $0x60  }
0xae: {  	[dreg:$0x2] =	wrdreg s24  }
0xaf: {  	[dreg:$0x3] =	wrdreg $0x130000  }
0xb0: {  	[dreg:$0x4] =	wrdreg $0x9  }
0xb1: {  	_ =	task.clear_ibuf [dreg:s6], $0x5FFFF;
	_ =	strace $0x90000058  }
0xb2: {  	s29 =	simm.s32 $0x9;
	_ =	strace $0x8000005A  }
0xb3: {  	_ =	swait.ge [sflag:s29], $0x1  }
0xb4: {  	[sflag:s29] =	ssyncadd.s32 $0xFFFFFFFF  }
0xb5: {  	_ =	strace $0x9000005A  }
0xb6: {  	_ =	sfence  }
0xb7: {  	s30 =	sld [smem:$0x0];
	_ =	sdelay $0x2  }
0xb8: {  	s31 =	sshll.u32 s1, $0xD;
	s1 =	sshrl.u32 s1, $0x2  }
0xb9: {  	s3 =	sand.u32 $0x4000, s31;
	s1 =	sadd.s32 s1, s30  }
0xba: {  	s0 =	sor.u32 s3, s0;
	s1 =	sshll.u32 s1, $0x11  }
0xbb: {  	s0 =	sor.u32 s1, s0  }
0xbc: {  	s0 =	sadd.s32 $0x8F2B, s0  }
0xbd: {  	[sflag:s0] =	ssyncadd.remote.s32 $0x1  }
0xbe: {  	_ =	sfence.sel $0xFFFF  }
0xbf: {  	[dreg:$0x0] =	wrdreg $0xFFFFFFFF;
	(pc) =	sbr.abs _section_cstart, $3  }
0xc0: {  	[dreg:$0x1] =	wrdreg $0xFFFFFFFF  }
0xc1: {  	_ =	task.clear_ibuf [dreg:s6], $0x2FFFF;
	_ =	strace $0x9FFFFFFF  }
0xc2: {  	(tm) =	ssettm $0x7FFFFFFF  }
0xc3: {  	_ =	shalt  }
tec
execute0_lowered:
.L_overlay_start_1:
0x0: {  	(tag) =	ssettag $0x1  }
0x1: {  	s0 =	srdreg.scid;
	s7 =	rddreg [dreg:$0x0]  }
0x2: {  	s9 =	stileid.u32;
	s1 =	rddreg [dreg:$0x1]  }
0x3: {  	s2 =	simm.s32 $0x0;
	s13 =	simm.s32 $0x7800;
	s14 =	simm.s32 $0x80  }
0x4: {  	s15 =	simm.s32 $0xF000;
	s16 =	simm.s32 $0x11800;
	s17 =	simm.s32 $0x1  }
0x5: {  	s18 =	simm.s32 $0x12000;
	s6 =	sand.u32 $0x1, s0;
	s3 =	smul.u32 $0x190, s9  }
0x6: {  	s19 =	simm.s32 $0x12800;
	s0 =	rddreg [dreg:$0x2];
	s4 =	smul.u32 $0xF0, s6  }
0x7: {  	s20 =	simm.s32 $0x0;
	[smem:$0x7FF] =	sst s2;
	s10 =	smul.u32 $0x186B0, s6  }
0x8: {  	v0 =	vimm.s32 $0xFEDCBA98;
	s11 =	ssub.s32 $0x2, s6;
	p0 =	seq.s32 s6, $0x0;
	s6 =	simm.s32 $0xF0  }
0x9: {  	v1 =	vimm.s32 $0x76543210;
	v0 =	vunpack.c.l.s4.s8 v0;
	_ =	strace $0x80000059;
	s12 =	sshrl.u32 s11, $0x1;
	s6 =	simm.s32 @!p0 $0xA0  }
0xa: {  	v1 =	vunpack.c.l.s4.s8 v1;
	p0 =	sne.s32 s9, $0x0;
	s3 =	sadd.s32 s4, s3;
	s4 =	sadd.s32 $0x49C00, s7  }
0xb: {  	v0 =	vunpack.c.0.s8.s32 v0;
	s10 =	sadd.s32 s10, s7;
	s11 =	ssub.s32 s11, s12;
	s12 =	simm.s32 $0x2  }
0xc: {  	v1 =	vunpack.c.0.s8.s32 v1;
	s5 =	sshll.u32 s3, $0x4;
	s3 =	sadd.s32 $0x62400, s7;
	s9 =	sadd.s32 $0xB3400, s10  }
0xd: {  	s10 =	smax.u32 s11, $0x1;
	s11 =	sshrl.u32 @!p0 s1, $0x3;
	v0 =	vand.u32 $0xF, v0;
	s8 =	sadd.s32 s5, s7  }
0xe: {  	s5 =	sadd.s32 $0x31400, s7;
	v0 =	vcombine.low v0, v1;
	s7 =	sadd.s32 $0x99400, s8;
	s8 =	sadd.s32 $0x7F400, s8  }
.LBB2_1:
0xf: {  	s21 =	simm.s32 @!p0 $0x1C02  }
0x10: {  	[spmem:s11], [sflag:s21] =	dma.local @!p0 [hbm:s5], $0x186B0  }
0x11: {  	s21 =	simm.s32 @!p0 $0x2  }
0x12: {  	_ =	swait.ge @!p0 [sflag:s21], $0x186B0  }
0x13: {  	[sflag:s21] =	ssyncset.done @!p0 $0x0  }
0x14: {  	[sflag:s21] =	ssyncadd.s32 @!p0 $0xFFFE7950  }
0x15: {  	[tilespmem:s2], [sflag:$0x2] =	stream.linear.gather [hbm4b:s7+s2], $0x7800, $0x38;
	[tilespmem:$0x1F358] =	vst v63  }
0x16: {  	_ =	swait.ge [sflag:s12], $0x7800  }
0x17: {  	[sflag:s12] =	ssyncset.done $0x0  }
0x18: {  	[sflag:s12] =	ssyncadd.s32 $0xFFFF8800  }
0x19: {  	[tilespmem:s13], [sflag:$0x2] =	stream.linear.gather [hbm4b:s8+s2], $0x7800, $0x38;
	[tilespmem:$0x1F358] =	vst v63  }
0x1a: {  	_ =	swait.ge [sflag:s12], $0x7800  }
0x1b: {  	[sflag:s12] =	ssyncset.done $0x0  }
0x1c: {  	[sflag:s12] =	ssyncadd.s32 $0xFFFF8800  }
0x1d: {  	s21 =	simm.s32 $0x0;
	[bflag:$0x0] =	sbarrier.arrive $0xFFFF  }
.LBB2_2:
0x1e: {  	s22 =	sshll.u32 s21, $0x7  }
0x1f: {  	[tilespmem:s15], [sflag:$0x1] =	stream.indirect.gather [hbm4b:s3+s14], $0x50, s22, s14, $0xb8;
	[tilespmem:$0x1F358] =	vst v63  }
0x20: {  	s22 =	sadd.s32 $0x7800, s22  }
0x21: {  	[tilespmem:s16], [sflag:$0x1] =	stream.indirect.gather [hbm4b:s4+s14], $0x10, s22, s14, $0xb8;
	[tilespmem:$0x1F358] =	vst v63  }
0x22: {  	_ =	swait.ge [sflag:s17], $0x2800  }
0x23: {  	[sflag:s17] =	ssyncset.done $0x0  }
0x24: {  	[sflag:s17] =	ssyncadd.s32 $0xFFFFD800  }
0x25: {  	_ =	swait.ge [sflag:s17], $0x800  }
0x26: {  	[sflag:s17] =	ssyncset.done $0x0  }
0x27: {  	s23 =	simm.s32 $0x0;
	[sflag:s17] =	ssyncadd.s32 $0xFFFFF800  }
0x28: {  	s24 =	simm.s32 $0xF050;
	v1 =	vld [tilespmem:s23+$0x11800]  }
0x29: {  	v2 =	vld [tilespmem:s24+$0xFFFFFFF0];
	_ =	sdelay $0x4  }
0x2a: {  	v1 =	vadd.f32 v1, v2;
	_ =	sdelay $0x1  }
0x2b: {  	v2 =	vmul.f32 $2.000000030e-01, v1  }
0x2c: {  	vm0 =	vge.f32 v1, $0.0e+00  }
0x2d: {  	v1 =	vsel vm0, v1, v2  }
0x2e: {  	v1 =	vmul.f32 $1.442695020e+00, v1  }
0x2f: {  	s25 =	simm.s32 $0x0  }
0x30: {  	v2 =	vor.u32 s25, v0;
	(erf) = vpow2.f32 v1;
	_ =	sdelay $0x4  }
0x31: {  	v1 =	vld.idx.msk [tilespmem:v2+s16+$0x0], $0xffff;
	_ =	sdelay $0x3  }
0x32: {  	v2 =	vpop (erf)  }
0x33: {  	v1 =	vmul.f32 v2, v1;
	_ =	sdelay $0x1  }
0x34: {  	[tilespmem:s23+$0x12000] =	vst v1;
	v1 =	vld [tilespmem:s23+$0x11810]  }
0x35: {  	v2 =	vld [tilespmem:s24+$0x40];
	_ =	sdelay $0x4  }
0x36: {  	v1 =	vadd.f32 v1, v2;
	_ =	sdelay $0x1  }
0x37: {  	v2 =	vmul.f32 $2.000000030e-01, v1  }
0x38: {  	vm15 =	vge.f32 v1, $0.0e+00  }
0x39: {  	v1 =	vsel vm15, v1, v2  }
0x3a: {  	v1 =	vmul.f32 $1.442695020e+00, v1  }
0x3b: {  	s26 =	simm.s32 $0x10  }
0x3c: {  	v2 =	vor.u32 s26, v0;
	(erf) = vpow2.f32 v1;
	_ =	sdelay $0x4  }
0x3d: {  	v1 =	vld.idx.msk [tilespmem:v2+s16+$0x0], $0xffff;
	_ =	sdelay $0x3  }
0x3e: {  	v2 =	vmov s25;
	v3 =	vpop (erf)  }
0x3f: {  	v1 =	vmul.f32 v3, v1  }
0x40: {  	v3 =	vor.u32 $0x1, v2  }
0x41: {  	[tilespmem:s23+$0x12010] =	vst v1  }
0x42: {  	v4 =	vor.u32 $0x2, v2;
	v1 =	vld [tilespmem:s24+$0xFFFFFFB0]  }
0x43: {  	v5 =	vld.idx.msk [tilespmem:v2+s18+$0x0], $0xffff  }
0x44: {  	v6 =	vor.u32 $0x3, v2  }
0x45: {  	v3 =	vld.idx.msk [tilespmem:v3+s18+$0x0], $0xffff  }
0x46: {  	v7 =	vor.u32 $0x4, v2;
	v8 =	vld [tilespmem:s24+$0xFFFFFFC0]  }
0x47: {  	v4 =	vld.idx.msk [tilespmem:v4+s18+$0x0], $0xffff;
	v9 =	vand.u32 $0xFFFF0000, v1  }
0x48: {  	v10 =	vor.u32 $0x5, v2;
	v5 =	vmul.f32 v9, v5  }
0x49: {  	v6 =	vld.idx.msk [tilespmem:v6+s18+$0x0], $0xffff;
	v1 =	vshll.u32 v1, $0x10  }
0x4a: {  	v9 =	vor.u32 $0x6, v2;
	v1 =	vmul.f32 v1, v3;
	v3 =	vld [tilespmem:s24+$0xFFFFFFD0];
	v5 =	vadd.f32 $0.0e+00, v5  }
0x4b: {  	v7 =	vld.idx.msk [tilespmem:v7+s18+$0x0], $0xffff;
	v11 =	vand.u32 $0xFFFF0000, v8  }
0x4c: {  	v2 =	vor.u32 $0x7, v2;
	v4 =	vmul.f32 v11, v4;
	v1 =	vadd.f32 v5, v1  }
0x4d: {  	v8 =	vshll.u32 v8, $0x10;
	v5 =	vld.idx.msk [tilespmem:v10+s18+$0x0], $0xffff  }
0x4e: {  	v1 =	vadd.f32 v4, v1;
	v4 =	vmul.f32 v8, v6;
	v6 =	vld [tilespmem:s24+$0xFFFFFFE0]  }
0x4f: {  	v8 =	vld.idx.msk [tilespmem:v9+s18+$0x0], $0xffff;
	v9 =	vand.u32 $0xFFFF0000, v3  }
0x50: {  	v1 =	vadd.f32 v1, v4;
	v4 =	vmul.f32 v9, v7  }
0x51: {  	v2 =	vld.idx.msk [tilespmem:v2+s18+$0x0], $0xffff;
	v3 =	vshll.u32 v3, $0x10  }
0x52: {  	v3 =	vmul.f32 v3, v5;
	v1 =	vadd.f32 v4, v1  }
0x53: {  	v4 =	vand.u32 $0xFFFF0000, v6  }
0x54: {  	v1 =	vadd.f32 v1, v3;
	v3 =	vmul.f32 v4, v8  }
0x55: {  	v4 =	vshll.u32 v6, $0x10  }
0x56: {  	v2 =	vmul.f32 v4, v2;
	v1 =	vadd.f32 v3, v1  }
0x57: {  	v3 =	vmov s26  }
0x58: {  	v1 =	vadd.f32 v1, v2  }
0x59: {  	v2 =	vor.u32 $0x1, v3  }
0x5a: {  	[tilespmem:s23+$0x12800] =	vst v1  }
0x5b: {  	v5 =	vor.u32 $0x3, v3;
	v4 =	vld [tilespmem:s24+$0x0]  }
0x5c: {  	v1 =	vor.u32 $0x2, v3;
	v6 =	vld.idx.msk [tilespmem:v3+s18+$0x0], $0xffff  }
0x5d: {  	v7 =	vor.u32 $0x4, v3;
	v8 =	vld [tilespmem:s24+$0x10]  }
0x5e: {  	v9 =	vor.u32 $0x5, v3;
	v2 =	vld.idx.msk [tilespmem:v2+s18+$0x0], $0xffff  }
0x5f: {  	v12 =	vld [tilespmem:s24+$0x20]  }
0x60: {  	v11 =	vld.idx.msk [tilespmem:v5+s18+$0x0], $0xffff  }
0x61: {  	v5 =	vor.u32 $0x6, v3;
	v10 =	vld.idx.msk [tilespmem:v1+s18+$0x0], $0xffff;
	v1 =	vand.u32 $0xFFFF0000, v4  }
0x62: {  	v13 =	vor.u32 $0x7, v3;
	v3 =	vld.idx.msk [tilespmem:v7+s18+$0x0], $0xffff;
	v4 =	vshll.u32 v4, $0x10;
	v1 =	vmul.f32 v1, v6  }
0x63: {  	v6 =	vmul.f32 v4, v2;
	v2 =	vld.idx.msk [tilespmem:v9+s18+$0x0], $0xffff  }
0x64: {  	v9 =	vadd.f32 $0.0e+00, v1;
	v1 =	vld [tilespmem:s24+$0x30]  }
0x65: {  	v4 =	vand.u32 $0xFFFF0000, v8  }
0x66: {  	v8 =	vshll.u32 v8, $0x10;
	v7 =	vmul.f32 v4, v10;
	v4 =	vld.idx.msk [tilespmem:v5+s18+$0x0], $0xffff;
	v9 =	vadd.f32 v9, v6  }
0x67: {  	s25 =	simm.s32 $0x0;
	s26 =	simm.s32 $0x80;
	v8 =	vmul.f32 v8, v11;
	v5 =	vld.idx.msk [tilespmem:v13+s18+$0x0], $0xffff;
	v10 =	vand.u32 $0xFFFF0000, v12;
	v6 =	vshll.u32 v12, $0x10  }
.LBB2_3:
0x68: {  	p1 =	sne.s32 s26, $0x1F80;
	v7 =	vadd.f32 v7, v9;
	s25 =	sadd.s32 $0x2, s25;
	s24 =	sadd.s32 $0xA0, s24  }
0x69: {  	v3 =	vmul.f32 v10, v3;
	s28 =	smov.u32 s26;
	s26 =	sadd.s32 $0x80, s26;
	v9 =	vand.u32 $0xFFFF0000, v1  }
0x6a: {  	s28 =	sshra.s32 s28, $0x2;
	v7 =	vadd.f32 v7, v8  }
0x6b: {  	v2 =	vmul.f32 v6, v2;
	v4 =	vmul.f32 v9, v4;
	v8 =	vld [tilespmem:s28+$0x11800]  }
0x6c: {  	v3 =	vadd.f32 v3, v7;
	_ =	sdelay $0x1  }
0x6d: {  	v1 =	vshll.u32 v1, $0x10;
	v2 =	vadd.f32 v3, v2  }
0x6e: {  	v1 =	vmul.f32 v1, v5  }
0x6f: {  	v2 =	vadd.f32 v4, v2;
	_ =	sdelay $0x1  }
0x70: {  	v1 =	vadd.f32 v2, v1;
	_ =	sdelay $0x1  }
0x71: {  	[tilespmem:s23+$0x12810] =	vst v1;
	s23 =	smov.u32 s28  }
0x72: {  	v1 =	vld [tilespmem:s24+$0xFFFFFFF0];
	_ =	sdelay $0x4  }
0x73: {  	v1 =	vadd.f32 v8, v1;
	_ =	sdelay $0x1  }
0x74: {  	vm0 =	vge.f32 v1, $0.0e+00;
	v2 =	vmul.f32 $2.000000030e-01, v1;
	_ =	sdelay $0x1  }
0x75: {  	v1 =	vsel vm0, v1, v2  }
0x76: {  	s29 =	sshll.u32 s25, $0x4;
	v1 =	vmul.f32 $1.442695020e+00, v1  }
0x77: {  	s28 =	sadd.s32 $0x10, s29;
	v2 =	vor.u32 s29, v0  }
0x78: {  	(erf) = vpow2.f32 v1;
	_ =	sdelay $0x3  }
0x79: {  	v1 =	vld.idx.msk [tilespmem:v2+s16+$0x0], $0xffff;
	_ =	sdelay $0x4  }
0x7a: {  	v2 =	vpop (erf)  }
0x7b: {  	v1 =	vmul.f32 v2, v1;
	_ =	sdelay $0x1  }
0x7c: {  	[tilespmem:s23+$0x12000] =	vst v1;
	v1 =	vld [tilespmem:s23+$0x11810]  }
0x7d: {  	v2 =	vld [tilespmem:s24+$0x40];
	_ =	sdelay $0x4  }
0x7e: {  	v1 =	vadd.f32 v1, v2;
	_ =	sdelay $0x1  }
0x7f: {  	vm0 =	vge.f32 v1, $0.0e+00;
	v2 =	vmul.f32 $2.000000030e-01, v1;
	_ =	sdelay $0x1  }
0x80: {  	v1 =	vsel vm0, v1, v2  }
0x81: {  	v1 =	vmul.f32 $1.442695020e+00, v1  }
0x82: {  	v2 =	vor.u32 s28, v0  }
0x83: {  	(erf) = vpow2.f32 v1;
	_ =	sdelay $0x3  }
0x84: {  	v1 =	vld.idx.msk [tilespmem:v2+s16+$0x0], $0xffff;
	_ =	sdelay $0x4  }
0x85: {  	v2 =	vmov s29;
	v3 =	vpop (erf)  }
0x86: {  	v1 =	vmul.f32 v3, v1;
	v3 =	vor.u32 $0x1, v2  }
0x87: {  	v4 =	vor.u32 $0x5, v2  }
0x88: {  	[tilespmem:s23+$0x12010] =	vst v1  }
0x89: {  	v5 =	vor.u32 $0x2, v2;
	v1 =	vld [tilespmem:s24+$0xFFFFFFB0]  }
0x8a: {  	v6 =	vld.idx.msk [tilespmem:v2+s18+$0x0], $0xffff  }
0x8b: {  	v7 =	vor.u32 $0x3, v2;
	v3 =	vld.idx.msk [tilespmem:v3+s18+$0x0], $0xffff  }
0x8c: {  	v8 =	vor.u32 $0x4, v2;
	v4 =	vld.idx.msk [tilespmem:v4+s18+$0x0], $0xffff  }
0x8d: {  	v9 =	vld [tilespmem:s24+$0xFFFFFFC0]  }
0x8e: {  	v5 =	vld.idx.msk [tilespmem:v5+s18+$0x0], $0xffff  }
0x8f: {  	v10 =	vand.u32 $0xFFFF0000, v1  }
0x90: {  	v6 =	vmul.f32 v10, v6;
	v10 =	vor.u32 $0x6, v2;
	v7 =	vld.idx.msk [tilespmem:v7+s18+$0x0], $0xffff  }
0x91: {  	v1 =	vshll.u32 v1, $0x10;
	v8 =	vld.idx.msk [tilespmem:v8+s18+$0x0], $0xffff  }
0x92: {  	v1 =	vmul.f32 v1, v3;
	v6 =	vadd.f32 $0.0e+00, v6;
	v3 =	vand.u32 $0xFFFF0000, v9;
	v11 =	vld [tilespmem:s24+$0xFFFFFFD0]  }
0x93: {  	v2 =	vor.u32 $0x7, v2;
	v9 =	vshll.u32 v9, $0x10  }
0x94: {  	v1 =	vadd.f32 v6, v1;
	v3 =	vmul.f32 v3, v5  }
0x95: {  	v5 =	vld.idx.msk [tilespmem:v10+s18+$0x0], $0xffff  }
0x96: {  	v1 =	vadd.f32 v3, v1;
	v3 =	vmul.f32 v9, v7;
	v6 =	vld [tilespmem:s24+$0xFFFFFFE0]  }
0x97: {  	v7 =	vand.u32 $0xFFFF0000, v11  }
0x98: {  	v1 =	vadd.f32 v1, v3;
	v3 =	vmul.f32 v7, v8;
	v2 =	vld.idx.msk [tilespmem:v2+s18+$0x0], $0xffff  }
0x99: {  	v7 =	vshll.u32 v11, $0x10  }
0x9a: {  	v1 =	vadd.f32 v3, v1;
	v3 =	vmul.f32 v7, v4  }
0x9b: {  	v4 =	vand.u32 $0xFFFF0000, v6;
	v6 =	vshll.u32 v6, $0x10  }
0x9c: {  	v1 =	vadd.f32 v1, v3;
	v3 =	vmul.f32 v4, v5;
	_ =	sdelay $0x1  }
0x9d: {  	v4 =	vmov s28;
	v2 =	vmul.f32 v6, v2;
	v1 =	vadd.f32 v3, v1;
	_ =	sdelay $0x1  }
0x9e: {  	v1 =	vadd.f32 v1, v2;
	v2 =	vor.u32 $0x1, v4;
	_ =	sdelay $0x1  }
0x9f: {  	[tilespmem:s23+$0x12800] =	vst v1;
	v1 =	vor.u32 $0x2, v4  }
0xa0: {  	v5 =	vor.u32 $0x3, v4;
	v3 =	vld [tilespmem:s24+$0x0]  }
0xa1: {  	v6 =	vld.idx.msk [tilespmem:v4+s18+$0x0], $0xffff  }
0xa2: {  	v7 =	vor.u32 $0x4, v4;
	v2 =	vld.idx.msk [tilespmem:v2+s18+$0x0], $0xffff  }
0xa3: {  	v9 =	vor.u32 $0x5, v4;
	v8 =	vld [tilespmem:s24+$0x10]  }
0xa4: {  	v10 =	vld.idx.msk [tilespmem:v1+s18+$0x0], $0xffff  }
0xa5: {  	v1 =	vand.u32 $0xFFFF0000, v3;
	v11 =	vshll.u32 v3, $0x10;
	v12 =	vld.idx.msk [tilespmem:v5+s18+$0x0], $0xffff;
	v5 =	vor.u32 $0x6, v4  }
0xa6: {  	v14 =	vor.u32 $0x7, v4;
	v13 =	vld [tilespmem:s24+$0x20]  }
0xa7: {  	v1 =	vmul.f32 v1, v6;
	v3 =	vld.idx.msk [tilespmem:v7+s18+$0x0], $0xffff  }
.Ltmp0:
0xa8: {  	v6 =	vmul.f32 v11, v2;
	v4 =	vand.u32 $0xFFFF0000, v8;
	v2 =	vld.idx.msk [tilespmem:v9+s18+$0x0], $0xffff;
	(pc) =	sbr.rel @p1 .LBB2_3-.Ltmp0, $4  }
0xa9: {  	v9 =	vadd.f32 $0.0e+00, v1;
	v1 =	vld [tilespmem:s24+$0x30]  }
0xaa: {  	v7 =	vmul.f32 v4, v10;
	v4 =	vld.idx.msk [tilespmem:v5+s18+$0x0], $0xffff  }
0xab: {  	v8 =	vshll.u32 v8, $0x10;
	v9 =	vadd.f32 v9, v6;
	v6 =	vshll.u32 v13, $0x10;
	v5 =	vld.idx.msk [tilespmem:v14+s18+$0x0], $0xffff  }
0xac: {  	v8 =	vmul.f32 v8, v12;
	v10 =	vand.u32 $0xFFFF0000, v13  }
0xad: {  	v7 =	vadd.f32 v7, v9;
	_ =	sdelay $0x1  }
0xae: {  	v3 =	vmul.f32 v10, v3;
	v7 =	vadd.f32 v7, v8;
	_ =	sdelay $0x1  }
0xaf: {  	v2 =	vmul.f32 v6, v2;
	v3 =	vadd.f32 v3, v7  }
0xb0: {  	v63 =	vand.u32 $0xFFFF0000, v1  }
0xb1: {  	v4 =	vmul.f32 v63, v4;
	v2 =	vadd.f32 v3, v2  }
0xb2: {  	v1 =	vshll.u32 v1, $0x10  }
0xb3: {  	v1 =	vmul.f32 v1, v5;
	v2 =	vadd.f32 v4, v2;
	_ =	sdelay $0x1  }
0xb4: {  	s21 =	sadd.s32 $0x1, s21;
	v1 =	vadd.f32 v2, v1  }
0xb5: {  	p1 =	sne.s32 s21, s6  }
.Ltmp1:
0xb6: {  	[tilespmem:s23+$0x12810] =	vst v1;
	(pc) =	sbr.rel @p1 .LBB2_2-.Ltmp1, $4  }
0xb7: {  	[spmem:s1] =	stream.indirect.scatter.add.f32 [tilespmem:s19], [sflag:$0x2], $0x10, s22, s14, $0xb8;
	[tilespmem:$0x1F358] =	vst v63  }
0xb8: {  	_ =	swait.ge [sflag:s12], $0x800  }
0xb9: {  	[sflag:s12] =	ssyncset.done $0x0  }
0xba: {  	[sflag:s12] =	ssyncadd.s32 $0xFFFFF800  }
0xbb: {  	[bflag:$0x0] =	sbarrier.arrive $0xFFFF;
	s21 =	simm.s32 @!p0 $0x1C02;
	s20 =	sadd.s32 $0x1, s20  }
0xbc: {  	[hbm:s9], [sflag:s21] =	dma.local @!p0 [spmem:s11], $0x186B0  }
0xbd: {  	p1 =	sne.s32 s20, s10  }
.Ltmp2:
0xbe: {  	_ = 	snop;
	(pc) =	sbr.rel @p1 .LBB2_1-.Ltmp2, $4  }
0xbf: {  	s21 =	simm.s32 @!p0 $0x2  }
0xc0: {  	_ =	swait.ge @!p0 [sflag:s21], $0x186B0  }
0xc1: {  	[sflag:s21] =	ssyncset.done @!p0 $0x0  }
0xc2: {  	[sflag:s21] =	ssyncadd.s32 @!p0 $0xFFFE7950  }
0xc3: {  	_ =	sfence.sel $0x180000  }
0xc4: {  	[bflag:$0x0] =	sbarrier.arrive $0xFFFF  }
0xc5: {  	_ =	strace $0x90000059  }
0xc6: {  	s0 =	sadd.s32 @!p0 $0x100000, s0;
	[bflag:$0x2] =	sbarrier.arrive $0xFFFF  }
0xc7: {  	[sflag:s0] =	ssyncadd.tile.s32 @!p0 $0x1;
	_ =	shalt  }
.Lfunc_end2:
_tile_overlayer_lowered:
.L_overlay_start_2:
0xc8: {  	(tag) =	ssettag $0x2  }
0xc9: {  	s0 =	rddreg [dreg:$0x0];
	s2 =	stileid.u32  }
0xca: {  	s1 =	rddreg [dreg:$0x1];
	p0 =	sne.s32 s2, $0x0  }
0xcb: {  	s3 =	rddreg [dreg:$0x2];
	[bflag:$0x3] =	sbarrier.arrive $0xFFFF;
	s2 =	simm.s32 @!p0 $0x1C02  }
0xcc: {  	[timem:s3], [sflag:s2] =	dma.local @!p0 [hbm:s0], s1  }
0xcd: {  	s0 =	simm.s32 @!p0 $0x2  }
0xce: {  	_ =	swait.ge @!p0 [sflag:s0], s1  }
0xcf: {  	s1 =	ssub.s32 @!p0 $0x0, s1;
	[sflag:s0] =	ssyncset.done @!p0 $0x0  }
0xd0: {  	[sflag:s0] =	ssyncadd.s32 @!p0 s1  }
0xd1: {  	[bflag:$0x3] =	sbarrier.arrive $0xFFFF  }
0xd2: {  	_ =	shalt  }

// kernel: sc_gg.3.cloned.1.call-start
scs
__scs_entry_jumppad:
0x0: {  	(pc) =	sbr.rel $0x88, $3  }
0x1: {  	(tag) =	ssettag $0x0;
	lr =	simm.s32 $0x1  }
0x2: {  	[smem:$0x3F8D] =	sst lr;
	_ =	strace $0xD0000000  }
0x3: {  	_ = 	snop  }
0x4: {  	_ = 	snop  }
0x5: {  	_ = 	snop  }
0x6: {  	_ = 	snop  }
0x7: {  	_ = 	snop  }
__scs_overlays_trampoline_lowered:
0x8: {  	[smem:$0x3F9C] =	sst s0  }
0x9: {  	[smem:$0x3F9D] =	sst s1  }
0xa: {  	[smem:$0x3F9E] =	sst s2  }
0xb: {  	[smem:$0x3F9F] =	sst s3  }
0xc: {  	[smem:$0x3FA0] =	sst s4  }
0xd: {  	[smem:$0x3FA1] =	sst s5  }
0xe: {  	[smem:$0x3FA2] =	sst s6  }
0xf: {  	[smem:$0x3FA3] =	sst s7  }
0x10: {  	[smem:$0x3FA4] =	sst s8  }
0x11: {  	[smem:$0x3FA5] =	sst s9;
	s0 =	simm.s32 @!p0 $0x0  }
0x12: {  	s1 =	sld [smem:$0x3F8B];
	s0 =	simm.s32 @p0 $0x1  }
0x13: {  	[smem:$0x3FA6] =	sst s0;
	s0 =	simm.s32 @!p1 $0x0  }
0x14: {  	s2 =	sld [smem:$0x3F8A];
	s0 =	simm.s32 @p1 $0x1  }
0x15: {  	[smem:$0x3FA7] =	sst s0;
	s0 =	simm.s32 @!p2 $0x0  }
0x16: {  	s3 =	sld [smem:$0x3FDB];
	s0 =	simm.s32 @p2 $0x1  }
0x17: {  	s4 =	simm.s32 $0x1BF5;
	[smem:$0x3FA9] =	sst s0  }
0x18: {  	s0 =	sld [smem:$0x3F8C];
	_ =	swait.ge [sflag:s4], $0x0  }
0x19: {  	s7 =	sld [smem:$0x3F8D]  }
0x1a: {  	s8 =	sadd.s32 $0xFFFFE003, lr  }
0x1b: {  	s9 =	sadd.s32 $0xFFFFFEF7, lr;
	s5 =	simm.s32 $0xFFFFFFFF;
	p2 =	slt.u32 s8, $0xFFFFF086  }
0x1c: {  	p1 =	slt.u32 s9, $0xF7A;
	s5 =	simm.s32 @!p2 $0x0  }
0x1d: {  	s5 =	simm.s32 @p1 $0x1;
	p0 =	seq.s32 s7, s2  }
0x1e: {  	s7 =	smul.u32 @!p0 $0xF7A, s2;
	p2 =	seq.s32 @!p0 s5, $0x0  }
0x1f: {  	s9 =	smul.u32 $0xF7A, s1;
	s8 =	simm.s32 @!p0 $0x1BF5;
	p2 =	por !p2, p0  }
0x20: {  	[sflag:s8] =	ssyncset.s32 @!p0 $0xFFFFF086;
	s6 =	sadd.s32 @!p0 s3, s7;
	s7 =	simm.s32 @!p0 $0x108  }
0x21: {  	s3 =	sadd.s32 s3, s9;
	s6 =	sadd.s32 @!p0 $0x88, s6;
	s7 =	simm.s32 @p2 $0x1082  }
0x22: {  	[simem:s7], [sflag:s8] =	dma.local @!p0 [hbm:s6], $0xF7A  }
0x23: {  	s9 =	sor.u32 $0xD0000000, s2;
	s6 =	simm.s32 $0x108;
	_ =	swait.ge @!p0 [sflag:s8], $0x0  }
0x24: {  	s3 =	sadd.s32 $0x88, s3;
	s6 =	simm.s32 @!p1 $0x1082;
	[sflag:s4] =	ssyncset.s32 $0xFFFFF086  }
0x25: {  	[simem:s6], [sflag:s4] =	dma.local [hbm:s3], $0xF7A  }
0x26: {  	[smem:$0x3F8D] =	sst s1;
	(tag) =	ssettag s2;
	_ =	strace s9  }
0x27: {  	s1 =	sld [smem:$0x3F9D]  }
0x28: {  	s2 =	sld [smem:$0x3F9E]  }
0x29: {  	s4 =	sld [smem:$0x3FA0]  }
0x2a: {  	p0 =	seq.s32 s5, $0x0;
	s5 =	sld [smem:$0x3FA1]  }
0x2b: {  	s6 =	sld [smem:$0x3FA2]  }
0x2c: {  	s7 =	sld [smem:$0x3FA3]  }
0x2d: {  	s3 =	simm.s32 $0x108;
	s8 =	sld [smem:$0x3FA4]  }
0x2e: {  	s3 =	simm.s32 @!p0 $0x1082;
	s9 =	sld [smem:$0x3FA5]  }
0x2f: {  	lr =	sadd.s32 s0, s3;
	s0 =	sld [smem:$0x3F9C]  }
0x30: {  	s3 =	sld [smem:$0x3F9F]  }
0x31: {  	[smem:$0x3FA8] =	sst s10  }
0x32: {  	s10 =	sld [smem:$0x3FA6];
	_ =	sdelay $0x3  }
0x33: {  	p0 =	seq.s32 s10, $0x1;
	s10 =	sld [smem:$0x3FA8];
	_ =	sdelay $0x3  }
0x34: {  	[smem:$0x3FA8] =	sst s10  }
0x35: {  	s10 =	sld [smem:$0x3FA7];
	_ =	sdelay $0x3  }
0x36: {  	p1 =	seq.s32 s10, $0x1;
	s10 =	sld [smem:$0x3FA8];
	_ =	sdelay $0x3  }
0x37: {  	[smem:$0x3FA8] =	sst s10  }
0x38: {  	s10 =	sld [smem:$0x3FA9]  }
0x39: {  	_ = 	snop;
	(pc) =	sbr.ind lr, $3  }
0x3a: {  	_ = 	snop  }
0x3b: {  	_ = 	snop  }
0x3c: {  	p2 =	seq.s32 s10, $0x1;
	s10 =	sld [smem:$0x3FA8]  }
0x3d: {  	_ =	shalt  }
0x3e: {  	_ =	shalt  }
0x3f: {  	_ =	shalt  }
0x40: {  	_ =	shalt  }
0x41: {  	_ =	shalt  }
0x42: {  	_ =	shalt  }
0x43: {  	_ =	shalt  }
0x44: {  	_ =	shalt  }
0x45: {  	_ =	shalt  }
0x46: {  	_ =	shalt  }
0x47: {  	_ =	shalt  }
0x48: {  	_ =	shalt  }
0x49: {  	_ =	shalt  }
0x4a: {  	_ =	shalt  }
0x4b: {  	_ =	shalt  }
0x4c: {  	_ =	shalt  }
0x4d: {  	_ =	shalt  }
0x4e: {  	_ =	shalt  }
0x4f: {  	_ =	shalt  }
0x50: {  	_ =	shalt  }
0x51: {  	_ =	shalt  }
0x52: {  	_ =	shalt  }
0x53: {  	_ =	shalt  }
0x54: {  	_ =	shalt  }
0x55: {  	_ =	shalt  }
0x56: {  	_ =	shalt  }
0x57: {  	_ =	shalt  }
0x58: {  	_ =	shalt  }
0x59: {  	_ =	shalt  }
0x5a: {  	_ =	shalt  }
0x5b: {  	_ =	shalt  }
0x5c: {  	_ =	shalt  }
0x5d: {  	_ =	shalt  }
0x5e: {  	_ =	shalt  }
0x5f: {  	_ =	shalt  }
0x60: {  	_ =	shalt  }
0x61: {  	_ =	shalt  }
0x62: {  	_ =	shalt  }
0x63: {  	_ =	shalt  }
0x64: {  	_ =	shalt  }
0x65: {  	_ =	shalt  }
0x66: {  	_ =	shalt  }
0x67: {  	_ =	shalt  }
0x68: {  	_ =	shalt  }
0x69: {  	_ =	shalt  }
0x6a: {  	_ =	shalt  }
0x6b: {  	_ =	shalt  }
0x6c: {  	_ =	shalt  }
0x6d: {  	_ =	shalt  }
0x6e: {  	_ =	shalt  }
0x6f: {  	_ =	shalt  }
0x70: {  	_ =	shalt  }
0x71: {  	_ =	shalt  }
0x72: {  	_ =	shalt  }
0x73: {  	_ =	shalt  }
0x74: {  	_ =	shalt  }
0x75: {  	_ =	shalt  }
0x76: {  	_ =	shalt  }
0x77: {  	_ =	shalt  }
0x78: {  	_ =	shalt  }
0x79: {  	_ =	shalt  }
0x7a: {  	_ =	shalt  }
0x7b: {  	_ =	shalt  }
0x7c: {  	_ =	shalt  }
0x7d: {  	_ =	shalt  }
0x7e: {  	_ =	shalt  }
0x7f: {  	_ =	shalt  }
0x80: {  	_ =	shalt  }
0x81: {  	_ =	shalt  }
0x82: {  	_ =	shalt  }
0x83: {  	_ =	shalt  }
0x84: {  	_ =	shalt  }
0x85: {  	_ =	shalt  }
0x86: {  	_ =	shalt  }
0x87: {  	_ =	shalt  }
.Lfunc_end0:
.L_simem_size_0:
called_computation.2_lowered:
.L_overlay_start_0:
0x88: {  	s2 =	sld [smem:$0x3FD9]  }
0x89: {  	s3 =	sld [smem:$0x3FFE];
	_ =	sdelay $0x1  }
0x8a: {  	s1 =	srdreg.scid  }
0x8b: {  	s0 =	sand.u32 $0x1, s1  }
0x8c: {  	s15 =	sshll.u32 s0, $0xA;
	s2 =	sadd.s32 s3, s2  }
0x8d: {  	s2 =	sadd.s32 s2, s15  }
0x8e: {  	[smem:$0x3FB4] =	sst s2  }
0x8f: {  	_ = 	snop  }
0x90: {  	s2 =	sld [smem:$0x3FD0];
	_ =	sdelay $0x2  }
0x91: {  	s16 =	simm.s32 $0xD;
	s4 =	simm.s32 $0x10  }
0x92: {  	[smem:s4], [sflag:s16] =	dma.local [hbm:s2], $0x1  }
0x93: {  	_ =	swait.eq [sflag:s16], $0x1  }
0x94: {  	[sflag:s16] =	ssyncset.done $0x0  }
0x95: {  	[sflag:s16] =	ssyncadd.s32 $0xFFFFFFFF  }
0x96: {  	s17 =	sld [smem:$0x11];
	(tm) =	ssettm $0x1  }
0x97: {  	s18 =	sld [smem:$0x3FFB];
	_ =	sdelay $0x3  }
0x98: {  	_ =	strace s18  }
0x99: {  	s2 =	sld [smem:$0x3FFC];
	_ =	sdelay $0x3  }
0x9a: {  	_ =	strace s2  }
0x9b: {  	s2 =	sld [smem:$0x3FFD];
	_ =	sdelay $0x3  }
0x9c: {  	_ =	strace s2  }
0x9d: {  	_ =	strace $0x8FFFFFFF  }
0x9e: {  	s19 =	sld [smem:$0x3FDB];
	_ =	sdelay $0x1  }
0x9f: {  	s20 =	simm.s32 $_scs_section_size  }
0xa0: {  	s5 =	simm.s32 $_size__tile_overlayer_lowered;
	s6 =	simm.s32 $_tile_overlayer_lowered  }
0xa1: {  	s7 =	simm.s32 $0x1BFF;
	s21 =	sshll.u32 s6, $0x1;
	s4 =	sadd.s32 s20, s19  }
0xa2: {  	s22 =	simm.s32 $0x0;
	s5 =	sshll.u32 s5, $0x1;
	s6 =	sadd.s32 s21, s4  }
0xa3: {  	[timem:s22], [sflag:s7] =	dma.local [hbm:s6], s5  }
0xa4: {  	_ =	swait.ge [sflag:s7], s5  }
0xa5: {  	s5 =	ssub.s32 $0x0, s5;
	[sflag:s7] =	ssyncset.done $0x0  }
0xa6: {  	[sflag:s7] =	ssyncadd.s32 s5;
	_ =	sdelay $0x1  }
0xa7: {  	s23 =	simm.s32 $0x1B8B  }
0xa8: {  	_ =	swait.ge [sflag:s23], $0x1  }
0xa9: {  	[sflag:s23] =	ssyncset.done $0x0  }
0xaa: {  	[sflag:s23] =	ssyncadd.s32 $0xFFFFFFFF  }
0xab: {  	s5 =	sld [smem:$0x0]  }
0xac: {  	s6 =	sand.u32 $0xFFFFFFFE, s1  }
0xad: {  	p0 =	sne.s32 s1, s6  }
0xae: {  	s6 =	sshll.u32 @p0 s6, $0xE  }
0xaf: {  	s6 =	sadd.s32 @p0 $0x11B8D, s6;
	s7 =	sshll.u32 @p0 s5, $0x11  }
0xb0: {  	s6 =	sor.u32 @p0 s7, s6  }
0xb1: {  	[sflag:s6] =	ssyncadd.remote.s32 @p0 $0x1;
	_ =	sdelay $0x1  }
0xb2: {  	s6 =	simm.s32 @p0 $0x1B8D  }
0xb3: {  	_ =	swait.eq @p0 [sflag:s6], $0x1  }
0xb4: {  	[sflag:s6] =	ssyncadd.s32 @p0 $0xFFFFFFFF  }
0xb5: {  	s7 =	sshll.u32 @!p0 s1, $0xE  }
0xb6: {  	s7 =	sor.u32 @!p0 $0x4000, s7;
	s6 =	simm.s32 @!p0 $0x1B8D  }
0xb7: {  	s5 =	sshll.u32 @!p0 s5, $0x11;
	s7 =	sadd.s32 @!p0 $0x11B8D, s7;
	_ =	swait.eq @!p0 [sflag:s6], $0x1  }
0xb8: {  	s5 =	sor.u32 @!p0 s5, s7;
	[sflag:s6] =	ssyncadd.s32 @!p0 $0xFFFFFFFF  }
0xb9: {  	s25 =	simm.s32 $0x1B8E;
	s24 =	sld [smem:$0x3FFE];
	[sflag:s5] =	ssyncadd.remote.s32 @!p0 $0x1  }
0xba: {  	s26 =	simm.s32 $execute0_lowered;
	[smem:$0x3FD2] =	sst s25  }
0xbb: {  	s6 =	sshll.u32 s26, $0x1;
	_ =	strace $0x8000004C;
	[dreg:$0x1] =	wrdreg $0xFFFFFFFF  }
0xbc: {  	s28 =	simm.s32 $_size_execute0_lowered;
	s4 =	sadd.s32 s4, s6;
	[dreg:$0x0] =	wrdreg $0x0  }
0xbd: {  	s6 =	sshll.u32 s28, $0x1;
	[dreg:$0x2] =	wrdreg s4  }
0xbe: {  	[dreg:$0x3] =	wrdreg s6  }
0xbf: {  	[dreg:$0x4] =	wrdreg $0xC0  }
0xc0: {  	_ =	task [dreg:s22], $0x5FFFF  }
0xc1: {  	[dreg:$0x1] =	wrdreg $0xFFFFFFFF  }
0xc2: {  	[dreg:$0x0] =	wrdreg $0x60  }
0xc3: {  	[dreg:$0x2] =	wrdreg s24  }
0xc4: {  	[dreg:$0x3] =	wrdreg s17  }
0xc5: {  	[dreg:$0x4] =	wrdreg $0x58000  }
0xc6: {  	[dreg:$0x5] =	wrdreg $0xA  }
0xc7: {  	_ =	task.clear_ibuf [dreg:s22], $0x6FFFF;
	_ =	strace $0x9000004C  }
0xc8: {  	s29 =	simm.s32 $0xA;
	_ =	strace $0x8000004E  }
0xc9: {  	_ =	swait.ge [sflag:s29], $0x1  }
0xca: {  	[sflag:s29] =	ssyncadd.s32 $0xFFFFFFFF  }
0xcb: {  	_ =	strace $0x9000004E  }
0xcc: {  	_ =	sfence  }
0xcd: {  	s30 =	sld [smem:$0x0];
	_ =	sdelay $0x2  }
0xce: {  	s31 =	sshll.u32 s1, $0xD;
	s1 =	sshrl.u32 s1, $0x2  }
0xcf: {  	s4 =	sand.u32 $0x4000, s31;
	s1 =	sadd.s32 s1, s30  }
0xd0: {  	s0 =	sor.u32 s4, s0;
	s1 =	sshll.u32 s1, $0x11  }
0xd1: {  	s0 =	sor.u32 s1, s0  }
0xd2: {  	s0 =	sadd.s32 $0x8F2B, s0  }
0xd3: {  	[sflag:s0] =	ssyncadd.remote.s32 $0x1  }
0xd4: {  	_ =	sfence.sel $0xFFFF  }
0xd5: {  	[dreg:$0x0] =	wrdreg $0xFFFFFFFF;
	(pc) =	sbr.abs _section_cstart, $3  }
0xd6: {  	[dreg:$0x1] =	wrdreg $0xFFFFFFFF  }
0xd7: {  	_ =	task.clear_ibuf [dreg:s22], $0x2FFFF;
	_ =	strace $0x9FFFFFFF  }
0xd8: {  	(tm) =	ssettm $0x7FFFFFFF  }
0xd9: {  	_ =	shalt  }
tec
execute0_lowered:
.L_overlay_start_1:
0x0: {  	(tag) =	ssettag $0x1  }
0x1: {  	s5 =	rddreg [dreg:$0x0]  }
0x2: {  	s6 =	rddreg [dreg:$0x1]  }
0x3: {  	s1 =	rddreg [dreg:$0x2]  }
0x4: {  	s0 =	rddreg [dreg:$0x3]  }
0x5: {  	s3 =	srdreg.scid;
	s8 =	stileid.u32;
	s2 =	simm.s32 $0x0  }
0x6: {  	s13 =	simm.s32 $0x2800;
	s14 =	simm.s32 $0x4000;
	s15 =	simm.s32 $0x1  }
0x7: {  	s16 =	simm.s32 $0x1380;
	s17 =	simm.s32 $0x2700;
	s18 =	simm.s32 $0x2780  }
0x8: {  	s19 =	simm.s32 $0x0;
	s4 =	sand.u32 $0x1, s3;
	s31 =	sshll.u32 s8, $0x1  }
0x9: {  	[smem:$0x7FF] =	sst s2;
	p0 =	sne.s32 s8, $0x0;
	s3 =	sor.u32 s4, s31  }
0xa: {  	_ =	strace $0x8000004D;
	s9 =	smul.u32 $0xEA90, s4;
	s10 =	ssub.s32 $0x2, s4  }
0xb: {  	s4 =	sadd.s32 $0x5200, s5;
	s7 =	smul.u32 $0x280, s3;
	s12 =	sshrl.u32 s10, $0x1  }
0xc: {  	s3 =	sadd.s32 $0x18BE00, s5;
	s9 =	sadd.s32 s9, s5;
	s10 =	ssub.s32 s10, s12  }
0xd: {  	s12 =	simm.s32 $0x80;
	s11 =	sadd.s32 s7, s5;
	s5 =	sadd.s32 s6, s7  }
0xe: {  	s7 =	sadd.s32 $0x13E00, s9;
	s8 =	smax.u32 s10, $0x1;
	s9 =	sshrl.u32 @!p0 s1, $0x3  }
0xf: {  	s10 =	simm.s32 $0x2;
	s6 =	sadd.s32 $0xBFA00, s11;
	s11 =	simm.s32 $0x1400  }
.LBB2_1:
0x10: {  	s20 =	simm.s32 @!p0 $0x1C02  }
0x11: {  	[spmem:s9], [sflag:s20] =	dma.local @!p0 [hbm:s4], $0xEA90  }
0x12: {  	s20 =	simm.s32 @!p0 $0x2  }
0x13: {  	_ =	swait.ge @!p0 [sflag:s20], $0xEA90  }
0x14: {  	[sflag:s20] =	ssyncset.done @!p0 $0x0  }
0x15: {  	[sflag:s20] =	ssyncadd.s32 @!p0 $0xFFFF1570  }
0x16: {  	[tilespmem:s2], [sflag:$0x2] =	stream.linear.gather [hbm4b:s5+s2], $0x1400, $0x38;
	[tilespmem:$0xCD48] =	vst v63  }
0x17: {  	_ =	swait.ge [sflag:s10], $0x1400  }
0x18: {  	[sflag:s10] =	ssyncset.done $0x0  }
0x19: {  	[sflag:s10] =	ssyncadd.s32 $0xFFFFEC00  }
0x1a: {  	[tilespmem:s11], [sflag:$0x2] =	stream.linear.gather [hbm4b:s6+s2], $0x1400, $0x38;
	[tilespmem:$0xCD48] =	vst v63  }
0x1b: {  	_ =	swait.ge [sflag:s10], $0x1400  }
0x1c: {  	[sflag:s10] =	ssyncset.done $0x0  }
0x1d: {  	[sflag:s10] =	ssyncadd.s32 $0xFFFFEC00  }
0x1e: {  	[bflag:$0x0] =	sbarrier.arrive $0xFFFF  }
0x1f: {  	[tilespmem:s13], [sflag:$0x1] =	stream.indirect.gather [hbm4b:s3+s12], $0x30, s2, s12, $0xb8;
	[tilespmem:$0xCD48] =	vst v63  }
0x20: {  	s28 =	simm.s32 $0x80  }
0x21: {  	[tilespmem:s14], [sflag:$0x1] =	stream.indirect.gather [hbm4b:s3+s12], $0x30, s28, s12, $0xb8;
	[tilespmem:$0xCD48] =	vst v63  }
0x22: {  	_ =	swait.ge [sflag:s15], $0x1800  }
0x23: {  	[sflag:s15] =	ssyncset.done $0x0  }
0x24: {  	s29 =	simm.s32 $0x1400;
	[sflag:s15] =	ssyncadd.s32 $0xFFFFE800  }
0x25: {  	[spmem:s1] =	stream.indirect.scatter.add.f32 [tilespmem:s13], [sflag:$0x2], $0x30, s29, s12, $0xb8;
	[tilespmem:$0xCD48] =	vst v63  }
0x26: {  	_ =	swait.ge [sflag:s10], $0x1800  }
0x27: {  	[sflag:s10] =	ssyncset.done $0x0  }
0x28: {  	s30 =	simm.s32 $0x100;
	[sflag:s10] =	ssyncadd.s32 $0xFFFFE800  }
0x29: {  	[tilespmem:s13], [sflag:$0x1] =	stream.indirect.gather [hbm4b:s3+s12], $0x30, s30, s12, $0xb8;
	[tilespmem:$0xCD48] =	vst v63  }
0x2a: {  	_ =	swait.ge [sflag:s15], $0x1800  }
0x2b: {  	[sflag:s15] =	ssyncset.done $0x0  }
0x2c: {  	s31 =	simm.s32 $0x1480;
	[sflag:s15] =	ssyncadd.s32 $0xFFFFE800  }
0x2d: {  	[spmem:s1] =	stream.indirect.scatter.add.f32 [tilespmem:s14], [sflag:$0x2], $0x30, s31, s12, $0xb8;
	[tilespmem:$0xCD48] =	vst v63  }
0x2e: {  	_ =	swait.ge [sflag:s10], $0x1800  }
0x2f: {  	s21 =	simm.s32 $0x800;
	s20 =	simm.s32 $0x100;
	[sflag:s10] =	ssyncset.done $0x0  }
.LBB2_2:
0x30: {  	s22 =	sadd.s32 $0x80, s20  }
0x31: {  	[sflag:s10] =	ssyncadd.s32 $0xFFFFE800;
	s23 =	smov.u32 s21;
	s24 =	sadd.s32 $0x400, s21  }
0x32: {  	[tilespmem:s14], [sflag:$0x1] =	stream.indirect.gather [hbm4b:s3+s12], $0x30, s22, s12, $0xb8;
	[tilespmem:$0xCD48] =	vst v63  }
0x33: {  	p1 =	sne.s32 s21, $0x4800;
	_ =	swait.ge [sflag:s15], $0x1800  }
0x34: {  	[sflag:s15] =	ssyncset.done $0x0  }
0x35: {  	s21 =	sadd.s32 $0x1400, s20;
	[sflag:s15] =	ssyncadd.s32 $0xFFFFE800  }
0x36: {  	[spmem:s1] =	stream.indirect.scatter.add.f32 [tilespmem:s13], [sflag:$0x2], $0x30, s21, s12, $0xb8;
	[tilespmem:$0xCD48] =	vst v63  }
0x37: {  	_ =	swait.ge [sflag:s10], $0x1800  }
0x38: {  	[sflag:s10] =	ssyncset.done $0x0  }
0x39: {  	s21 =	sadd.s32 $0x100, s20;
	[sflag:s10] =	ssyncadd.s32 $0xFFFFE800  }
0x3a: {  	[tilespmem:s13], [sflag:$0x1] =	stream.indirect.gather [hbm4b:s3+s12], $0x30, s21, s12, $0xb8;
	[tilespmem:$0xCD48] =	vst v63  }
0x3b: {  	_ =	swait.ge [sflag:s15], $0x1800  }
.Ltmp0:
0x3c: {  	[sflag:s15] =	ssyncset.done $0x0;
	(pc) =	sbr.rel @p1 .LBB2_2-.Ltmp0, $4  }
0x3d: {  	s20 =	sadd.s32 $0x1480, s20;
	[sflag:s15] =	ssyncadd.s32 $0xFFFFE800  }
0x3e: {  	[spmem:s1] =	stream.indirect.scatter.add.f32 [tilespmem:s14], [sflag:$0x2], $0x30, s20, s12, $0xb8;
	[tilespmem:$0xCD48] =	vst v63  }
0x3f: {  	_ =	swait.ge [sflag:s10], $0x1800  }
0x40: {  	s21 =	smov.u32 s24;
	s20 =	sshra.s32 s23, $0x2;
	[sflag:s10] =	ssyncset.done $0x0  }
0x41: {  	s21 =	sadd.s32 $0x80, s20;
	[sflag:s10] =	ssyncadd.s32 $0xFFFFE800  }
0x42: {  	[tilespmem:s14], [sflag:$0x1] =	stream.indirect.gather [hbm4b:s3+s12], $0x30, s21, s12, $0xb8;
	[tilespmem:$0xCD48] =	vst v63  }
0x43: {  	_ =	swait.ge [sflag:s15], $0x1800  }
0x44: {  	[sflag:s15] =	ssyncset.done $0x0  }
0x45: {  	s29 =	sadd.s32 $0x1400, s20;
	[sflag:s15] =	ssyncadd.s32 $0xFFFFE800  }
0x46: {  	[spmem:s1] =	stream.indirect.scatter.add.f32 [tilespmem:s13], [sflag:$0x2], $0x30, s29, s12, $0xb8;
	[tilespmem:$0xCD48] =	vst v63  }
0x47: {  	_ =	swait.ge [sflag:s10], $0x1800  }
0x48: {  	[sflag:s10] =	ssyncset.done $0x0  }
0x49: {  	s30 =	sadd.s32 $0x100, s20;
	[sflag:s10] =	ssyncadd.s32 $0xFFFFE800  }
0x4a: {  	[tilespmem:s13], [sflag:$0x1] =	stream.indirect.gather [hbm4b:s3+s12], $0x30, s30, s12, $0xb8;
	[tilespmem:$0xCD48] =	vst v63  }
0x4b: {  	_ =	swait.ge [sflag:s15], $0x1800  }
0x4c: {  	[sflag:s15] =	ssyncset.done $0x0  }
0x4d: {  	s31 =	sadd.s32 $0x1480, s20;
	[sflag:s15] =	ssyncadd.s32 $0xFFFFE800  }
0x4e: {  	[spmem:s1] =	stream.indirect.scatter.add.f32 [tilespmem:s14], [sflag:$0x2], $0x30, s31, s12, $0xb8;
	[tilespmem:$0xCD48] =	vst v63  }
0x4f: {  	_ =	swait.ge [sflag:s10], $0x1800  }
0x50: {  	[sflag:s10] =	ssyncset.done $0x0  }
0x51: {  	[sflag:s10] =	ssyncadd.s32 $0xFFFFE800  }
0x52: {  	[tilespmem:s14], [sflag:$0x1] =	stream.indirect.gather [hbm4b:s3+s12], $0x30, s16, s12, $0xb8;
	[tilespmem:$0xCD48] =	vst v63  }
0x53: {  	_ =	swait.ge [sflag:s15], $0x1800  }
0x54: {  	[sflag:s15] =	ssyncset.done $0x0  }
0x55: {  	[sflag:s15] =	ssyncadd.s32 $0xFFFFE800  }
0x56: {  	[spmem:s1] =	stream.indirect.scatter.add.f32 [tilespmem:s13], [sflag:$0x2], $0x30, s17, s12, $0xb8;
	[tilespmem:$0xCD48] =	vst v63  }
0x57: {  	_ =	swait.ge [sflag:s10], $0x1800  }
0x58: {  	[sflag:s10] =	ssyncset.done $0x0  }
0x59: {  	[sflag:s10] =	ssyncadd.s32 $0xFFFFE800  }
0x5a: {  	[tilespmem:s13], [sflag:$0x1] =	stream.indirect.gather [hbm4b:s3+s12], $0x30, s16, s12, $0xb8;
	[tilespmem:$0xCD48] =	vst v63  }
0x5b: {  	_ =	swait.ge [sflag:s15], $0x1800  }
0x5c: {  	[sflag:s15] =	ssyncset.done $0x0  }
0x5d: {  	[sflag:s15] =	ssyncadd.s32 $0xFFFFE800  }
0x5e: {  	[spmem:s1] =	stream.indirect.scatter.add.f32 [tilespmem:s14], [sflag:$0x2], $0x30, s18, s12, $0xb8;
	[tilespmem:$0xCD48] =	vst v63  }
0x5f: {  	_ =	swait.ge [sflag:s10], $0x1800  }
0x60: {  	[sflag:s10] =	ssyncset.done $0x0  }
0x61: {  	[sflag:s10] =	ssyncadd.s32 $0xFFFFE800  }
0x62: {  	_ =	swait.ge [sflag:s15], $0x1800  }
0x63: {  	[sflag:s15] =	ssyncset.done $0x0  }
0x64: {  	s19 =	sadd.s32 $0x1, s19;
	[sflag:s15] =	ssyncadd.s32 $0xFFFFE800  }
0x65: {  	s20 =	simm.s32 @!p0 $0x1C02;
	p1 =	sne.s32 s19, s8;
	[bflag:$0x0] =	sbarrier.arrive $0xFFFF  }
0x66: {  	[hbm:s7], [sflag:s20] =	dma.local @!p0 [spmem:s9], $0xEA90  }
.Ltmp1:
0x67: {  	_ = 	snop;
	(pc) =	sbr.rel @p1 .LBB2_1-.Ltmp1, $4  }
0x68: {  	s20 =	simm.s32 @!p0 $0x2  }
0x69: {  	_ =	swait.ge @!p0 [sflag:s20], $0xEA90  }
0x6a: {  	[sflag:s20] =	ssyncset.done @!p0 $0x0  }
0x6b: {  	[sflag:s20] =	ssyncadd.s32 @!p0 $0xFFFF1570  }
0x6c: {  	_ =	sfence.sel $0x180000  }
0x6d: {  	[bflag:$0x0] =	sbarrier.arrive $0xFFFF  }
0x6e: {  	_ =	strace $0x9000004D  }
0x6f: {  	s0 =	sadd.s32 @!p0 $0x100000, s0;
	[bflag:$0x2] =	sbarrier.arrive $0xFFFF  }
0x70: {  	[sflag:s0] =	ssyncadd.tile.s32 @!p0 $0x1;
	_ =	shalt  }
.Lfunc_end2:
_tile_overlayer_lowered:
.L_overlay_start_2:
0x71: {  	(tag) =	ssettag $0x2  }
0x72: {  	s0 =	rddreg [dreg:$0x0];
	s2 =	stileid.u32  }
0x73: {  	s1 =	rddreg [dreg:$0x1];
	p0 =	sne.s32 s2, $0x0  }
0x74: {  	s3 =	rddreg [dreg:$0x2];
	[bflag:$0x3] =	sbarrier.arrive $0xFFFF;
	s2 =	simm.s32 @!p0 $0x1C02  }
0x75: {  	[timem:s3], [sflag:s2] =	dma.local @!p0 [hbm:s0], s1  }
0x76: {  	s0 =	simm.s32 @!p0 $0x2  }
0x77: {  	_ =	swait.ge @!p0 [sflag:s0], s1  }
0x78: {  	s1 =	ssub.s32 @!p0 $0x0, s1;
	[sflag:s0] =	ssyncset.done @!p0 $0x0  }
0x79: {  	[sflag:s0] =	ssyncadd.s32 @!p0 s1  }
0x7a: {  	[bflag:$0x3] =	sbarrier.arrive $0xFFFF  }
0x7b: {  	_ =	shalt  }

// kernel: sc_pass1.3.cloned.1.call-start
scs
__scs_entry_jumppad:
0x0: {  	(pc) =	sbr.rel $0x88, $3  }
0x1: {  	(tag) =	ssettag $0x0;
	lr =	simm.s32 $0x1  }
0x2: {  	[smem:$0x3F8D] =	sst lr;
	_ =	strace $0xD0000000  }
0x3: {  	_ = 	snop  }
0x4: {  	_ = 	snop  }
0x5: {  	_ = 	snop  }
0x6: {  	_ = 	snop  }
0x7: {  	_ = 	snop  }
__scs_overlays_trampoline_lowered:
0x8: {  	[smem:$0x3F9C] =	sst s0  }
0x9: {  	[smem:$0x3F9D] =	sst s1  }
0xa: {  	[smem:$0x3F9E] =	sst s2  }
0xb: {  	[smem:$0x3F9F] =	sst s3  }
0xc: {  	[smem:$0x3FA0] =	sst s4  }
0xd: {  	[smem:$0x3FA1] =	sst s5  }
0xe: {  	[smem:$0x3FA2] =	sst s6  }
0xf: {  	[smem:$0x3FA3] =	sst s7  }
0x10: {  	[smem:$0x3FA4] =	sst s8  }
0x11: {  	[smem:$0x3FA5] =	sst s9;
	s0 =	simm.s32 @!p0 $0x0  }
0x12: {  	s1 =	sld [smem:$0x3F8B];
	s0 =	simm.s32 @p0 $0x1  }
0x13: {  	[smem:$0x3FA6] =	sst s0;
	s0 =	simm.s32 @!p1 $0x0  }
0x14: {  	s2 =	sld [smem:$0x3F8A];
	s0 =	simm.s32 @p1 $0x1  }
0x15: {  	[smem:$0x3FA7] =	sst s0;
	s0 =	simm.s32 @!p2 $0x0  }
0x16: {  	s3 =	sld [smem:$0x3FDB];
	s0 =	simm.s32 @p2 $0x1  }
0x17: {  	s4 =	simm.s32 $0x1BF5;
	[smem:$0x3FA9] =	sst s0  }
0x18: {  	s0 =	sld [smem:$0x3F8C];
	_ =	swait.ge [sflag:s4], $0x0  }
0x19: {  	s7 =	sld [smem:$0x3F8D]  }
0x1a: {  	s8 =	sadd.s32 $0xFFFFE003, lr  }
0x1b: {  	s9 =	sadd.s32 $0xFFFFFEF7, lr;
	s5 =	simm.s32 $0xFFFFFFFF;
	p2 =	slt.u32 s8, $0xFFFFF086  }
0x1c: {  	p1 =	slt.u32 s9, $0xF7A;
	s5 =	simm.s32 @!p2 $0x0  }
0x1d: {  	s5 =	simm.s32 @p1 $0x1;
	p0 =	seq.s32 s7, s2  }
0x1e: {  	s7 =	smul.u32 @!p0 $0xF7A, s2;
	p2 =	seq.s32 @!p0 s5, $0x0  }
0x1f: {  	s9 =	smul.u32 $0xF7A, s1;
	s8 =	simm.s32 @!p0 $0x1BF5;
	p2 =	por !p2, p0  }
0x20: {  	[sflag:s8] =	ssyncset.s32 @!p0 $0xFFFFF086;
	s6 =	sadd.s32 @!p0 s3, s7;
	s7 =	simm.s32 @!p0 $0x108  }
0x21: {  	s3 =	sadd.s32 s3, s9;
	s6 =	sadd.s32 @!p0 $0x88, s6;
	s7 =	simm.s32 @p2 $0x1082  }
0x22: {  	[simem:s7], [sflag:s8] =	dma.local @!p0 [hbm:s6], $0xF7A  }
0x23: {  	s9 =	sor.u32 $0xD0000000, s2;
	s6 =	simm.s32 $0x108;
	_ =	swait.ge @!p0 [sflag:s8], $0x0  }
0x24: {  	s3 =	sadd.s32 $0x88, s3;
	s6 =	simm.s32 @!p1 $0x1082;
	[sflag:s4] =	ssyncset.s32 $0xFFFFF086  }
0x25: {  	[simem:s6], [sflag:s4] =	dma.local [hbm:s3], $0xF7A  }
0x26: {  	[smem:$0x3F8D] =	sst s1;
	(tag) =	ssettag s2;
	_ =	strace s9  }
0x27: {  	s1 =	sld [smem:$0x3F9D]  }
0x28: {  	s2 =	sld [smem:$0x3F9E]  }
0x29: {  	s4 =	sld [smem:$0x3FA0]  }
0x2a: {  	p0 =	seq.s32 s5, $0x0;
	s5 =	sld [smem:$0x3FA1]  }
0x2b: {  	s6 =	sld [smem:$0x3FA2]  }
0x2c: {  	s7 =	sld [smem:$0x3FA3]  }
0x2d: {  	s3 =	simm.s32 $0x108;
	s8 =	sld [smem:$0x3FA4]  }
0x2e: {  	s3 =	simm.s32 @!p0 $0x1082;
	s9 =	sld [smem:$0x3FA5]  }
0x2f: {  	lr =	sadd.s32 s0, s3;
	s0 =	sld [smem:$0x3F9C]  }
0x30: {  	s3 =	sld [smem:$0x3F9F]  }
0x31: {  	[smem:$0x3FA8] =	sst s10  }
0x32: {  	s10 =	sld [smem:$0x3FA6];
	_ =	sdelay $0x3  }
0x33: {  	p0 =	seq.s32 s10, $0x1;
	s10 =	sld [smem:$0x3FA8];
	_ =	sdelay $0x3  }
0x34: {  	[smem:$0x3FA8] =	sst s10  }
0x35: {  	s10 =	sld [smem:$0x3FA7];
	_ =	sdelay $0x3  }
0x36: {  	p1 =	seq.s32 s10, $0x1;
	s10 =	sld [smem:$0x3FA8];
	_ =	sdelay $0x3  }
0x37: {  	[smem:$0x3FA8] =	sst s10  }
0x38: {  	s10 =	sld [smem:$0x3FA9]  }
0x39: {  	_ = 	snop;
	(pc) =	sbr.ind lr, $3  }
0x3a: {  	_ = 	snop  }
0x3b: {  	_ = 	snop  }
0x3c: {  	p2 =	seq.s32 s10, $0x1;
	s10 =	sld [smem:$0x3FA8]  }
0x3d: {  	_ =	shalt  }
0x3e: {  	_ =	shalt  }
0x3f: {  	_ =	shalt  }
0x40: {  	_ =	shalt  }
0x41: {  	_ =	shalt  }
0x42: {  	_ =	shalt  }
0x43: {  	_ =	shalt  }
0x44: {  	_ =	shalt  }
0x45: {  	_ =	shalt  }
0x46: {  	_ =	shalt  }
0x47: {  	_ =	shalt  }
0x48: {  	_ =	shalt  }
0x49: {  	_ =	shalt  }
0x4a: {  	_ =	shalt  }
0x4b: {  	_ =	shalt  }
0x4c: {  	_ =	shalt  }
0x4d: {  	_ =	shalt  }
0x4e: {  	_ =	shalt  }
0x4f: {  	_ =	shalt  }
0x50: {  	_ =	shalt  }
0x51: {  	_ =	shalt  }
0x52: {  	_ =	shalt  }
0x53: {  	_ =	shalt  }
0x54: {  	_ =	shalt  }
0x55: {  	_ =	shalt  }
0x56: {  	_ =	shalt  }
0x57: {  	_ =	shalt  }
0x58: {  	_ =	shalt  }
0x59: {  	_ =	shalt  }
0x5a: {  	_ =	shalt  }
0x5b: {  	_ =	shalt  }
0x5c: {  	_ =	shalt  }
0x5d: {  	_ =	shalt  }
0x5e: {  	_ =	shalt  }
0x5f: {  	_ =	shalt  }
0x60: {  	_ =	shalt  }
0x61: {  	_ =	shalt  }
0x62: {  	_ =	shalt  }
0x63: {  	_ =	shalt  }
0x64: {  	_ =	shalt  }
0x65: {  	_ =	shalt  }
0x66: {  	_ =	shalt  }
0x67: {  	_ =	shalt  }
0x68: {  	_ =	shalt  }
0x69: {  	_ =	shalt  }
0x6a: {  	_ =	shalt  }
0x6b: {  	_ =	shalt  }
0x6c: {  	_ =	shalt  }
0x6d: {  	_ =	shalt  }
0x6e: {  	_ =	shalt  }
0x6f: {  	_ =	shalt  }
0x70: {  	_ =	shalt  }
0x71: {  	_ =	shalt  }
0x72: {  	_ =	shalt  }
0x73: {  	_ =	shalt  }
0x74: {  	_ =	shalt  }
0x75: {  	_ =	shalt  }
0x76: {  	_ =	shalt  }
0x77: {  	_ =	shalt  }
0x78: {  	_ =	shalt  }
0x79: {  	_ =	shalt  }
0x7a: {  	_ =	shalt  }
0x7b: {  	_ =	shalt  }
0x7c: {  	_ =	shalt  }
0x7d: {  	_ =	shalt  }
0x7e: {  	_ =	shalt  }
0x7f: {  	_ =	shalt  }
0x80: {  	_ =	shalt  }
0x81: {  	_ =	shalt  }
0x82: {  	_ =	shalt  }
0x83: {  	_ =	shalt  }
0x84: {  	_ =	shalt  }
0x85: {  	_ =	shalt  }
0x86: {  	_ =	shalt  }
0x87: {  	_ =	shalt  }
.Lfunc_end0:
.L_simem_size_0:
called_computation_lowered:
.L_overlay_start_0:
0x88: {  	s2 =	sld [smem:$0x3FD9]  }
0x89: {  	s3 =	sld [smem:$0x3FFE];
	_ =	sdelay $0x1  }
0x8a: {  	s1 =	srdreg.scid  }
0x8b: {  	s0 =	sand.u32 $0x1, s1  }
0x8c: {  	s14 =	sshll.u32 s0, $0xA;
	s2 =	sadd.s32 s3, s2  }
0x8d: {  	s2 =	sadd.s32 s2, s14  }
0x8e: {  	[smem:$0x3FB4] =	sst s2  }
0x8f: {  	_ = 	snop  }
0x90: {  	s2 =	sld [smem:$0x3FD0];
	_ =	sdelay $0x2  }
0x91: {  	s15 =	simm.s32 $0xD;
	s4 =	simm.s32 $0x10  }
0x92: {  	[smem:s4], [sflag:s15] =	dma.local [hbm:s2], $0x1  }
0x93: {  	_ =	swait.eq [sflag:s15], $0x1  }
0x94: {  	[sflag:s15] =	ssyncset.done $0x0  }
0x95: {  	[sflag:s15] =	ssyncadd.s32 $0xFFFFFFFF  }
0x96: {  	s16 =	sld [smem:$0x10];
	(tm) =	ssettm $0x1  }
0x97: {  	s17 =	sld [smem:$0x3FFB];
	_ =	sdelay $0x3  }
0x98: {  	_ =	strace s17  }
0x99: {  	s3 =	sld [smem:$0x3FFC];
	_ =	sdelay $0x3  }
0x9a: {  	_ =	strace s3  }
0x9b: {  	s3 =	sld [smem:$0x3FFD];
	_ =	sdelay $0x3  }
0x9c: {  	_ =	strace s3  }
0x9d: {  	_ =	strace $0x8FFFFFFF  }
0x9e: {  	s18 =	sld [smem:$0x3FDB];
	_ =	sdelay $0x1  }
0x9f: {  	s19 =	simm.s32 $_scs_section_size  }
0xa0: {  	s5 =	simm.s32 $_size__tile_overlayer_lowered;
	s6 =	simm.s32 $_tile_overlayer_lowered  }
0xa1: {  	s22 =	simm.s32 $0x1BFF;
	s21 =	sshll.u32 s6, $0x1;
	s3 =	sadd.s32 s19, s18  }
0xa2: {  	s7 =	simm.s32 $0x0;
	s20 =	sshll.u32 s5, $0x1;
	s5 =	sadd.s32 s21, s3  }
0xa3: {  	[timem:s7], [sflag:s22] =	dma.local [hbm:s5], s20  }
0xa4: {  	_ =	swait.ge [sflag:s22], s20  }
0xa5: {  	s4 =	ssub.s32 $0x0, s20;
	[sflag:s22] =	ssyncset.done $0x0  }
0xa6: {  	[sflag:s22] =	ssyncadd.s32 s4;
	_ =	sdelay $0x1  }
0xa7: {  	s23 =	simm.s32 $0x1B8B  }
0xa8: {  	_ =	swait.ge [sflag:s23], $0x1  }
0xa9: {  	[sflag:s23] =	ssyncset.done $0x0  }
0xaa: {  	s25 =	simm.s32 $0x1B8E;
	s24 =	sld [smem:$0x3FFE];
	[sflag:s23] =	ssyncadd.s32 $0xFFFFFFFF  }
0xab: {  	s26 =	simm.s32 $execute0_lowered;
	[smem:$0x3FD2] =	sst s25  }
0xac: {  	s5 =	sshll.u32 s26, $0x1;
	_ =	strace $0x80000046;
	[dreg:$0x1] =	wrdreg $0xFFFFFFFF  }
0xad: {  	s28 =	simm.s32 $_size_execute0_lowered;
	s3 =	sadd.s32 s3, s5;
	[dreg:$0x0] =	wrdreg $0x0  }
0xae: {  	s5 =	sshll.u32 s28, $0x1;
	[dreg:$0x2] =	wrdreg s3  }
0xaf: {  	[dreg:$0x3] =	wrdreg s5  }
0xb0: {  	[dreg:$0x4] =	wrdreg $0xC0  }
0xb1: {  	_ =	task [dreg:s7], $0x5FFFF  }
0xb2: {  	[dreg:$0x1] =	wrdreg $0xFFFFFFFF  }
0xb3: {  	[dreg:$0x0] =	wrdreg $0x60  }
0xb4: {  	[dreg:$0x2] =	wrdreg s24  }
0xb5: {  	[dreg:$0x3] =	wrdreg s16  }
0xb6: {  	[dreg:$0x4] =	wrdreg $0x118000  }
0xb7: {  	[dreg:$0x5] =	wrdreg $0xA  }
0xb8: {  	_ =	task.clear_ibuf [dreg:s7], $0x6FFFF;
	_ =	strace $0x90000046  }
0xb9: {  	s29 =	simm.s32 $0xA;
	_ =	strace $0x80000048  }
0xba: {  	_ =	swait.ge [sflag:s29], $0x1  }
0xbb: {  	[sflag:s29] =	ssyncadd.s32 $0xFFFFFFFF  }
0xbc: {  	_ =	strace $0x90000048  }
0xbd: {  	_ =	sfence  }
0xbe: {  	s30 =	sld [smem:$0x0];
	_ =	sdelay $0x2  }
0xbf: {  	s31 =	sshll.u32 s1, $0xD;
	s1 =	sshrl.u32 s1, $0x2  }
0xc0: {  	s3 =	sand.u32 $0x4000, s31;
	s1 =	sadd.s32 s1, s30  }
0xc1: {  	s0 =	sor.u32 s3, s0;
	s1 =	sshll.u32 s1, $0x11  }
0xc2: {  	s0 =	sor.u32 s1, s0  }
0xc3: {  	s0 =	sadd.s32 $0x8F2B, s0  }
0xc4: {  	[sflag:s0] =	ssyncadd.remote.s32 $0x1  }
0xc5: {  	_ =	sfence.sel $0xFFFF  }
0xc6: {  	[dreg:$0x0] =	wrdreg $0xFFFFFFFF;
	(pc) =	sbr.abs _section_cstart, $3  }
0xc7: {  	[dreg:$0x1] =	wrdreg $0xFFFFFFFF  }
0xc8: {  	_ =	task.clear_ibuf [dreg:s7], $0x2FFFF;
	_ =	strace $0x9FFFFFFF  }
0xc9: {  	(tm) =	ssettm $0x7FFFFFFF  }
tec
execute0_lowered:
.L_overlay_start_1:
0x0: {  	(tag) =	ssettag $0x1  }
0x1: {  	s4 =	rddreg [dreg:$0x0]  }
0x2: {  	s7 =	rddreg [dreg:$0x1];
	s0 =	srdreg.scid  }
0x3: {  	s8 =	stileid.u32;
	s1 =	rddreg [dreg:$0x2];
	s2 =	simm.s32 $0x0  }
0x4: {  	s12 =	simm.s32 $0x80;
	s13 =	simm.s32 $0xC800;
	s14 =	simm.s32 $0xF000  }
0x5: {  	s15 =	simm.s32 $0x1;
	s16 =	simm.s32 $0x6380;
	s17 =	simm.s32 $0xC700  }
0x6: {  	s18 =	simm.s32 $0xC780;
	s5 =	sand.u32 $0x1, s0;
	s0 =	rddreg [dreg:$0x3]  }
0x7: {  	s19 =	simm.s32 $0x0;
	s3 =	sshll.u32 s8, $0x1;
	[smem:$0x7FF] =	sst s2  }
0x8: {  	p0 =	sne.s32 s8, $0x0;
	s3 =	sor.u32 s5, s3;
	s9 =	ssub.s32 $0x2, s5  }
0x9: {  	_ =	strace $0x80000047;
	s11 =	smul.u32 $0x186F0, s5;
	s10 =	sshrl.u32 s9, $0x1  }
0xa: {  	s6 =	smul.u32 $0xC80, s3;
	s3 =	sadd.s32 $0x5200, s4;
	s9 =	ssub.s32 s9, s10  }
0xb: {  	s7 =	sadd.s32 s7, s11;
	s10 =	simm.s32 $0x2;
	s11 =	simm.s32 $0x6400  }
0xc: {  	s6 =	sadd.s32 s6, s4;
	s4 =	sadd.s32 $0x18BE00, s4;
	s8 =	smax.u32 s9, $0x1  }
0xd: {  	s9 =	sshrl.u32 @!p0 s1, $0x3;
	s5 =	sadd.s32 $0x7F400, s6;
	s6 =	sadd.s32 $0x99400, s6  }
.LBB2_1:
0xe: {  	s20 =	simm.s32 @!p0 $0x1C02  }
0xf: {  	[spmem:s9], [sflag:s20] =	dma.local @!p0 [hbm:s4], $0x186F0  }
0x10: {  	s20 =	simm.s32 @!p0 $0x2  }
0x11: {  	_ =	swait.ge @!p0 [sflag:s20], $0x186F0  }
0x12: {  	[sflag:s20] =	ssyncset.done @!p0 $0x0  }
0x13: {  	[sflag:s20] =	ssyncadd.s32 @!p0 $0xFFFE7910  }
0x14: {  	[tilespmem:s2], [sflag:$0x2] =	stream.linear.gather [hbm4b:s5+s2], $0x6400, $0x38;
	[tilespmem:$0x1DB78] =	vst v63  }
0x15: {  	_ =	swait.ge [sflag:s10], $0x6400  }
0x16: {  	[sflag:s10] =	ssyncset.done $0x0  }
0x17: {  	[sflag:s10] =	ssyncadd.s32 $0xFFFF9C00  }
0x18: {  	[tilespmem:s11], [sflag:$0x2] =	stream.linear.gather [hbm4b:s6+s2], $0x6400, $0x38;
	[tilespmem:$0x1DB78] =	vst v63  }
0x19: {  	_ =	swait.ge [sflag:s10], $0x6400  }
0x1a: {  	[sflag:s10] =	ssyncset.done $0x0  }
0x1b: {  	[sflag:s10] =	ssyncadd.s32 $0xFFFF9C00  }
0x1c: {  	[bflag:$0x0] =	sbarrier.arrive $0xFFFF  }
0x1d: {  	[tilespmem:s13], [sflag:$0x1] =	stream.indirect.gather [hbm4b:s3+s12], $0x50, s2, s12, $0xb8;
	[tilespmem:$0x1DB78] =	vst v63  }
0x1e: {  	s28 =	simm.s32 $0x80  }
0x1f: {  	[tilespmem:s14], [sflag:$0x1] =	stream.indirect.gather [hbm4b:s3+s12], $0x50, s28, s12, $0xb8;
	[tilespmem:$0x1DB78] =	vst v63  }
0x20: {  	_ =	swait.ge [sflag:s15], $0x2800  }
0x21: {  	[sflag:s15] =	ssyncset.done $0x0  }
0x22: {  	s29 =	simm.s32 $0x6400;
	[sflag:s15] =	ssyncadd.s32 $0xFFFFD800  }
0x23: {  	[spmem:s1] =	stream.indirect.scatter.add.f32 [tilespmem:s13], [sflag:$0x2], $0x50, s29, s12, $0xb8;
	[tilespmem:$0x1DB78] =	vst v63  }
0x24: {  	_ =	swait.ge [sflag:s10], $0x2800  }
0x25: {  	[sflag:s10] =	ssyncset.done $0x0  }
0x26: {  	s30 =	simm.s32 $0x100;
	[sflag:s10] =	ssyncadd.s32 $0xFFFFD800  }
0x27: {  	[tilespmem:s13], [sflag:$0x1] =	stream.indirect.gather [hbm4b:s3+s12], $0x50, s30, s12, $0xb8;
	[tilespmem:$0x1DB78] =	vst v63  }
0x28: {  	_ =	swait.ge [sflag:s15], $0x2800  }
0x29: {  	[sflag:s15] =	ssyncset.done $0x0  }
0x2a: {  	s31 =	simm.s32 $0x6480;
	[sflag:s15] =	ssyncadd.s32 $0xFFFFD800  }
0x2b: {  	[spmem:s1] =	stream.indirect.scatter.add.f32 [tilespmem:s14], [sflag:$0x2], $0x50, s31, s12, $0xb8;
	[tilespmem:$0x1DB78] =	vst v63  }
0x2c: {  	_ =	swait.ge [sflag:s10], $0x2800  }
0x2d: {  	s21 =	simm.s32 $0x800;
	s20 =	simm.s32 $0x100;
	[sflag:s10] =	ssyncset.done $0x0  }
.LBB2_2:
0x2e: {  	s22 =	sadd.s32 $0x80, s20  }
0x2f: {  	[sflag:s10] =	ssyncadd.s32 $0xFFFFD800;
	s23 =	smov.u32 s21;
	s24 =	sadd.s32 $0x400, s21  }
0x30: {  	[tilespmem:s14], [sflag:$0x1] =	stream.indirect.gather [hbm4b:s3+s12], $0x50, s22, s12, $0xb8;
	[tilespmem:$0x1DB78] =	vst v63  }
0x31: {  	p1 =	sne.s32 s21, $0x18800;
	_ =	swait.ge [sflag:s15], $0x2800  }
0x32: {  	[sflag:s15] =	ssyncset.done $0x0  }
0x33: {  	s21 =	sadd.s32 $0x6400, s20;
	[sflag:s15] =	ssyncadd.s32 $0xFFFFD800  }
0x34: {  	[spmem:s1] =	stream.indirect.scatter.add.f32 [tilespmem:s13], [sflag:$0x2], $0x50, s21, s12, $0xb8;
	[tilespmem:$0x1DB78] =	vst v63  }
0x35: {  	_ =	swait.ge [sflag:s10], $0x2800  }
0x36: {  	[sflag:s10] =	ssyncset.done $0x0  }
0x37: {  	s21 =	sadd.s32 $0x100, s20;
	[sflag:s10] =	ssyncadd.s32 $0xFFFFD800  }
0x38: {  	[tilespmem:s13], [sflag:$0x1] =	stream.indirect.gather [hbm4b:s3+s12], $0x50, s21, s12, $0xb8;
	[tilespmem:$0x1DB78] =	vst v63  }
0x39: {  	_ =	swait.ge [sflag:s15], $0x2800  }
.Ltmp0:
0x3a: {  	[sflag:s15] =	ssyncset.done $0x0;
	(pc) =	sbr.rel @p1 .LBB2_2-.Ltmp0, $4  }
0x3b: {  	s20 =	sadd.s32 $0x6480, s20;
	[sflag:s15] =	ssyncadd.s32 $0xFFFFD800  }
0x3c: {  	[spmem:s1] =	stream.indirect.scatter.add.f32 [tilespmem:s14], [sflag:$0x2], $0x50, s20, s12, $0xb8;
	[tilespmem:$0x1DB78] =	vst v63  }
0x3d: {  	_ =	swait.ge [sflag:s10], $0x2800  }
0x3e: {  	s21 =	smov.u32 s24;
	s20 =	sshra.s32 s23, $0x2;
	[sflag:s10] =	ssyncset.done $0x0  }
0x3f: {  	s21 =	sadd.s32 $0x80, s20;
	[sflag:s10] =	ssyncadd.s32 $0xFFFFD800  }
0x40: {  	[tilespmem:s14], [sflag:$0x1] =	stream.indirect.gather [hbm4b:s3+s12], $0x50, s21, s12, $0xb8;
	[tilespmem:$0x1DB78] =	vst v63  }
0x41: {  	_ =	swait.ge [sflag:s15], $0x2800  }
0x42: {  	[sflag:s15] =	ssyncset.done $0x0  }
0x43: {  	s29 =	sadd.s32 $0x6400, s20;
	[sflag:s15] =	ssyncadd.s32 $0xFFFFD800  }
0x44: {  	[spmem:s1] =	stream.indirect.scatter.add.f32 [tilespmem:s13], [sflag:$0x2], $0x50, s29, s12, $0xb8;
	[tilespmem:$0x1DB78] =	vst v63  }
0x45: {  	_ =	swait.ge [sflag:s10], $0x2800  }
0x46: {  	[sflag:s10] =	ssyncset.done $0x0  }
0x47: {  	s30 =	sadd.s32 $0x100, s20;
	[sflag:s10] =	ssyncadd.s32 $0xFFFFD800  }
0x48: {  	[tilespmem:s13], [sflag:$0x1] =	stream.indirect.gather [hbm4b:s3+s12], $0x50, s30, s12, $0xb8;
	[tilespmem:$0x1DB78] =	vst v63  }
0x49: {  	_ =	swait.ge [sflag:s15], $0x2800  }
0x4a: {  	[sflag:s15] =	ssyncset.done $0x0  }
0x4b: {  	s31 =	sadd.s32 $0x6480, s20;
	[sflag:s15] =	ssyncadd.s32 $0xFFFFD800  }
0x4c: {  	[spmem:s1] =	stream.indirect.scatter.add.f32 [tilespmem:s14], [sflag:$0x2], $0x50, s31, s12, $0xb8;
	[tilespmem:$0x1DB78] =	vst v63  }
0x4d: {  	_ =	swait.ge [sflag:s10], $0x2800  }
0x4e: {  	[sflag:s10] =	ssyncset.done $0x0  }
0x4f: {  	[sflag:s10] =	ssyncadd.s32 $0xFFFFD800  }
0x50: {  	[tilespmem:s14], [sflag:$0x1] =	stream.indirect.gather [hbm4b:s3+s12], $0x50, s16, s12, $0xb8;
	[tilespmem:$0x1DB78] =	vst v63  }
0x51: {  	_ =	swait.ge [sflag:s15], $0x2800  }
0x52: {  	[sflag:s15] =	ssyncset.done $0x0  }
0x53: {  	[sflag:s15] =	ssyncadd.s32 $0xFFFFD800  }
0x54: {  	[spmem:s1] =	stream.indirect.scatter.add.f32 [tilespmem:s13], [sflag:$0x2], $0x50, s17, s12, $0xb8;
	[tilespmem:$0x1DB78] =	vst v63  }
0x55: {  	_ =	swait.ge [sflag:s10], $0x2800  }
0x56: {  	[sflag:s10] =	ssyncset.done $0x0  }
0x57: {  	[sflag:s10] =	ssyncadd.s32 $0xFFFFD800  }
0x58: {  	[tilespmem:s13], [sflag:$0x1] =	stream.indirect.gather [hbm4b:s3+s12], $0x50, s16, s12, $0xb8;
	[tilespmem:$0x1DB78] =	vst v63  }
0x59: {  	_ =	swait.ge [sflag:s15], $0x2800  }
0x5a: {  	[sflag:s15] =	ssyncset.done $0x0  }
0x5b: {  	[sflag:s15] =	ssyncadd.s32 $0xFFFFD800  }
0x5c: {  	[spmem:s1] =	stream.indirect.scatter.add.f32 [tilespmem:s14], [sflag:$0x2], $0x50, s18, s12, $0xb8;
	[tilespmem:$0x1DB78] =	vst v63  }
0x5d: {  	_ =	swait.ge [sflag:s10], $0x2800  }
0x5e: {  	[sflag:s10] =	ssyncset.done $0x0  }
0x5f: {  	[sflag:s10] =	ssyncadd.s32 $0xFFFFD800  }
0x60: {  	_ =	swait.ge [sflag:s15], $0x2800  }
0x61: {  	[sflag:s15] =	ssyncset.done $0x0  }
0x62: {  	s19 =	sadd.s32 $0x1, s19;
	[sflag:s15] =	ssyncadd.s32 $0xFFFFD800  }
0x63: {  	s20 =	simm.s32 @!p0 $0x1C02;
	p1 =	sne.s32 s19, s8;
	[bflag:$0x0] =	sbarrier.arrive $0xFFFF  }
0x64: {  	[hbm:s7], [sflag:s20] =	dma.local @!p0 [spmem:s9], $0x186F0  }
.Ltmp1:
0x65: {  	_ = 	snop;
	(pc) =	sbr.rel @p1 .LBB2_1-.Ltmp1, $4  }
0x66: {  	s20 =	simm.s32 @!p0 $0x2  }
0x67: {  	_ =	swait.ge @!p0 [sflag:s20], $0x186F0  }
0x68: {  	[sflag:s20] =	ssyncset.done @!p0 $0x0  }
0x69: {  	[sflag:s20] =	ssyncadd.s32 @!p0 $0xFFFE7910  }
0x6a: {  	_ =	sfence.sel $0x180000  }
0x6b: {  	[bflag:$0x0] =	sbarrier.arrive $0xFFFF  }
0x6c: {  	_ =	strace $0x90000047  }
0x6d: {  	s0 =	sadd.s32 @!p0 $0x100000, s0;
	[bflag:$0x2] =	sbarrier.arrive $0xFFFF  }
0x6e: {  	[sflag:s0] =	ssyncadd.tile.s32 @!p0 $0x1;
	_ =	shalt  }
.Lfunc_end2:
_tile_overlayer_lowered:
.L_overlay_start_2:
0x6f: {  	(tag) =	ssettag $0x2  }
0x70: {  	s0 =	rddreg [dreg:$0x0];
	s2 =	stileid.u32  }
0x71: {  	s1 =	rddreg [dreg:$0x1];
	p0 =	sne.s32 s2, $0x0  }
0x72: {  	s3 =	rddreg [dreg:$0x2];
	[bflag:$0x3] =	sbarrier.arrive $0xFFFF;
	s2 =	simm.s32 @!p0 $0x1C02  }
0x73: {  	[timem:s3], [sflag:s2] =	dma.local @!p0 [hbm:s0], s1  }
0x74: {  	s0 =	simm.s32 @!p0 $0x2  }
0x75: {  	_ =	swait.ge @!p0 [sflag:s0], s1  }
0x76: {  	s1 =	ssub.s32 @!p0 $0x0, s1;
	[sflag:s0] =	ssyncset.done @!p0 $0x0  }
0x77: {  	[sflag:s0] =	ssyncadd.s32 @!p0 s1  }
0x78: {  	[bflag:$0x3] =	sbarrier.arrive $0xFFFF  }
0x79: {  	_ =	shalt  }

// kernel: sc_pass_a.3.cloned.1.call-start
scs
__scs_entry_jumppad:
0x0: {  	(pc) =	sbr.rel $0x88, $3  }
0x1: {  	(tag) =	ssettag $0x0;
	lr =	simm.s32 $0x1  }
0x2: {  	[smem:$0x3F8D] =	sst lr;
	_ =	strace $0xD0000000  }
0x3: {  	_ = 	snop  }
0x4: {  	_ = 	snop  }
0x5: {  	_ = 	snop  }
0x6: {  	_ = 	snop  }
0x7: {  	_ = 	snop  }
__scs_overlays_trampoline_lowered:
0x8: {  	[smem:$0x3F9C] =	sst s0  }
0x9: {  	[smem:$0x3F9D] =	sst s1  }
0xa: {  	[smem:$0x3F9E] =	sst s2  }
0xb: {  	[smem:$0x3F9F] =	sst s3  }
0xc: {  	[smem:$0x3FA0] =	sst s4  }
0xd: {  	[smem:$0x3FA1] =	sst s5  }
0xe: {  	[smem:$0x3FA2] =	sst s6  }
0xf: {  	[smem:$0x3FA3] =	sst s7  }
0x10: {  	[smem:$0x3FA4] =	sst s8  }
0x11: {  	[smem:$0x3FA5] =	sst s9;
	s0 =	simm.s32 @!p0 $0x0  }
0x12: {  	s1 =	sld [smem:$0x3F8B];
	s0 =	simm.s32 @p0 $0x1  }
0x13: {  	[smem:$0x3FA6] =	sst s0;
	s0 =	simm.s32 @!p1 $0x0  }
0x14: {  	s2 =	sld [smem:$0x3F8A];
	s0 =	simm.s32 @p1 $0x1  }
0x15: {  	[smem:$0x3FA7] =	sst s0;
	s0 =	simm.s32 @!p2 $0x0  }
0x16: {  	s3 =	sld [smem:$0x3FDB];
	s0 =	simm.s32 @p2 $0x1  }
0x17: {  	s4 =	simm.s32 $0x1BF5;
	[smem:$0x3FA9] =	sst s0  }
0x18: {  	s0 =	sld [smem:$0x3F8C];
	_ =	swait.ge [sflag:s4], $0x0  }
0x19: {  	s7 =	sld [smem:$0x3F8D]  }
0x1a: {  	s8 =	sadd.s32 $0xFFFFE003, lr  }
0x1b: {  	s9 =	sadd.s32 $0xFFFFFEF7, lr;
	s5 =	simm.s32 $0xFFFFFFFF;
	p2 =	slt.u32 s8, $0xFFFFF086  }
0x1c: {  	p1 =	slt.u32 s9, $0xF7A;
	s5 =	simm.s32 @!p2 $0x0  }
0x1d: {  	s5 =	simm.s32 @p1 $0x1;
	p0 =	seq.s32 s7, s2  }
0x1e: {  	s7 =	smul.u32 @!p0 $0xF7A, s2;
	p2 =	seq.s32 @!p0 s5, $0x0  }
0x1f: {  	s9 =	smul.u32 $0xF7A, s1;
	s8 =	simm.s32 @!p0 $0x1BF5;
	p2 =	por !p2, p0  }
0x20: {  	[sflag:s8] =	ssyncset.s32 @!p0 $0xFFFFF086;
	s6 =	sadd.s32 @!p0 s3, s7;
	s7 =	simm.s32 @!p0 $0x108  }
0x21: {  	s3 =	sadd.s32 s3, s9;
	s6 =	sadd.s32 @!p0 $0x88, s6;
	s7 =	simm.s32 @p2 $0x1082  }
0x22: {  	[simem:s7], [sflag:s8] =	dma.local @!p0 [hbm:s6], $0xF7A  }
0x23: {  	s9 =	sor.u32 $0xD0000000, s2;
	s6 =	simm.s32 $0x108;
	_ =	swait.ge @!p0 [sflag:s8], $0x0  }
0x24: {  	s3 =	sadd.s32 $0x88, s3;
	s6 =	simm.s32 @!p1 $0x1082;
	[sflag:s4] =	ssyncset.s32 $0xFFFFF086  }
0x25: {  	[simem:s6], [sflag:s4] =	dma.local [hbm:s3], $0xF7A  }
0x26: {  	[smem:$0x3F8D] =	sst s1;
	(tag) =	ssettag s2;
	_ =	strace s9  }
0x27: {  	s1 =	sld [smem:$0x3F9D]  }
0x28: {  	s2 =	sld [smem:$0x3F9E]  }
0x29: {  	s4 =	sld [smem:$0x3FA0]  }
0x2a: {  	p0 =	seq.s32 s5, $0x0;
	s5 =	sld [smem:$0x3FA1]  }
0x2b: {  	s6 =	sld [smem:$0x3FA2]  }
0x2c: {  	s7 =	sld [smem:$0x3FA3]  }
0x2d: {  	s3 =	simm.s32 $0x108;
	s8 =	sld [smem:$0x3FA4]  }
0x2e: {  	s3 =	simm.s32 @!p0 $0x1082;
	s9 =	sld [smem:$0x3FA5]  }
0x2f: {  	lr =	sadd.s32 s0, s3;
	s0 =	sld [smem:$0x3F9C]  }
0x30: {  	s3 =	sld [smem:$0x3F9F]  }
0x31: {  	[smem:$0x3FA8] =	sst s10  }
0x32: {  	s10 =	sld [smem:$0x3FA6];
	_ =	sdelay $0x3  }
0x33: {  	p0 =	seq.s32 s10, $0x1;
	s10 =	sld [smem:$0x3FA8];
	_ =	sdelay $0x3  }
0x34: {  	[smem:$0x3FA8] =	sst s10  }
0x35: {  	s10 =	sld [smem:$0x3FA7];
	_ =	sdelay $0x3  }
0x36: {  	p1 =	seq.s32 s10, $0x1;
	s10 =	sld [smem:$0x3FA8];
	_ =	sdelay $0x3  }
0x37: {  	[smem:$0x3FA8] =	sst s10  }
0x38: {  	s10 =	sld [smem:$0x3FA9]  }
0x39: {  	_ = 	snop;
	(pc) =	sbr.ind lr, $3  }
0x3a: {  	_ = 	snop  }
0x3b: {  	_ = 	snop  }
0x3c: {  	p2 =	seq.s32 s10, $0x1;
	s10 =	sld [smem:$0x3FA8]  }
0x3d: {  	_ =	shalt  }
0x3e: {  	_ =	shalt  }
0x3f: {  	_ =	shalt  }
0x40: {  	_ =	shalt  }
0x41: {  	_ =	shalt  }
0x42: {  	_ =	shalt  }
0x43: {  	_ =	shalt  }
0x44: {  	_ =	shalt  }
0x45: {  	_ =	shalt  }
0x46: {  	_ =	shalt  }
0x47: {  	_ =	shalt  }
0x48: {  	_ =	shalt  }
0x49: {  	_ =	shalt  }
0x4a: {  	_ =	shalt  }
0x4b: {  	_ =	shalt  }
0x4c: {  	_ =	shalt  }
0x4d: {  	_ =	shalt  }
0x4e: {  	_ =	shalt  }
0x4f: {  	_ =	shalt  }
0x50: {  	_ =	shalt  }
0x51: {  	_ =	shalt  }
0x52: {  	_ =	shalt  }
0x53: {  	_ =	shalt  }
0x54: {  	_ =	shalt  }
0x55: {  	_ =	shalt  }
0x56: {  	_ =	shalt  }
0x57: {  	_ =	shalt  }
0x58: {  	_ =	shalt  }
0x59: {  	_ =	shalt  }
0x5a: {  	_ =	shalt  }
0x5b: {  	_ =	shalt  }
0x5c: {  	_ =	shalt  }
0x5d: {  	_ =	shalt  }
0x5e: {  	_ =	shalt  }
0x5f: {  	_ =	shalt  }
0x60: {  	_ =	shalt  }
0x61: {  	_ =	shalt  }
0x62: {  	_ =	shalt  }
0x63: {  	_ =	shalt  }
0x64: {  	_ =	shalt  }
0x65: {  	_ =	shalt  }
0x66: {  	_ =	shalt  }
0x67: {  	_ =	shalt  }
0x68: {  	_ =	shalt  }
0x69: {  	_ =	shalt  }
0x6a: {  	_ =	shalt  }
0x6b: {  	_ =	shalt  }
0x6c: {  	_ =	shalt  }
0x6d: {  	_ =	shalt  }
0x6e: {  	_ =	shalt  }
0x6f: {  	_ =	shalt  }
0x70: {  	_ =	shalt  }
0x71: {  	_ =	shalt  }
0x72: {  	_ =	shalt  }
0x73: {  	_ =	shalt  }
0x74: {  	_ =	shalt  }
0x75: {  	_ =	shalt  }
0x76: {  	_ =	shalt  }
0x77: {  	_ =	shalt  }
0x78: {  	_ =	shalt  }
0x79: {  	_ =	shalt  }
0x7a: {  	_ =	shalt  }
0x7b: {  	_ =	shalt  }
0x7c: {  	_ =	shalt  }
0x7d: {  	_ =	shalt  }
0x7e: {  	_ =	shalt  }
0x7f: {  	_ =	shalt  }
0x80: {  	_ =	shalt  }
0x81: {  	_ =	shalt  }
0x82: {  	_ =	shalt  }
0x83: {  	_ =	shalt  }
0x84: {  	_ =	shalt  }
0x85: {  	_ =	shalt  }
0x86: {  	_ =	shalt  }
0x87: {  	_ =	shalt  }
.Lfunc_end0:
.L_simem_size_0:
called_computation.5_lowered:
.L_overlay_start_0:
0x88: {  	s2 =	sld [smem:$0x3FD9]  }
0x89: {  	s3 =	sld [smem:$0x3FFE];
	_ =	sdelay $0x1  }
0x8a: {  	s1 =	srdreg.scid  }
0x8b: {  	s0 =	sand.u32 $0x1, s1  }
0x8c: {  	s14 =	sshll.u32 s0, $0xA;
	s2 =	sadd.s32 s3, s2  }
0x8d: {  	s2 =	sadd.s32 s2, s14  }
0x8e: {  	[smem:$0x3FB4] =	sst s2  }
0x8f: {  	_ = 	snop  }
0x90: {  	s2 =	sld [smem:$0x3FD0];
	_ =	sdelay $0x2  }
0x91: {  	s15 =	simm.s32 $0xD;
	s4 =	simm.s32 $0x10  }
0x92: {  	[smem:s4], [sflag:s15] =	dma.local [hbm:s2], $0x1  }
0x93: {  	_ =	swait.eq [sflag:s15], $0x1  }
0x94: {  	[sflag:s15] =	ssyncset.done $0x0  }
0x95: {  	s16 =	sld [smem:$0x10];
	[sflag:s15] =	ssyncadd.s32 $0xFFFFFFFF  }
0x96: {  	s17 =	sld [smem:$0x11];
	(tm) =	ssettm $0x1  }
0x97: {  	s18 =	sld [smem:$0x3FFB];
	_ =	sdelay $0x3  }
0x98: {  	_ =	strace s18  }
0x99: {  	s4 =	sld [smem:$0x3FFC];
	_ =	sdelay $0x3  }
0x9a: {  	_ =	strace s4  }
0x9b: {  	s4 =	sld [smem:$0x3FFD];
	_ =	sdelay $0x3  }
0x9c: {  	_ =	strace s4  }
0x9d: {  	_ =	strace $0x8FFFFFFF  }
0x9e: {  	s19 =	sld [smem:$0x3FDB];
	_ =	sdelay $0x1  }
0x9f: {  	s5 =	simm.s32 $_scs_section_size  }
0xa0: {  	s6 =	simm.s32 $_size__tile_overlayer_lowered;
	s7 =	simm.s32 $_tile_overlayer_lowered  }
0xa1: {  	s22 =	simm.s32 $0x1BFF;
	s21 =	sshll.u32 s7, $0x1;
	s4 =	sadd.s32 s5, s19  }
0xa2: {  	s8 =	simm.s32 $0x0;
	s20 =	sshll.u32 s6, $0x1;
	s6 =	sadd.s32 s21, s4  }
0xa3: {  	[timem:s8], [sflag:s22] =	dma.local [hbm:s6], s20  }
0xa4: {  	_ =	swait.ge [sflag:s22], s20  }
0xa5: {  	s5 =	ssub.s32 $0x0, s20;
	[sflag:s22] =	ssyncset.done $0x0  }
0xa6: {  	[sflag:s22] =	ssyncadd.s32 s5;
	_ =	sdelay $0x1  }
0xa7: {  	s23 =	simm.s32 $0x1B8B  }
0xa8: {  	_ =	swait.ge [sflag:s23], $0x1  }
0xa9: {  	[sflag:s23] =	ssyncset.done $0x0  }
0xaa: {  	s25 =	simm.s32 $0x1B8E;
	s24 =	sld [smem:$0x3FFE];
	[sflag:s23] =	ssyncadd.s32 $0xFFFFFFFF  }
0xab: {  	s26 =	simm.s32 $execute0_lowered;
	[smem:$0x3FD2] =	sst s25  }
0xac: {  	s6 =	sshll.u32 s26, $0x1;
	_ =	strace $0x80000055;
	[dreg:$0x1] =	wrdreg $0xFFFFFFFF  }
0xad: {  	s28 =	simm.s32 $_size_execute0_lowered;
	s4 =	sadd.s32 s4, s6;
	[dreg:$0x0] =	wrdreg $0x0  }
0xae: {  	s6 =	sshll.u32 s28, $0x1;
	[dreg:$0x2] =	wrdreg s4  }
0xaf: {  	[dreg:$0x3] =	wrdreg s6  }
0xb0: {  	[dreg:$0x4] =	wrdreg $0xC0  }
0xb1: {  	_ =	task [dreg:s8], $0x5FFFF  }
0xb2: {  	[dreg:$0x1] =	wrdreg $0xFFFFFFFF  }
0xb3: {  	[dreg:$0x0] =	wrdreg $0x60  }
0xb4: {  	[dreg:$0x2] =	wrdreg s17  }
0xb5: {  	[dreg:$0x3] =	wrdreg s24  }
0xb6: {  	[dreg:$0x4] =	wrdreg s16  }
0xb7: {  	[dreg:$0x5] =	wrdreg $0xF0000  }
0xb8: {  	[dreg:$0x6] =	wrdreg $0x9  }
0xb9: {  	_ =	task.clear_ibuf [dreg:s8], $0x7FFFF;
	_ =	strace $0x90000055  }
0xba: {  	s29 =	simm.s32 $0x9;
	_ =	strace $0x80000057  }
0xbb: {  	_ =	swait.ge [sflag:s29], $0x1  }
0xbc: {  	[sflag:s29] =	ssyncadd.s32 $0xFFFFFFFF  }
0xbd: {  	_ =	strace $0x90000057  }
0xbe: {  	_ =	sfence  }
0xbf: {  	s30 =	sld [smem:$0x0];
	_ =	sdelay $0x2  }
0xc0: {  	s31 =	sshll.u32 s1, $0xD;
	s1 =	sshrl.u32 s1, $0x2  }
0xc1: {  	s3 =	sand.u32 $0x4000, s31;
	s1 =	sadd.s32 s1, s30  }
0xc2: {  	s0 =	sor.u32 s3, s0;
	s1 =	sshll.u32 s1, $0x11  }
0xc3: {  	s0 =	sor.u32 s1, s0  }
0xc4: {  	s0 =	sadd.s32 $0x8F2B, s0  }
0xc5: {  	[sflag:s0] =	ssyncadd.remote.s32 $0x1  }
0xc6: {  	_ =	sfence.sel $0xFFFF  }
0xc7: {  	[dreg:$0x0] =	wrdreg $0xFFFFFFFF;
	(pc) =	sbr.abs _section_cstart, $3  }
0xc8: {  	[dreg:$0x1] =	wrdreg $0xFFFFFFFF  }
0xc9: {  	_ =	task.clear_ibuf [dreg:s8], $0x2FFFF;
	_ =	strace $0x9FFFFFFF  }
0xca: {  	(tm) =	ssettm $0x7FFFFFFF  }
0xcb: {  	_ =	shalt  }
tec
execute0_lowered:
.L_overlay_start_1:
0x0: {  	(tag) =	ssettag $0x1  }
0x1: {  	s0 =	rddreg [dreg:$0x0]  }
0x2: {  	s5 =	rddreg [dreg:$0x1]  }
0x3: {  	s8 =	rddreg [dreg:$0x2];
	s1 =	srdreg.scid  }
0x4: {  	s9 =	stileid.u32;
	s2 =	rddreg [dreg:$0x3];
	s3 =	simm.s32 $0x0  }
0x5: {  	s13 =	simm.s32 $0x80;
	s14 =	simm.s32 $0xC800;
	s15 =	simm.s32 $0xD800  }
0x6: {  	s16 =	simm.s32 $0xD000;
	s17 =	simm.s32 $0xE000;
	s18 =	simm.s32 $0x1  }
0x7: {  	s19 =	simm.s32 $0xE800;
	s6 =	sand.u32 $0x1, s1;
	s1 =	rddreg [dreg:$0x4]  }
0x8: {  	s20 =	simm.s32 $0x0;
	s4 =	sshll.u32 s9, $0x1;
	[smem:$0x7FF] =	sst s3  }
0x9: {  	p0 =	sne.s32 s9, $0x0;
	s4 =	sor.u32 s6, s4;
	s10 =	ssub.s32 $0x2, s6  }
0xa: {  	_ =	strace $0x80000056;
	s12 =	smul.u32 $0x186B0, s6;
	s11 =	sshrl.u32 s10, $0x1  }
0xb: {  	s7 =	smul.u32 $0xC80, s4;
	s4 =	sadd.s32 $0x49C00, s5;
	s10 =	ssub.s32 s10, s11  }
0xc: {  	s8 =	sadd.s32 s8, s12;
	s11 =	simm.s32 $0x2;
	s12 =	simm.s32 $0x6400  }
0xd: {  	s7 =	sadd.s32 s7, s5;
	s5 =	sadd.s32 $0x31400, s5;
	s9 =	smax.u32 s10, $0x1  }
0xe: {  	s10 =	sshrl.u32 @!p0 s2, $0x3;
	s6 =	sadd.s32 $0x99400, s7;
	s7 =	sadd.s32 $0x7F400, s7  }
.LBB2_1:
0xf: {  	s21 =	simm.s32 @!p0 $0x1C02  }
0x10: {  	[spmem:s10], [sflag:s21] =	dma.local @!p0 [hbm:s5], $0x186B0  }
0x11: {  	s21 =	simm.s32 @!p0 $0x2  }
0x12: {  	_ =	swait.ge @!p0 [sflag:s21], $0x186B0  }
0x13: {  	[sflag:s21] =	ssyncset.done @!p0 $0x0  }
0x14: {  	[sflag:s21] =	ssyncadd.s32 @!p0 $0xFFFE7950  }
0x15: {  	[tilespmem:s3], [sflag:$0x2] =	stream.linear.gather [hbm4b:s6+s3], $0x6400, $0x38;
	[tilespmem:$0x1B358] =	vst v63  }
0x16: {  	_ =	swait.ge [sflag:s11], $0x6400  }
0x17: {  	[sflag:s11] =	ssyncset.done $0x0  }
0x18: {  	[sflag:s11] =	ssyncadd.s32 $0xFFFF9C00  }
0x19: {  	[tilespmem:s12], [sflag:$0x2] =	stream.linear.gather [hbm4b:s7+s3], $0x6400, $0x38;
	[tilespmem:$0x1B358] =	vst v63  }
0x1a: {  	_ =	swait.ge [sflag:s11], $0x6400  }
0x1b: {  	[sflag:s11] =	ssyncset.done $0x0  }
0x1c: {  	[sflag:s11] =	ssyncadd.s32 $0xFFFF9C00  }
0x1d: {  	[bflag:$0x0] =	sbarrier.arrive $0xFFFF  }
0x1e: {  	[tilespmem:s14], [sflag:$0x1] =	stream.indirect.gather [hbm4b:s0+s13], $0x10, s3, s13, $0xb8;
	[tilespmem:$0x1B358] =	vst v63  }
0x1f: {  	s21 =	simm.s32 $0x0  }
0x20: {  	[tilespmem:s15], [sflag:$0x1] =	stream.indirect.gather [hbm4b:s4+s13], $0x10, s12, s13, $0xb8;
	[tilespmem:$0x1B358] =	vst v63  }
.LBB2_2:
0x21: {  	s23 =	sshll.u32 s21, $0x8  }
0x22: {  	s22 =	sor.u32 $0x80, s23  }
0x23: {  	[tilespmem:s16], [sflag:$0x1] =	stream.indirect.gather [hbm4b:s0+s13], $0x10, s22, s13, $0xb8;
	[tilespmem:$0x1B358] =	vst v63  }
0x24: {  	s22 =	sadd.s32 $0x6480, s23  }
0x25: {  	[tilespmem:s17], [sflag:$0x1] =	stream.indirect.gather [hbm4b:s4+s13], $0x10, s22, s13, $0xb8;
	[tilespmem:$0x1B358] =	vst v63  }
0x26: {  	_ =	swait.ge [sflag:s18], $0x800  }
0x27: {  	[sflag:s18] =	ssyncset.done $0x0  }
0x28: {  	[sflag:s18] =	ssyncadd.s32 $0xFFFFF800  }
0x29: {  	_ =	swait.ge [sflag:s18], $0x800  }
0x2a: {  	[sflag:s18] =	ssyncset.done $0x0  }
0x2b: {  	s24 =	simm.s32 $0x0;
	[sflag:s18] =	ssyncadd.s32 $0xFFFFF800  }
0x2c: {  	v0 =	vld [tilespmem:s24+$0xC800]  }
0x2d: {  	v1 =	vld [tilespmem:s24+$0xD800];
	_ =	sdelay $0x4  }
0x2e: {  	v0 =	vadd.f32 v1, v0;
	_ =	sdelay $0x1  }
0x2f: {  	s25 =	simm.s32 $0x10;
	v1 =	vmul.f32 $2.000000030e-01, v0  }
0x30: {  	v2 =	vld [tilespmem:s25+$0xC800];
	vm0 =	vge.f32 v0, $0.0e+00  }
0x31: {  	v3 =	vld [tilespmem:s25+$0xD800];
	v0 =	vsel vm0, v0, v1  }
0x32: {  	s28 =	simm.s32 $0x20;
	v0 =	vmul.f32 $1.442695020e+00, v0  }
0x33: {  	v1 =	vld [tilespmem:s28+$0xC800]  }
0x34: {  	(erf) = vpow2.f32 v0;
	v0 =	vld [tilespmem:s28+$0xD800];
	_ =	sdelay $0x1  }
0x35: {  	v2 =	vadd.f32 v3, v2;
	_ =	sdelay $0x1  }
0x36: {  	v3 =	vmul.f32 $2.000000030e-01, v2  }
0x37: {  	vm14 =	vge.f32 v2, $0.0e+00;
	v4 =	vadd.f32 v0, v1  }
0x38: {  	v0 =	vsel vm14, v2, v3  }
0x39: {  	s26 =	simm.s32 $0x30;
	v1 =	vmul.f32 $1.442695020e+00, v0;
	v2 =	vmul.f32 $2.000000030e-01, v4  }
0x3a: {  	v0 =	vld [tilespmem:s26+$0xC800]  }
0x3b: {  	(erf) = vpow2.f32 v1;
	v1 =	vld [tilespmem:s26+$0xD800]  }
0x3c: {  	vm15 =	vge.f32 v4, $0.0e+00  }
0x3d: {  	s29 =	simm.s32 $0x100;
	v3 =	vsel vm15, v4, v2;
	v2 =	vpop (erf)  }
.LBB2_3:
0x3e: {  	s30 =	sshra.s32 s29, $0x2  }
0x3f: {  	v3 =	vmul.f32 $1.442695020e+00, v3;
	[tilespmem:s24+$0xE800] =	vst v2;
	s24 =	smov.u32 s25;
	s25 =	smov.u32 s28;
	p1 =	sne.s32 s29, $0x1FC0  }
.Ltmp0:
0x40: {  	s29 =	sadd.s32 $0x40, s29;
	v2 =	vadd.f32 v1, v0;
	v0 =	vld [tilespmem:s30+$0xC800];
	(pc) =	sbr.rel @p1 .LBB2_3-.Ltmp0, $4  }
0x41: {  	s28 =	smov.u32 s26;
	s26 =	smov.u32 s30;
	v1 =	vld [tilespmem:s30+$0xD800];
	(erf) = vpow2.f32 v3  }
0x42: {  	v3 =	vmul.f32 $2.000000030e-01, v2  }
0x43: {  	vm0 =	vge.f32 v2, $0.0e+00  }
0x44: {  	v3 =	vsel vm0, v2, v3;
	v2 =	vpop (erf)  }
0x45: {  	_ = 	snop  }
0x46: {  	v0 =	vadd.f32 v1, v0;
	_ =	sdelay $0x1  }
0x47: {  	v1 =	vmul.f32 $2.000000030e-01, v0  }
0x48: {  	vm0 =	vge.f32 v0, $0.0e+00  }
0x49: {  	v3 =	vmul.f32 $1.442695020e+00, v3;
	v0 =	vsel vm0, v0, v1  }
0x4a: {  	v0 =	vmul.f32 $1.442695020e+00, v0  }
0x4b: {  	(erf) = vpow2.f32 v3  }
0x4c: {  	(erf) = vpow2.f32 v0;
	_ =	sdelay $0x6  }
0x4d: {  	[tilespmem:s24+$0xE800] =	vst v2;
	v0 =	vpop (erf)  }
0x4e: {  	[tilespmem:s25+$0xE800] =	vst v0;
	v0 =	vpop (erf)  }
0x4f: {  	s23 =	sand.u32 $0x3FFFFF00, s23;
	[tilespmem:s28+$0xE800] =	vst v0;
	v0 =	vpop (erf)  }
0x50: {  	s29 =	sshll.u32 s21, $0x1;
	s23 =	sadd.s32 $0x6400, s23;
	[tilespmem:s26+$0xE800] =	vst v0  }
0x51: {  	[spmem:s2] =	stream.indirect.scatter.add.f32 [tilespmem:s19], [sflag:$0x2], $0x10, s23, s13, $0xb8;
	[tilespmem:$0x1B358] =	vst v63  }
0x52: {  	s30 =	smin.u32 s29, $0xC5;
	_ =	swait.ge [sflag:s11], $0x800  }
0x53: {  	s23 =	sshll.u32 s30, $0x7;
	[sflag:s11] =	ssyncset.done $0x0  }
0x54: {  	s31 =	sadd.s32 $0x100, s23;
	[sflag:s11] =	ssyncadd.s32 $0xFFFFF800  }
0x55: {  	[tilespmem:s14], [sflag:$0x1] =	stream.indirect.gather [hbm4b:s0+s13], $0x10, s31, s13, $0xb8;
	[tilespmem:$0x1B358] =	vst v63  }
0x56: {  	s23 =	sadd.s32 $0x6500, s23  }
0x57: {  	[tilespmem:s15], [sflag:$0x1] =	stream.indirect.gather [hbm4b:s4+s13], $0x10, s23, s13, $0xb8;
	[tilespmem:$0x1B358] =	vst v63  }
0x58: {  	_ =	swait.ge [sflag:s18], $0x800  }
0x59: {  	[sflag:s18] =	ssyncset.done $0x0  }
0x5a: {  	[sflag:s18] =	ssyncadd.s32 $0xFFFFF800  }
0x5b: {  	_ =	swait.ge [sflag:s18], $0x800  }
0x5c: {  	[sflag:s18] =	ssyncset.done $0x0  }
0x5d: {  	s23 =	simm.s32 $0x0;
	[sflag:s18] =	ssyncadd.s32 $0xFFFFF800  }
0x5e: {  	v0 =	vld [tilespmem:s23+$0xD000]  }
0x5f: {  	v1 =	vld [tilespmem:s23+$0xE000];
	_ =	sdelay $0x4  }
0x60: {  	v0 =	vadd.f32 v1, v0;
	_ =	sdelay $0x1  }
0x61: {  	s24 =	simm.s32 $0x10;
	v1 =	vmul.f32 $2.000000030e-01, v0  }
0x62: {  	v2 =	vld [tilespmem:s24+$0xD000];
	vm13 =	vge.f32 v0, $0.0e+00  }
0x63: {  	v3 =	vld [tilespmem:s24+$0xE000];
	v0 =	vsel vm13, v0, v1  }
0x64: {  	s25 =	simm.s32 $0x20;
	v0 =	vmul.f32 $1.442695020e+00, v0  }
0x65: {  	v1 =	vld [tilespmem:s25+$0xD000]  }
0x66: {  	(erf) = vpow2.f32 v0;
	v0 =	vld [tilespmem:s25+$0xE000];
	_ =	sdelay $0x1  }
0x67: {  	v2 =	vadd.f32 v3, v2;
	_ =	sdelay $0x1  }
0x68: {  	v3 =	vmul.f32 $2.000000030e-01, v2  }
0x69: {  	vm14 =	vge.f32 v2, $0.0e+00;
	v4 =	vadd.f32 v0, v1  }
0x6a: {  	v0 =	vsel vm14, v2, v3  }
0x6b: {  	s26 =	simm.s32 $0x30;
	v1 =	vmul.f32 $1.442695020e+00, v0;
	v2 =	vmul.f32 $2.000000030e-01, v4  }
0x6c: {  	v0 =	vld [tilespmem:s26+$0xD000]  }
0x6d: {  	(erf) = vpow2.f32 v1;
	v1 =	vld [tilespmem:s26+$0xE000]  }
0x6e: {  	vm15 =	vge.f32 v4, $0.0e+00  }
0x6f: {  	s28 =	simm.s32 $0x100;
	v3 =	vsel vm15, v4, v2;
	v2 =	vpop (erf)  }
.LBB2_5:
0x70: {  	s29 =	sshra.s32 s28, $0x2  }
0x71: {  	v3 =	vmul.f32 $1.442695020e+00, v3;
	[tilespmem:s23+$0xE800] =	vst v2;
	s23 =	smov.u32 s24;
	s24 =	smov.u32 s25;
	p1 =	sne.s32 s28, $0x1FC0  }
.Ltmp1:
0x72: {  	s28 =	sadd.s32 $0x40, s28;
	v2 =	vadd.f32 v1, v0;
	v0 =	vld [tilespmem:s29+$0xD000];
	(pc) =	sbr.rel @p1 .LBB2_5-.Ltmp1, $4  }
0x73: {  	s25 =	smov.u32 s26;
	s26 =	smov.u32 s29;
	v1 =	vld [tilespmem:s29+$0xE000];
	(erf) = vpow2.f32 v3  }
0x74: {  	v3 =	vmul.f32 $2.000000030e-01, v2  }
0x75: {  	vm0 =	vge.f32 v2, $0.0e+00  }
0x76: {  	v3 =	vsel vm0, v2, v3;
	v2 =	vpop (erf)  }
0x77: {  	_ = 	snop  }
0x78: {  	v0 =	vadd.f32 v1, v0;
	_ =	sdelay $0x1  }
0x79: {  	v1 =	vmul.f32 $2.000000030e-01, v0  }
0x7a: {  	vm0 =	vge.f32 v0, $0.0e+00  }
0x7b: {  	v60 =	vmul.f32 $1.442695020e+00, v3;
	v0 =	vsel vm0, v0, v1  }
0x7c: {  	v0 =	vmul.f32 $1.442695020e+00, v0  }
0x7d: {  	(erf) = vpow2.f32 v60  }
0x7e: {  	(erf) = vpow2.f32 v0;
	_ =	sdelay $0x6  }
0x7f: {  	[tilespmem:s23+$0xE800] =	vst v2;
	v61 =	vpop (erf)  }
0x80: {  	s21 =	sadd.s32 $0x1, s21;
	[tilespmem:s24+$0xE800] =	vst v61;
	v62 =	vpop (erf)  }
0x81: {  	p1 =	sne.s32 s21, $0x64;
	[tilespmem:s25+$0xE800] =	vst v62;
	v63 =	vpop (erf)  }
.Ltmp2:
0x82: {  	[tilespmem:s26+$0xE800] =	vst v63;
	(pc) =	sbr.rel @p1 .LBB2_2-.Ltmp2, $4  }
0x83: {  	[spmem:s2] =	stream.indirect.scatter.add.f32 [tilespmem:s19], [sflag:$0x2], $0x10, s22, s13, $0xb8;
	[tilespmem:$0x1B358] =	vst v63  }
0x84: {  	_ =	swait.ge [sflag:s11], $0x800  }
0x85: {  	[sflag:s11] =	ssyncset.done $0x0  }
0x86: {  	[sflag:s11] =	ssyncadd.s32 $0xFFFFF800  }
0x87: {  	_ =	swait.ge [sflag:s18], $0x800  }
0x88: {  	[sflag:s18] =	ssyncset.done $0x0  }
0x89: {  	[sflag:s18] =	ssyncadd.s32 $0xFFFFF800  }
0x8a: {  	_ =	swait.ge [sflag:s18], $0x800  }
0x8b: {  	[sflag:s18] =	ssyncset.done $0x0  }
0x8c: {  	s20 =	sadd.s32 $0x1, s20;
	[sflag:s18] =	ssyncadd.s32 $0xFFFFF800  }
0x8d: {  	s21 =	simm.s32 @!p0 $0x1C02;
	p1 =	sne.s32 s20, s9;
	[bflag:$0x0] =	sbarrier.arrive $0xFFFF  }
0x8e: {  	[hbm:s8], [sflag:s21] =	dma.local @!p0 [spmem:s10], $0x186B0  }
.Ltmp3:
0x8f: {  	_ = 	snop;
	(pc) =	sbr.rel @p1 .LBB2_1-.Ltmp3, $4  }
0x90: {  	s21 =	simm.s32 @!p0 $0x2  }
0x91: {  	_ =	swait.ge @!p0 [sflag:s21], $0x186B0  }
0x92: {  	[sflag:s21] =	ssyncset.done @!p0 $0x0  }
0x93: {  	[sflag:s21] =	ssyncadd.s32 @!p0 $0xFFFE7950  }
0x94: {  	_ =	sfence.sel $0x180000  }
0x95: {  	[bflag:$0x0] =	sbarrier.arrive $0xFFFF  }
0x96: {  	_ =	strace $0x90000056  }
0x97: {  	s0 =	sadd.s32 @!p0 $0x100000, s1;
	[bflag:$0x2] =	sbarrier.arrive $0xFFFF  }
0x98: {  	[sflag:s0] =	ssyncadd.tile.s32 @!p0 $0x1;
	_ =	shalt  }
.Lfunc_end2:
_tile_overlayer_lowered:
.L_overlay_start_2:
0x99: {  	(tag) =	ssettag $0x2  }
0x9a: {  	s0 =	rddreg [dreg:$0x0];
	s2 =	stileid.u32  }
0x9b: {  	s1 =	rddreg [dreg:$0x1];
	p0 =	sne.s32 s2, $0x0  }
0x9c: {  	s3 =	rddreg [dreg:$0x2];
	[bflag:$0x3] =	sbarrier.arrive $0xFFFF;
	s2 =	simm.s32 @!p0 $0x1C02  }
0x9d: {  	[timem:s3], [sflag:s2] =	dma.local @!p0 [hbm:s0], s1  }
0x9e: {  	s0 =	simm.s32 @!p0 $0x2  }
0x9f: {  	_ =	swait.ge @!p0 [sflag:s0], s1  }
0xa0: {  	s1 =	ssub.s32 @!p0 $0x0, s1;
	[sflag:s0] =	ssyncset.done @!p0 $0x0  }
0xa1: {  	[sflag:s0] =	ssyncadd.s32 @!p0 s1  }
0xa2: {  	[bflag:$0x3] =	sbarrier.arrive $0xFFFF  }
0xa3: {  	_ =	shalt  }

</sc_bundles>
